<compile_context>
chip_gen: v7x
topology: tpu7x:2x2x1
jax: 0.10.2.dev20260603
libtpu: 0.0.44.dev20260713+nightly
codegen_flags: <defaults>
</compile_context>

<pallas_src>
import functools

import jax
import jax.numpy as jnp
from jax import lax
from jax.experimental import pallas as pl
from jax.experimental.pallas import tpu as pltpu
from jax.experimental.pallas import tpu_sc as plsc

_B, _N, _D = 8, 4096, 128
_S = 1024
_K = 32
_C2 = _D + 2
_COUT = 2 * _D + 2
_SR = _S // 128
_NR = _N // 128



def _fps_body(xy_ref, sidx_ref, nx_ref, ny_ref):
    xv = xy_ref[:, 0]
    yv = xy_ref[:, 1]
    iota_n = (lax.broadcasted_iota(jnp.int32, (1, _NR, 128), 1) * 128
              + lax.broadcasted_iota(jnp.int32, (1, _NR, 128), 2))
    iota_s = (lax.broadcasted_iota(jnp.int32, (1, _SR, 128), 1) * 128
              + lax.broadcasted_iota(jnp.int32, (1, _SR, 128), 2))

    def body(i, st):
        dist, f, sacc, cxa, cya = st
        m = iota_n == f
        cx = jnp.sum(jnp.where(m, xv, 0.0), axis=(1, 2), keepdims=True)
        cy = jnp.sum(jnp.where(m, yv, 0.0), axis=(1, 2), keepdims=True)
        pm = iota_s == i
        sacc = jnp.where(pm, f, sacc)
        cxa = jnp.where(pm, cx, cxa)
        cya = jnp.where(pm, cy, cya)
        d = (xv - cx) ** 2 + (yv - cy) ** 2
        dist = jnp.minimum(dist, d)
        gmax = jnp.max(dist, axis=(1, 2), keepdims=True)
        f = jnp.min(jnp.where(dist == gmax, iota_n, 2 ** 30),
                    axis=(1, 2), keepdims=True)
        return dist, f, sacc, cxa, cya

    dist0 = jnp.full((_B, _NR, 128), 1e10, dtype=jnp.float32)
    f0 = jnp.zeros((_B, 1, 1), dtype=jnp.int32)
    sacc0 = jnp.zeros((_B, _SR, 128), dtype=jnp.int32)
    z0 = jnp.zeros((_B, _SR, 128), dtype=jnp.float32)
    _, _, sacc, cxa, cya = lax.fori_loop(0, _S, body,
                                         (dist0, f0, sacc0, z0, z0))
    sidx_ref[...] = sacc
    nx_ref[...] = cxa
    ny_ref[...] = cya


def _fps(xy):
    xyt = xy.transpose(0, 2, 1).reshape(_B, 2, _NR, 128)
    sidx, nx, ny = pl.pallas_call(
        _fps_body,
        out_shape=(
            jax.ShapeDtypeStruct((_B, _SR, 128), jnp.int32),
            jax.ShapeDtypeStruct((_B, _SR, 128), jnp.float32),
            jax.ShapeDtypeStruct((_B, _SR, 128), jnp.float32),
        ),
    )(xyt)
    return sidx, nx, ny



_RT = 64
_DEPTH = 6


def _knn_body(xyt_ref, nqx_ref, nqy_ref, idx_ref):
    b = pl.program_id(0)
    x = xyt_ref[0, 0]
    y = xyt_ref[0, 1]
    sx = nqx_ref[0]
    sy = nqy_ref[0]
    q = jnp.concatenate([sx, sy], axis=1)
    xyt2 = jnp.concatenate([x, y], axis=0)
    t = jax.lax.dot_general(q, xyt2, (((1,), (0,)), ((), ())),
                            preferred_element_type=jnp.float32)
    d0 = -2.0 * t + (sx * sx + sy * sy) + (x * x + y * y)

    big = jnp.int32(2 ** 30)
    inf = jnp.float32(jnp.inf)
    lane = lax.broadcasted_iota(jnp.int32, (_RT, 128), 1)
    n3 = (lax.broadcasted_iota(jnp.int32, (1, _NR, 128), 1) * 128
          + lax.broadcasted_iota(jnp.int32, (1, _NR, 128), 2))

    rem = d0.reshape(_RT, _NR, 128)
    sv, sn = [], []
    for lev in range(_DEPTH):
        mv = rem[:, 0]
        mn = lane
        for j in range(1, _NR):
            c = rem[:, j]
            lt = c < mv
            mn = jnp.where(lt, lane + j * 128, mn)
            mv = jnp.where(lt, c, mv)
        sv.append(mv)
        sn.append(mn)
        if lev < _DEPTH - 1:
            rem = jnp.where(n3 == mn[:, None, :], inf, rem)

    cnt = jnp.zeros((_RT, 128), jnp.int32)
    hv, hn = sv[0], sn[0]
    cols = []
    for _ in range(_K):
        gmin = jnp.min(hv, axis=1, keepdims=True)
        nsel = jnp.min(jnp.where(hv == gmin, hn, big), axis=1, keepdims=True)
        cols.append(nsel)
        consumed = hn == nsel
        cnt = cnt + jnp.where(consumed, 1, 0)
        nv = jnp.full((_RT, 128), inf, jnp.float32)
        nn = jnp.full((_RT, 128), big, jnp.int32)
        for lev in range(1, _DEPTH):
            m = cnt == lev
            nv = jnp.where(m, sv[lev], nv)
            nn = jnp.where(m, sn[lev], nn)
        hv = jnp.where(consumed, nv, hv)
        hn = jnp.where(consumed, nn, hn)
    fast = jnp.concatenate(cols, axis=1)
    overflow = jnp.max(cnt) >= _DEPTH

    def _naive():
        d = d0
        iota = lax.broadcasted_iota(jnp.int32, (_RT, _N), 1)
        cs = []
        for _ in range(_K):
            g = jnp.min(d, axis=1, keepdims=True)
            ni = jnp.min(jnp.where(d == g, iota, big), axis=1, keepdims=True)
            cs.append(ni)
            d = jnp.where(iota == ni, inf, d)
        return jnp.concatenate(cs, axis=1)

    res = lax.cond(overflow, _naive, lambda: fast)
    idx_ref[0] = res + b * _N


def _knn(xy, nx, ny):
    xyt = xy.transpose(0, 2, 1).reshape(_B, 2, 1, _N)
    nqx = nx.reshape(_B, _S, 1)
    nqy = ny.reshape(_B, _S, 1)
    idx = pl.pallas_call(
        _knn_body,
        grid=(_B, _S // _RT),
        in_specs=[
            pl.BlockSpec((1, 2, 1, _N), lambda b, j: (b, 0, 0, 0)),
            pl.BlockSpec((1, _RT, 1), lambda b, j: (b, j, 0)),
            pl.BlockSpec((1, _RT, 1), lambda b, j: (b, j, 0)),
        ],
        out_specs=pl.BlockSpec((1, _RT, _K), lambda b, j: (b, j, 0)),
        out_shape=jax.ShapeDtypeStruct((_B, _S, _K), jnp.int32),
    )(xyt, nqx, nqy)
    return idx



_NC, _NS = 2, 16
_NW = _NC * _NS
_GCH = 256
_GPW = (_B * _S * _K) // _NW
_SPW = (_B * _S) // _NW


def _gather_body(pts_hbm, xyp_hbm, gidx_hbm, sgidx_hbm,
                 gpts_hbm, gxy_hbm, spts_hbm,
                 idx_v, rows_v, xyrows_v, sidx_v, srows_v, sem):
    wid = lax.axis_index("s") * _NC + lax.axis_index("c")
    base0 = wid * _GPW

    def chunk(i, carry):
        base = pl.multiple_of(base0 + i * _GCH, _GCH)
        pltpu.sync_copy(gidx_hbm.at[pl.ds(base, _GCH)], idx_v)
        pltpu.async_copy(pts_hbm.at[idx_v], rows_v, sem).wait()
        pltpu.sync_copy(rows_v, gpts_hbm.at[pl.ds(base, _GCH)])
        pltpu.async_copy(xyp_hbm.at[idx_v], xyrows_v, sem).wait()
        pltpu.sync_copy(xyrows_v, gxy_hbm.at[pl.ds(base, _GCH)])
        return carry

    lax.fori_loop(0, _GPW // _GCH, chunk, 0)

    sbase = pl.multiple_of(wid * _SPW, _SPW)
    pltpu.sync_copy(sgidx_hbm.at[pl.ds(sbase, _SPW)], sidx_v)
    pltpu.async_copy(pts_hbm.at[sidx_v], srows_v, sem).wait()
    pltpu.sync_copy(srows_v, spts_hbm.at[pl.ds(sbase, _SPW)])


def _gather(points, xy, gidx, sgidx):
    pts_tab = points.reshape(_B * _N, _D)
    xy_tab = jnp.pad(xy.reshape(_B * _N, 2), ((0, 0), (0, 14)))
    mesh = plsc.VectorSubcoreMesh(core_axis_name="c", subcore_axis_name="s")
    run = pl.kernel(
        _gather_body,
        mesh=mesh,
        compiler_params=pltpu.CompilerParams(use_tc_tiling_on_sc=False),
        out_type=(
            jax.ShapeDtypeStruct((_B * _S * _K, _D), jnp.float32),
            jax.ShapeDtypeStruct((_B * _S * _K, 16), jnp.float32),
            jax.ShapeDtypeStruct((_B * _S, _D), jnp.float32),
        ),
        scratch_types=[
            pltpu.VMEM((_GCH,), jnp.int32),
            pltpu.VMEM((_GCH, _D), jnp.float32),
            pltpu.VMEM((_GCH, 16), jnp.float32),
            pltpu.VMEM((_SPW,), jnp.int32),
            pltpu.VMEM((_SPW, _D), jnp.float32),
            pltpu.SemaphoreType.DMA,
        ],
    )
    return run(pts_tab, xy_tab, gidx.reshape(-1), sgidx.reshape(-1))



_TS1 = 128
_M_TOT = _S * _K * _C2


def _stats_body(g1_ref, g2_ref, st_ref):
    j = pl.program_id(1)
    g1 = g1_ref[...]
    m1 = jnp.mean(g1, axis=2, keepdims=True)
    y1 = g1 - m1
    g2 = g2_ref[0, :, :, 0:2]
    m2 = jnp.mean(g2, axis=1, keepdims=True)
    y2 = g2 - m2
    s = jnp.sum(y1) + jnp.sum(y2)
    q = jnp.sum(y1 * y1) + jnp.sum(y2 * y2)
    lane = lax.broadcasted_iota(jnp.int32, (1, 8, 128), 2)
    sub = lax.broadcasted_iota(jnp.int32, (1, 8, 128), 1)
    oh0 = jnp.where((lane == 0) & (sub == 0), 1.0, 0.0)
    oh1 = jnp.where((lane == 1) & (sub == 0), 1.0, 0.0)
    oh2 = (lane == 2) & (sub == 0)

    @pl.when(j == 0)
    def _():
        st_ref[...] = jnp.zeros((1, 8, 128), jnp.float32)

    st_ref[...] += s * oh0 + q * oh1

    @pl.when(j == (_S // _TS1) - 1)
    def _():
        st = st_ref[...]
        s_tot = jnp.sum(st * oh0)
        q_tot = jnp.sum(st * oh1)
        var = (q_tot - s_tot * s_tot / _M_TOT) / (_M_TOT - 1)
        std = jnp.sqrt(var)
        st_ref[...] = jnp.where(oh2, std, st)


def _stats(g1, g2):
    return pl.pallas_call(
        _stats_body,
        grid=(_B, _S // _TS1),
        in_specs=[
            pl.BlockSpec((1, _TS1, _K, _D), lambda b, j: (b, j, 0, 0)),
            pl.BlockSpec((1, _TS1, _K, 16), lambda b, j: (b, j, 0, 0)),
        ],
        out_specs=pl.BlockSpec((1, 8, 128), lambda b, j: (b, 0, 0)),
        out_shape=jax.ShapeDtypeStruct((_B, 8, 128), jnp.float32),
    )(g1, g2)



_TS2 = 64


def _final_body(g1_ref, g2_ref, sp_ref, st_ref, a_ref, b_ref, out_ref):
    std = st_ref[0, 0, 2]
    denom = std + 1e-5
    a1 = a_ref[0, 0, :, 0:_D]
    b1 = b_ref[0, 0, :, 0:_D]
    a2 = a_ref[0, 0, :, _D:_C2]
    b2 = b_ref[0, 0, :, _D:_C2]
    g1 = g1_ref[...]
    m1 = jnp.mean(g1, axis=2, keepdims=True)
    n1 = a1[None, None] * ((g1 - m1) / denom) + b1[None, None]
    g2 = g2_ref[0, :, :, 0:2]
    m2 = jnp.mean(g2, axis=1, keepdims=True)
    n2 = a2[None, None] * ((g2 - m2) / denom)[None] + b2[None, None]
    rep = jnp.broadcast_to(sp_ref[0][:, None, :], (_TS2, _K, _D))[None]
    out_ref[...] = jnp.concatenate([n1, n2, rep], axis=-1)


def _final(g1, g2, spts, st, alpha, beta):
    a4 = alpha.reshape(1, 1, 1, _C2)
    b4 = beta.reshape(1, 1, 1, _C2)
    return pl.pallas_call(
        _final_body,
        grid=(_B, _S // _TS2),
        in_specs=[
            pl.BlockSpec((1, _TS2, _K, _D), lambda b, j: (b, j, 0, 0)),
            pl.BlockSpec((1, _TS2, _K, 16), lambda b, j: (b, j, 0, 0)),
            pl.BlockSpec((1, _TS2, _D), lambda b, j: (b, j, 0)),
            pl.BlockSpec((1, 8, 128), lambda b, j: (b, 0, 0)),
            pl.BlockSpec((1, 1, 1, _C2), lambda b, j: (0, 0, 0, 0)),
            pl.BlockSpec((1, 1, 1, _C2), lambda b, j: (0, 0, 0, 0)),
        ],
        out_specs=pl.BlockSpec((1, _TS2, _K, _COUT), lambda b, j: (b, j, 0, 0)),
        out_shape=jax.ShapeDtypeStruct((_B, _S, _K, _COUT), jnp.float32),
    )(g1, g2, spts, st, a4, b4)



def kernel(xy, points, affine_alpha, affine_beta):
    sidx, nx, ny = _fps(xy)
    new_xy = jnp.stack([nx.reshape(_B, _S), ny.reshape(_B, _S)], axis=-1)
    idx = _knn(xy, nx, ny)
    boff = (jnp.arange(_B, dtype=jnp.int32) * _N).reshape(_B, 1, 1)
    sgidx = sidx.reshape(_B, _S) + boff[:, :, 0]
    gpts, gxy, spts = _gather(points, xy, idx, sgidx)
    g1 = gpts.reshape(_B, _S, _K, _D)
    g2 = gxy.reshape(_B, _S, _K, 16)
    sp = spts.reshape(_B, _S, _D)
    st = _stats(g1, g2)
    new_points = _final(g1, g2, sp, st, affine_alpha, affine_beta)
    return new_xy, new_points

# --- scband reference (transcript-rebuilt; emitter-appended) ---
"""Pipeline reference for scband-model-58145267253421 (READ-ONLY COPY).

The authoritative reference and input builder live on the scoring server;
editing this copy changes nothing except your own understanding.
"""

import jax, jax.numpy as jnp
import numpy as np

B, N, D = 8, 4096, 128
S = 1024
K = 32


def square_distance(src, dst):
    dist = -2.0 * jnp.matmul(src, jnp.transpose(dst, (0, 2, 1)))
    dist = dist + jnp.sum(src ** 2, axis=-1)[:, :, None]
    dist = dist + jnp.sum(dst ** 2, axis=-1)[:, None, :]
    return dist


def index_points(points, idx):
    # points: [B, N, C]; idx: [B, S] or [B, S, K]
    return jax.vmap(lambda p, i: p[i])(points, idx)


def surface_event_sample(xy, npoint):
    # farthest point sampling; returns (distance, centroid_idx)
    b, n, _ = xy.shape
    def body(i, state):
        distance, centroids, farthest = state
        centroids = centroids.at[:, i].set(farthest)
        centroid = jnp.take_along_axis(xy, farthest[:, None, None], axis=1)  # [B,1,2]
        d = jnp.sum((xy - centroid) ** 2, axis=-1)
        distance = jnp.minimum(distance, d)
        farthest = jnp.argmax(distance, axis=-1).astype(jnp.int32)
        return (distance, centroids, farthest)
    distance = jnp.full((b, n), 1e10, dtype=xy.dtype)
    centroids = jnp.zeros((b, npoint), dtype=jnp.int32)
    farthest = jnp.zeros((b,), dtype=jnp.int32)
    distance, centroids, _ = jax.lax.fori_loop(0, npoint, body, (distance, centroids, farthest))
    return distance, centroids


def knn_event(nsample, xy, new_xy):
    sqrdists = square_distance(new_xy, xy)
    _, group_idx = jax.lax.top_k(-sqrdists, nsample)
    return group_idx


def setup_inputs(seed: int = 0) -> dict:
    key = jax.random.key(seed)
    k1, k2 = jax.random.split(key)
    xy = jax.random.normal(k1, (B, N, 2), dtype=jnp.float32)
    points = jax.random.normal(k2, (B, N, D), dtype=jnp.float32)
    affine_alpha = jnp.ones((1, 1, 1, D + 2), dtype=jnp.float32)
    affine_beta = jnp.zeros((1, 1, 1, D + 2), dtype=jnp.float32)
    return {"xy": xy, "points": points, "affine_alpha": affine_alpha, "affine_beta": affine_beta}


def reference(xy, points, affine_alpha, affine_beta):
    b, n, c = xy.shape
    s = S
    _, sample_idx = surface_event_sample(xy, s)
    new_xy = index_points(xy, sample_idx)          # [B,S,2]
    new_points = index_points(points, sample_idx)  # [B,S,D]
    idx = knn_event(K, xy, new_xy)                 # [B,S,K]
    grouped_xy = index_points(xy, idx)             # [B,S,K,2]
    grouped_points = index_points(points, idx)     # [B,S,K,D]
    grouped_points = jnp.concatenate([grouped_points, grouped_xy], axis=-1)  # use_xy=True
    # normalize == 'center'
    mean = jnp.mean(grouped_points, axis=2, keepdims=True)
    std = jnp.std((grouped_points - mean).reshape(b, -1), axis=-1, ddof=1, keepdims=True)[:, :, None, None]
    grouped_points = (grouped_points - mean) / (std + 1e-05)
    grouped_points = affine_alpha * grouped_points + affine_beta
    new_points = jnp.concatenate([
        grouped_points,
        jnp.repeat(new_points.reshape(b, s, 1, -1), K, axis=2)
    ], axis=-1)
    return (new_xy, new_points)

if __name__ == "__main__":
    import jax
    _d = setup_inputs()
    print(jax.jit(kernel)(*tuple(_d.values())))

</pallas_src>

<mosaic_0001>
#map = affine_map<(d0, d1) -> (0, 0)>
#map1 = affine_map<(d0, d1) -> (0)>
module attributes {stable_mosaic.version = 14 : i64} {
  func.func @_gather_body(%arg0: i32, %arg1: i32, %arg2: memref<32768x128xf32, #tpu.memory_space<hbm>>, %arg3: memref<32768x16xf32, #tpu.memory_space<hbm>>, %arg4: memref<262144xi32, #tpu.memory_space<hbm>>, %arg5: memref<8192xi32, #tpu.memory_space<hbm>>, %arg6: memref<262144x128xf32, #tpu.memory_space<hbm>>, %arg7: memref<262144x16xf32, #tpu.memory_space<hbm>>, %arg8: memref<8192x128xf32, #tpu.memory_space<hbm>>, %arg9: memref<256xi32, #tpu.memory_space<vmem>>, %arg10: memref<256x128xf32, #tpu.memory_space<vmem>>, %arg11: memref<256x16xf32, #tpu.memory_space<vmem>>, %arg12: memref<256xi32, #tpu.memory_space<vmem>>, %arg13: memref<256x128xf32, #tpu.memory_space<vmem>>, %arg14: memref<!tpu.dma_semaphore, #tpu.memory_space<semaphore_mem>>) attributes {dimension_semantics = [#tpu.dimension_semantics<core_parallel>, #tpu.dimension_semantics<subcore_parallel>], iteration_bounds = array<i64: 2, 16>, scalar_prefetch = 0 : i64, scratch_operands = 6 : i64, tpu.core_type = #tpu.core_type<sc_vector_subcore>, window_params = [{transform_indices = #map}, {transform_indices = #map}, {transform_indices = #map1}, {transform_indices = #map1}, {transform_indices = #map}, {transform_indices = #map}, {transform_indices = #map}]} {
    %mul3A = arith.constant 2 : i32
    %mul3A_0 = arith.muli %arg1, %mul3A : i32
    %add3A = arith.addi %mul3A_0, %arg0 : i32
    %mul3A_1 = arith.constant 8192 : i32
    %mul3A_2 = arith.muli %add3A, %mul3A_1 : i32
    %scan3A = arith.constant 0 : i32
    %scan3A_3 = arith.constant 0 : i32
    %scan3A_4 = arith.constant 32 : i32
    %scan3A_5 = arith.addi %scan3A_3, %scan3A_4 : i32
    %scan3A_6 = arith.constant 1 : i32
    scf.for %scan3A_14 = %scan3A_3 to %scan3A_5 step %scan3A_6  : i32 {
      %mul3A_15 = arith.constant 256 : i32
      %mul3A_16 = arith.muli %scan3A_14, %mul3A_15 : i32
      %add3A_17 = arith.addi %mul3A_2, %mul3A_16 : i32
      %multiple_of3A_18 = tpu.assume_multiple %add3A_17, 256 : i32
      "tpu.region"() ({
        %run_scoped3A = tpu.sem_alloc : memref<!tpu.dma_semaphore, #tpu.memory_space<semaphore_mem>>
        %dma_start3A_31 = tpu.memref_slice %arg4[%multiple_of3A_18] : memref<262144xi32, #tpu.memory_space<hbm>> -> memref<256xi32, #tpu.memory_space<hbm>>
        %dma_start3A_32 = tpu.memref_slice %arg4[%multiple_of3A_18] : memref<262144xi32, #tpu.memory_space<hbm>> -> memref<256xi32, #tpu.memory_space<hbm>>
        tpu.enqueue_dma source(%dma_start3A_32 : memref<256xi32, #tpu.memory_space<hbm>>) target(%arg9 : memref<256xi32, #tpu.memory_space<vmem>>) target_semaphore(%run_scoped3A : memref<!tpu.dma_semaphore, #tpu.memory_space<semaphore_mem>>)
        %dma_wait3A_33 = tpu.memref_slice %arg4[%multiple_of3A_18] : memref<262144xi32, #tpu.memory_space<hbm>> -> memref<256xi32, #tpu.memory_space<hbm>>
        %dma_wait3A_34 = tpu.memref_slice %arg4[%multiple_of3A_18] : memref<262144xi32, #tpu.memory_space<hbm>> -> memref<256xi32, #tpu.memory_space<hbm>>
        tpu.wait_dma2 semaphore(%run_scoped3A : memref<!tpu.dma_semaphore, #tpu.memory_space<semaphore_mem>>) src(%dma_wait3A_34 : memref<256xi32, #tpu.memory_space<hbm>>) dst(%arg9 : memref<256xi32, #tpu.memory_space<vmem>>)
        tpu.yield
      }) : () -> ()
      %dma_start3A_19 = arith.constant 0 : i32
      %dma_start3A_20 = arith.constant 0 : i32
      %dma_start3A_21 = tpu.memref_slice %arg2[%dma_start3A_19, %dma_start3A_20] : memref<32768x128xf32, #tpu.memory_space<hbm>> -> memref<32768x128xf32, #tpu.memory_space<hbm>>
      tpu.enqueue_indirect_dma source(%dma_start3A_21 : memref<32768x128xf32, #tpu.memory_space<hbm>>) target(%arg10 : memref<256x128xf32, #tpu.memory_space<vmem>>) offsets(%arg9 : memref<256xi32, #tpu.memory_space<vmem>>) semaphore(%arg14 : memref<!tpu.dma_semaphore, #tpu.memory_space<semaphore_mem>>)
      %dma_wait3A_22 = arith.constant 0 : i32
      %dma_wait3A_23 = arith.constant 0 : i32
      %dma_wait3A_24 = tpu.memref_slice %arg2[%dma_wait3A_22, %dma_wait3A_23] : memref<32768x128xf32, #tpu.memory_space<hbm>> -> memref<32768x128xf32, #tpu.memory_space<hbm>>
      tpu.wait_indirect_dma semaphore(%arg14 : memref<!tpu.dma_semaphore, #tpu.memory_space<semaphore_mem>>) src(%dma_wait3A_24 : memref<32768x128xf32, #tpu.memory_space<hbm>>) dst(%arg10 : memref<256x128xf32, #tpu.memory_space<vmem>>)
      "tpu.region"() ({
        %run_scoped3A = tpu.sem_alloc : memref<!tpu.dma_semaphore, #tpu.memory_space<semaphore_mem>>
        %dma_start3A_31 = arith.constant 0 : i32
        %dma_start3A_32 = tpu.memref_slice %arg6[%multiple_of3A_18, %dma_start3A_31] : memref<262144x128xf32, #tpu.memory_space<hbm>> -> memref<256x128xf32, #tpu.memory_space<hbm>>
        %dma_start3A_33 = arith.constant 0 : i32
        %dma_start3A_34 = tpu.memref_slice %arg6[%multiple_of3A_18, %dma_start3A_33] : memref<262144x128xf32, #tpu.memory_space<hbm>> -> memref<256x128xf32, #tpu.memory_space<hbm>>
        tpu.enqueue_dma source(%arg10 : memref<256x128xf32, #tpu.memory_space<vmem>>) target(%dma_start3A_34 : memref<256x128xf32, #tpu.memory_space<hbm>>) target_semaphore(%run_scoped3A : memref<!tpu.dma_semaphore, #tpu.memory_space<semaphore_mem>>)
        %dma_wait3A_35 = arith.constant 0 : i32
        %dma_wait3A_36 = tpu.memref_slice %arg6[%multiple_of3A_18, %dma_wait3A_35] : memref<262144x128xf32, #tpu.memory_space<hbm>> -> memref<256x128xf32, #tpu.memory_space<hbm>>
        %dma_wait3A_37 = arith.constant 0 : i32
        %dma_wait3A_38 = tpu.memref_slice %arg6[%multiple_of3A_18, %dma_wait3A_37] : memref<262144x128xf32, #tpu.memory_space<hbm>> -> memref<256x128xf32, #tpu.memory_space<hbm>>
        tpu.wait_dma2 semaphore(%run_scoped3A : memref<!tpu.dma_semaphore, #tpu.memory_space<semaphore_mem>>) src(%arg10 : memref<256x128xf32, #tpu.memory_space<vmem>>) dst(%dma_wait3A_38 : memref<256x128xf32, #tpu.memory_space<hbm>>)
        tpu.yield
      }) : () -> ()
      %dma_start3A_25 = arith.constant 0 : i32
      %dma_start3A_26 = arith.constant 0 : i32
      %dma_start3A_27 = tpu.memref_slice %arg3[%dma_start3A_25, %dma_start3A_26] : memref<32768x16xf32, #tpu.memory_space<hbm>> -> memref<32768x16xf32, #tpu.memory_space<hbm>>
      tpu.enqueue_indirect_dma source(%dma_start3A_27 : memref<32768x16xf32, #tpu.memory_space<hbm>>) target(%arg11 : memref<256x16xf32, #tpu.memory_space<vmem>>) offsets(%arg9 : memref<256xi32, #tpu.memory_space<vmem>>) semaphore(%arg14 : memref<!tpu.dma_semaphore, #tpu.memory_space<semaphore_mem>>)
      %dma_wait3A_28 = arith.constant 0 : i32
      %dma_wait3A_29 = arith.constant 0 : i32
      %dma_wait3A_30 = tpu.memref_slice %arg3[%dma_wait3A_28, %dma_wait3A_29] : memref<32768x16xf32, #tpu.memory_space<hbm>> -> memref<32768x16xf32, #tpu.memory_space<hbm>>
      tpu.wait_indirect_dma semaphore(%arg14 : memref<!tpu.dma_semaphore, #tpu.memory_space<semaphore_mem>>) src(%dma_wait3A_30 : memref<32768x16xf32, #tpu.memory_space<hbm>>) dst(%arg11 : memref<256x16xf32, #tpu.memory_space<vmem>>)
      "tpu.region"() ({
        %run_scoped3A = tpu.sem_alloc : memref<!tpu.dma_semaphore, #tpu.memory_space<semaphore_mem>>
        %dma_start3A_31 = arith.constant 0 : i32
        %dma_start3A_32 = tpu.memref_slice %arg7[%multiple_of3A_18, %dma_start3A_31] : memref<262144x16xf32, #tpu.memory_space<hbm>> -> memref<256x16xf32, #tpu.memory_space<hbm>>
        %dma_start3A_33 = arith.constant 0 : i32
        %dma_start3A_34 = tpu.memref_slice %arg7[%multiple_of3A_18, %dma_start3A_33] : memref<262144x16xf32, #tpu.memory_space<hbm>> -> memref<256x16xf32, #tpu.memory_space<hbm>>
        tpu.enqueue_dma source(%arg11 : memref<256x16xf32, #tpu.memory_space<vmem>>) target(%dma_start3A_34 : memref<256x16xf32, #tpu.memory_space<hbm>>) target_semaphore(%run_scoped3A : memref<!tpu.dma_semaphore, #tpu.memory_space<semaphore_mem>>)
        %dma_wait3A_35 = arith.constant 0 : i32
        %dma_wait3A_36 = tpu.memref_slice %arg7[%multiple_of3A_18, %dma_wait3A_35] : memref<262144x16xf32, #tpu.memory_space<hbm>> -> memref<256x16xf32, #tpu.memory_space<hbm>>
        %dma_wait3A_37 = arith.constant 0 : i32
        %dma_wait3A_38 = tpu.memref_slice %arg7[%multiple_of3A_18, %dma_wait3A_37] : memref<262144x16xf32, #tpu.memory_space<hbm>> -> memref<256x16xf32, #tpu.memory_space<hbm>>
        tpu.wait_dma2 semaphore(%run_scoped3A : memref<!tpu.dma_semaphore, #tpu.memory_space<semaphore_mem>>) src(%arg11 : memref<256x16xf32, #tpu.memory_space<vmem>>) dst(%dma_wait3A_38 : memref<256x16xf32, #tpu.memory_space<hbm>>)
        tpu.yield
      }) : () -> ()
    }
    %scan3A_7 = arith.constant 32 : i32
    %mul3A_8 = arith.constant 256 : i32
    %mul3A_9 = arith.muli %add3A, %mul3A_8 : i32
    %multiple_of3A = tpu.assume_multiple %mul3A_9, 256 : i32
    "tpu.region"() ({
      %run_scoped3A = tpu.sem_alloc : memref<!tpu.dma_semaphore, #tpu.memory_space<semaphore_mem>>
      %dma_start3A_14 = tpu.memref_slice %arg5[%multiple_of3A] : memref<8192xi32, #tpu.memory_space<hbm>> -> memref<256xi32, #tpu.memory_space<hbm>>
      %dma_start3A_15 = tpu.memref_slice %arg5[%multiple_of3A] : memref<8192xi32, #tpu.memory_space<hbm>> -> memref<256xi32, #tpu.memory_space<hbm>>
      tpu.enqueue_dma source(%dma_start3A_15 : memref<256xi32, #tpu.memory_space<hbm>>) target(%arg12 : memref<256xi32, #tpu.memory_space<vmem>>) target_semaphore(%run_scoped3A : memref<!tpu.dma_semaphore, #tpu.memory_space<semaphore_mem>>)
      %dma_wait3A_16 = tpu.memref_slice %arg5[%multiple_of3A] : memref<8192xi32, #tpu.memory_space<hbm>> -> memref<256xi32, #tpu.memory_space<hbm>>
      %dma_wait3A_17 = tpu.memref_slice %arg5[%multiple_of3A] : memref<8192xi32, #tpu.memory_space<hbm>> -> memref<256xi32, #tpu.memory_space<hbm>>
      tpu.wait_dma2 semaphore(%run_scoped3A : memref<!tpu.dma_semaphore, #tpu.memory_space<semaphore_mem>>) src(%dma_wait3A_17 : memref<256xi32, #tpu.memory_space<hbm>>) dst(%arg12 : memref<256xi32, #tpu.memory_space<vmem>>)
      tpu.yield
    }) : () -> ()
    %dma_start3A = arith.constant 0 : i32
    %dma_start3A_10 = arith.constant 0 : i32
    %dma_start3A_11 = tpu.memref_slice %arg2[%dma_start3A, %dma_start3A_10] : memref<32768x128xf32, #tpu.memory_space<hbm>> -> memref<32768x128xf32, #tpu.memory_space<hbm>>
    tpu.enqueue_indirect_dma source(%dma_start3A_11 : memref<32768x128xf32, #tpu.memory_space<hbm>>) target(%arg13 : memref<256x128xf32, #tpu.memory_space<vmem>>) offsets(%arg12 : memref<256xi32, #tpu.memory_space<vmem>>) semaphore(%arg14 : memref<!tpu.dma_semaphore, #tpu.memory_space<semaphore_mem>>)
    %dma_wait3A = arith.constant 0 : i32
    %dma_wait3A_12 = arith.constant 0 : i32
    %dma_wait3A_13 = tpu.memref_slice %arg2[%dma_wait3A, %dma_wait3A_12] : memref<32768x128xf32, #tpu.memory_space<hbm>> -> memref<32768x128xf32, #tpu.memory_space<hbm>>
    tpu.wait_indirect_dma semaphore(%arg14 : memref<!tpu.dma_semaphore, #tpu.memory_space<semaphore_mem>>) src(%dma_wait3A_13 : memref<32768x128xf32, #tpu.memory_space<hbm>>) dst(%arg13 : memref<256x128xf32, #tpu.memory_space<vmem>>)
    "tpu.region"() ({
      %run_scoped3A = tpu.sem_alloc : memref<!tpu.dma_semaphore, #tpu.memory_space<semaphore_mem>>
      %dma_start3A_14 = arith.constant 0 : i32
      %dma_start3A_15 = tpu.memref_slice %arg8[%multiple_of3A, %dma_start3A_14] : memref<8192x128xf32, #tpu.memory_space<hbm>> -> memref<256x128xf32, #tpu.memory_space<hbm>>
      %dma_start3A_16 = arith.constant 0 : i32
      %dma_start3A_17 = tpu.memref_slice %arg8[%multiple_of3A, %dma_start3A_16] : memref<8192x128xf32, #tpu.memory_space<hbm>> -> memref<256x128xf32, #tpu.memory_space<hbm>>
      tpu.enqueue_dma source(%arg13 : memref<256x128xf32, #tpu.memory_space<vmem>>) target(%dma_start3A_17 : memref<256x128xf32, #tpu.memory_space<hbm>>) target_semaphore(%run_scoped3A : memref<!tpu.dma_semaphore, #tpu.memory_space<semaphore_mem>>)
      %dma_wait3A_18 = arith.constant 0 : i32
      %dma_wait3A_19 = tpu.memref_slice %arg8[%multiple_of3A, %dma_wait3A_18] : memref<8192x128xf32, #tpu.memory_space<hbm>> -> memref<256x128xf32, #tpu.memory_space<hbm>>
      %dma_wait3A_20 = arith.constant 0 : i32
      %dma_wait3A_21 = tpu.memref_slice %arg8[%multiple_of3A, %dma_wait3A_20] : memref<8192x128xf32, #tpu.memory_space<hbm>> -> memref<256x128xf32, #tpu.memory_space<hbm>>
      tpu.wait_dma2 semaphore(%run_scoped3A : memref<!tpu.dma_semaphore, #tpu.memory_space<semaphore_mem>>) src(%arg13 : memref<256x128xf32, #tpu.memory_space<vmem>>) dst(%dma_wait3A_21 : memref<256x128xf32, #tpu.memory_space<hbm>>)
      tpu.yield
    }) : () -> ()
    return
  }
}

module attributes {stable_mosaic.version = 14 : i64} {
  func.func @_fps_body(%arg0: memref<8x2x32x128xf32, #tpu.memory_space<vmem>>, %arg1: memref<8x8x128xi32, #tpu.memory_space<vmem>>, %arg2: memref<8x8x128xf32, #tpu.memory_space<vmem>>, %arg3: memref<8x8x128xf32, #tpu.memory_space<vmem>>) attributes {dimension_semantics = [], scalar_prefetch = 0 : i64, scratch_operands = 0 : i64, tpu.core_type = #tpu.core_type<tc>} {
    %get3A = arith.constant 0 : index
    %get3A_0 = arith.constant 0 : index
    %get3A_1 = arith.constant 0 : index
    %get3A_2 = arith.constant 0 : index
    %get3A_3 = vector.load %arg0[%get3A, %get3A_0, %get3A_1, %get3A_2] : memref<8x2x32x128xf32, #tpu.memory_space<vmem>>, vector<8x1x32x128xf32>
    %get3A_4 = vector.shape_cast %get3A_3 : vector<8x1x32x128xf32> to vector<8x32x128xf32>
    %get3A_5 = arith.constant 0 : index
    %get3A_6 = arith.constant 1 : index
    %get3A_7 = arith.constant 0 : index
    %get3A_8 = arith.constant 0 : index
    %get3A_9 = vector.load %arg0[%get3A_5, %get3A_6, %get3A_7, %get3A_8] : memref<8x2x32x128xf32, #tpu.memory_space<vmem>>, vector<8x1x32x128xf32>
    %get3A_10 = vector.shape_cast %get3A_9 : vector<8x1x32x128xf32> to vector<8x32x128xf32>
    %iota3A = tpu.iota {dimensions = array<i32: 1>} : vector<1x32x128xi32>
    %mul3A = arith.constant 128 : i32
    %mul3A_11 = vector.broadcast %mul3A : i32 to vector<1x32x128xi32>
    %mul3A_12 = arith.muli %iota3A, %mul3A_11 : vector<1x32x128xi32>
    %iota3A_13 = tpu.iota {dimensions = array<i32: 2>} : vector<1x32x128xi32>
    %add3A = arith.addi %mul3A_12, %iota3A_13 : vector<1x32x128xi32>
    %iota3A_14 = tpu.iota {dimensions = array<i32: 1>} : vector<1x8x128xi32>
    %mul3A_15 = arith.constant 128 : i32
    %mul3A_16 = vector.broadcast %mul3A_15 : i32 to vector<1x8x128xi32>
    %mul3A_17 = arith.muli %iota3A_14, %mul3A_16 : vector<1x8x128xi32>
    %iota3A_18 = tpu.iota {dimensions = array<i32: 2>} : vector<1x8x128xi32>
    %add3A_19 = arith.addi %mul3A_17, %iota3A_18 : vector<1x8x128xi32>
    %broadcast_in_dim3A = arith.constant 1.000000e+10 : f32
    %broadcast_in_dim3A_20 = vector.broadcast %broadcast_in_dim3A : f32 to vector<8x32x128xf32>
    %broadcast_in_dim3A_21 = arith.constant 0 : i32
    %broadcast_in_dim3A_22 = vector.broadcast %broadcast_in_dim3A_21 : i32 to vector<8x1x1xi32>
    %broadcast_in_dim3A_23 = arith.constant 0 : i32
    %broadcast_in_dim3A_24 = vector.broadcast %broadcast_in_dim3A_23 : i32 to vector<8x8x128xi32>
    %broadcast_in_dim3A_25 = arith.constant 0.000000e+00 : f32
    %broadcast_in_dim3A_26 = vector.broadcast %broadcast_in_dim3A_25 : f32 to vector<8x8x128xf32>
    %scan3A = arith.constant 0 : i32
    %scan3A_27 = arith.constant 1024 : i32
    %scan3A_28 = arith.addi %scan3A, %scan3A_27 : i32
    %scan3A_29 = arith.constant 1 : i32
    %scan3A_30:5 = scf.for %scan3A_43 = %scan3A to %scan3A_28 step %scan3A_29 iter_args(%scan3A_44 = %broadcast_in_dim3A_20, %scan3A_45 = %broadcast_in_dim3A_22, %scan3A_46 = %broadcast_in_dim3A_24, %scan3A_47 = %broadcast_in_dim3A_26, %scan3A_48 = %broadcast_in_dim3A_26) -> (vector<8x32x128xf32>, vector<8x1x1xi32>, vector<8x8x128xi32>, vector<8x8x128xf32>, vector<8x8x128xf32>)  : i32 {
      %eq3A = vector.broadcast %add3A : vector<1x32x128xi32> to vector<8x32x128xi32>
      %eq3A_49 = vector.broadcast %scan3A_45 : vector<8x1x1xi32> to vector<8x32x128xi32>
      %eq3A_50 = arith.cmpi eq, %eq3A, %eq3A_49 : vector<8x32x128xi32>
      %jit3A = arith.constant 0.000000e+00 : f32
      %broadcast_in_dim3A_51 = vector.broadcast %jit3A : f32 to vector<8x32x128xf32>
      %select_n3A = arith.select %eq3A_50, %get3A_4, %broadcast_in_dim3A_51 : vector<8x32x128xi1>, vector<8x32x128xf32>
      %reduce_sum3A = arith.constant dense<0.000000e+00> : vector<8xf32>
      %reduce_sum3A_52 = vector.multi_reduction <add>, %select_n3A, %reduce_sum3A [1, 2] : vector<8x32x128xf32> to vector<8xf32>
      %broadcast_in_dim3A_53 = vector.shape_cast %reduce_sum3A_52 : vector<8xf32> to vector<8x1x1xf32>
      %jit3A_54 = arith.constant 0.000000e+00 : f32
      %broadcast_in_dim3A_55 = vector.broadcast %jit3A_54 : f32 to vector<8x32x128xf32>
      %select_n3A_56 = arith.select %eq3A_50, %get3A_10, %broadcast_in_dim3A_55 : vector<8x32x128xi1>, vector<8x32x128xf32>
      %reduce_sum3A_57 = arith.constant dense<0.000000e+00> : vector<8xf32>
      %reduce_sum3A_58 = vector.multi_reduction <add>, %select_n3A_56, %reduce_sum3A_57 [1, 2] : vector<8x32x128xf32> to vector<8xf32>
      %broadcast_in_dim3A_59 = vector.shape_cast %reduce_sum3A_58 : vector<8xf32> to vector<8x1x1xf32>
      %eq3A_60 = vector.broadcast %scan3A_43 : i32 to vector<1x8x128xi32>
      %eq3A_61 = arith.cmpi eq, %add3A_19, %eq3A_60 : vector<1x8x128xi32>
      %broadcast_in_dim3A_62 = vector.shape_cast %eq3A_61 : vector<1x8x128xi1> to vector<1x8x128xi1>
      %broadcast_in_dim3A_63 = vector.broadcast %broadcast_in_dim3A_62 : vector<1x8x128xi1> to vector<8x8x128xi1>
      %broadcast_in_dim3A_64 = vector.shape_cast %scan3A_45 : vector<8x1x1xi32> to vector<8x1x1xi32>
      %broadcast_in_dim3A_65 = vector.broadcast %broadcast_in_dim3A_64 : vector<8x1x1xi32> to vector<8x8x128xi32>
      %select_n3A_66 = arith.select %broadcast_in_dim3A_63, %broadcast_in_dim3A_65, %scan3A_46 : vector<8x8x128xi1>, vector<8x8x128xi32>
      %broadcast_in_dim3A_67 = vector.shape_cast %eq3A_61 : vector<1x8x128xi1> to vector<1x8x128xi1>
      %broadcast_in_dim3A_68 = vector.broadcast %broadcast_in_dim3A_67 : vector<1x8x128xi1> to vector<8x8x128xi1>
      %broadcast_in_dim3A_69 = vector.shape_cast %broadcast_in_dim3A_53 : vector<8x1x1xf32> to vector<8x1x1xf32>
      %broadcast_in_dim3A_70 = vector.broadcast %broadcast_in_dim3A_69 : vector<8x1x1xf32> to vector<8x8x128xf32>
      %select_n3A_71 = arith.select %broadcast_in_dim3A_68, %broadcast_in_dim3A_70, %scan3A_47 : vector<8x8x128xi1>, vector<8x8x128xf32>
      %broadcast_in_dim3A_72 = vector.shape_cast %eq3A_61 : vector<1x8x128xi1> to vector<1x8x128xi1>
      %broadcast_in_dim3A_73 = vector.broadcast %broadcast_in_dim3A_72 : vector<1x8x128xi1> to vector<8x8x128xi1>
      %broadcast_in_dim3A_74 = vector.shape_cast %broadcast_in_dim3A_59 : vector<8x1x1xf32> to vector<8x1x1xf32>
      %broadcast_in_dim3A_75 = vector.broadcast %broadcast_in_dim3A_74 : vector<8x1x1xf32> to vector<8x8x128xf32>
      %select_n3A_76 = arith.select %broadcast_in_dim3A_73, %broadcast_in_dim3A_75, %scan3A_48 : vector<8x8x128xi1>, vector<8x8x128xf32>
      %sub3A = vector.broadcast %broadcast_in_dim3A_53 : vector<8x1x1xf32> to vector<8x32x128xf32>
      %sub3A_77 = arith.subf %get3A_4, %sub3A : vector<8x32x128xf32>
      %integer_pow3A = arith.mulf %sub3A_77, %sub3A_77 : vector<8x32x128xf32>
      %sub3A_78 = vector.broadcast %broadcast_in_dim3A_59 : vector<8x1x1xf32> to vector<8x32x128xf32>
      %sub3A_79 = arith.subf %get3A_10, %sub3A_78 : vector<8x32x128xf32>
      %integer_pow3A_80 = arith.mulf %sub3A_79, %sub3A_79 : vector<8x32x128xf32>
      %add3A_81 = arith.addf %integer_pow3A, %integer_pow3A_80 : vector<8x32x128xf32>
      %min3A = arith.minimumf %scan3A_44, %add3A_81 : vector<8x32x128xf32>
      %reduce_max3A = arith.constant dense<0xFF800000> : vector<8xf32>
      %reduce_max3A_82 = vector.multi_reduction <maximumf>, %min3A, %reduce_max3A [1, 2] : vector<8x32x128xf32> to vector<8xf32>
      %broadcast_in_dim3A_83 = vector.shape_cast %reduce_max3A_82 : vector<8xf32> to vector<8x1x1xf32>
      %eq3A_84 = vector.broadcast %broadcast_in_dim3A_83 : vector<8x1x1xf32> to vector<8x32x128xf32>
      %eq3A_85 = arith.cmpf oeq, %min3A, %eq3A_84 : vector<8x32x128xf32>
      %jit3A_86 = arith.constant 1073741824 : i32
      %broadcast_in_dim3A_87 = vector.shape_cast %add3A : vector<1x32x128xi32> to vector<1x32x128xi32>
      %broadcast_in_dim3A_88 = vector.broadcast %broadcast_in_dim3A_87 : vector<1x32x128xi32> to vector<8x32x128xi32>
      %broadcast_in_dim3A_89 = vector.broadcast %jit3A_86 : i32 to vector<8x32x128xi32>
      %select_n3A_90 = arith.select %eq3A_85, %broadcast_in_dim3A_88, %broadcast_in_dim3A_89 : vector<8x32x128xi1>, vector<8x32x128xi32>
      %reduce_min3A = arith.constant dense<2147483647> : vector<8xi32>
      %reduce_min3A_91 = vector.multi_reduction <minsi>, %select_n3A_90, %reduce_min3A [1, 2] : vector<8x32x128xi32> to vector<8xi32>
      %broadcast_in_dim3A_92 = vector.shape_cast %reduce_min3A_91 : vector<8xi32> to vector<8x1x1xi32>
      scf.yield %min3A, %broadcast_in_dim3A_92, %select_n3A_66, %select_n3A_71, %select_n3A_76 : vector<8x32x128xf32>, vector<8x1x1xi32>, vector<8x8x128xi32>, vector<8x8x128xf32>, vector<8x8x128xf32>
    }
    %scan3A_31 = arith.constant 1024 : i32
    %swap3A = arith.constant 0 : index
    %swap3A_32 = arith.constant 0 : index
    %swap3A_33 = arith.constant 0 : index
    %swap3A_34 = vector.load %arg1[%swap3A, %swap3A_32, %swap3A_33] : memref<8x8x128xi32, #tpu.memory_space<vmem>>, vector<8x8x128xi32>
    tpu.vector_store %arg1[%swap3A, %swap3A_32, %swap3A_33], %scan3A_30#2 {strides = array<i32>} : memref<8x8x128xi32, #tpu.memory_space<vmem>>, vector<8x8x128xi32>,
    %swap3A_35 = arith.constant 0 : index
    %swap3A_36 = arith.constant 0 : index
    %swap3A_37 = arith.constant 0 : index
    %swap3A_38 = vector.load %arg2[%swap3A_35, %swap3A_36, %swap3A_37] : memref<8x8x128xf32, #tpu.memory_space<vmem>>, vector<8x8x128xf32>
    tpu.vector_store %arg2[%swap3A_35, %swap3A_36, %swap3A_37], %scan3A_30#3 {strides = array<i32>} : memref<8x8x128xf32, #tpu.memory_space<vmem>>, vector<8x8x128xf32>,
    %swap3A_39 = arith.constant 0 : index
    %swap3A_40 = arith.constant 0 : index
    %swap3A_41 = arith.constant 0 : index
    %swap3A_42 = vector.load %arg3[%swap3A_39, %swap3A_40, %swap3A_41] : memref<8x8x128xf32, #tpu.memory_space<vmem>>, vector<8x8x128xf32>
    tpu.vector_store %arg3[%swap3A_39, %swap3A_40, %swap3A_41], %scan3A_30#4 {strides = array<i32>} : memref<8x8x128xf32, #tpu.memory_space<vmem>>, vector<8x8x128xf32>,
    return
  }
}

module attributes {stable_mosaic.version = 14 : i64} {
  func.func @_knn_body(%arg0: i32, %arg1: i32, %arg2: memref<1x2x1x4096xf32, #tpu.memory_space<vmem>>, %arg3: memref<1x64x1xf32, #tpu.memory_space<vmem>>, %arg4: memref<1x64x1xf32, #tpu.memory_space<vmem>>, %arg5: memref<1x64x32xi32, #tpu.memory_space<vmem>>) attributes {dimension_semantics = [#tpu.dimension_semantics<arbitrary>, #tpu.dimension_semantics<arbitrary>], iteration_bounds = array<i64: 8, 16>, scalar_prefetch = 0 : i64, scratch_operands = 0 : i64, tpu.core_type = #tpu.core_type<tc>, window_params = [{transform_indices = @transform_0, window_bounds = array<i64: 1, 2, 1, 4096>}, {transform_indices = @transform_1, window_bounds = array<i64: 1, 64, 1>}, {transform_indices = @transform_2, window_bounds = array<i64: 1, 64, 1>}, {transform_indices = @transform_3, window_bounds = array<i64: 1, 64, 32>}]} {
    %get3A = arith.constant 0 : index
    %get3A_0 = arith.constant 0 : index
    %get3A_1 = arith.constant 0 : index
    %get3A_2 = arith.constant 0 : index
    %get3A_3 = vector.load %arg2[%get3A, %get3A_0, %get3A_1, %get3A_2] : memref<1x2x1x4096xf32, #tpu.memory_space<vmem>>, vector<1x1x1x4096xf32>
    %get3A_4 = vector.shape_cast %get3A_3 : vector<1x1x1x4096xf32> to vector<1x4096xf32>
    %get3A_5 = arith.constant 0 : index
    %get3A_6 = arith.constant 1 : index
    %get3A_7 = arith.constant 0 : index
    %get3A_8 = arith.constant 0 : index
    %get3A_9 = vector.load %arg2[%get3A_5, %get3A_6, %get3A_7, %get3A_8] : memref<1x2x1x4096xf32, #tpu.memory_space<vmem>>, vector<1x1x1x4096xf32>
    %get3A_10 = vector.shape_cast %get3A_9 : vector<1x1x1x4096xf32> to vector<1x4096xf32>
    %get3A_11 = arith.constant 0 : index
    %get3A_12 = arith.constant 0 : index
    %get3A_13 = arith.constant 0 : index
    %get3A_14 = vector.load %arg3[%get3A_11, %get3A_12, %get3A_13] : memref<1x64x1xf32, #tpu.memory_space<vmem>>, vector<1x64x1xf32>
    %get3A_15 = vector.shape_cast %get3A_14 : vector<1x64x1xf32> to vector<64x1xf32>
    %get3A_16 = arith.constant 0 : index
    %get3A_17 = arith.constant 0 : index
    %get3A_18 = arith.constant 0 : index
    %get3A_19 = vector.load %arg4[%get3A_16, %get3A_17, %get3A_18] : memref<1x64x1xf32, #tpu.memory_space<vmem>>, vector<1x64x1xf32>
    %get3A_20 = vector.shape_cast %get3A_19 : vector<1x64x1xf32> to vector<64x1xf32>
    %concatenate3A = tpu.concatenate %get3A_15, %get3A_20 in 1 : vector<64x1xf32>, vector<64x1xf32> -> vector<64x2xf32>
    %concatenate3A_21 = tpu.concatenate %get3A_4, %get3A_10 in 0 : vector<1x4096xf32>, vector<1x4096xf32> -> vector<2x4096xf32>
    %dot_general3A = arith.constant dense<0.000000e+00> : vector<64x4096xf32>
    %dot_general3A_22 = tpu.matmul %concatenate3A, %concatenate3A_21, %dot_general3A {dimension_numbers = #tpu.dot_dimension_numbers<[1], [0], [0], [1], [0, 0, 1, 1], [], []>, transpose_lhs_hint = false} : vector<64x2xf32>, vector<2x4096xf32>, vector<64x4096xf32> -> vector<64x4096xf32>
    %mul3A = arith.constant -2.000000e+00 : f32
    %mul3A_23 = vector.broadcast %mul3A : f32 to vector<64x4096xf32>
    %mul3A_24 = arith.mulf %mul3A_23, %dot_general3A_22 : vector<64x4096xf32>
    %mul3A_25 = arith.mulf %get3A_15, %get3A_15 : vector<64x1xf32>
    %mul3A_26 = arith.mulf %get3A_20, %get3A_20 : vector<64x1xf32>
    %add3A = arith.addf %mul3A_25, %mul3A_26 : vector<64x1xf32>
    %add3A_27 = vector.broadcast %add3A : vector<64x1xf32> to vector<64x4096xf32>
    %add3A_28 = arith.addf %mul3A_24, %add3A_27 : vector<64x4096xf32>
    %mul3A_29 = arith.mulf %get3A_4, %get3A_4 : vector<1x4096xf32>
    %mul3A_30 = arith.mulf %get3A_10, %get3A_10 : vector<1x4096xf32>
    %add3A_31 = arith.addf %mul3A_29, %mul3A_30 : vector<1x4096xf32>
    %add3A_32 = vector.broadcast %add3A_31 : vector<1x4096xf32> to vector<64x4096xf32>
    %add3A_33 = arith.addf %add3A_28, %add3A_32 : vector<64x4096xf32>
    %iota3A = tpu.iota {dimensions = array<i32: 1>} : vector<64x128xi32>
    %iota3A_34 = tpu.iota {dimensions = array<i32: 1>} : vector<1x32x128xi32>
    %mul3A_35 = arith.constant 128 : i32
    %mul3A_36 = vector.broadcast %mul3A_35 : i32 to vector<1x32x128xi32>
    %mul3A_37 = arith.muli %iota3A_34, %mul3A_36 : vector<1x32x128xi32>
    %iota3A_38 = tpu.iota {dimensions = array<i32: 2>} : vector<1x32x128xi32>
    %add3A_39 = arith.addi %mul3A_37, %iota3A_38 : vector<1x32x128xi32>
    %reshape3A = vector.shape_cast %add3A_33 : vector<64x4096xf32> to vector<64x32x128xf32>
    %slice3A = vector.extract_strided_slice %reshape3A {offsets = [0, 0, 0], sizes = [64, 1, 128], strides = [1, 1, 1]} : vector<64x32x128xf32> to vector<64x1x128xf32>
    %squeeze3A = vector.shape_cast %slice3A : vector<64x1x128xf32> to vector<64x128xf32>
    %slice3A_40 = vector.extract_strided_slice %reshape3A {offsets = [0, 1, 0], sizes = [64, 1, 128], strides = [1, 1, 1]} : vector<64x32x128xf32> to vector<64x1x128xf32>
    %squeeze3A_41 = vector.shape_cast %slice3A_40 : vector<64x1x128xf32> to vector<64x128xf32>
    %lt3A = arith.cmpf olt, %squeeze3A_41, %squeeze3A : vector<64x128xf32>
    %add3A_42 = arith.constant 128 : i32
    %add3A_43 = vector.broadcast %add3A_42 : i32 to vector<64x128xi32>
    %add3A_44 = arith.addi %iota3A, %add3A_43 : vector<64x128xi32>
    %select_n3A = arith.select %lt3A, %add3A_44, %iota3A : vector<64x128xi1>, vector<64x128xi32>
    %select_n3A_45 = arith.select %lt3A, %squeeze3A_41, %squeeze3A : vector<64x128xi1>, vector<64x128xf32>
    %slice3A_46 = vector.extract_strided_slice %reshape3A {offsets = [0, 2, 0], sizes = [64, 1, 128], strides = [1, 1, 1]} : vector<64x32x128xf32> to vector<64x1x128xf32>
    %squeeze3A_47 = vector.shape_cast %slice3A_46 : vector<64x1x128xf32> to vector<64x128xf32>
    %lt3A_48 = arith.cmpf olt, %squeeze3A_47, %select_n3A_45 : vector<64x128xf32>
    %add3A_49 = arith.constant 256 : i32
    %add3A_50 = vector.broadcast %add3A_49 : i32 to vector<64x128xi32>
    %add3A_51 = arith.addi %iota3A, %add3A_50 : vector<64x128xi32>
    %select_n3A_52 = arith.select %lt3A_48, %add3A_51, %select_n3A : vector<64x128xi1>, vector<64x128xi32>
    %select_n3A_53 = arith.select %lt3A_48, %squeeze3A_47, %select_n3A_45 : vector<64x128xi1>, vector<64x128xf32>
    %slice3A_54 = vector.extract_strided_slice %reshape3A {offsets = [0, 3, 0], sizes = [64, 1, 128], strides = [1, 1, 1]} : vector<64x32x128xf32> to vector<64x1x128xf32>
    %squeeze3A_55 = vector.shape_cast %slice3A_54 : vector<64x1x128xf32> to vector<64x128xf32>
    %lt3A_56 = arith.cmpf olt, %squeeze3A_55, %select_n3A_53 : vector<64x128xf32>
    %add3A_57 = arith.constant 384 : i32
    %add3A_58 = vector.broadcast %add3A_57 : i32 to vector<64x128xi32>
    %add3A_59 = arith.addi %iota3A, %add3A_58 : vector<64x128xi32>
    %select_n3A_60 = arith.select %lt3A_56, %add3A_59, %select_n3A_52 : vector<64x128xi1>, vector<64x128xi32>
    %select_n3A_61 = arith.select %lt3A_56, %squeeze3A_55, %select_n3A_53 : vector<64x128xi1>, vector<64x128xf32>
    %slice3A_62 = vector.extract_strided_slice %reshape3A {offsets = [0, 4, 0], sizes = [64, 1, 128], strides = [1, 1, 1]} : vector<64x32x128xf32> to vector<64x1x128xf32>
    %squeeze3A_63 = vector.shape_cast %slice3A_62 : vector<64x1x128xf32> to vector<64x128xf32>
    %lt3A_64 = arith.cmpf olt, %squeeze3A_63, %select_n3A_61 : vector<64x128xf32>
    %add3A_65 = arith.constant 512 : i32
    %add3A_66 = vector.broadcast %add3A_65 : i32 to vector<64x128xi32>
    %add3A_67 = arith.addi %iota3A, %add3A_66 : vector<64x128xi32>
    %select_n3A_68 = arith.select %lt3A_64, %add3A_67, %select_n3A_60 : vector<64x128xi1>, vector<64x128xi32>
    %select_n3A_69 = arith.select %lt3A_64, %squeeze3A_63, %select_n3A_61 : vector<64x128xi1>, vector<64x128xf32>
    %slice3A_70 = vector.extract_strided_slice %reshape3A {offsets = [0, 5, 0], sizes = [64, 1, 128], strides = [1, 1, 1]} : vector<64x32x128xf32> to vector<64x1x128xf32>
    %squeeze3A_71 = vector.shape_cast %slice3A_70 : vector<64x1x128xf32> to vector<64x128xf32>
    %lt3A_72 = arith.cmpf olt, %squeeze3A_71, %select_n3A_69 : vector<64x128xf32>
    %add3A_73 = arith.constant 640 : i32
    %add3A_74 = vector.broadcast %add3A_73 : i32 to vector<64x128xi32>
    %add3A_75 = arith.addi %iota3A, %add3A_74 : vector<64x128xi32>
    %select_n3A_76 = arith.select %lt3A_72, %add3A_75, %select_n3A_68 : vector<64x128xi1>, vector<64x128xi32>
    %select_n3A_77 = arith.select %lt3A_72, %squeeze3A_71, %select_n3A_69 : vector<64x128xi1>, vector<64x128xf32>
    %slice3A_78 = vector.extract_strided_slice %reshape3A {offsets = [0, 6, 0], sizes = [64, 1, 128], strides = [1, 1, 1]} : vector<64x32x128xf32> to vector<64x1x128xf32>
    %squeeze3A_79 = vector.shape_cast %slice3A_78 : vector<64x1x128xf32> to vector<64x128xf32>
    %lt3A_80 = arith.cmpf olt, %squeeze3A_79, %select_n3A_77 : vector<64x128xf32>
    %add3A_81 = arith.constant 768 : i32
    %add3A_82 = vector.broadcast %add3A_81 : i32 to vector<64x128xi32>
    %add3A_83 = arith.addi %iota3A, %add3A_82 : vector<64x128xi32>
    %select_n3A_84 = arith.select %lt3A_80, %add3A_83, %select_n3A_76 : vector<64x128xi1>, vector<64x128xi32>
    %select_n3A_85 = arith.select %lt3A_80, %squeeze3A_79, %select_n3A_77 : vector<64x128xi1>, vector<64x128xf32>
    %slice3A_86 = vector.extract_strided_slice %reshape3A {offsets = [0, 7, 0], sizes = [64, 1, 128], strides = [1, 1, 1]} : vector<64x32x128xf32> to vector<64x1x128xf32>
    %squeeze3A_87 = vector.shape_cast %slice3A_86 : vector<64x1x128xf32> to vector<64x128xf32>
    %lt3A_88 = arith.cmpf olt, %squeeze3A_87, %select_n3A_85 : vector<64x128xf32>
    %add3A_89 = arith.constant 896 : i32
    %add3A_90 = vector.broadcast %add3A_89 : i32 to vector<64x128xi32>
    %add3A_91 = arith.addi %iota3A, %add3A_90 : vector<64x128xi32>
    %select_n3A_92 = arith.select %lt3A_88, %add3A_91, %select_n3A_84 : vector<64x128xi1>, vector<64x128xi32>
    %select_n3A_93 = arith.select %lt3A_88, %squeeze3A_87, %select_n3A_85 : vector<64x128xi1>, vector<64x128xf32>
    %slice3A_94 = vector.extract_strided_slice %reshape3A {offsets = [0, 8, 0], sizes = [64, 1, 128], strides = [1, 1, 1]} : vector<64x32x128xf32> to vector<64x1x128xf32>
    %squeeze3A_95 = vector.shape_cast %slice3A_94 : vector<64x1x128xf32> to vector<64x128xf32>
    %lt3A_96 = arith.cmpf olt, %squeeze3A_95, %select_n3A_93 : vector<64x128xf32>
    %add3A_97 = arith.constant 1024 : i32
    %add3A_98 = vector.broadcast %add3A_97 : i32 to vector<64x128xi32>
    %add3A_99 = arith.addi %iota3A, %add3A_98 : vector<64x128xi32>
    %select_n3A_100 = arith.select %lt3A_96, %add3A_99, %select_n3A_92 : vector<64x128xi1>, vector<64x128xi32>
    %select_n3A_101 = arith.select %lt3A_96, %squeeze3A_95, %select_n3A_93 : vector<64x128xi1>, vector<64x128xf32>
    %slice3A_102 = vector.extract_strided_slice %reshape3A {offsets = [0, 9, 0], sizes = [64, 1, 128], strides = [1, 1, 1]} : vector<64x32x128xf32> to vector<64x1x128xf32>
    %squeeze3A_103 = vector.shape_cast %slice3A_102 : vector<64x1x128xf32> to vector<64x128xf32>
    %lt3A_104 = arith.cmpf olt, %squeeze3A_103, %select_n3A_101 : vector<64x128xf32>
    %add3A_105 = arith.constant 1152 : i32
    %add3A_106 = vector.broadcast %add3A_105 : i32 to vector<64x128xi32>
    %add3A_107 = arith.addi %iota3A, %add3A_106 : vector<64x128xi32>
    %select_n3A_108 = arith.select %lt3A_104, %add3A_107, %select_n3A_100 : vector<64x128xi1>, vector<64x128xi32>
    %select_n3A_109 = arith.select %lt3A_104, %squeeze3A_103, %select_n3A_101 : vector<64x128xi1>, vector<64x128xf32>
    %slice3A_110 = vector.extract_strided_slice %reshape3A {offsets = [0, 10, 0], sizes = [64, 1, 128], strides = [1, 1, 1]} : vector<64x32x128xf32> to vector<64x1x128xf32>
    %squeeze3A_111 = vector.shape_cast %slice3A_110 : vector<64x1x128xf32> to vector<64x128xf32>
    %lt3A_112 = arith.cmpf olt, %squeeze3A_111, %select_n3A_109 : vector<64x128xf32>
    %add3A_113 = arith.constant 1280 : i32
    %add3A_114 = vector.broadcast %add3A_113 : i32 to vector<64x128xi32>
    %add3A_115 = arith.addi %iota3A, %add3A_114 : vector<64x128xi32>
    %select_n3A_116 = arith.select %lt3A_112, %add3A_115, %select_n3A_108 : vector<64x128xi1>, vector<64x128xi32>
    %select_n3A_117 = arith.select %lt3A_112, %squeeze3A_111, %select_n3A_109 : vector<64x128xi1>, vector<64x128xf32>
    %slice3A_118 = vector.extract_strided_slice %reshape3A {offsets = [0, 11, 0], sizes = [64, 1, 128], strides = [1, 1, 1]} : vector<64x32x128xf32> to vector<64x1x128xf32>
    %squeeze3A_119 = vector.shape_cast %slice3A_118 : vector<64x1x128xf32> to vector<64x128xf32>
    %lt3A_120 = arith.cmpf olt, %squeeze3A_119, %select_n3A_117 : vector<64x128xf32>
    %add3A_121 = arith.constant 1408 : i32
    %add3A_122 = vector.broadcast %add3A_121 : i32 to vector<64x128xi32>
    %add3A_123 = arith.addi %iota3A, %add3A_122 : vector<64x128xi32>
    %select_n3A_124 = arith.select %lt3A_120, %add3A_123, %select_n3A_116 : vector<64x128xi1>, vector<64x128xi32>
    %select_n3A_125 = arith.select %lt3A_120, %squeeze3A_119, %select_n3A_117 : vector<64x128xi1>, vector<64x128xf32>
    %slice3A_126 = vector.extract_strided_slice %reshape3A {offsets = [0, 12, 0], sizes = [64, 1, 128], strides = [1, 1, 1]} : vector<64x32x128xf32> to vector<64x1x128xf32>
    %squeeze3A_127 = vector.shape_cast %slice3A_126 : vector<64x1x128xf32> to vector<64x128xf32>
    %lt3A_128 = arith.cmpf olt, %squeeze3A_127, %select_n3A_125 : vector<64x128xf32>
    %add3A_129 = arith.constant 1536 : i32
    %add3A_130 = vector.broadcast %add3A_129 : i32 to vector<64x128xi32>
    %add3A_131 = arith.addi %iota3A, %add3A_130 : vector<64x128xi32>
    %select_n3A_132 = arith.select %lt3A_128, %add3A_131, %select_n3A_124 : vector<64x128xi1>, vector<64x128xi32>
    %select_n3A_133 = arith.select %lt3A_128, %squeeze3A_127, %select_n3A_125 : vector<64x128xi1>, vector<64x128xf32>
    %slice3A_134 = vector.extract_strided_slice %reshape3A {offsets = [0, 13, 0], sizes = [64, 1, 128], strides = [1, 1, 1]} : vector<64x32x128xf32> to vector<64x1x128xf32>
    %squeeze3A_135 = vector.shape_cast %slice3A_134 : vector<64x1x128xf32> to vector<64x128xf32>
    %lt3A_136 = arith.cmpf olt, %squeeze3A_135, %select_n3A_133 : vector<64x128xf32>
    %add3A_137 = arith.constant 1664 : i32
    %add3A_138 = vector.broadcast %add3A_137 : i32 to vector<64x128xi32>
    %add3A_139 = arith.addi %iota3A, %add3A_138 : vector<64x128xi32>
    %select_n3A_140 = arith.select %lt3A_136, %add3A_139, %select_n3A_132 : vector<64x128xi1>, vector<64x128xi32>
    %select_n3A_141 = arith.select %lt3A_136, %squeeze3A_135, %select_n3A_133 : vector<64x128xi1>, vector<64x128xf32>
    %slice3A_142 = vector.extract_strided_slice %reshape3A {offsets = [0, 14, 0], sizes = [64, 1, 128], strides = [1, 1, 1]} : vector<64x32x128xf32> to vector<64x1x128xf32>
    %squeeze3A_143 = vector.shape_cast %slice3A_142 : vector<64x1x128xf32> to vector<64x128xf32>
    %lt3A_144 = arith.cmpf olt, %squeeze3A_143, %select_n3A_141 : vector<64x128xf32>
    %add3A_145 = arith.constant 1792 : i32
    %add3A_146 = vector.broadcast %add3A_145 : i32 to vector<64x128xi32>
    %add3A_147 = arith.addi %iota3A, %add3A_146 : vector<64x128xi32>
    %select_n3A_148 = arith.select %lt3A_144, %add3A_147, %select_n3A_140 : vector<64x128xi1>, vector<64x128xi32>
    %select_n3A_149 = arith.select %lt3A_144, %squeeze3A_143, %select_n3A_141 : vector<64x128xi1>, vector<64x128xf32>
    %slice3A_150 = vector.extract_strided_slice %reshape3A {offsets = [0, 15, 0], sizes = [64, 1, 128], strides = [1, 1, 1]} : vector<64x32x128xf32> to vector<64x1x128xf32>
    %squeeze3A_151 = vector.shape_cast %slice3A_150 : vector<64x1x128xf32> to vector<64x128xf32>
    %lt3A_152 = arith.cmpf olt, %squeeze3A_151, %select_n3A_149 : vector<64x128xf32>
    %add3A_153 = arith.constant 1920 : i32
    %add3A_154 = vector.broadcast %add3A_153 : i32 to vector<64x128xi32>
    %add3A_155 = arith.addi %iota3A, %add3A_154 : vector<64x128xi32>
    %select_n3A_156 = arith.select %lt3A_152, %add3A_155, %select_n3A_148 : vector<64x128xi1>, vector<64x128xi32>
    %select_n3A_157 = arith.select %lt3A_152, %squeeze3A_151, %select_n3A_149 : vector<64x128xi1>, vector<64x128xf32>
    %slice3A_158 = vector.extract_strided_slice %reshape3A {offsets = [0, 16, 0], sizes = [64, 1, 128], strides = [1, 1, 1]} : vector<64x32x128xf32> to vector<64x1x128xf32>
    %squeeze3A_159 = vector.shape_cast %slice3A_158 : vector<64x1x128xf32> to vector<64x128xf32>
    %lt3A_160 = arith.cmpf olt, %squeeze3A_159, %select_n3A_157 : vector<64x128xf32>
    %add3A_161 = arith.constant 2048 : i32
    %add3A_162 = vector.broadcast %add3A_161 : i32 to vector<64x128xi32>
    %add3A_163 = arith.addi %iota3A, %add3A_162 : vector<64x128xi32>
    %select_n3A_164 = arith.select %lt3A_160, %add3A_163, %select_n3A_156 : vector<64x128xi1>, vector<64x128xi32>
    %select_n3A_165 = arith.select %lt3A_160, %squeeze3A_159, %select_n3A_157 : vector<64x128xi1>, vector<64x128xf32>
    %slice3A_166 = vector.extract_strided_slice %reshape3A {offsets = [0, 17, 0], sizes = [64, 1, 128], strides = [1, 1, 1]} : vector<64x32x128xf32> to vector<64x1x128xf32>
    %squeeze3A_167 = vector.shape_cast %slice3A_166 : vector<64x1x128xf32> to vector<64x128xf32>
    %lt3A_168 = arith.cmpf olt, %squeeze3A_167, %select_n3A_165 : vector<64x128xf32>
    %add3A_169 = arith.constant 2176 : i32
    %add3A_170 = vector.broadcast %add3A_169 : i32 to vector<64x128xi32>
    %add3A_171 = arith.addi %iota3A, %add3A_170 : vector<64x128xi32>
    %select_n3A_172 = arith.select %lt3A_168, %add3A_171, %select_n3A_164 : vector<64x128xi1>, vector<64x128xi32>
    %select_n3A_173 = arith.select %lt3A_168, %squeeze3A_167, %select_n3A_165 : vector<64x128xi1>, vector<64x128xf32>
    %slice3A_174 = vector.extract_strided_slice %reshape3A {offsets = [0, 18, 0], sizes = [64, 1, 128], strides = [1, 1, 1]} : vector<64x32x128xf32> to vector<64x1x128xf32>
    %squeeze3A_175 = vector.shape_cast %slice3A_174 : vector<64x1x128xf32> to vector<64x128xf32>
    %lt3A_176 = arith.cmpf olt, %squeeze3A_175, %select_n3A_173 : vector<64x128xf32>
    %add3A_177 = arith.constant 2304 : i32
    %add3A_178 = vector.broadcast %add3A_177 : i32 to vector<64x128xi32>
    %add3A_179 = arith.addi %iota3A, %add3A_178 : vector<64x128xi32>
    %select_n3A_180 = arith.select %lt3A_176, %add3A_179, %select_n3A_172 : vector<64x128xi1>, vector<64x128xi32>
    %select_n3A_181 = arith.select %lt3A_176, %squeeze3A_175, %select_n3A_173 : vector<64x128xi1>, vector<64x128xf32>
    %slice3A_182 = vector.extract_strided_slice %reshape3A {offsets = [0, 19, 0], sizes = [64, 1, 128], strides = [1, 1, 1]} : vector<64x32x128xf32> to vector<64x1x128xf32>
    %squeeze3A_183 = vector.shape_cast %slice3A_182 : vector<64x1x128xf32> to vector<64x128xf32>
    %lt3A_184 = arith.cmpf olt, %squeeze3A_183, %select_n3A_181 : vector<64x128xf32>
    %add3A_185 = arith.constant 2432 : i32
    %add3A_186 = vector.broadcast %add3A_185 : i32 to vector<64x128xi32>
    %add3A_187 = arith.addi %iota3A, %add3A_186 : vector<64x128xi32>
    %select_n3A_188 = arith.select %lt3A_184, %add3A_187, %select_n3A_180 : vector<64x128xi1>, vector<64x128xi32>
    %select_n3A_189 = arith.select %lt3A_184, %squeeze3A_183, %select_n3A_181 : vector<64x128xi1>, vector<64x128xf32>
    %slice3A_190 = vector.extract_strided_slice %reshape3A {offsets = [0, 20, 0], sizes = [64, 1, 128], strides = [1, 1, 1]} : vector<64x32x128xf32> to vector<64x1x128xf32>
    %squeeze3A_191 = vector.shape_cast %slice3A_190 : vector<64x1x128xf32> to vector<64x128xf32>
    %lt3A_192 = arith.cmpf olt, %squeeze3A_191, %select_n3A_189 : vector<64x128xf32>
    %add3A_193 = arith.constant 2560 : i32
    %add3A_194 = vector.broadcast %add3A_193 : i32 to vector<64x128xi32>
    %add3A_195 = arith.addi %iota3A, %add3A_194 : vector<64x128xi32>
    %select_n3A_196 = arith.select %lt3A_192, %add3A_195, %select_n3A_188 : vector<64x128xi1>, vector<64x128xi32>
    %select_n3A_197 = arith.select %lt3A_192, %squeeze3A_191, %select_n3A_189 : vector<64x128xi1>, vector<64x128xf32>
    %slice3A_198 = vector.extract_strided_slice %reshape3A {offsets = [0, 21, 0], sizes = [64, 1, 128], strides = [1, 1, 1]} : vector<64x32x128xf32> to vector<64x1x128xf32>
    %squeeze3A_199 = vector.shape_cast %slice3A_198 : vector<64x1x128xf32> to vector<64x128xf32>
    %lt3A_200 = arith.cmpf olt, %squeeze3A_199, %select_n3A_197 : vector<64x128xf32>
    %add3A_201 = arith.constant 2688 : i32
    %add3A_202 = vector.broadcast %add3A_201 : i32 to vector<64x128xi32>
    %add3A_203 = arith.addi %iota3A, %add3A_202 : vector<64x128xi32>
    %select_n3A_204 = arith.select %lt3A_200, %add3A_203, %select_n3A_196 : vector<64x128xi1>, vector<64x128xi32>
    %select_n3A_205 = arith.select %lt3A_200, %squeeze3A_199, %select_n3A_197 : vector<64x128xi1>, vector<64x128xf32>
    %slice3A_206 = vector.extract_strided_slice %reshape3A {offsets = [0, 22, 0], sizes = [64, 1, 128], strides = [1, 1, 1]} : vector<64x32x128xf32> to vector<64x1x128xf32>
    %squeeze3A_207 = vector.shape_cast %slice3A_206 : vector<64x1x128xf32> to vector<64x128xf32>
    %lt3A_208 = arith.cmpf olt, %squeeze3A_207, %select_n3A_205 : vector<64x128xf32>
    %add3A_209 = arith.constant 2816 : i32
    %add3A_210 = vector.broadcast %add3A_209 : i32 to vector<64x128xi32>
    %add3A_211 = arith.addi %iota3A, %add3A_210 : vector<64x128xi32>
    %select_n3A_212 = arith.select %lt3A_208, %add3A_211, %select_n3A_204 : vector<64x128xi1>, vector<64x128xi32>
    %select_n3A_213 = arith.select %lt3A_208, %squeeze3A_207, %select_n3A_205 : vector<64x128xi1>, vector<64x128xf32>
    %slice3A_214 = vector.extract_strided_slice %reshape3A {offsets = [0, 23, 0], sizes = [64, 1, 128], strides = [1, 1, 1]} : vector<64x32x128xf32> to vector<64x1x128xf32>
    %squeeze3A_215 = vector.shape_cast %slice3A_214 : vector<64x1x128xf32> to vector<64x128xf32>
    %lt3A_216 = arith.cmpf olt, %squeeze3A_215, %select_n3A_213 : vector<64x128xf32>
    %add3A_217 = arith.constant 2944 : i32
    %add3A_218 = vector.broadcast %add3A_217 : i32 to vector<64x128xi32>
    %add3A_219 = arith.addi %iota3A, %add3A_218 : vector<64x128xi32>
    %select_n3A_220 = arith.select %lt3A_216, %add3A_219, %select_n3A_212 : vector<64x128xi1>, vector<64x128xi32>
    %select_n3A_221 = arith.select %lt3A_216, %squeeze3A_215, %select_n3A_213 : vector<64x128xi1>, vector<64x128xf32>
    %slice3A_222 = vector.extract_strided_slice %reshape3A {offsets = [0, 24, 0], sizes = [64, 1, 128], strides = [1, 1, 1]} : vector<64x32x128xf32> to vector<64x1x128xf32>
    %squeeze3A_223 = vector.shape_cast %slice3A_222 : vector<64x1x128xf32> to vector<64x128xf32>
    %lt3A_224 = arith.cmpf olt, %squeeze3A_223, %select_n3A_221 : vector<64x128xf32>
    %add3A_225 = arith.constant 3072 : i32
    %add3A_226 = vector.broadcast %add3A_225 : i32 to vector<64x128xi32>
    %add3A_227 = arith.addi %iota3A, %add3A_226 : vector<64x128xi32>
    %select_n3A_228 = arith.select %lt3A_224, %add3A_227, %select_n3A_220 : vector<64x128xi1>, vector<64x128xi32>
    %select_n3A_229 = arith.select %lt3A_224, %squeeze3A_223, %select_n3A_221 : vector<64x128xi1>, vector<64x128xf32>
    %slice3A_230 = vector.extract_strided_slice %reshape3A {offsets = [0, 25, 0], sizes = [64, 1, 128], strides = [1, 1, 1]} : vector<64x32x128xf32> to vector<64x1x128xf32>
    %squeeze3A_231 = vector.shape_cast %slice3A_230 : vector<64x1x128xf32> to vector<64x128xf32>
    %lt3A_232 = arith.cmpf olt, %squeeze3A_231, %select_n3A_229 : vector<64x128xf32>
    %add3A_233 = arith.constant 3200 : i32
    %add3A_234 = vector.broadcast %add3A_233 : i32 to vector<64x128xi32>
    %add3A_235 = arith.addi %iota3A, %add3A_234 : vector<64x128xi32>
    %select_n3A_236 = arith.select %lt3A_232, %add3A_235, %select_n3A_228 : vector<64x128xi1>, vector<64x128xi32>
    %select_n3A_237 = arith.select %lt3A_232, %squeeze3A_231, %select_n3A_229 : vector<64x128xi1>, vector<64x128xf32>
    %slice3A_238 = vector.extract_strided_slice %reshape3A {offsets = [0, 26, 0], sizes = [64, 1, 128], strides = [1, 1, 1]} : vector<64x32x128xf32> to vector<64x1x128xf32>
    %squeeze3A_239 = vector.shape_cast %slice3A_238 : vector<64x1x128xf32> to vector<64x128xf32>
    %lt3A_240 = arith.cmpf olt, %squeeze3A_239, %select_n3A_237 : vector<64x128xf32>
    %add3A_241 = arith.constant 3328 : i32
    %add3A_242 = vector.broadcast %add3A_241 : i32 to vector<64x128xi32>
    %add3A_243 = arith.addi %iota3A, %add3A_242 : vector<64x128xi32>
    %select_n3A_244 = arith.select %lt3A_240, %add3A_243, %select_n3A_236 : vector<64x128xi1>, vector<64x128xi32>
    %select_n3A_245 = arith.select %lt3A_240, %squeeze3A_239, %select_n3A_237 : vector<64x128xi1>, vector<64x128xf32>
    %slice3A_246 = vector.extract_strided_slice %reshape3A {offsets = [0, 27, 0], sizes = [64, 1, 128], strides = [1, 1, 1]} : vector<64x32x128xf32> to vector<64x1x128xf32>
    %squeeze3A_247 = vector.shape_cast %slice3A_246 : vector<64x1x128xf32> to vector<64x128xf32>
    %lt3A_248 = arith.cmpf olt, %squeeze3A_247, %select_n3A_245 : vector<64x128xf32>
    %add3A_249 = arith.constant 3456 : i32
    %add3A_250 = vector.broadcast %add3A_249 : i32 to vector<64x128xi32>
    %add3A_251 = arith.addi %iota3A, %add3A_250 : vector<64x128xi32>
    %select_n3A_252 = arith.select %lt3A_248, %add3A_251, %select_n3A_244 : vector<64x128xi1>, vector<64x128xi32>
    %select_n3A_253 = arith.select %lt3A_248, %squeeze3A_247, %select_n3A_245 : vector<64x128xi1>, vector<64x128xf32>
    %slice3A_254 = vector.extract_strided_slice %reshape3A {offsets = [0, 28, 0], sizes = [64, 1, 128], strides = [1, 1, 1]} : vector<64x32x128xf32> to vector<64x1x128xf32>
    %squeeze3A_255 = vector.shape_cast %slice3A_254 : vector<64x1x128xf32> to vector<64x128xf32>
    %lt3A_256 = arith.cmpf olt, %squeeze3A_255, %select_n3A_253 : vector<64x128xf32>
    %add3A_257 = arith.constant 3584 : i32
    %add3A_258 = vector.broadcast %add3A_257 : i32 to vector<64x128xi32>
    %add3A_259 = arith.addi %iota3A, %add3A_258 : vector<64x128xi32>
    %select_n3A_260 = arith.select %lt3A_256, %add3A_259, %select_n3A_252 : vector<64x128xi1>, vector<64x128xi32>
    %select_n3A_261 = arith.select %lt3A_256, %squeeze3A_255, %select_n3A_253 : vector<64x128xi1>, vector<64x128xf32>
    %slice3A_262 = vector.extract_strided_slice %reshape3A {offsets = [0, 29, 0], sizes = [64, 1, 128], strides = [1, 1, 1]} : vector<64x32x128xf32> to vector<64x1x128xf32>
    %squeeze3A_263 = vector.shape_cast %slice3A_262 : vector<64x1x128xf32> to vector<64x128xf32>
    %lt3A_264 = arith.cmpf olt, %squeeze3A_263, %select_n3A_261 : vector<64x128xf32>
    %add3A_265 = arith.constant 3712 : i32
    %add3A_266 = vector.broadcast %add3A_265 : i32 to vector<64x128xi32>
    %add3A_267 = arith.addi %iota3A, %add3A_266 : vector<64x128xi32>
    %select_n3A_268 = arith.select %lt3A_264, %add3A_267, %select_n3A_260 : vector<64x128xi1>, vector<64x128xi32>
    %select_n3A_269 = arith.select %lt3A_264, %squeeze3A_263, %select_n3A_261 : vector<64x128xi1>, vector<64x128xf32>
    %slice3A_270 = vector.extract_strided_slice %reshape3A {offsets = [0, 30, 0], sizes = [64, 1, 128], strides = [1, 1, 1]} : vector<64x32x128xf32> to vector<64x1x128xf32>
    %squeeze3A_271 = vector.shape_cast %slice3A_270 : vector<64x1x128xf32> to vector<64x128xf32>
    %lt3A_272 = arith.cmpf olt, %squeeze3A_271, %select_n3A_269 : vector<64x128xf32>
    %add3A_273 = arith.constant 3840 : i32
    %add3A_274 = vector.broadcast %add3A_273 : i32 to vector<64x128xi32>
    %add3A_275 = arith.addi %iota3A, %add3A_274 : vector<64x128xi32>
    %select_n3A_276 = arith.select %lt3A_272, %add3A_275, %select_n3A_268 : vector<64x128xi1>, vector<64x128xi32>
    %select_n3A_277 = arith.select %lt3A_272, %squeeze3A_271, %select_n3A_269 : vector<64x128xi1>, vector<64x128xf32>
    %slice3A_278 = vector.extract_strided_slice %reshape3A {offsets = [0, 31, 0], sizes = [64, 1, 128], strides = [1, 1, 1]} : vector<64x32x128xf32> to vector<64x1x128xf32>
    %squeeze3A_279 = vector.shape_cast %slice3A_278 : vector<64x1x128xf32> to vector<64x128xf32>
    %lt3A_280 = arith.cmpf olt, %squeeze3A_279, %select_n3A_277 : vector<64x128xf32>
    %add3A_281 = arith.constant 3968 : i32
    %add3A_282 = vector.broadcast %add3A_281 : i32 to vector<64x128xi32>
    %add3A_283 = arith.addi %iota3A, %add3A_282 : vector<64x128xi32>
    %select_n3A_284 = arith.select %lt3A_280, %add3A_283, %select_n3A_276 : vector<64x128xi1>, vector<64x128xi32>
    %select_n3A_285 = arith.select %lt3A_280, %squeeze3A_279, %select_n3A_277 : vector<64x128xi1>, vector<64x128xf32>
    %broadcast_in_dim3A = vector.shape_cast %select_n3A_284 : vector<64x128xi32> to vector<64x1x128xi32>
    %eq3A = vector.broadcast %add3A_39 : vector<1x32x128xi32> to vector<64x32x128xi32>
    %eq3A_286 = vector.broadcast %broadcast_in_dim3A : vector<64x1x128xi32> to vector<64x32x128xi32>
    %eq3A_287 = arith.cmpi eq, %eq3A, %eq3A_286 : vector<64x32x128xi32>
    %jit3A = arith.constant 0x7F800000 : f32
    %broadcast_in_dim3A_288 = vector.broadcast %jit3A : f32 to vector<64x32x128xf32>
    %select_n3A_289 = arith.select %eq3A_287, %broadcast_in_dim3A_288, %reshape3A : vector<64x32x128xi1>, vector<64x32x128xf32>
    %slice3A_290 = vector.extract_strided_slice %select_n3A_289 {offsets = [0, 0, 0], sizes = [64, 1, 128], strides = [1, 1, 1]} : vector<64x32x128xf32> to vector<64x1x128xf32>
    %squeeze3A_291 = vector.shape_cast %slice3A_290 : vector<64x1x128xf32> to vector<64x128xf32>
    %slice3A_292 = vector.extract_strided_slice %select_n3A_289 {offsets = [0, 1, 0], sizes = [64, 1, 128], strides = [1, 1, 1]} : vector<64x32x128xf32> to vector<64x1x128xf32>
    %squeeze3A_293 = vector.shape_cast %slice3A_292 : vector<64x1x128xf32> to vector<64x128xf32>
    %lt3A_294 = arith.cmpf olt, %squeeze3A_293, %squeeze3A_291 : vector<64x128xf32>
    %add3A_295 = arith.constant 128 : i32
    %add3A_296 = vector.broadcast %add3A_295 : i32 to vector<64x128xi32>
    %add3A_297 = arith.addi %iota3A, %add3A_296 : vector<64x128xi32>
    %select_n3A_298 = arith.select %lt3A_294, %add3A_297, %iota3A : vector<64x128xi1>, vector<64x128xi32>
    %select_n3A_299 = arith.select %lt3A_294, %squeeze3A_293, %squeeze3A_291 : vector<64x128xi1>, vector<64x128xf32>
    %slice3A_300 = vector.extract_strided_slice %select_n3A_289 {offsets = [0, 2, 0], sizes = [64, 1, 128], strides = [1, 1, 1]} : vector<64x32x128xf32> to vector<64x1x128xf32>
    %squeeze3A_301 = vector.shape_cast %slice3A_300 : vector<64x1x128xf32> to vector<64x128xf32>
    %lt3A_302 = arith.cmpf olt, %squeeze3A_301, %select_n3A_299 : vector<64x128xf32>
    %add3A_303 = arith.constant 256 : i32
    %add3A_304 = vector.broadcast %add3A_303 : i32 to vector<64x128xi32>
    %add3A_305 = arith.addi %iota3A, %add3A_304 : vector<64x128xi32>
    %select_n3A_306 = arith.select %lt3A_302, %add3A_305, %select_n3A_298 : vector<64x128xi1>, vector<64x128xi32>
    %select_n3A_307 = arith.select %lt3A_302, %squeeze3A_301, %select_n3A_299 : vector<64x128xi1>, vector<64x128xf32>
    %slice3A_308 = vector.extract_strided_slice %select_n3A_289 {offsets = [0, 3, 0], sizes = [64, 1, 128], strides = [1, 1, 1]} : vector<64x32x128xf32> to vector<64x1x128xf32>
    %squeeze3A_309 = vector.shape_cast %slice3A_308 : vector<64x1x128xf32> to vector<64x128xf32>
    %lt3A_310 = arith.cmpf olt, %squeeze3A_309, %select_n3A_307 : vector<64x128xf32>
    %add3A_311 = arith.constant 384 : i32
    %add3A_312 = vector.broadcast %add3A_311 : i32 to vector<64x128xi32>
    %add3A_313 = arith.addi %iota3A, %add3A_312 : vector<64x128xi32>
    %select_n3A_314 = arith.select %lt3A_310, %add3A_313, %select_n3A_306 : vector<64x128xi1>, vector<64x128xi32>
    %select_n3A_315 = arith.select %lt3A_310, %squeeze3A_309, %select_n3A_307 : vector<64x128xi1>, vector<64x128xf32>
    %slice3A_316 = vector.extract_strided_slice %select_n3A_289 {offsets = [0, 4, 0], sizes = [64, 1, 128], strides = [1, 1, 1]} : vector<64x32x128xf32> to vector<64x1x128xf32>
    %squeeze3A_317 = vector.shape_cast %slice3A_316 : vector<64x1x128xf32> to vector<64x128xf32>
    %lt3A_318 = arith.cmpf olt, %squeeze3A_317, %select_n3A_315 : vector<64x128xf32>
    %add3A_319 = arith.constant 512 : i32
    %add3A_320 = vector.broadcast %add3A_319 : i32 to vector<64x128xi32>
    %add3A_321 = arith.addi %iota3A, %add3A_320 : vector<64x128xi32>
    %select_n3A_322 = arith.select %lt3A_318, %add3A_321, %select_n3A_314 : vector<64x128xi1>, vector<64x128xi32>
    %select_n3A_323 = arith.select %lt3A_318, %squeeze3A_317, %select_n3A_315 : vector<64x128xi1>, vector<64x128xf32>
    %slice3A_324 = vector.extract_strided_slice %select_n3A_289 {offsets = [0, 5, 0], sizes = [64, 1, 128], strides = [1, 1, 1]} : vector<64x32x128xf32> to vector<64x1x128xf32>
    %squeeze3A_325 = vector.shape_cast %slice3A_324 : vector<64x1x128xf32> to vector<64x128xf32>
    %lt3A_326 = arith.cmpf olt, %squeeze3A_325, %select_n3A_323 : vector<64x128xf32>
    %add3A_327 = arith.constant 640 : i32
    %add3A_328 = vector.broadcast %add3A_327 : i32 to vector<64x128xi32>
    %add3A_329 = arith.addi %iota3A, %add3A_328 : vector<64x128xi32>
    %select_n3A_330 = arith.select %lt3A_326, %add3A_329, %select_n3A_322 : vector<64x128xi1>, vector<64x128xi32>
    %select_n3A_331 = arith.select %lt3A_326, %squeeze3A_325, %select_n3A_323 : vector<64x128xi1>, vector<64x128xf32>
    %slice3A_332 = vector.extract_strided_slice %select_n3A_289 {offsets = [0, 6, 0], sizes = [64, 1, 128], strides = [1, 1, 1]} : vector<64x32x128xf32> to vector<64x1x128xf32>
    %squeeze3A_333 = vector.shape_cast %slice3A_332 : vector<64x1x128xf32> to vector<64x128xf32>
    %lt3A_334 = arith.cmpf olt, %squeeze3A_333, %select_n3A_331 : vector<64x128xf32>
    %add3A_335 = arith.constant 768 : i32
    %add3A_336 = vector.broadcast %add3A_335 : i32 to vector<64x128xi32>
    %add3A_337 = arith.addi %iota3A, %add3A_336 : vector<64x128xi32>
    %select_n3A_338 = arith.select %lt3A_334, %add3A_337, %select_n3A_330 : vector<64x128xi1>, vector<64x128xi32>
    %select_n3A_339 = arith.select %lt3A_334, %squeeze3A_333, %select_n3A_331 : vector<64x128xi1>, vector<64x128xf32>
    %slice3A_340 = vector.extract_strided_slice %select_n3A_289 {offsets = [0, 7, 0], sizes = [64, 1, 128], strides = [1, 1, 1]} : vector<64x32x128xf32> to vector<64x1x128xf32>
    %squeeze3A_341 = vector.shape_cast %slice3A_340 : vector<64x1x128xf32> to vector<64x128xf32>
    %lt3A_342 = arith.cmpf olt, %squeeze3A_341, %select_n3A_339 : vector<64x128xf32>
    %add3A_343 = arith.constant 896 : i32
    %add3A_344 = vector.broadcast %add3A_343 : i32 to vector<64x128xi32>
    %add3A_345 = arith.addi %iota3A, %add3A_344 : vector<64x128xi32>
    %select_n3A_346 = arith.select %lt3A_342, %add3A_345, %select_n3A_338 : vector<64x128xi1>, vector<64x128xi32>
    %select_n3A_347 = arith.select %lt3A_342, %squeeze3A_341, %select_n3A_339 : vector<64x128xi1>, vector<64x128xf32>
    %slice3A_348 = vector.extract_strided_slice %select_n3A_289 {offsets = [0, 8, 0], sizes = [64, 1, 128], strides = [1, 1, 1]} : vector<64x32x128xf32> to vector<64x1x128xf32>
    %squeeze3A_349 = vector.shape_cast %slice3A_348 : vector<64x1x128xf32> to vector<64x128xf32>
    %lt3A_350 = arith.cmpf olt, %squeeze3A_349, %select_n3A_347 : vector<64x128xf32>
    %add3A_351 = arith.constant 1024 : i32
    %add3A_352 = vector.broadcast %add3A_351 : i32 to vector<64x128xi32>
    %add3A_353 = arith.addi %iota3A, %add3A_352 : vector<64x128xi32>
    %select_n3A_354 = arith.select %lt3A_350, %add3A_353, %select_n3A_346 : vector<64x128xi1>, vector<64x128xi32>
    %select_n3A_355 = arith.select %lt3A_350, %squeeze3A_349, %select_n3A_347 : vector<64x128xi1>, vector<64x128xf32>
    %slice3A_356 = vector.extract_strided_slice %select_n3A_289 {offsets = [0, 9, 0], sizes = [64, 1, 128], strides = [1, 1, 1]} : vector<64x32x128xf32> to vector<64x1x128xf32>
    %squeeze3A_357 = vector.shape_cast %slice3A_356 : vector<64x1x128xf32> to vector<64x128xf32>
    %lt3A_358 = arith.cmpf olt, %squeeze3A_357, %select_n3A_355 : vector<64x128xf32>
    %add3A_359 = arith.constant 1152 : i32
    %add3A_360 = vector.broadcast %add3A_359 : i32 to vector<64x128xi32>
    %add3A_361 = arith.addi %iota3A, %add3A_360 : vector<64x128xi32>
    %select_n3A_362 = arith.select %lt3A_358, %add3A_361, %select_n3A_354 : vector<64x128xi1>, vector<64x128xi32>
    %select_n3A_363 = arith.select %lt3A_358, %squeeze3A_357, %select_n3A_355 : vector<64x128xi1>, vector<64x128xf32>
    %slice3A_364 = vector.extract_strided_slice %select_n3A_289 {offsets = [0, 10, 0], sizes = [64, 1, 128], strides = [1, 1, 1]} : vector<64x32x128xf32> to vector<64x1x128xf32>
    %squeeze3A_365 = vector.shape_cast %slice3A_364 : vector<64x1x128xf32> to vector<64x128xf32>
    %lt3A_366 = arith.cmpf olt, %squeeze3A_365, %select_n3A_363 : vector<64x128xf32>
    %add3A_367 = arith.constant 1280 : i32
    %add3A_368 = vector.broadcast %add3A_367 : i32 to vector<64x128xi32>
    %add3A_369 = arith.addi %iota3A, %add3A_368 : vector<64x128xi32>
    %select_n3A_370 = arith.select %lt3A_366, %add3A_369, %select_n3A_362 : vector<64x128xi1>, vector<64x128xi32>
    %select_n3A_371 = arith.select %lt3A_366, %squeeze3A_365, %select_n3A_363 : vector<64x128xi1>, vector<64x128xf32>
    %slice3A_372 = vector.extract_strided_slice %select_n3A_289 {offsets = [0, 11, 0], sizes = [64, 1, 128], strides = [1, 1, 1]} : vector<64x32x128xf32> to vector<64x1x128xf32>
    %squeeze3A_373 = vector.shape_cast %slice3A_372 : vector<64x1x128xf32> to vector<64x128xf32>
    %lt3A_374 = arith.cmpf olt, %squeeze3A_373, %select_n3A_371 : vector<64x128xf32>
    %add3A_375 = arith.constant 1408 : i32
    %add3A_376 = vector.broadcast %add3A_375 : i32 to vector<64x128xi32>
    %add3A_377 = arith.addi %iota3A, %add3A_376 : vector<64x128xi32>
    %select_n3A_378 = arith.select %lt3A_374, %add3A_377, %select_n3A_370 : vector<64x128xi1>, vector<64x128xi32>
    %select_n3A_379 = arith.select %lt3A_374, %squeeze3A_373, %select_n3A_371 : vector<64x128xi1>, vector<64x128xf32>
    %slice3A_380 = vector.extract_strided_slice %select_n3A_289 {offsets = [0, 12, 0], sizes = [64, 1, 128], strides = [1, 1, 1]} : vector<64x32x128xf32> to vector<64x1x128xf32>
    %squeeze3A_381 = vector.shape_cast %slice3A_380 : vector<64x1x128xf32> to vector<64x128xf32>
    %lt3A_382 = arith.cmpf olt, %squeeze3A_381, %select_n3A_379 : vector<64x128xf32>
    %add3A_383 = arith.constant 1536 : i32
    %add3A_384 = vector.broadcast %add3A_383 : i32 to vector<64x128xi32>
    %add3A_385 = arith.addi %iota3A, %add3A_384 : vector<64x128xi32>
    %select_n3A_386 = arith.select %lt3A_382, %add3A_385, %select_n3A_378 : vector<64x128xi1>, vector<64x128xi32>
    %select_n3A_387 = arith.select %lt3A_382, %squeeze3A_381, %select_n3A_379 : vector<64x128xi1>, vector<64x128xf32>
    %slice3A_388 = vector.extract_strided_slice %select_n3A_289 {offsets = [0, 13, 0], sizes = [64, 1, 128], strides = [1, 1, 1]} : vector<64x32x128xf32> to vector<64x1x128xf32>
    %squeeze3A_389 = vector.shape_cast %slice3A_388 : vector<64x1x128xf32> to vector<64x128xf32>
    %lt3A_390 = arith.cmpf olt, %squeeze3A_389, %select_n3A_387 : vector<64x128xf32>
    %add3A_391 = arith.constant 1664 : i32
    %add3A_392 = vector.broadcast %add3A_391 : i32 to vector<64x128xi32>
    %add3A_393 = arith.addi %iota3A, %add3A_392 : vector<64x128xi32>
    %select_n3A_394 = arith.select %lt3A_390, %add3A_393, %select_n3A_386 : vector<64x128xi1>, vector<64x128xi32>
    %select_n3A_395 = arith.select %lt3A_390, %squeeze3A_389, %select_n3A_387 : vector<64x128xi1>, vector<64x128xf32>
    %slice3A_396 = vector.extract_strided_slice %select_n3A_289 {offsets = [0, 14, 0], sizes = [64, 1, 128], strides = [1, 1, 1]} : vector<64x32x128xf32> to vector<64x1x128xf32>
    %squeeze3A_397 = vector.shape_cast %slice3A_396 : vector<64x1x128xf32> to vector<64x128xf32>
    %lt3A_398 = arith.cmpf olt, %squeeze3A_397, %select_n3A_395 : vector<64x128xf32>
    %add3A_399 = arith.constant 1792 : i32
    %add3A_400 = vector.broadcast %add3A_399 : i32 to vector<64x128xi32>
    %add3A_401 = arith.addi %iota3A, %add3A_400 : vector<64x128xi32>
    %select_n3A_402 = arith.select %lt3A_398, %add3A_401, %select_n3A_394 : vector<64x128xi1>, vector<64x128xi32>
    %select_n3A_403 = arith.select %lt3A_398, %squeeze3A_397, %select_n3A_395 : vector<64x128xi1>, vector<64x128xf32>
    %slice3A_404 = vector.extract_strided_slice %select_n3A_289 {offsets = [0, 15, 0], sizes = [64, 1, 128], strides = [1, 1, 1]} : vector<64x32x128xf32> to vector<64x1x128xf32>
    %squeeze3A_405 = vector.shape_cast %slice3A_404 : vector<64x1x128xf32> to vector<64x128xf32>
    %lt3A_406 = arith.cmpf olt, %squeeze3A_405, %select_n3A_403 : vector<64x128xf32>
    %add3A_407 = arith.constant 1920 : i32
    %add3A_408 = vector.broadcast %add3A_407 : i32 to vector<64x128xi32>
    %add3A_409 = arith.addi %iota3A, %add3A_408 : vector<64x128xi32>
    %select_n3A_410 = arith.select %lt3A_406, %add3A_409, %select_n3A_402 : vector<64x128xi1>, vector<64x128xi32>
    %select_n3A_411 = arith.select %lt3A_406, %squeeze3A_405, %select_n3A_403 : vector<64x128xi1>, vector<64x128xf32>
    %slice3A_412 = vector.extract_strided_slice %select_n3A_289 {offsets = [0, 16, 0], sizes = [64, 1, 128], strides = [1, 1, 1]} : vector<64x32x128xf32> to vector<64x1x128xf32>
    %squeeze3A_413 = vector.shape_cast %slice3A_412 : vector<64x1x128xf32> to vector<64x128xf32>
    %lt3A_414 = arith.cmpf olt, %squeeze3A_413, %select_n3A_411 : vector<64x128xf32>
    %add3A_415 = arith.constant 2048 : i32
    %add3A_416 = vector.broadcast %add3A_415 : i32 to vector<64x128xi32>
    %add3A_417 = arith.addi %iota3A, %add3A_416 : vector<64x128xi32>
    %select_n3A_418 = arith.select %lt3A_414, %add3A_417, %select_n3A_410 : vector<64x128xi1>, vector<64x128xi32>
    %select_n3A_419 = arith.select %lt3A_414, %squeeze3A_413, %select_n3A_411 : vector<64x128xi1>, vector<64x128xf32>
    %slice3A_420 = vector.extract_strided_slice %select_n3A_289 {offsets = [0, 17, 0], sizes = [64, 1, 128], strides = [1, 1, 1]} : vector<64x32x128xf32> to vector<64x1x128xf32>
    %squeeze3A_421 = vector.shape_cast %slice3A_420 : vector<64x1x128xf32> to vector<64x128xf32>
    %lt3A_422 = arith.cmpf olt, %squeeze3A_421, %select_n3A_419 : vector<64x128xf32>
    %add3A_423 = arith.constant 2176 : i32
    %add3A_424 = vector.broadcast %add3A_423 : i32 to vector<64x128xi32>
    %add3A_425 = arith.addi %iota3A, %add3A_424 : vector<64x128xi32>
    %select_n3A_426 = arith.select %lt3A_422, %add3A_425, %select_n3A_418 : vector<64x128xi1>, vector<64x128xi32>
    %select_n3A_427 = arith.select %lt3A_422, %squeeze3A_421, %select_n3A_419 : vector<64x128xi1>, vector<64x128xf32>
    %slice3A_428 = vector.extract_strided_slice %select_n3A_289 {offsets = [0, 18, 0], sizes = [64, 1, 128], strides = [1, 1, 1]} : vector<64x32x128xf32> to vector<64x1x128xf32>
    %squeeze3A_429 = vector.shape_cast %slice3A_428 : vector<64x1x128xf32> to vector<64x128xf32>
    %lt3A_430 = arith.cmpf olt, %squeeze3A_429, %select_n3A_427 : vector<64x128xf32>
    %add3A_431 = arith.constant 2304 : i32
    %add3A_432 = vector.broadcast %add3A_431 : i32 to vector<64x128xi32>
    %add3A_433 = arith.addi %iota3A, %add3A_432 : vector<64x128xi32>
    %select_n3A_434 = arith.select %lt3A_430, %add3A_433, %select_n3A_426 : vector<64x128xi1>, vector<64x128xi32>
    %select_n3A_435 = arith.select %lt3A_430, %squeeze3A_429, %select_n3A_427 : vector<64x128xi1>, vector<64x128xf32>
    %slice3A_436 = vector.extract_strided_slice %select_n3A_289 {offsets = [0, 19, 0], sizes = [64, 1, 128], strides = [1, 1, 1]} : vector<64x32x128xf32> to vector<64x1x128xf32>
    %squeeze3A_437 = vector.shape_cast %slice3A_436 : vector<64x1x128xf32> to vector<64x128xf32>
    %lt3A_438 = arith.cmpf olt, %squeeze3A_437, %select_n3A_435 : vector<64x128xf32>
    %add3A_439 = arith.constant 2432 : i32
    %add3A_440 = vector.broadcast %add3A_439 : i32 to vector<64x128xi32>
    %add3A_441 = arith.addi %iota3A, %add3A_440 : vector<64x128xi32>
    %select_n3A_442 = arith.select %lt3A_438, %add3A_441, %select_n3A_434 : vector<64x128xi1>, vector<64x128xi32>
    %select_n3A_443 = arith.select %lt3A_438, %squeeze3A_437, %select_n3A_435 : vector<64x128xi1>, vector<64x128xf32>
    %slice3A_444 = vector.extract_strided_slice %select_n3A_289 {offsets = [0, 20, 0], sizes = [64, 1, 128], strides = [1, 1, 1]} : vector<64x32x128xf32> to vector<64x1x128xf32>
    %squeeze3A_445 = vector.shape_cast %slice3A_444 : vector<64x1x128xf32> to vector<64x128xf32>
    %lt3A_446 = arith.cmpf olt, %squeeze3A_445, %select_n3A_443 : vector<64x128xf32>
    %add3A_447 = arith.constant 2560 : i32
    %add3A_448 = vector.broadcast %add3A_447 : i32 to vector<64x128xi32>
    %add3A_449 = arith.addi %iota3A, %add3A_448 : vector<64x128xi32>
    %select_n3A_450 = arith.select %lt3A_446, %add3A_449, %select_n3A_442 : vector<64x128xi1>, vector<64x128xi32>
    %select_n3A_451 = arith.select %lt3A_446, %squeeze3A_445, %select_n3A_443 : vector<64x128xi1>, vector<64x128xf32>
    %slice3A_452 = vector.extract_strided_slice %select_n3A_289 {offsets = [0, 21, 0], sizes = [64, 1, 128], strides = [1, 1, 1]} : vector<64x32x128xf32> to vector<64x1x128xf32>
    %squeeze3A_453 = vector.shape_cast %slice3A_452 : vector<64x1x128xf32> to vector<64x128xf32>
    %lt3A_454 = arith.cmpf olt, %squeeze3A_453, %select_n3A_451 : vector<64x128xf32>
    %add3A_455 = arith.constant 2688 : i32
    %add3A_456 = vector.broadcast %add3A_455 : i32 to vector<64x128xi32>
    %add3A_457 = arith.addi %iota3A, %add3A_456 : vector<64x128xi32>
    %select_n3A_458 = arith.select %lt3A_454, %add3A_457, %select_n3A_450 : vector<64x128xi1>, vector<64x128xi32>
    %select_n3A_459 = arith.select %lt3A_454, %squeeze3A_453, %select_n3A_451 : vector<64x128xi1>, vector<64x128xf32>
    %slice3A_460 = vector.extract_strided_slice %select_n3A_289 {offsets = [0, 22, 0], sizes = [64, 1, 128], strides = [1, 1, 1]} : vector<64x32x128xf32> to vector<64x1x128xf32>
    %squeeze3A_461 = vector.shape_cast %slice3A_460 : vector<64x1x128xf32> to vector<64x128xf32>
    %lt3A_462 = arith.cmpf olt, %squeeze3A_461, %select_n3A_459 : vector<64x128xf32>
    %add3A_463 = arith.constant 2816 : i32
    %add3A_464 = vector.broadcast %add3A_463 : i32 to vector<64x128xi32>
    %add3A_465 = arith.addi %iota3A, %add3A_464 : vector<64x128xi32>
    %select_n3A_466 = arith.select %lt3A_462, %add3A_465, %select_n3A_458 : vector<64x128xi1>, vector<64x128xi32>
    %select_n3A_467 = arith.select %lt3A_462, %squeeze3A_461, %select_n3A_459 : vector<64x128xi1>, vector<64x128xf32>
    %slice3A_468 = vector.extract_strided_slice %select_n3A_289 {offsets = [0, 23, 0], sizes = [64, 1, 128], strides = [1, 1, 1]} : vector<64x32x128xf32> to vector<64x1x128xf32>
    %squeeze3A_469 = vector.shape_cast %slice3A_468 : vector<64x1x128xf32> to vector<64x128xf32>
    %lt3A_470 = arith.cmpf olt, %squeeze3A_469, %select_n3A_467 : vector<64x128xf32>
    %add3A_471 = arith.constant 2944 : i32
    %add3A_472 = vector.broadcast %add3A_471 : i32 to vector<64x128xi32>
    %add3A_473 = arith.addi %iota3A, %add3A_472 : vector<64x128xi32>
    %select_n3A_474 = arith.select %lt3A_470, %add3A_473, %select_n3A_466 : vector<64x128xi1>, vector<64x128xi32>
    %select_n3A_475 = arith.select %lt3A_470, %squeeze3A_469, %select_n3A_467 : vector<64x128xi1>, vector<64x128xf32>
    %slice3A_476 = vector.extract_strided_slice %select_n3A_289 {offsets = [0, 24, 0], sizes = [64, 1, 128], strides = [1, 1, 1]} : vector<64x32x128xf32> to vector<64x1x128xf32>
    %squeeze3A_477 = vector.shape_cast %slice3A_476 : vector<64x1x128xf32> to vector<64x128xf32>
    %lt3A_478 = arith.cmpf olt, %squeeze3A_477, %select_n3A_475 : vector<64x128xf32>
    %add3A_479 = arith.constant 3072 : i32
    %add3A_480 = vector.broadcast %add3A_479 : i32 to vector<64x128xi32>
    %add3A_481 = arith.addi %iota3A, %add3A_480 : vector<64x128xi32>
    %select_n3A_482 = arith.select %lt3A_478, %add3A_481, %select_n3A_474 : vector<64x128xi1>, vector<64x128xi32>
    %select_n3A_483 = arith.select %lt3A_478, %squeeze3A_477, %select_n3A_475 : vector<64x128xi1>, vector<64x128xf32>
    %slice3A_484 = vector.extract_strided_slice %select_n3A_289 {offsets = [0, 25, 0], sizes = [64, 1, 128], strides = [1, 1, 1]} : vector<64x32x128xf32> to vector<64x1x128xf32>
    %squeeze3A_485 = vector.shape_cast %slice3A_484 : vector<64x1x128xf32> to vector<64x128xf32>
    %lt3A_486 = arith.cmpf olt, %squeeze3A_485, %select_n3A_483 : vector<64x128xf32>
    %add3A_487 = arith.constant 3200 : i32
    %add3A_488 = vector.broadcast %add3A_487 : i32 to vector<64x128xi32>
    %add3A_489 = arith.addi %iota3A, %add3A_488 : vector<64x128xi32>
    %select_n3A_490 = arith.select %lt3A_486, %add3A_489, %select_n3A_482 : vector<64x128xi1>, vector<64x128xi32>
    %select_n3A_491 = arith.select %lt3A_486, %squeeze3A_485, %select_n3A_483 : vector<64x128xi1>, vector<64x128xf32>
    %slice3A_492 = vector.extract_strided_slice %select_n3A_289 {offsets = [0, 26, 0], sizes = [64, 1, 128], strides = [1, 1, 1]} : vector<64x32x128xf32> to vector<64x1x128xf32>
    %squeeze3A_493 = vector.shape_cast %slice3A_492 : vector<64x1x128xf32> to vector<64x128xf32>
    %lt3A_494 = arith.cmpf olt, %squeeze3A_493, %select_n3A_491 : vector<64x128xf32>
    %add3A_495 = arith.constant 3328 : i32
    %add3A_496 = vector.broadcast %add3A_495 : i32 to vector<64x128xi32>
    %add3A_497 = arith.addi %iota3A, %add3A_496 : vector<64x128xi32>
    %select_n3A_498 = arith.select %lt3A_494, %add3A_497, %select_n3A_490 : vector<64x128xi1>, vector<64x128xi32>
    %select_n3A_499 = arith.select %lt3A_494, %squeeze3A_493, %select_n3A_491 : vector<64x128xi1>, vector<64x128xf32>
    %slice3A_500 = vector.extract_strided_slice %select_n3A_289 {offsets = [0, 27, 0], sizes = [64, 1, 128], strides = [1, 1, 1]} : vector<64x32x128xf32> to vector<64x1x128xf32>
    %squeeze3A_501 = vector.shape_cast %slice3A_500 : vector<64x1x128xf32> to vector<64x128xf32>
    %lt3A_502 = arith.cmpf olt, %squeeze3A_501, %select_n3A_499 : vector<64x128xf32>
    %add3A_503 = arith.constant 3456 : i32
    %add3A_504 = vector.broadcast %add3A_503 : i32 to vector<64x128xi32>
    %add3A_505 = arith.addi %iota3A, %add3A_504 : vector<64x128xi32>
    %select_n3A_506 = arith.select %lt3A_502, %add3A_505, %select_n3A_498 : vector<64x128xi1>, vector<64x128xi32>
    %select_n3A_507 = arith.select %lt3A_502, %squeeze3A_501, %select_n3A_499 : vector<64x128xi1>, vector<64x128xf32>
    %slice3A_508 = vector.extract_strided_slice %select_n3A_289 {offsets = [0, 28, 0], sizes = [64, 1, 128], strides = [1, 1, 1]} : vector<64x32x128xf32> to vector<64x1x128xf32>
    %squeeze3A_509 = vector.shape_cast %slice3A_508 : vector<64x1x128xf32> to vector<64x128xf32>
    %lt3A_510 = arith.cmpf olt, %squeeze3A_509, %select_n3A_507 : vector<64x128xf32>
    %add3A_511 = arith.constant 3584 : i32
    %add3A_512 = vector.broadcast %add3A_511 : i32 to vector<64x128xi32>
    %add3A_513 = arith.addi %iota3A, %add3A_512 : vector<64x128xi32>
    %select_n3A_514 = arith.select %lt3A_510, %add3A_513, %select_n3A_506 : vector<64x128xi1>, vector<64x128xi32>
    %select_n3A_515 = arith.select %lt3A_510, %squeeze3A_509, %select_n3A_507 : vector<64x128xi1>, vector<64x128xf32>
    %slice3A_516 = vector.extract_strided_slice %select_n3A_289 {offsets = [0, 29, 0], sizes = [64, 1, 128], strides = [1, 1, 1]} : vector<64x32x128xf32> to vector<64x1x128xf32>
    %squeeze3A_517 = vector.shape_cast %slice3A_516 : vector<64x1x128xf32> to vector<64x128xf32>
    %lt3A_518 = arith.cmpf olt, %squeeze3A_517, %select_n3A_515 : vector<64x128xf32>
    %add3A_519 = arith.constant 3712 : i32
    %add3A_520 = vector.broadcast %add3A_519 : i32 to vector<64x128xi32>
    %add3A_521 = arith.addi %iota3A, %add3A_520 : vector<64x128xi32>
    %select_n3A_522 = arith.select %lt3A_518, %add3A_521, %select_n3A_514 : vector<64x128xi1>, vector<64x128xi32>
    %select_n3A_523 = arith.select %lt3A_518, %squeeze3A_517, %select_n3A_515 : vector<64x128xi1>, vector<64x128xf32>
    %slice3A_524 = vector.extract_strided_slice %select_n3A_289 {offsets = [0, 30, 0], sizes = [64, 1, 128], strides = [1, 1, 1]} : vector<64x32x128xf32> to vector<64x1x128xf32>
    %squeeze3A_525 = vector.shape_cast %slice3A_524 : vector<64x1x128xf32> to vector<64x128xf32>
    %lt3A_526 = arith.cmpf olt, %squeeze3A_525, %select_n3A_523 : vector<64x128xf32>
    %add3A_527 = arith.constant 3840 : i32
    %add3A_528 = vector.broadcast %add3A_527 : i32 to vector<64x128xi32>
    %add3A_529 = arith.addi %iota3A, %add3A_528 : vector<64x128xi32>
    %select_n3A_530 = arith.select %lt3A_526, %add3A_529, %select_n3A_522 : vector<64x128xi1>, vector<64x128xi32>
    %select_n3A_531 = arith.select %lt3A_526, %squeeze3A_525, %select_n3A_523 : vector<64x128xi1>, vector<64x128xf32>
    %slice3A_532 = vector.extract_strided_slice %select_n3A_289 {offsets = [0, 31, 0], sizes = [64, 1, 128], strides = [1, 1, 1]} : vector<64x32x128xf32> to vector<64x1x128xf32>
    %squeeze3A_533 = vector.shape_cast %slice3A_532 : vector<64x1x128xf32> to vector<64x128xf32>
    %lt3A_534 = arith.cmpf olt, %squeeze3A_533, %select_n3A_531 : vector<64x128xf32>
    %add3A_535 = arith.constant 3968 : i32
    %add3A_536 = vector.broadcast %add3A_535 : i32 to vector<64x128xi32>
    %add3A_537 = arith.addi %iota3A, %add3A_536 : vector<64x128xi32>
    %select_n3A_538 = arith.select %lt3A_534, %add3A_537, %select_n3A_530 : vector<64x128xi1>, vector<64x128xi32>
    %select_n3A_539 = arith.select %lt3A_534, %squeeze3A_533, %select_n3A_531 : vector<64x128xi1>, vector<64x128xf32>
    %broadcast_in_dim3A_540 = vector.shape_cast %select_n3A_538 : vector<64x128xi32> to vector<64x1x128xi32>
    %eq3A_541 = vector.broadcast %add3A_39 : vector<1x32x128xi32> to vector<64x32x128xi32>
    %eq3A_542 = vector.broadcast %broadcast_in_dim3A_540 : vector<64x1x128xi32> to vector<64x32x128xi32>
    %eq3A_543 = arith.cmpi eq, %eq3A_541, %eq3A_542 : vector<64x32x128xi32>
    %jit3A_544 = arith.constant 0x7F800000 : f32
    %broadcast_in_dim3A_545 = vector.broadcast %jit3A_544 : f32 to vector<64x32x128xf32>
    %select_n3A_546 = arith.select %eq3A_543, %broadcast_in_dim3A_545, %select_n3A_289 : vector<64x32x128xi1>, vector<64x32x128xf32>
    %slice3A_547 = vector.extract_strided_slice %select_n3A_546 {offsets = [0, 0, 0], sizes = [64, 1, 128], strides = [1, 1, 1]} : vector<64x32x128xf32> to vector<64x1x128xf32>
    %squeeze3A_548 = vector.shape_cast %slice3A_547 : vector<64x1x128xf32> to vector<64x128xf32>
    %slice3A_549 = vector.extract_strided_slice %select_n3A_546 {offsets = [0, 1, 0], sizes = [64, 1, 128], strides = [1, 1, 1]} : vector<64x32x128xf32> to vector<64x1x128xf32>
    %squeeze3A_550 = vector.shape_cast %slice3A_549 : vector<64x1x128xf32> to vector<64x128xf32>
    %lt3A_551 = arith.cmpf olt, %squeeze3A_550, %squeeze3A_548 : vector<64x128xf32>
    %add3A_552 = arith.constant 128 : i32
    %add3A_553 = vector.broadcast %add3A_552 : i32 to vector<64x128xi32>
    %add3A_554 = arith.addi %iota3A, %add3A_553 : vector<64x128xi32>
    %select_n3A_555 = arith.select %lt3A_551, %add3A_554, %iota3A : vector<64x128xi1>, vector<64x128xi32>
    %select_n3A_556 = arith.select %lt3A_551, %squeeze3A_550, %squeeze3A_548 : vector<64x128xi1>, vector<64x128xf32>
    %slice3A_557 = vector.extract_strided_slice %select_n3A_546 {offsets = [0, 2, 0], sizes = [64, 1, 128], strides = [1, 1, 1]} : vector<64x32x128xf32> to vector<64x1x128xf32>
    %squeeze3A_558 = vector.shape_cast %slice3A_557 : vector<64x1x128xf32> to vector<64x128xf32>
    %lt3A_559 = arith.cmpf olt, %squeeze3A_558, %select_n3A_556 : vector<64x128xf32>
    %add3A_560 = arith.constant 256 : i32
    %add3A_561 = vector.broadcast %add3A_560 : i32 to vector<64x128xi32>
    %add3A_562 = arith.addi %iota3A, %add3A_561 : vector<64x128xi32>
    %select_n3A_563 = arith.select %lt3A_559, %add3A_562, %select_n3A_555 : vector<64x128xi1>, vector<64x128xi32>
    %select_n3A_564 = arith.select %lt3A_559, %squeeze3A_558, %select_n3A_556 : vector<64x128xi1>, vector<64x128xf32>
    %slice3A_565 = vector.extract_strided_slice %select_n3A_546 {offsets = [0, 3, 0], sizes = [64, 1, 128], strides = [1, 1, 1]} : vector<64x32x128xf32> to vector<64x1x128xf32>
    %squeeze3A_566 = vector.shape_cast %slice3A_565 : vector<64x1x128xf32> to vector<64x128xf32>
    %lt3A_567 = arith.cmpf olt, %squeeze3A_566, %select_n3A_564 : vector<64x128xf32>
    %add3A_568 = arith.constant 384 : i32
    %add3A_569 = vector.broadcast %add3A_568 : i32 to vector<64x128xi32>
    %add3A_570 = arith.addi %iota3A, %add3A_569 : vector<64x128xi32>
    %select_n3A_571 = arith.select %lt3A_567, %add3A_570, %select_n3A_563 : vector<64x128xi1>, vector<64x128xi32>
    %select_n3A_572 = arith.select %lt3A_567, %squeeze3A_566, %select_n3A_564 : vector<64x128xi1>, vector<64x128xf32>
    %slice3A_573 = vector.extract_strided_slice %select_n3A_546 {offsets = [0, 4, 0], sizes = [64, 1, 128], strides = [1, 1, 1]} : vector<64x32x128xf32> to vector<64x1x128xf32>
    %squeeze3A_574 = vector.shape_cast %slice3A_573 : vector<64x1x128xf32> to vector<64x128xf32>
    %lt3A_575 = arith.cmpf olt, %squeeze3A_574, %select_n3A_572 : vector<64x128xf32>
    %add3A_576 = arith.constant 512 : i32
    %add3A_577 = vector.broadcast %add3A_576 : i32 to vector<64x128xi32>
    %add3A_578 = arith.addi %iota3A, %add3A_577 : vector<64x128xi32>
    %select_n3A_579 = arith.select %lt3A_575, %add3A_578, %select_n3A_571 : vector<64x128xi1>, vector<64x128xi32>
    %select_n3A_580 = arith.select %lt3A_575, %squeeze3A_574, %select_n3A_572 : vector<64x128xi1>, vector<64x128xf32>
    %slice3A_581 = vector.extract_strided_slice %select_n3A_546 {offsets = [0, 5, 0], sizes = [64, 1, 128], strides = [1, 1, 1]} : vector<64x32x128xf32> to vector<64x1x128xf32>
    %squeeze3A_582 = vector.shape_cast %slice3A_581 : vector<64x1x128xf32> to vector<64x128xf32>
    %lt3A_583 = arith.cmpf olt, %squeeze3A_582, %select_n3A_580 : vector<64x128xf32>
    %add3A_584 = arith.constant 640 : i32
    %add3A_585 = vector.broadcast %add3A_584 : i32 to vector<64x128xi32>
    %add3A_586 = arith.addi %iota3A, %add3A_585 : vector<64x128xi32>
    %select_n3A_587 = arith.select %lt3A_583, %add3A_586, %select_n3A_579 : vector<64x128xi1>, vector<64x128xi32>
    %select_n3A_588 = arith.select %lt3A_583, %squeeze3A_582, %select_n3A_580 : vector<64x128xi1>, vector<64x128xf32>
    %slice3A_589 = vector.extract_strided_slice %select_n3A_546 {offsets = [0, 6, 0], sizes = [64, 1, 128], strides = [1, 1, 1]} : vector<64x32x128xf32> to vector<64x1x128xf32>
    %squeeze3A_590 = vector.shape_cast %slice3A_589 : vector<64x1x128xf32> to vector<64x128xf32>
    %lt3A_591 = arith.cmpf olt, %squeeze3A_590, %select_n3A_588 : vector<64x128xf32>
    %add3A_592 = arith.constant 768 : i32
    %add3A_593 = vector.broadcast %add3A_592 : i32 to vector<64x128xi32>
    %add3A_594 = arith.addi %iota3A, %add3A_593 : vector<64x128xi32>
    %select_n3A_595 = arith.select %lt3A_591, %add3A_594, %select_n3A_587 : vector<64x128xi1>, vector<64x128xi32>
    %select_n3A_596 = arith.select %lt3A_591, %squeeze3A_590, %select_n3A_588 : vector<64x128xi1>, vector<64x128xf32>
    %slice3A_597 = vector.extract_strided_slice %select_n3A_546 {offsets = [0, 7, 0], sizes = [64, 1, 128], strides = [1, 1, 1]} : vector<64x32x128xf32> to vector<64x1x128xf32>
    %squeeze3A_598 = vector.shape_cast %slice3A_597 : vector<64x1x128xf32> to vector<64x128xf32>
    %lt3A_599 = arith.cmpf olt, %squeeze3A_598, %select_n3A_596 : vector<64x128xf32>
    %add3A_600 = arith.constant 896 : i32
    %add3A_601 = vector.broadcast %add3A_600 : i32 to vector<64x128xi32>
    %add3A_602 = arith.addi %iota3A, %add3A_601 : vector<64x128xi32>
    %select_n3A_603 = arith.select %lt3A_599, %add3A_602, %select_n3A_595 : vector<64x128xi1>, vector<64x128xi32>
    %select_n3A_604 = arith.select %lt3A_599, %squeeze3A_598, %select_n3A_596 : vector<64x128xi1>, vector<64x128xf32>
    %slice3A_605 = vector.extract_strided_slice %select_n3A_546 {offsets = [0, 8, 0], sizes = [64, 1, 128], strides = [1, 1, 1]} : vector<64x32x128xf32> to vector<64x1x128xf32>
    %squeeze3A_606 = vector.shape_cast %slice3A_605 : vector<64x1x128xf32> to vector<64x128xf32>
    %lt3A_607 = arith.cmpf olt, %squeeze3A_606, %select_n3A_604 : vector<64x128xf32>
    %add3A_608 = arith.constant 1024 : i32
    %add3A_609 = vector.broadcast %add3A_608 : i32 to vector<64x128xi32>
    %add3A_610 = arith.addi %iota3A, %add3A_609 : vector<64x128xi32>
    %select_n3A_611 = arith.select %lt3A_607, %add3A_610, %select_n3A_603 : vector<64x128xi1>, vector<64x128xi32>
    %select_n3A_612 = arith.select %lt3A_607, %squeeze3A_606, %select_n3A_604 : vector<64x128xi1>, vector<64x128xf32>
    %slice3A_613 = vector.extract_strided_slice %select_n3A_546 {offsets = [0, 9, 0], sizes = [64, 1, 128], strides = [1, 1, 1]} : vector<64x32x128xf32> to vector<64x1x128xf32>
    %squeeze3A_614 = vector.shape_cast %slice3A_613 : vector<64x1x128xf32> to vector<64x128xf32>
    %lt3A_615 = arith.cmpf olt, %squeeze3A_614, %select_n3A_612 : vector<64x128xf32>
    %add3A_616 = arith.constant 1152 : i32
    %add3A_617 = vector.broadcast %add3A_616 : i32 to vector<64x128xi32>
    %add3A_618 = arith.addi %iota3A, %add3A_617 : vector<64x128xi32>
    %select_n3A_619 = arith.select %lt3A_615, %add3A_618, %select_n3A_611 : vector<64x128xi1>, vector<64x128xi32>
    %select_n3A_620 = arith.select %lt3A_615, %squeeze3A_614, %select_n3A_612 : vector<64x128xi1>, vector<64x128xf32>
    %slice3A_621 = vector.extract_strided_slice %select_n3A_546 {offsets = [0, 10, 0], sizes = [64, 1, 128], strides = [1, 1, 1]} : vector<64x32x128xf32> to vector<64x1x128xf32>
    %squeeze3A_622 = vector.shape_cast %slice3A_621 : vector<64x1x128xf32> to vector<64x128xf32>
    %lt3A_623 = arith.cmpf olt, %squeeze3A_622, %select_n3A_620 : vector<64x128xf32>
    %add3A_624 = arith.constant 1280 : i32
    %add3A_625 = vector.broadcast %add3A_624 : i32 to vector<64x128xi32>
    %add3A_626 = arith.addi %iota3A, %add3A_625 : vector<64x128xi32>
    %select_n3A_627 = arith.select %lt3A_623, %add3A_626, %select_n3A_619 : vector<64x128xi1>, vector<64x128xi32>
    %select_n3A_628 = arith.select %lt3A_623, %squeeze3A_622, %select_n3A_620 : vector<64x128xi1>, vector<64x128xf32>
    %slice3A_629 = vector.extract_strided_slice %select_n3A_546 {offsets = [0, 11, 0], sizes = [64, 1, 128], strides = [1, 1, 1]} : vector<64x32x128xf32> to vector<64x1x128xf32>
    %squeeze3A_630 = vector.shape_cast %slice3A_629 : vector<64x1x128xf32> to vector<64x128xf32>
    %lt3A_631 = arith.cmpf olt, %squeeze3A_630, %select_n3A_628 : vector<64x128xf32>
    %add3A_632 = arith.constant 1408 : i32
    %add3A_633 = vector.broadcast %add3A_632 : i32 to vector<64x128xi32>
    %add3A_634 = arith.addi %iota3A, %add3A_633 : vector<64x128xi32>
    %select_n3A_635 = arith.select %lt3A_631, %add3A_634, %select_n3A_627 : vector<64x128xi1>, vector<64x128xi32>
    %select_n3A_636 = arith.select %lt3A_631, %squeeze3A_630, %select_n3A_628 : vector<64x128xi1>, vector<64x128xf32>
    %slice3A_637 = vector.extract_strided_slice %select_n3A_546 {offsets = [0, 12, 0], sizes = [64, 1, 128], strides = [1, 1, 1]} : vector<64x32x128xf32> to vector<64x1x128xf32>
    %squeeze3A_638 = vector.shape_cast %slice3A_637 : vector<64x1x128xf32> to vector<64x128xf32>
    %lt3A_639 = arith.cmpf olt, %squeeze3A_638, %select_n3A_636 : vector<64x128xf32>
    %add3A_640 = arith.constant 1536 : i32
    %add3A_641 = vector.broadcast %add3A_640 : i32 to vector<64x128xi32>
    %add3A_642 = arith.addi %iota3A, %add3A_641 : vector<64x128xi32>
    %select_n3A_643 = arith.select %lt3A_639, %add3A_642, %select_n3A_635 : vector<64x128xi1>, vector<64x128xi32>
    %select_n3A_644 = arith.select %lt3A_639, %squeeze3A_638, %select_n3A_636 : vector<64x128xi1>, vector<64x128xf32>
    %slice3A_645 = vector.extract_strided_slice %select_n3A_546 {offsets = [0, 13, 0], sizes = [64, 1, 128], strides = [1, 1, 1]} : vector<64x32x128xf32> to vector<64x1x128xf32>
    %squeeze3A_646 = vector.shape_cast %slice3A_645 : vector<64x1x128xf32> to vector<64x128xf32>
    %lt3A_647 = arith.cmpf olt, %squeeze3A_646, %select_n3A_644 : vector<64x128xf32>
    %add3A_648 = arith.constant 1664 : i32
    %add3A_649 = vector.broadcast %add3A_648 : i32 to vector<64x128xi32>
    %add3A_650 = arith.addi %iota3A, %add3A_649 : vector<64x128xi32>
    %select_n3A_651 = arith.select %lt3A_647, %add3A_650, %select_n3A_643 : vector<64x128xi1>, vector<64x128xi32>
    %select_n3A_652 = arith.select %lt3A_647, %squeeze3A_646, %select_n3A_644 : vector<64x128xi1>, vector<64x128xf32>
    %slice3A_653 = vector.extract_strided_slice %select_n3A_546 {offsets = [0, 14, 0], sizes = [64, 1, 128], strides = [1, 1, 1]} : vector<64x32x128xf32> to vector<64x1x128xf32>
    %squeeze3A_654 = vector.shape_cast %slice3A_653 : vector<64x1x128xf32> to vector<64x128xf32>
    %lt3A_655 = arith.cmpf olt, %squeeze3A_654, %select_n3A_652 : vector<64x128xf32>
    %add3A_656 = arith.constant 1792 : i32
    %add3A_657 = vector.broadcast %add3A_656 : i32 to vector<64x128xi32>
    %add3A_658 = arith.addi %iota3A, %add3A_657 : vector<64x128xi32>
    %select_n3A_659 = arith.select %lt3A_655, %add3A_658, %select_n3A_651 : vector<64x128xi1>, vector<64x128xi32>
    %select_n3A_660 = arith.select %lt3A_655, %squeeze3A_654, %select_n3A_652 : vector<64x128xi1>, vector<64x128xf32>
    %slice3A_661 = vector.extract_strided_slice %select_n3A_546 {offsets = [0, 15, 0], sizes = [64, 1, 128], strides = [1, 1, 1]} : vector<64x32x128xf32> to vector<64x1x128xf32>
    %squeeze3A_662 = vector.shape_cast %slice3A_661 : vector<64x1x128xf32> to vector<64x128xf32>
    %lt3A_663 = arith.cmpf olt, %squeeze3A_662, %select_n3A_660 : vector<64x128xf32>
    %add3A_664 = arith.constant 1920 : i32
    %add3A_665 = vector.broadcast %add3A_664 : i32 to vector<64x128xi32>
    %add3A_666 = arith.addi %iota3A, %add3A_665 : vector<64x128xi32>
    %select_n3A_667 = arith.select %lt3A_663, %add3A_666, %select_n3A_659 : vector<64x128xi1>, vector<64x128xi32>
    %select_n3A_668 = arith.select %lt3A_663, %squeeze3A_662, %select_n3A_660 : vector<64x128xi1>, vector<64x128xf32>
    %slice3A_669 = vector.extract_strided_slice %select_n3A_546 {offsets = [0, 16, 0], sizes = [64, 1, 128], strides = [1, 1, 1]} : vector<64x32x128xf32> to vector<64x1x128xf32>
    %squeeze3A_670 = vector.shape_cast %slice3A_669 : vector<64x1x128xf32> to vector<64x128xf32>
    %lt3A_671 = arith.cmpf olt, %squeeze3A_670, %select_n3A_668 : vector<64x128xf32>
    %add3A_672 = arith.constant 2048 : i32
    %add3A_673 = vector.broadcast %add3A_672 : i32 to vector<64x128xi32>
    %add3A_674 = arith.addi %iota3A, %add3A_673 : vector<64x128xi32>
    %select_n3A_675 = arith.select %lt3A_671, %add3A_674, %select_n3A_667 : vector<64x128xi1>, vector<64x128xi32>
    %select_n3A_676 = arith.select %lt3A_671, %squeeze3A_670, %select_n3A_668 : vector<64x128xi1>, vector<64x128xf32>
    %slice3A_677 = vector.extract_strided_slice %select_n3A_546 {offsets = [0, 17, 0], sizes = [64, 1, 128], strides = [1, 1, 1]} : vector<64x32x128xf32> to vector<64x1x128xf32>
    %squeeze3A_678 = vector.shape_cast %slice3A_677 : vector<64x1x128xf32> to vector<64x128xf32>
    %lt3A_679 = arith.cmpf olt, %squeeze3A_678, %select_n3A_676 : vector<64x128xf32>
    %add3A_680 = arith.constant 2176 : i32
    %add3A_681 = vector.broadcast %add3A_680 : i32 to vector<64x128xi32>
    %add3A_682 = arith.addi %iota3A, %add3A_681 : vector<64x128xi32>
    %select_n3A_683 = arith.select %lt3A_679, %add3A_682, %select_n3A_675 : vector<64x128xi1>, vector<64x128xi32>
    %select_n3A_684 = arith.select %lt3A_679, %squeeze3A_678, %select_n3A_676 : vector<64x128xi1>, vector<64x128xf32>
    %slice3A_685 = vector.extract_strided_slice %select_n3A_546 {offsets = [0, 18, 0], sizes = [64, 1, 128], strides = [1, 1, 1]} : vector<64x32x128xf32> to vector<64x1x128xf32>
    %squeeze3A_686 = vector.shape_cast %slice3A_685 : vector<64x1x128xf32> to vector<64x128xf32>
    %lt3A_687 = arith.cmpf olt, %squeeze3A_686, %select_n3A_684 : vector<64x128xf32>
    %add3A_688 = arith.constant 2304 : i32
    %add3A_689 = vector.broadcast %add3A_688 : i32 to vector<64x128xi32>
    %add3A_690 = arith.addi %iota3A, %add3A_689 : vector<64x128xi32>
    %select_n3A_691 = arith.select %lt3A_687, %add3A_690, %select_n3A_683 : vector<64x128xi1>, vector<64x128xi32>
    %select_n3A_692 = arith.select %lt3A_687, %squeeze3A_686, %select_n3A_684 : vector<64x128xi1>, vector<64x128xf32>
    %slice3A_693 = vector.extract_strided_slice %select_n3A_546 {offsets = [0, 19, 0], sizes = [64, 1, 128], strides = [1, 1, 1]} : vector<64x32x128xf32> to vector<64x1x128xf32>
    %squeeze3A_694 = vector.shape_cast %slice3A_693 : vector<64x1x128xf32> to vector<64x128xf32>
    %lt3A_695 = arith.cmpf olt, %squeeze3A_694, %select_n3A_692 : vector<64x128xf32>
    %add3A_696 = arith.constant 2432 : i32
    %add3A_697 = vector.broadcast %add3A_696 : i32 to vector<64x128xi32>
    %add3A_698 = arith.addi %iota3A, %add3A_697 : vector<64x128xi32>
    %select_n3A_699 = arith.select %lt3A_695, %add3A_698, %select_n3A_691 : vector<64x128xi1>, vector<64x128xi32>
    %select_n3A_700 = arith.select %lt3A_695, %squeeze3A_694, %select_n3A_692 : vector<64x128xi1>, vector<64x128xf32>
    %slice3A_701 = vector.extract_strided_slice %select_n3A_546 {offsets = [0, 20, 0], sizes = [64, 1, 128], strides = [1, 1, 1]} : vector<64x32x128xf32> to vector<64x1x128xf32>
    %squeeze3A_702 = vector.shape_cast %slice3A_701 : vector<64x1x128xf32> to vector<64x128xf32>
    %lt3A_703 = arith.cmpf olt, %squeeze3A_702, %select_n3A_700 : vector<64x128xf32>
    %add3A_704 = arith.constant 2560 : i32
    %add3A_705 = vector.broadcast %add3A_704 : i32 to vector<64x128xi32>
    %add3A_706 = arith.addi %iota3A, %add3A_705 : vector<64x128xi32>
    %select_n3A_707 = arith.select %lt3A_703, %add3A_706, %select_n3A_699 : vector<64x128xi1>, vector<64x128xi32>
    %select_n3A_708 = arith.select %lt3A_703, %squeeze3A_702, %select_n3A_700 : vector<64x128xi1>, vector<64x128xf32>
    %slice3A_709 = vector.extract_strided_slice %select_n3A_546 {offsets = [0, 21, 0], sizes = [64, 1, 128], strides = [1, 1, 1]} : vector<64x32x128xf32> to vector<64x1x128xf32>
    %squeeze3A_710 = vector.shape_cast %slice3A_709 : vector<64x1x128xf32> to vector<64x128xf32>
    %lt3A_711 = arith.cmpf olt, %squeeze3A_710, %select_n3A_708 : vector<64x128xf32>
    %add3A_712 = arith.constant 2688 : i32
    %add3A_713 = vector.broadcast %add3A_712 : i32 to vector<64x128xi32>
    %add3A_714 = arith.addi %iota3A, %add3A_713 : vector<64x128xi32>
    %select_n3A_715 = arith.select %lt3A_711, %add3A_714, %select_n3A_707 : vector<64x128xi1>, vector<64x128xi32>
    %select_n3A_716 = arith.select %lt3A_711, %squeeze3A_710, %select_n3A_708 : vector<64x128xi1>, vector<64x128xf32>
    %slice3A_717 = vector.extract_strided_slice %select_n3A_546 {offsets = [0, 22, 0], sizes = [64, 1, 128], strides = [1, 1, 1]} : vector<64x32x128xf32> to vector<64x1x128xf32>
    %squeeze3A_718 = vector.shape_cast %slice3A_717 : vector<64x1x128xf32> to vector<64x128xf32>
    %lt3A_719 = arith.cmpf olt, %squeeze3A_718, %select_n3A_716 : vector<64x128xf32>
    %add3A_720 = arith.constant 2816 : i32
    %add3A_721 = vector.broadcast %add3A_720 : i32 to vector<64x128xi32>
    %add3A_722 = arith.addi %iota3A, %add3A_721 : vector<64x128xi32>
    %select_n3A_723 = arith.select %lt3A_719, %add3A_722, %select_n3A_715 : vector<64x128xi1>, vector<64x128xi32>
    %select_n3A_724 = arith.select %lt3A_719, %squeeze3A_718, %select_n3A_716 : vector<64x128xi1>, vector<64x128xf32>
    %slice3A_725 = vector.extract_strided_slice %select_n3A_546 {offsets = [0, 23, 0], sizes = [64, 1, 128], strides = [1, 1, 1]} : vector<64x32x128xf32> to vector<64x1x128xf32>
    %squeeze3A_726 = vector.shape_cast %slice3A_725 : vector<64x1x128xf32> to vector<64x128xf32>
    %lt3A_727 = arith.cmpf olt, %squeeze3A_726, %select_n3A_724 : vector<64x128xf32>
    %add3A_728 = arith.constant 2944 : i32
    %add3A_729 = vector.broadcast %add3A_728 : i32 to vector<64x128xi32>
    %add3A_730 = arith.addi %iota3A, %add3A_729 : vector<64x128xi32>
    %select_n3A_731 = arith.select %lt3A_727, %add3A_730, %select_n3A_723 : vector<64x128xi1>, vector<64x128xi32>
    %select_n3A_732 = arith.select %lt3A_727, %squeeze3A_726, %select_n3A_724 : vector<64x128xi1>, vector<64x128xf32>
    %slice3A_733 = vector.extract_strided_slice %select_n3A_546 {offsets = [0, 24, 0], sizes = [64, 1, 128], strides = [1, 1, 1]} : vector<64x32x128xf32> to vector<64x1x128xf32>
    %squeeze3A_734 = vector.shape_cast %slice3A_733 : vector<64x1x128xf32> to vector<64x128xf32>
    %lt3A_735 = arith.cmpf olt, %squeeze3A_734, %select_n3A_732 : vector<64x128xf32>
    %add3A_736 = arith.constant 3072 : i32
    %add3A_737 = vector.broadcast %add3A_736 : i32 to vector<64x128xi32>
    %add3A_738 = arith.addi %iota3A, %add3A_737 : vector<64x128xi32>
    %select_n3A_739 = arith.select %lt3A_735, %add3A_738, %select_n3A_731 : vector<64x128xi1>, vector<64x128xi32>
    %select_n3A_740 = arith.select %lt3A_735, %squeeze3A_734, %select_n3A_732 : vector<64x128xi1>, vector<64x128xf32>
    %slice3A_741 = vector.extract_strided_slice %select_n3A_546 {offsets = [0, 25, 0], sizes = [64, 1, 128], strides = [1, 1, 1]} : vector<64x32x128xf32> to vector<64x1x128xf32>
    %squeeze3A_742 = vector.shape_cast %slice3A_741 : vector<64x1x128xf32> to vector<64x128xf32>
    %lt3A_743 = arith.cmpf olt, %squeeze3A_742, %select_n3A_740 : vector<64x128xf32>
    %add3A_744 = arith.constant 3200 : i32
    %add3A_745 = vector.broadcast %add3A_744 : i32 to vector<64x128xi32>
    %add3A_746 = arith.addi %iota3A, %add3A_745 : vector<64x128xi32>
    %select_n3A_747 = arith.select %lt3A_743, %add3A_746, %select_n3A_739 : vector<64x128xi1>, vector<64x128xi32>
    %select_n3A_748 = arith.select %lt3A_743, %squeeze3A_742, %select_n3A_740 : vector<64x128xi1>, vector<64x128xf32>
    %slice3A_749 = vector.extract_strided_slice %select_n3A_546 {offsets = [0, 26, 0], sizes = [64, 1, 128], strides = [1, 1, 1]} : vector<64x32x128xf32> to vector<64x1x128xf32>
    %squeeze3A_750 = vector.shape_cast %slice3A_749 : vector<64x1x128xf32> to vector<64x128xf32>
    %lt3A_751 = arith.cmpf olt, %squeeze3A_750, %select_n3A_748 : vector<64x128xf32>
    %add3A_752 = arith.constant 3328 : i32
    %add3A_753 = vector.broadcast %add3A_752 : i32 to vector<64x128xi32>
    %add3A_754 = arith.addi %iota3A, %add3A_753 : vector<64x128xi32>
    %select_n3A_755 = arith.select %lt3A_751, %add3A_754, %select_n3A_747 : vector<64x128xi1>, vector<64x128xi32>
    %select_n3A_756 = arith.select %lt3A_751, %squeeze3A_750, %select_n3A_748 : vector<64x128xi1>, vector<64x128xf32>
    %slice3A_757 = vector.extract_strided_slice %select_n3A_546 {offsets = [0, 27, 0], sizes = [64, 1, 128], strides = [1, 1, 1]} : vector<64x32x128xf32> to vector<64x1x128xf32>
    %squeeze3A_758 = vector.shape_cast %slice3A_757 : vector<64x1x128xf32> to vector<64x128xf32>
    %lt3A_759 = arith.cmpf olt, %squeeze3A_758, %select_n3A_756 : vector<64x128xf32>
    %add3A_760 = arith.constant 3456 : i32
    %add3A_761 = vector.broadcast %add3A_760 : i32 to vector<64x128xi32>
    %add3A_762 = arith.addi %iota3A, %add3A_761 : vector<64x128xi32>
    %select_n3A_763 = arith.select %lt3A_759, %add3A_762, %select_n3A_755 : vector<64x128xi1>, vector<64x128xi32>
    %select_n3A_764 = arith.select %lt3A_759, %squeeze3A_758, %select_n3A_756 : vector<64x128xi1>, vector<64x128xf32>
    %slice3A_765 = vector.extract_strided_slice %select_n3A_546 {offsets = [0, 28, 0], sizes = [64, 1, 128], strides = [1, 1, 1]} : vector<64x32x128xf32> to vector<64x1x128xf32>
    %squeeze3A_766 = vector.shape_cast %slice3A_765 : vector<64x1x128xf32> to vector<64x128xf32>
    %lt3A_767 = arith.cmpf olt, %squeeze3A_766, %select_n3A_764 : vector<64x128xf32>
    %add3A_768 = arith.constant 3584 : i32
    %add3A_769 = vector.broadcast %add3A_768 : i32 to vector<64x128xi32>
    %add3A_770 = arith.addi %iota3A, %add3A_769 : vector<64x128xi32>
    %select_n3A_771 = arith.select %lt3A_767, %add3A_770, %select_n3A_763 : vector<64x128xi1>, vector<64x128xi32>
    %select_n3A_772 = arith.select %lt3A_767, %squeeze3A_766, %select_n3A_764 : vector<64x128xi1>, vector<64x128xf32>
    %slice3A_773 = vector.extract_strided_slice %select_n3A_546 {offsets = [0, 29, 0], sizes = [64, 1, 128], strides = [1, 1, 1]} : vector<64x32x128xf32> to vector<64x1x128xf32>
    %squeeze3A_774 = vector.shape_cast %slice3A_773 : vector<64x1x128xf32> to vector<64x128xf32>
    %lt3A_775 = arith.cmpf olt, %squeeze3A_774, %select_n3A_772 : vector<64x128xf32>
    %add3A_776 = arith.constant 3712 : i32
    %add3A_777 = vector.broadcast %add3A_776 : i32 to vector<64x128xi32>
    %add3A_778 = arith.addi %iota3A, %add3A_777 : vector<64x128xi32>
    %select_n3A_779 = arith.select %lt3A_775, %add3A_778, %select_n3A_771 : vector<64x128xi1>, vector<64x128xi32>
    %select_n3A_780 = arith.select %lt3A_775, %squeeze3A_774, %select_n3A_772 : vector<64x128xi1>, vector<64x128xf32>
    %slice3A_781 = vector.extract_strided_slice %select_n3A_546 {offsets = [0, 30, 0], sizes = [64, 1, 128], strides = [1, 1, 1]} : vector<64x32x128xf32> to vector<64x1x128xf32>
    %squeeze3A_782 = vector.shape_cast %slice3A_781 : vector<64x1x128xf32> to vector<64x128xf32>
    %lt3A_783 = arith.cmpf olt, %squeeze3A_782, %select_n3A_780 : vector<64x128xf32>
    %add3A_784 = arith.constant 3840 : i32
    %add3A_785 = vector.broadcast %add3A_784 : i32 to vector<64x128xi32>
    %add3A_786 = arith.addi %iota3A, %add3A_785 : vector<64x128xi32>
    %select_n3A_787 = arith.select %lt3A_783, %add3A_786, %select_n3A_779 : vector<64x128xi1>, vector<64x128xi32>
    %select_n3A_788 = arith.select %lt3A_783, %squeeze3A_782, %select_n3A_780 : vector<64x128xi1>, vector<64x128xf32>
    %slice3A_789 = vector.extract_strided_slice %select_n3A_546 {offsets = [0, 31, 0], sizes = [64, 1, 128], strides = [1, 1, 1]} : vector<64x32x128xf32> to vector<64x1x128xf32>
    %squeeze3A_790 = vector.shape_cast %slice3A_789 : vector<64x1x128xf32> to vector<64x128xf32>
    %lt3A_791 = arith.cmpf olt, %squeeze3A_790, %select_n3A_788 : vector<64x128xf32>
    %add3A_792 = arith.constant 3968 : i32
    %add3A_793 = vector.broadcast %add3A_792 : i32 to vector<64x128xi32>
    %add3A_794 = arith.addi %iota3A, %add3A_793 : vector<64x128xi32>
    %select_n3A_795 = arith.select %lt3A_791, %add3A_794, %select_n3A_787 : vector<64x128xi1>, vector<64x128xi32>
    %select_n3A_796 = arith.select %lt3A_791, %squeeze3A_790, %select_n3A_788 : vector<64x128xi1>, vector<64x128xf32>
    %broadcast_in_dim3A_797 = vector.shape_cast %select_n3A_795 : vector<64x128xi32> to vector<64x1x128xi32>
    %eq3A_798 = vector.broadcast %add3A_39 : vector<1x32x128xi32> to vector<64x32x128xi32>
    %eq3A_799 = vector.broadcast %broadcast_in_dim3A_797 : vector<64x1x128xi32> to vector<64x32x128xi32>
    %eq3A_800 = arith.cmpi eq, %eq3A_798, %eq3A_799 : vector<64x32x128xi32>
    %jit3A_801 = arith.constant 0x7F800000 : f32
    %broadcast_in_dim3A_802 = vector.broadcast %jit3A_801 : f32 to vector<64x32x128xf32>
    %select_n3A_803 = arith.select %eq3A_800, %broadcast_in_dim3A_802, %select_n3A_546 : vector<64x32x128xi1>, vector<64x32x128xf32>
    %slice3A_804 = vector.extract_strided_slice %select_n3A_803 {offsets = [0, 0, 0], sizes = [64, 1, 128], strides = [1, 1, 1]} : vector<64x32x128xf32> to vector<64x1x128xf32>
    %squeeze3A_805 = vector.shape_cast %slice3A_804 : vector<64x1x128xf32> to vector<64x128xf32>
    %slice3A_806 = vector.extract_strided_slice %select_n3A_803 {offsets = [0, 1, 0], sizes = [64, 1, 128], strides = [1, 1, 1]} : vector<64x32x128xf32> to vector<64x1x128xf32>
    %squeeze3A_807 = vector.shape_cast %slice3A_806 : vector<64x1x128xf32> to vector<64x128xf32>
    %lt3A_808 = arith.cmpf olt, %squeeze3A_807, %squeeze3A_805 : vector<64x128xf32>
    %add3A_809 = arith.constant 128 : i32
    %add3A_810 = vector.broadcast %add3A_809 : i32 to vector<64x128xi32>
    %add3A_811 = arith.addi %iota3A, %add3A_810 : vector<64x128xi32>
    %select_n3A_812 = arith.select %lt3A_808, %add3A_811, %iota3A : vector<64x128xi1>, vector<64x128xi32>
    %select_n3A_813 = arith.select %lt3A_808, %squeeze3A_807, %squeeze3A_805 : vector<64x128xi1>, vector<64x128xf32>
    %slice3A_814 = vector.extract_strided_slice %select_n3A_803 {offsets = [0, 2, 0], sizes = [64, 1, 128], strides = [1, 1, 1]} : vector<64x32x128xf32> to vector<64x1x128xf32>
    %squeeze3A_815 = vector.shape_cast %slice3A_814 : vector<64x1x128xf32> to vector<64x128xf32>
    %lt3A_816 = arith.cmpf olt, %squeeze3A_815, %select_n3A_813 : vector<64x128xf32>
    %add3A_817 = arith.constant 256 : i32
    %add3A_818 = vector.broadcast %add3A_817 : i32 to vector<64x128xi32>
    %add3A_819 = arith.addi %iota3A, %add3A_818 : vector<64x128xi32>
    %select_n3A_820 = arith.select %lt3A_816, %add3A_819, %select_n3A_812 : vector<64x128xi1>, vector<64x128xi32>
    %select_n3A_821 = arith.select %lt3A_816, %squeeze3A_815, %select_n3A_813 : vector<64x128xi1>, vector<64x128xf32>
    %slice3A_822 = vector.extract_strided_slice %select_n3A_803 {offsets = [0, 3, 0], sizes = [64, 1, 128], strides = [1, 1, 1]} : vector<64x32x128xf32> to vector<64x1x128xf32>
    %squeeze3A_823 = vector.shape_cast %slice3A_822 : vector<64x1x128xf32> to vector<64x128xf32>
    %lt3A_824 = arith.cmpf olt, %squeeze3A_823, %select_n3A_821 : vector<64x128xf32>
    %add3A_825 = arith.constant 384 : i32
    %add3A_826 = vector.broadcast %add3A_825 : i32 to vector<64x128xi32>
    %add3A_827 = arith.addi %iota3A, %add3A_826 : vector<64x128xi32>
    %select_n3A_828 = arith.select %lt3A_824, %add3A_827, %select_n3A_820 : vector<64x128xi1>, vector<64x128xi32>
    %select_n3A_829 = arith.select %lt3A_824, %squeeze3A_823, %select_n3A_821 : vector<64x128xi1>, vector<64x128xf32>
    %slice3A_830 = vector.extract_strided_slice %select_n3A_803 {offsets = [0, 4, 0], sizes = [64, 1, 128], strides = [1, 1, 1]} : vector<64x32x128xf32> to vector<64x1x128xf32>
    %squeeze3A_831 = vector.shape_cast %slice3A_830 : vector<64x1x128xf32> to vector<64x128xf32>
    %lt3A_832 = arith.cmpf olt, %squeeze3A_831, %select_n3A_829 : vector<64x128xf32>
    %add3A_833 = arith.constant 512 : i32
    %add3A_834 = vector.broadcast %add3A_833 : i32 to vector<64x128xi32>
    %add3A_835 = arith.addi %iota3A, %add3A_834 : vector<64x128xi32>
    %select_n3A_836 = arith.select %lt3A_832, %add3A_835, %select_n3A_828 : vector<64x128xi1>, vector<64x128xi32>
    %select_n3A_837 = arith.select %lt3A_832, %squeeze3A_831, %select_n3A_829 : vector<64x128xi1>, vector<64x128xf32>
    %slice3A_838 = vector.extract_strided_slice %select_n3A_803 {offsets = [0, 5, 0], sizes = [64, 1, 128], strides = [1, 1, 1]} : vector<64x32x128xf32> to vector<64x1x128xf32>
    %squeeze3A_839 = vector.shape_cast %slice3A_838 : vector<64x1x128xf32> to vector<64x128xf32>
    %lt3A_840 = arith.cmpf olt, %squeeze3A_839, %select_n3A_837 : vector<64x128xf32>
    %add3A_841 = arith.constant 640 : i32
    %add3A_842 = vector.broadcast %add3A_841 : i32 to vector<64x128xi32>
    %add3A_843 = arith.addi %iota3A, %add3A_842 : vector<64x128xi32>
    %select_n3A_844 = arith.select %lt3A_840, %add3A_843, %select_n3A_836 : vector<64x128xi1>, vector<64x128xi32>
    %select_n3A_845 = arith.select %lt3A_840, %squeeze3A_839, %select_n3A_837 : vector<64x128xi1>, vector<64x128xf32>
    %slice3A_846 = vector.extract_strided_slice %select_n3A_803 {offsets = [0, 6, 0], sizes = [64, 1, 128], strides = [1, 1, 1]} : vector<64x32x128xf32> to vector<64x1x128xf32>
    %squeeze3A_847 = vector.shape_cast %slice3A_846 : vector<64x1x128xf32> to vector<64x128xf32>
    %lt3A_848 = arith.cmpf olt, %squeeze3A_847, %select_n3A_845 : vector<64x128xf32>
    %add3A_849 = arith.constant 768 : i32
    %add3A_850 = vector.broadcast %add3A_849 : i32 to vector<64x128xi32>
    %add3A_851 = arith.addi %iota3A, %add3A_850 : vector<64x128xi32>
    %select_n3A_852 = arith.select %lt3A_848, %add3A_851, %select_n3A_844 : vector<64x128xi1>, vector<64x128xi32>
    %select_n3A_853 = arith.select %lt3A_848, %squeeze3A_847, %select_n3A_845 : vector<64x128xi1>, vector<64x128xf32>
    %slice3A_854 = vector.extract_strided_slice %select_n3A_803 {offsets = [0, 7, 0], sizes = [64, 1, 128], strides = [1, 1, 1]} : vector<64x32x128xf32> to vector<64x1x128xf32>
    %squeeze3A_855 = vector.shape_cast %slice3A_854 : vector<64x1x128xf32> to vector<64x128xf32>
    %lt3A_856 = arith.cmpf olt, %squeeze3A_855, %select_n3A_853 : vector<64x128xf32>
    %add3A_857 = arith.constant 896 : i32
    %add3A_858 = vector.broadcast %add3A_857 : i32 to vector<64x128xi32>
    %add3A_859 = arith.addi %iota3A, %add3A_858 : vector<64x128xi32>
    %select_n3A_860 = arith.select %lt3A_856, %add3A_859, %select_n3A_852 : vector<64x128xi1>, vector<64x128xi32>
    %select_n3A_861 = arith.select %lt3A_856, %squeeze3A_855, %select_n3A_853 : vector<64x128xi1>, vector<64x128xf32>
    %slice3A_862 = vector.extract_strided_slice %select_n3A_803 {offsets = [0, 8, 0], sizes = [64, 1, 128], strides = [1, 1, 1]} : vector<64x32x128xf32> to vector<64x1x128xf32>
    %squeeze3A_863 = vector.shape_cast %slice3A_862 : vector<64x1x128xf32> to vector<64x128xf32>
    %lt3A_864 = arith.cmpf olt, %squeeze3A_863, %select_n3A_861 : vector<64x128xf32>
    %add3A_865 = arith.constant 1024 : i32
    %add3A_866 = vector.broadcast %add3A_865 : i32 to vector<64x128xi32>
    %add3A_867 = arith.addi %iota3A, %add3A_866 : vector<64x128xi32>
    %select_n3A_868 = arith.select %lt3A_864, %add3A_867, %select_n3A_860 : vector<64x128xi1>, vector<64x128xi32>
    %select_n3A_869 = arith.select %lt3A_864, %squeeze3A_863, %select_n3A_861 : vector<64x128xi1>, vector<64x128xf32>
    %slice3A_870 = vector.extract_strided_slice %select_n3A_803 {offsets = [0, 9, 0], sizes = [64, 1, 128], strides = [1, 1, 1]} : vector<64x32x128xf32> to vector<64x1x128xf32>
    %squeeze3A_871 = vector.shape_cast %slice3A_870 : vector<64x1x128xf32> to vector<64x128xf32>
    %lt3A_872 = arith.cmpf olt, %squeeze3A_871, %select_n3A_869 : vector<64x128xf32>
    %add3A_873 = arith.constant 1152 : i32
    %add3A_874 = vector.broadcast %add3A_873 : i32 to vector<64x128xi32>
    %add3A_875 = arith.addi %iota3A, %add3A_874 : vector<64x128xi32>
    %select_n3A_876 = arith.select %lt3A_872, %add3A_875, %select_n3A_868 : vector<64x128xi1>, vector<64x128xi32>
    %select_n3A_877 = arith.select %lt3A_872, %squeeze3A_871, %select_n3A_869 : vector<64x128xi1>, vector<64x128xf32>
    %slice3A_878 = vector.extract_strided_slice %select_n3A_803 {offsets = [0, 10, 0], sizes = [64, 1, 128], strides = [1, 1, 1]} : vector<64x32x128xf32> to vector<64x1x128xf32>
    %squeeze3A_879 = vector.shape_cast %slice3A_878 : vector<64x1x128xf32> to vector<64x128xf32>
    %lt3A_880 = arith.cmpf olt, %squeeze3A_879, %select_n3A_877 : vector<64x128xf32>
    %add3A_881 = arith.constant 1280 : i32
    %add3A_882 = vector.broadcast %add3A_881 : i32 to vector<64x128xi32>
    %add3A_883 = arith.addi %iota3A, %add3A_882 : vector<64x128xi32>
    %select_n3A_884 = arith.select %lt3A_880, %add3A_883, %select_n3A_876 : vector<64x128xi1>, vector<64x128xi32>
    %select_n3A_885 = arith.select %lt3A_880, %squeeze3A_879, %select_n3A_877 : vector<64x128xi1>, vector<64x128xf32>
    %slice3A_886 = vector.extract_strided_slice %select_n3A_803 {offsets = [0, 11, 0], sizes = [64, 1, 128], strides = [1, 1, 1]} : vector<64x32x128xf32> to vector<64x1x128xf32>
    %squeeze3A_887 = vector.shape_cast %slice3A_886 : vector<64x1x128xf32> to vector<64x128xf32>
    %lt3A_888 = arith.cmpf olt, %squeeze3A_887, %select_n3A_885 : vector<64x128xf32>
    %add3A_889 = arith.constant 1408 : i32
    %add3A_890 = vector.broadcast %add3A_889 : i32 to vector<64x128xi32>
    %add3A_891 = arith.addi %iota3A, %add3A_890 : vector<64x128xi32>
    %select_n3A_892 = arith.select %lt3A_888, %add3A_891, %select_n3A_884 : vector<64x128xi1>, vector<64x128xi32>
    %select_n3A_893 = arith.select %lt3A_888, %squeeze3A_887, %select_n3A_885 : vector<64x128xi1>, vector<64x128xf32>
    %slice3A_894 = vector.extract_strided_slice %select_n3A_803 {offsets = [0, 12, 0], sizes = [64, 1, 128], strides = [1, 1, 1]} : vector<64x32x128xf32> to vector<64x1x128xf32>
    %squeeze3A_895 = vector.shape_cast %slice3A_894 : vector<64x1x128xf32> to vector<64x128xf32>
    %lt3A_896 = arith.cmpf olt, %squeeze3A_895, %select_n3A_893 : vector<64x128xf32>
    %add3A_897 = arith.constant 1536 : i32
    %add3A_898 = vector.broadcast %add3A_897 : i32 to vector<64x128xi32>
    %add3A_899 = arith.addi %iota3A, %add3A_898 : vector<64x128xi32>
    %select_n3A_900 = arith.select %lt3A_896, %add3A_899, %select_n3A_892 : vector<64x128xi1>, vector<64x128xi32>
    %select_n3A_901 = arith.select %lt3A_896, %squeeze3A_895, %select_n3A_893 : vector<64x128xi1>, vector<64x128xf32>
    %slice3A_902 = vector.extract_strided_slice %select_n3A_803 {offsets = [0, 13, 0], sizes = [64, 1, 128], strides = [1, 1, 1]} : vector<64x32x128xf32> to vector<64x1x128xf32>
    %squeeze3A_903 = vector.shape_cast %slice3A_902 : vector<64x1x128xf32> to vector<64x128xf32>
    %lt3A_904 = arith.cmpf olt, %squeeze3A_903, %select_n3A_901 : vector<64x128xf32>
    %add3A_905 = arith.constant 1664 : i32
    %add3A_906 = vector.broadcast %add3A_905 : i32 to vector<64x128xi32>
    %add3A_907 = arith.addi %iota3A, %add3A_906 : vector<64x128xi32>
    %select_n3A_908 = arith.select %lt3A_904, %add3A_907, %select_n3A_900 : vector<64x128xi1>, vector<64x128xi32>
    %select_n3A_909 = arith.select %lt3A_904, %squeeze3A_903, %select_n3A_901 : vector<64x128xi1>, vector<64x128xf32>
    %slice3A_910 = vector.extract_strided_slice %select_n3A_803 {offsets = [0, 14, 0], sizes = [64, 1, 128], strides = [1, 1, 1]} : vector<64x32x128xf32> to vector<64x1x128xf32>
    %squeeze3A_911 = vector.shape_cast %slice3A_910 : vector<64x1x128xf32> to vector<64x128xf32>
    %lt3A_912 = arith.cmpf olt, %squeeze3A_911, %select_n3A_909 : vector<64x128xf32>
    %add3A_913 = arith.constant 1792 : i32
    %add3A_914 = vector.broadcast %add3A_913 : i32 to vector<64x128xi32>
    %add3A_915 = arith.addi %iota3A, %add3A_914 : vector<64x128xi32>
    %select_n3A_916 = arith.select %lt3A_912, %add3A_915, %select_n3A_908 : vector<64x128xi1>, vector<64x128xi32>
    %select_n3A_917 = arith.select %lt3A_912, %squeeze3A_911, %select_n3A_909 : vector<64x128xi1>, vector<64x128xf32>
    %slice3A_918 = vector.extract_strided_slice %select_n3A_803 {offsets = [0, 15, 0], sizes = [64, 1, 128], strides = [1, 1, 1]} : vector<64x32x128xf32> to vector<64x1x128xf32>
    %squeeze3A_919 = vector.shape_cast %slice3A_918 : vector<64x1x128xf32> to vector<64x128xf32>
    %lt3A_920 = arith.cmpf olt, %squeeze3A_919, %select_n3A_917 : vector<64x128xf32>
    %add3A_921 = arith.constant 1920 : i32
    %add3A_922 = vector.broadcast %add3A_921 : i32 to vector<64x128xi32>
    %add3A_923 = arith.addi %iota3A, %add3A_922 : vector<64x128xi32>
    %select_n3A_924 = arith.select %lt3A_920, %add3A_923, %select_n3A_916 : vector<64x128xi1>, vector<64x128xi32>
    %select_n3A_925 = arith.select %lt3A_920, %squeeze3A_919, %select_n3A_917 : vector<64x128xi1>, vector<64x128xf32>
    %slice3A_926 = vector.extract_strided_slice %select_n3A_803 {offsets = [0, 16, 0], sizes = [64, 1, 128], strides = [1, 1, 1]} : vector<64x32x128xf32> to vector<64x1x128xf32>
    %squeeze3A_927 = vector.shape_cast %slice3A_926 : vector<64x1x128xf32> to vector<64x128xf32>
    %lt3A_928 = arith.cmpf olt, %squeeze3A_927, %select_n3A_925 : vector<64x128xf32>
    %add3A_929 = arith.constant 2048 : i32
    %add3A_930 = vector.broadcast %add3A_929 : i32 to vector<64x128xi32>
    %add3A_931 = arith.addi %iota3A, %add3A_930 : vector<64x128xi32>
    %select_n3A_932 = arith.select %lt3A_928, %add3A_931, %select_n3A_924 : vector<64x128xi1>, vector<64x128xi32>
    %select_n3A_933 = arith.select %lt3A_928, %squeeze3A_927, %select_n3A_925 : vector<64x128xi1>, vector<64x128xf32>
    %slice3A_934 = vector.extract_strided_slice %select_n3A_803 {offsets = [0, 17, 0], sizes = [64, 1, 128], strides = [1, 1, 1]} : vector<64x32x128xf32> to vector<64x1x128xf32>
    %squeeze3A_935 = vector.shape_cast %slice3A_934 : vector<64x1x128xf32> to vector<64x128xf32>
    %lt3A_936 = arith.cmpf olt, %squeeze3A_935, %select_n3A_933 : vector<64x128xf32>
    %add3A_937 = arith.constant 2176 : i32
    %add3A_938 = vector.broadcast %add3A_937 : i32 to vector<64x128xi32>
    %add3A_939 = arith.addi %iota3A, %add3A_938 : vector<64x128xi32>
    %select_n3A_940 = arith.select %lt3A_936, %add3A_939, %select_n3A_932 : vector<64x128xi1>, vector<64x128xi32>
    %select_n3A_941 = arith.select %lt3A_936, %squeeze3A_935, %select_n3A_933 : vector<64x128xi1>, vector<64x128xf32>
    %slice3A_942 = vector.extract_strided_slice %select_n3A_803 {offsets = [0, 18, 0], sizes = [64, 1, 128], strides = [1, 1, 1]} : vector<64x32x128xf32> to vector<64x1x128xf32>
    %squeeze3A_943 = vector.shape_cast %slice3A_942 : vector<64x1x128xf32> to vector<64x128xf32>
    %lt3A_944 = arith.cmpf olt, %squeeze3A_943, %select_n3A_941 : vector<64x128xf32>
    %add3A_945 = arith.constant 2304 : i32
    %add3A_946 = vector.broadcast %add3A_945 : i32 to vector<64x128xi32>
    %add3A_947 = arith.addi %iota3A, %add3A_946 : vector<64x128xi32>
    %select_n3A_948 = arith.select %lt3A_944, %add3A_947, %select_n3A_940 : vector<64x128xi1>, vector<64x128xi32>
    %select_n3A_949 = arith.select %lt3A_944, %squeeze3A_943, %select_n3A_941 : vector<64x128xi1>, vector<64x128xf32>
    %slice3A_950 = vector.extract_strided_slice %select_n3A_803 {offsets = [0, 19, 0], sizes = [64, 1, 128], strides = [1, 1, 1]} : vector<64x32x128xf32> to vector<64x1x128xf32>
    %squeeze3A_951 = vector.shape_cast %slice3A_950 : vector<64x1x128xf32> to vector<64x128xf32>
    %lt3A_952 = arith.cmpf olt, %squeeze3A_951, %select_n3A_949 : vector<64x128xf32>
    %add3A_953 = arith.constant 2432 : i32
    %add3A_954 = vector.broadcast %add3A_953 : i32 to vector<64x128xi32>
    %add3A_955 = arith.addi %iota3A, %add3A_954 : vector<64x128xi32>
    %select_n3A_956 = arith.select %lt3A_952, %add3A_955, %select_n3A_948 : vector<64x128xi1>, vector<64x128xi32>
    %select_n3A_957 = arith.select %lt3A_952, %squeeze3A_951, %select_n3A_949 : vector<64x128xi1>, vector<64x128xf32>
    %slice3A_958 = vector.extract_strided_slice %select_n3A_803 {offsets = [0, 20, 0], sizes = [64, 1, 128], strides = [1, 1, 1]} : vector<64x32x128xf32> to vector<64x1x128xf32>
    %squeeze3A_959 = vector.shape_cast %slice3A_958 : vector<64x1x128xf32> to vector<64x128xf32>
    %lt3A_960 = arith.cmpf olt, %squeeze3A_959, %select_n3A_957 : vector<64x128xf32>
    %add3A_961 = arith.constant 2560 : i32
    %add3A_962 = vector.broadcast %add3A_961 : i32 to vector<64x128xi32>
    %add3A_963 = arith.addi %iota3A, %add3A_962 : vector<64x128xi32>
    %select_n3A_964 = arith.select %lt3A_960, %add3A_963, %select_n3A_956 : vector<64x128xi1>, vector<64x128xi32>
    %select_n3A_965 = arith.select %lt3A_960, %squeeze3A_959, %select_n3A_957 : vector<64x128xi1>, vector<64x128xf32>
    %slice3A_966 = vector.extract_strided_slice %select_n3A_803 {offsets = [0, 21, 0], sizes = [64, 1, 128], strides = [1, 1, 1]} : vector<64x32x128xf32> to vector<64x1x128xf32>
    %squeeze3A_967 = vector.shape_cast %slice3A_966 : vector<64x1x128xf32> to vector<64x128xf32>
    %lt3A_968 = arith.cmpf olt, %squeeze3A_967, %select_n3A_965 : vector<64x128xf32>
    %add3A_969 = arith.constant 2688 : i32
    %add3A_970 = vector.broadcast %add3A_969 : i32 to vector<64x128xi32>
    %add3A_971 = arith.addi %iota3A, %add3A_970 : vector<64x128xi32>
    %select_n3A_972 = arith.select %lt3A_968, %add3A_971, %select_n3A_964 : vector<64x128xi1>, vector<64x128xi32>
    %select_n3A_973 = arith.select %lt3A_968, %squeeze3A_967, %select_n3A_965 : vector<64x128xi1>, vector<64x128xf32>
    %slice3A_974 = vector.extract_strided_slice %select_n3A_803 {offsets = [0, 22, 0], sizes = [64, 1, 128], strides = [1, 1, 1]} : vector<64x32x128xf32> to vector<64x1x128xf32>
    %squeeze3A_975 = vector.shape_cast %slice3A_974 : vector<64x1x128xf32> to vector<64x128xf32>
    %lt3A_976 = arith.cmpf olt, %squeeze3A_975, %select_n3A_973 : vector<64x128xf32>
    %add3A_977 = arith.constant 2816 : i32
    %add3A_978 = vector.broadcast %add3A_977 : i32 to vector<64x128xi32>
    %add3A_979 = arith.addi %iota3A, %add3A_978 : vector<64x128xi32>
    %select_n3A_980 = arith.select %lt3A_976, %add3A_979, %select_n3A_972 : vector<64x128xi1>, vector<64x128xi32>
    %select_n3A_981 = arith.select %lt3A_976, %squeeze3A_975, %select_n3A_973 : vector<64x128xi1>, vector<64x128xf32>
    %slice3A_982 = vector.extract_strided_slice %select_n3A_803 {offsets = [0, 23, 0], sizes = [64, 1, 128], strides = [1, 1, 1]} : vector<64x32x128xf32> to vector<64x1x128xf32>
    %squeeze3A_983 = vector.shape_cast %slice3A_982 : vector<64x1x128xf32> to vector<64x128xf32>
    %lt3A_984 = arith.cmpf olt, %squeeze3A_983, %select_n3A_981 : vector<64x128xf32>
    %add3A_985 = arith.constant 2944 : i32
    %add3A_986 = vector.broadcast %add3A_985 : i32 to vector<64x128xi32>
    %add3A_987 = arith.addi %iota3A, %add3A_986 : vector<64x128xi32>
    %select_n3A_988 = arith.select %lt3A_984, %add3A_987, %select_n3A_980 : vector<64x128xi1>, vector<64x128xi32>
    %select_n3A_989 = arith.select %lt3A_984, %squeeze3A_983, %select_n3A_981 : vector<64x128xi1>, vector<64x128xf32>
    %slice3A_990 = vector.extract_strided_slice %select_n3A_803 {offsets = [0, 24, 0], sizes = [64, 1, 128], strides = [1, 1, 1]} : vector<64x32x128xf32> to vector<64x1x128xf32>
    %squeeze3A_991 = vector.shape_cast %slice3A_990 : vector<64x1x128xf32> to vector<64x128xf32>
    %lt3A_992 = arith.cmpf olt, %squeeze3A_991, %select_n3A_989 : vector<64x128xf32>
    %add3A_993 = arith.constant 3072 : i32
    %add3A_994 = vector.broadcast %add3A_993 : i32 to vector<64x128xi32>
    %add3A_995 = arith.addi %iota3A, %add3A_994 : vector<64x128xi32>
    %select_n3A_996 = arith.select %lt3A_992, %add3A_995, %select_n3A_988 : vector<64x128xi1>, vector<64x128xi32>
    %select_n3A_997 = arith.select %lt3A_992, %squeeze3A_991, %select_n3A_989 : vector<64x128xi1>, vector<64x128xf32>
    %slice3A_998 = vector.extract_strided_slice %select_n3A_803 {offsets = [0, 25, 0], sizes = [64, 1, 128], strides = [1, 1, 1]} : vector<64x32x128xf32> to vector<64x1x128xf32>
    %squeeze3A_999 = vector.shape_cast %slice3A_998 : vector<64x1x128xf32> to vector<64x128xf32>
    %lt3A_1000 = arith.cmpf olt, %squeeze3A_999, %select_n3A_997 : vector<64x128xf32>
    %add3A_1001 = arith.constant 3200 : i32
    %add3A_1002 = vector.broadcast %add3A_1001 : i32 to vector<64x128xi32>
    %add3A_1003 = arith.addi %iota3A, %add3A_1002 : vector<64x128xi32>
    %select_n3A_1004 = arith.select %lt3A_1000, %add3A_1003, %select_n3A_996 : vector<64x128xi1>, vector<64x128xi32>
    %select_n3A_1005 = arith.select %lt3A_1000, %squeeze3A_999, %select_n3A_997 : vector<64x128xi1>, vector<64x128xf32>
    %slice3A_1006 = vector.extract_strided_slice %select_n3A_803 {offsets = [0, 26, 0], sizes = [64, 1, 128], strides = [1, 1, 1]} : vector<64x32x128xf32> to vector<64x1x128xf32>
    %squeeze3A_1007 = vector.shape_cast %slice3A_1006 : vector<64x1x128xf32> to vector<64x128xf32>
    %lt3A_1008 = arith.cmpf olt, %squeeze3A_1007, %select_n3A_1005 : vector<64x128xf32>
    %add3A_1009 = arith.constant 3328 : i32
    %add3A_1010 = vector.broadcast %add3A_1009 : i32 to vector<64x128xi32>
    %add3A_1011 = arith.addi %iota3A, %add3A_1010 : vector<64x128xi32>
    %select_n3A_1012 = arith.select %lt3A_1008, %add3A_1011, %select_n3A_1004 : vector<64x128xi1>, vector<64x128xi32>
    %select_n3A_1013 = arith.select %lt3A_1008, %squeeze3A_1007, %select_n3A_1005 : vector<64x128xi1>, vector<64x128xf32>
    %slice3A_1014 = vector.extract_strided_slice %select_n3A_803 {offsets = [0, 27, 0], sizes = [64, 1, 128], strides = [1, 1, 1]} : vector<64x32x128xf32> to vector<64x1x128xf32>
    %squeeze3A_1015 = vector.shape_cast %slice3A_1014 : vector<64x1x128xf32> to vector<64x128xf32>
    %lt3A_1016 = arith.cmpf olt, %squeeze3A_1015, %select_n3A_1013 : vector<64x128xf32>
    %add3A_1017 = arith.constant 3456 : i32
    %add3A_1018 = vector.broadcast %add3A_1017 : i32 to vector<64x128xi32>
    %add3A_1019 = arith.addi %iota3A, %add3A_1018 : vector<64x128xi32>
    %select_n3A_1020 = arith.select %lt3A_1016, %add3A_1019, %select_n3A_1012 : vector<64x128xi1>, vector<64x128xi32>
    %select_n3A_1021 = arith.select %lt3A_1016, %squeeze3A_1015, %select_n3A_1013 : vector<64x128xi1>, vector<64x128xf32>
    %slice3A_1022 = vector.extract_strided_slice %select_n3A_803 {offsets = [0, 28, 0], sizes = [64, 1, 128], strides = [1, 1, 1]} : vector<64x32x128xf32> to vector<64x1x128xf32>
    %squeeze3A_1023 = vector.shape_cast %slice3A_1022 : vector<64x1x128xf32> to vector<64x128xf32>
    %lt3A_1024 = arith.cmpf olt, %squeeze3A_1023, %select_n3A_1021 : vector<64x128xf32>
    %add3A_1025 = arith.constant 3584 : i32
    %add3A_1026 = vector.broadcast %add3A_1025 : i32 to vector<64x128xi32>
    %add3A_1027 = arith.addi %iota3A, %add3A_1026 : vector<64x128xi32>
    %select_n3A_1028 = arith.select %lt3A_1024, %add3A_1027, %select_n3A_1020 : vector<64x128xi1>, vector<64x128xi32>
    %select_n3A_1029 = arith.select %lt3A_1024, %squeeze3A_1023, %select_n3A_1021 : vector<64x128xi1>, vector<64x128xf32>
    %slice3A_1030 = vector.extract_strided_slice %select_n3A_803 {offsets = [0, 29, 0], sizes = [64, 1, 128], strides = [1, 1, 1]} : vector<64x32x128xf32> to vector<64x1x128xf32>
    %squeeze3A_1031 = vector.shape_cast %slice3A_1030 : vector<64x1x128xf32> to vector<64x128xf32>
    %lt3A_1032 = arith.cmpf olt, %squeeze3A_1031, %select_n3A_1029 : vector<64x128xf32>
    %add3A_1033 = arith.constant 3712 : i32
    %add3A_1034 = vector.broadcast %add3A_1033 : i32 to vector<64x128xi32>
    %add3A_1035 = arith.addi %iota3A, %add3A_1034 : vector<64x128xi32>
    %select_n3A_1036 = arith.select %lt3A_1032, %add3A_1035, %select_n3A_1028 : vector<64x128xi1>, vector<64x128xi32>
    %select_n3A_1037 = arith.select %lt3A_1032, %squeeze3A_1031, %select_n3A_1029 : vector<64x128xi1>, vector<64x128xf32>
    %slice3A_1038 = vector.extract_strided_slice %select_n3A_803 {offsets = [0, 30, 0], sizes = [64, 1, 128], strides = [1, 1, 1]} : vector<64x32x128xf32> to vector<64x1x128xf32>
    %squeeze3A_1039 = vector.shape_cast %slice3A_1038 : vector<64x1x128xf32> to vector<64x128xf32>
    %lt3A_1040 = arith.cmpf olt, %squeeze3A_1039, %select_n3A_1037 : vector<64x128xf32>
    %add3A_1041 = arith.constant 3840 : i32
    %add3A_1042 = vector.broadcast %add3A_1041 : i32 to vector<64x128xi32>
    %add3A_1043 = arith.addi %iota3A, %add3A_1042 : vector<64x128xi32>
    %select_n3A_1044 = arith.select %lt3A_1040, %add3A_1043, %select_n3A_1036 : vector<64x128xi1>, vector<64x128xi32>
    %select_n3A_1045 = arith.select %lt3A_1040, %squeeze3A_1039, %select_n3A_1037 : vector<64x128xi1>, vector<64x128xf32>
    %slice3A_1046 = vector.extract_strided_slice %select_n3A_803 {offsets = [0, 31, 0], sizes = [64, 1, 128], strides = [1, 1, 1]} : vector<64x32x128xf32> to vector<64x1x128xf32>
    %squeeze3A_1047 = vector.shape_cast %slice3A_1046 : vector<64x1x128xf32> to vector<64x128xf32>
    %lt3A_1048 = arith.cmpf olt, %squeeze3A_1047, %select_n3A_1045 : vector<64x128xf32>
    %add3A_1049 = arith.constant 3968 : i32
    %add3A_1050 = vector.broadcast %add3A_1049 : i32 to vector<64x128xi32>
    %add3A_1051 = arith.addi %iota3A, %add3A_1050 : vector<64x128xi32>
    %select_n3A_1052 = arith.select %lt3A_1048, %add3A_1051, %select_n3A_1044 : vector<64x128xi1>, vector<64x128xi32>
    %select_n3A_1053 = arith.select %lt3A_1048, %squeeze3A_1047, %select_n3A_1045 : vector<64x128xi1>, vector<64x128xf32>
    %broadcast_in_dim3A_1054 = vector.shape_cast %select_n3A_1052 : vector<64x128xi32> to vector<64x1x128xi32>
    %eq3A_1055 = vector.broadcast %add3A_39 : vector<1x32x128xi32> to vector<64x32x128xi32>
    %eq3A_1056 = vector.broadcast %broadcast_in_dim3A_1054 : vector<64x1x128xi32> to vector<64x32x128xi32>
    %eq3A_1057 = arith.cmpi eq, %eq3A_1055, %eq3A_1056 : vector<64x32x128xi32>
    %jit3A_1058 = arith.constant 0x7F800000 : f32
    %broadcast_in_dim3A_1059 = vector.broadcast %jit3A_1058 : f32 to vector<64x32x128xf32>
    %select_n3A_1060 = arith.select %eq3A_1057, %broadcast_in_dim3A_1059, %select_n3A_803 : vector<64x32x128xi1>, vector<64x32x128xf32>
    %slice3A_1061 = vector.extract_strided_slice %select_n3A_1060 {offsets = [0, 0, 0], sizes = [64, 1, 128], strides = [1, 1, 1]} : vector<64x32x128xf32> to vector<64x1x128xf32>
    %squeeze3A_1062 = vector.shape_cast %slice3A_1061 : vector<64x1x128xf32> to vector<64x128xf32>
    %slice3A_1063 = vector.extract_strided_slice %select_n3A_1060 {offsets = [0, 1, 0], sizes = [64, 1, 128], strides = [1, 1, 1]} : vector<64x32x128xf32> to vector<64x1x128xf32>
    %squeeze3A_1064 = vector.shape_cast %slice3A_1063 : vector<64x1x128xf32> to vector<64x128xf32>
    %lt3A_1065 = arith.cmpf olt, %squeeze3A_1064, %squeeze3A_1062 : vector<64x128xf32>
    %add3A_1066 = arith.constant 128 : i32
    %add3A_1067 = vector.broadcast %add3A_1066 : i32 to vector<64x128xi32>
    %add3A_1068 = arith.addi %iota3A, %add3A_1067 : vector<64x128xi32>
    %select_n3A_1069 = arith.select %lt3A_1065, %add3A_1068, %iota3A : vector<64x128xi1>, vector<64x128xi32>
    %select_n3A_1070 = arith.select %lt3A_1065, %squeeze3A_1064, %squeeze3A_1062 : vector<64x128xi1>, vector<64x128xf32>
    %slice3A_1071 = vector.extract_strided_slice %select_n3A_1060 {offsets = [0, 2, 0], sizes = [64, 1, 128], strides = [1, 1, 1]} : vector<64x32x128xf32> to vector<64x1x128xf32>
    %squeeze3A_1072 = vector.shape_cast %slice3A_1071 : vector<64x1x128xf32> to vector<64x128xf32>
    %lt3A_1073 = arith.cmpf olt, %squeeze3A_1072, %select_n3A_1070 : vector<64x128xf32>
    %add3A_1074 = arith.constant 256 : i32
    %add3A_1075 = vector.broadcast %add3A_1074 : i32 to vector<64x128xi32>
    %add3A_1076 = arith.addi %iota3A, %add3A_1075 : vector<64x128xi32>
    %select_n3A_1077 = arith.select %lt3A_1073, %add3A_1076, %select_n3A_1069 : vector<64x128xi1>, vector<64x128xi32>
    %select_n3A_1078 = arith.select %lt3A_1073, %squeeze3A_1072, %select_n3A_1070 : vector<64x128xi1>, vector<64x128xf32>
    %slice3A_1079 = vector.extract_strided_slice %select_n3A_1060 {offsets = [0, 3, 0], sizes = [64, 1, 128], strides = [1, 1, 1]} : vector<64x32x128xf32> to vector<64x1x128xf32>
    %squeeze3A_1080 = vector.shape_cast %slice3A_1079 : vector<64x1x128xf32> to vector<64x128xf32>
    %lt3A_1081 = arith.cmpf olt, %squeeze3A_1080, %select_n3A_1078 : vector<64x128xf32>
    %add3A_1082 = arith.constant 384 : i32
    %add3A_1083 = vector.broadcast %add3A_1082 : i32 to vector<64x128xi32>
    %add3A_1084 = arith.addi %iota3A, %add3A_1083 : vector<64x128xi32>
    %select_n3A_1085 = arith.select %lt3A_1081, %add3A_1084, %select_n3A_1077 : vector<64x128xi1>, vector<64x128xi32>
    %select_n3A_1086 = arith.select %lt3A_1081, %squeeze3A_1080, %select_n3A_1078 : vector<64x128xi1>, vector<64x128xf32>
    %slice3A_1087 = vector.extract_strided_slice %select_n3A_1060 {offsets = [0, 4, 0], sizes = [64, 1, 128], strides = [1, 1, 1]} : vector<64x32x128xf32> to vector<64x1x128xf32>
    %squeeze3A_1088 = vector.shape_cast %slice3A_1087 : vector<64x1x128xf32> to vector<64x128xf32>
    %lt3A_1089 = arith.cmpf olt, %squeeze3A_1088, %select_n3A_1086 : vector<64x128xf32>
    %add3A_1090 = arith.constant 512 : i32
    %add3A_1091 = vector.broadcast %add3A_1090 : i32 to vector<64x128xi32>
    %add3A_1092 = arith.addi %iota3A, %add3A_1091 : vector<64x128xi32>
    %select_n3A_1093 = arith.select %lt3A_1089, %add3A_1092, %select_n3A_1085 : vector<64x128xi1>, vector<64x128xi32>
    %select_n3A_1094 = arith.select %lt3A_1089, %squeeze3A_1088, %select_n3A_1086 : vector<64x128xi1>, vector<64x128xf32>
    %slice3A_1095 = vector.extract_strided_slice %select_n3A_1060 {offsets = [0, 5, 0], sizes = [64, 1, 128], strides = [1, 1, 1]} : vector<64x32x128xf32> to vector<64x1x128xf32>
    %squeeze3A_1096 = vector.shape_cast %slice3A_1095 : vector<64x1x128xf32> to vector<64x128xf32>
    %lt3A_1097 = arith.cmpf olt, %squeeze3A_1096, %select_n3A_1094 : vector<64x128xf32>
    %add3A_1098 = arith.constant 640 : i32
    %add3A_1099 = vector.broadcast %add3A_1098 : i32 to vector<64x128xi32>
    %add3A_1100 = arith.addi %iota3A, %add3A_1099 : vector<64x128xi32>
    %select_n3A_1101 = arith.select %lt3A_1097, %add3A_1100, %select_n3A_1093 : vector<64x128xi1>, vector<64x128xi32>
    %select_n3A_1102 = arith.select %lt3A_1097, %squeeze3A_1096, %select_n3A_1094 : vector<64x128xi1>, vector<64x128xf32>
    %slice3A_1103 = vector.extract_strided_slice %select_n3A_1060 {offsets = [0, 6, 0], sizes = [64, 1, 128], strides = [1, 1, 1]} : vector<64x32x128xf32> to vector<64x1x128xf32>
    %squeeze3A_1104 = vector.shape_cast %slice3A_1103 : vector<64x1x128xf32> to vector<64x128xf32>
    %lt3A_1105 = arith.cmpf olt, %squeeze3A_1104, %select_n3A_1102 : vector<64x128xf32>
    %add3A_1106 = arith.constant 768 : i32
    %add3A_1107 = vector.broadcast %add3A_1106 : i32 to vector<64x128xi32>
    %add3A_1108 = arith.addi %iota3A, %add3A_1107 : vector<64x128xi32>
    %select_n3A_1109 = arith.select %lt3A_1105, %add3A_1108, %select_n3A_1101 : vector<64x128xi1>, vector<64x128xi32>
    %select_n3A_1110 = arith.select %lt3A_1105, %squeeze3A_1104, %select_n3A_1102 : vector<64x128xi1>, vector<64x128xf32>
    %slice3A_1111 = vector.extract_strided_slice %select_n3A_1060 {offsets = [0, 7, 0], sizes = [64, 1, 128], strides = [1, 1, 1]} : vector<64x32x128xf32> to vector<64x1x128xf32>
    %squeeze3A_1112 = vector.shape_cast %slice3A_1111 : vector<64x1x128xf32> to vector<64x128xf32>
    %lt3A_1113 = arith.cmpf olt, %squeeze3A_1112, %select_n3A_1110 : vector<64x128xf32>
    %add3A_1114 = arith.constant 896 : i32
    %add3A_1115 = vector.broadcast %add3A_1114 : i32 to vector<64x128xi32>
    %add3A_1116 = arith.addi %iota3A, %add3A_1115 : vector<64x128xi32>
    %select_n3A_1117 = arith.select %lt3A_1113, %add3A_1116, %select_n3A_1109 : vector<64x128xi1>, vector<64x128xi32>
    %select_n3A_1118 = arith.select %lt3A_1113, %squeeze3A_1112, %select_n3A_1110 : vector<64x128xi1>, vector<64x128xf32>
    %slice3A_1119 = vector.extract_strided_slice %select_n3A_1060 {offsets = [0, 8, 0], sizes = [64, 1, 128], strides = [1, 1, 1]} : vector<64x32x128xf32> to vector<64x1x128xf32>
    %squeeze3A_1120 = vector.shape_cast %slice3A_1119 : vector<64x1x128xf32> to vector<64x128xf32>
    %lt3A_1121 = arith.cmpf olt, %squeeze3A_1120, %select_n3A_1118 : vector<64x128xf32>
    %add3A_1122 = arith.constant 1024 : i32
    %add3A_1123 = vector.broadcast %add3A_1122 : i32 to vector<64x128xi32>
    %add3A_1124 = arith.addi %iota3A, %add3A_1123 : vector<64x128xi32>
    %select_n3A_1125 = arith.select %lt3A_1121, %add3A_1124, %select_n3A_1117 : vector<64x128xi1>, vector<64x128xi32>
    %select_n3A_1126 = arith.select %lt3A_1121, %squeeze3A_1120, %select_n3A_1118 : vector<64x128xi1>, vector<64x128xf32>
    %slice3A_1127 = vector.extract_strided_slice %select_n3A_1060 {offsets = [0, 9, 0], sizes = [64, 1, 128], strides = [1, 1, 1]} : vector<64x32x128xf32> to vector<64x1x128xf32>
    %squeeze3A_1128 = vector.shape_cast %slice3A_1127 : vector<64x1x128xf32> to vector<64x128xf32>
    %lt3A_1129 = arith.cmpf olt, %squeeze3A_1128, %select_n3A_1126 : vector<64x128xf32>
    %add3A_1130 = arith.constant 1152 : i32
    %add3A_1131 = vector.broadcast %add3A_1130 : i32 to vector<64x128xi32>
    %add3A_1132 = arith.addi %iota3A, %add3A_1131 : vector<64x128xi32>
    %select_n3A_1133 = arith.select %lt3A_1129, %add3A_1132, %select_n3A_1125 : vector<64x128xi1>, vector<64x128xi32>
    %select_n3A_1134 = arith.select %lt3A_1129, %squeeze3A_1128, %select_n3A_1126 : vector<64x128xi1>, vector<64x128xf32>
    %slice3A_1135 = vector.extract_strided_slice %select_n3A_1060 {offsets = [0, 10, 0], sizes = [64, 1, 128], strides = [1, 1, 1]} : vector<64x32x128xf32> to vector<64x1x128xf32>
    %squeeze3A_1136 = vector.shape_cast %slice3A_1135 : vector<64x1x128xf32> to vector<64x128xf32>
    %lt3A_1137 = arith.cmpf olt, %squeeze3A_1136, %select_n3A_1134 : vector<64x128xf32>
    %add3A_1138 = arith.constant 1280 : i32
    %add3A_1139 = vector.broadcast %add3A_1138 : i32 to vector<64x128xi32>
    %add3A_1140 = arith.addi %iota3A, %add3A_1139 : vector<64x128xi32>
    %select_n3A_1141 = arith.select %lt3A_1137, %add3A_1140, %select_n3A_1133 : vector<64x128xi1>, vector<64x128xi32>
    %select_n3A_1142 = arith.select %lt3A_1137, %squeeze3A_1136, %select_n3A_1134 : vector<64x128xi1>, vector<64x128xf32>
    %slice3A_1143 = vector.extract_strided_slice %select_n3A_1060 {offsets = [0, 11, 0], sizes = [64, 1, 128], strides = [1, 1, 1]} : vector<64x32x128xf32> to vector<64x1x128xf32>
    %squeeze3A_1144 = vector.shape_cast %slice3A_1143 : vector<64x1x128xf32> to vector<64x128xf32>
    %lt3A_1145 = arith.cmpf olt, %squeeze3A_1144, %select_n3A_1142 : vector<64x128xf32>
    %add3A_1146 = arith.constant 1408 : i32
    %add3A_1147 = vector.broadcast %add3A_1146 : i32 to vector<64x128xi32>
    %add3A_1148 = arith.addi %iota3A, %add3A_1147 : vector<64x128xi32>
    %select_n3A_1149 = arith.select %lt3A_1145, %add3A_1148, %select_n3A_1141 : vector<64x128xi1>, vector<64x128xi32>
    %select_n3A_1150 = arith.select %lt3A_1145, %squeeze3A_1144, %select_n3A_1142 : vector<64x128xi1>, vector<64x128xf32>
    %slice3A_1151 = vector.extract_strided_slice %select_n3A_1060 {offsets = [0, 12, 0], sizes = [64, 1, 128], strides = [1, 1, 1]} : vector<64x32x128xf32> to vector<64x1x128xf32>
    %squeeze3A_1152 = vector.shape_cast %slice3A_1151 : vector<64x1x128xf32> to vector<64x128xf32>
    %lt3A_1153 = arith.cmpf olt, %squeeze3A_1152, %select_n3A_1150 : vector<64x128xf32>
    %add3A_1154 = arith.constant 1536 : i32
    %add3A_1155 = vector.broadcast %add3A_1154 : i32 to vector<64x128xi32>
    %add3A_1156 = arith.addi %iota3A, %add3A_1155 : vector<64x128xi32>
    %select_n3A_1157 = arith.select %lt3A_1153, %add3A_1156, %select_n3A_1149 : vector<64x128xi1>, vector<64x128xi32>
    %select_n3A_1158 = arith.select %lt3A_1153, %squeeze3A_1152, %select_n3A_1150 : vector<64x128xi1>, vector<64x128xf32>
    %slice3A_1159 = vector.extract_strided_slice %select_n3A_1060 {offsets = [0, 13, 0], sizes = [64, 1, 128], strides = [1, 1, 1]} : vector<64x32x128xf32> to vector<64x1x128xf32>
    %squeeze3A_1160 = vector.shape_cast %slice3A_1159 : vector<64x1x128xf32> to vector<64x128xf32>
    %lt3A_1161 = arith.cmpf olt, %squeeze3A_1160, %select_n3A_1158 : vector<64x128xf32>
    %add3A_1162 = arith.constant 1664 : i32
    %add3A_1163 = vector.broadcast %add3A_1162 : i32 to vector<64x128xi32>
    %add3A_1164 = arith.addi %iota3A, %add3A_1163 : vector<64x128xi32>
    %select_n3A_1165 = arith.select %lt3A_1161, %add3A_1164, %select_n3A_1157 : vector<64x128xi1>, vector<64x128xi32>
    %select_n3A_1166 = arith.select %lt3A_1161, %squeeze3A_1160, %select_n3A_1158 : vector<64x128xi1>, vector<64x128xf32>
    %slice3A_1167 = vector.extract_strided_slice %select_n3A_1060 {offsets = [0, 14, 0], sizes = [64, 1, 128], strides = [1, 1, 1]} : vector<64x32x128xf32> to vector<64x1x128xf32>
    %squeeze3A_1168 = vector.shape_cast %slice3A_1167 : vector<64x1x128xf32> to vector<64x128xf32>
    %lt3A_1169 = arith.cmpf olt, %squeeze3A_1168, %select_n3A_1166 : vector<64x128xf32>
    %add3A_1170 = arith.constant 1792 : i32
    %add3A_1171 = vector.broadcast %add3A_1170 : i32 to vector<64x128xi32>
    %add3A_1172 = arith.addi %iota3A, %add3A_1171 : vector<64x128xi32>
    %select_n3A_1173 = arith.select %lt3A_1169, %add3A_1172, %select_n3A_1165 : vector<64x128xi1>, vector<64x128xi32>
    %select_n3A_1174 = arith.select %lt3A_1169, %squeeze3A_1168, %select_n3A_1166 : vector<64x128xi1>, vector<64x128xf32>
    %slice3A_1175 = vector.extract_strided_slice %select_n3A_1060 {offsets = [0, 15, 0], sizes = [64, 1, 128], strides = [1, 1, 1]} : vector<64x32x128xf32> to vector<64x1x128xf32>
    %squeeze3A_1176 = vector.shape_cast %slice3A_1175 : vector<64x1x128xf32> to vector<64x128xf32>
    %lt3A_1177 = arith.cmpf olt, %squeeze3A_1176, %select_n3A_1174 : vector<64x128xf32>
    %add3A_1178 = arith.constant 1920 : i32
    %add3A_1179 = vector.broadcast %add3A_1178 : i32 to vector<64x128xi32>
    %add3A_1180 = arith.addi %iota3A, %add3A_1179 : vector<64x128xi32>
    %select_n3A_1181 = arith.select %lt3A_1177, %add3A_1180, %select_n3A_1173 : vector<64x128xi1>, vector<64x128xi32>
    %select_n3A_1182 = arith.select %lt3A_1177, %squeeze3A_1176, %select_n3A_1174 : vector<64x128xi1>, vector<64x128xf32>
    %slice3A_1183 = vector.extract_strided_slice %select_n3A_1060 {offsets = [0, 16, 0], sizes = [64, 1, 128], strides = [1, 1, 1]} : vector<64x32x128xf32> to vector<64x1x128xf32>
    %squeeze3A_1184 = vector.shape_cast %slice3A_1183 : vector<64x1x128xf32> to vector<64x128xf32>
    %lt3A_1185 = arith.cmpf olt, %squeeze3A_1184, %select_n3A_1182 : vector<64x128xf32>
    %add3A_1186 = arith.constant 2048 : i32
    %add3A_1187 = vector.broadcast %add3A_1186 : i32 to vector<64x128xi32>
    %add3A_1188 = arith.addi %iota3A, %add3A_1187 : vector<64x128xi32>
    %select_n3A_1189 = arith.select %lt3A_1185, %add3A_1188, %select_n3A_1181 : vector<64x128xi1>, vector<64x128xi32>
    %select_n3A_1190 = arith.select %lt3A_1185, %squeeze3A_1184, %select_n3A_1182 : vector<64x128xi1>, vector<64x128xf32>
    %slice3A_1191 = vector.extract_strided_slice %select_n3A_1060 {offsets = [0, 17, 0], sizes = [64, 1, 128], strides = [1, 1, 1]} : vector<64x32x128xf32> to vector<64x1x128xf32>
    %squeeze3A_1192 = vector.shape_cast %slice3A_1191 : vector<64x1x128xf32> to vector<64x128xf32>
    %lt3A_1193 = arith.cmpf olt, %squeeze3A_1192, %select_n3A_1190 : vector<64x128xf32>
    %add3A_1194 = arith.constant 2176 : i32
    %add3A_1195 = vector.broadcast %add3A_1194 : i32 to vector<64x128xi32>
    %add3A_1196 = arith.addi %iota3A, %add3A_1195 : vector<64x128xi32>
    %select_n3A_1197 = arith.select %lt3A_1193, %add3A_1196, %select_n3A_1189 : vector<64x128xi1>, vector<64x128xi32>
    %select_n3A_1198 = arith.select %lt3A_1193, %squeeze3A_1192, %select_n3A_1190 : vector<64x128xi1>, vector<64x128xf32>
    %slice3A_1199 = vector.extract_strided_slice %select_n3A_1060 {offsets = [0, 18, 0], sizes = [64, 1, 128], strides = [1, 1, 1]} : vector<64x32x128xf32> to vector<64x1x128xf32>
    %squeeze3A_1200 = vector.shape_cast %slice3A_1199 : vector<64x1x128xf32> to vector<64x128xf32>
    %lt3A_1201 = arith.cmpf olt, %squeeze3A_1200, %select_n3A_1198 : vector<64x128xf32>
    %add3A_1202 = arith.constant 2304 : i32
    %add3A_1203 = vector.broadcast %add3A_1202 : i32 to vector<64x128xi32>
    %add3A_1204 = arith.addi %iota3A, %add3A_1203 : vector<64x128xi32>
    %select_n3A_1205 = arith.select %lt3A_1201, %add3A_1204, %select_n3A_1197 : vector<64x128xi1>, vector<64x128xi32>
    %select_n3A_1206 = arith.select %lt3A_1201, %squeeze3A_1200, %select_n3A_1198 : vector<64x128xi1>, vector<64x128xf32>
    %slice3A_1207 = vector.extract_strided_slice %select_n3A_1060 {offsets = [0, 19, 0], sizes = [64, 1, 128], strides = [1, 1, 1]} : vector<64x32x128xf32> to vector<64x1x128xf32>
    %squeeze3A_1208 = vector.shape_cast %slice3A_1207 : vector<64x1x128xf32> to vector<64x128xf32>
    %lt3A_1209 = arith.cmpf olt, %squeeze3A_1208, %select_n3A_1206 : vector<64x128xf32>
    %add3A_1210 = arith.constant 2432 : i32
    %add3A_1211 = vector.broadcast %add3A_1210 : i32 to vector<64x128xi32>
    %add3A_1212 = arith.addi %iota3A, %add3A_1211 : vector<64x128xi32>
    %select_n3A_1213 = arith.select %lt3A_1209, %add3A_1212, %select_n3A_1205 : vector<64x128xi1>, vector<64x128xi32>
    %select_n3A_1214 = arith.select %lt3A_1209, %squeeze3A_1208, %select_n3A_1206 : vector<64x128xi1>, vector<64x128xf32>
    %slice3A_1215 = vector.extract_strided_slice %select_n3A_1060 {offsets = [0, 20, 0], sizes = [64, 1, 128], strides = [1, 1, 1]} : vector<64x32x128xf32> to vector<64x1x128xf32>
    %squeeze3A_1216 = vector.shape_cast %slice3A_1215 : vector<64x1x128xf32> to vector<64x128xf32>
    %lt3A_1217 = arith.cmpf olt, %squeeze3A_1216, %select_n3A_1214 : vector<64x128xf32>
    %add3A_1218 = arith.constant 2560 : i32
    %add3A_1219 = vector.broadcast %add3A_1218 : i32 to vector<64x128xi32>
    %add3A_1220 = arith.addi %iota3A, %add3A_1219 : vector<64x128xi32>
    %select_n3A_1221 = arith.select %lt3A_1217, %add3A_1220, %select_n3A_1213 : vector<64x128xi1>, vector<64x128xi32>
    %select_n3A_1222 = arith.select %lt3A_1217, %squeeze3A_1216, %select_n3A_1214 : vector<64x128xi1>, vector<64x128xf32>
    %slice3A_1223 = vector.extract_strided_slice %select_n3A_1060 {offsets = [0, 21, 0], sizes = [64, 1, 128], strides = [1, 1, 1]} : vector<64x32x128xf32> to vector<64x1x128xf32>
    %squeeze3A_1224 = vector.shape_cast %slice3A_1223 : vector<64x1x128xf32> to vector<64x128xf32>
    %lt3A_1225 = arith.cmpf olt, %squeeze3A_1224, %select_n3A_1222 : vector<64x128xf32>
    %add3A_1226 = arith.constant 2688 : i32
    %add3A_1227 = vector.broadcast %add3A_1226 : i32 to vector<64x128xi32>
    %add3A_1228 = arith.addi %iota3A, %add3A_1227 : vector<64x128xi32>
    %select_n3A_1229 = arith.select %lt3A_1225, %add3A_1228, %select_n3A_1221 : vector<64x128xi1>, vector<64x128xi32>
    %select_n3A_1230 = arith.select %lt3A_1225, %squeeze3A_1224, %select_n3A_1222 : vector<64x128xi1>, vector<64x128xf32>
    %slice3A_1231 = vector.extract_strided_slice %select_n3A_1060 {offsets = [0, 22, 0], sizes = [64, 1, 128], strides = [1, 1, 1]} : vector<64x32x128xf32> to vector<64x1x128xf32>
    %squeeze3A_1232 = vector.shape_cast %slice3A_1231 : vector<64x1x128xf32> to vector<64x128xf32>
    %lt3A_1233 = arith.cmpf olt, %squeeze3A_1232, %select_n3A_1230 : vector<64x128xf32>
    %add3A_1234 = arith.constant 2816 : i32
    %add3A_1235 = vector.broadcast %add3A_1234 : i32 to vector<64x128xi32>
    %add3A_1236 = arith.addi %iota3A, %add3A_1235 : vector<64x128xi32>
    %select_n3A_1237 = arith.select %lt3A_1233, %add3A_1236, %select_n3A_1229 : vector<64x128xi1>, vector<64x128xi32>
    %select_n3A_1238 = arith.select %lt3A_1233, %squeeze3A_1232, %select_n3A_1230 : vector<64x128xi1>, vector<64x128xf32>
    %slice3A_1239 = vector.extract_strided_slice %select_n3A_1060 {offsets = [0, 23, 0], sizes = [64, 1, 128], strides = [1, 1, 1]} : vector<64x32x128xf32> to vector<64x1x128xf32>
    %squeeze3A_1240 = vector.shape_cast %slice3A_1239 : vector<64x1x128xf32> to vector<64x128xf32>
    %lt3A_1241 = arith.cmpf olt, %squeeze3A_1240, %select_n3A_1238 : vector<64x128xf32>
    %add3A_1242 = arith.constant 2944 : i32
    %add3A_1243 = vector.broadcast %add3A_1242 : i32 to vector<64x128xi32>
    %add3A_1244 = arith.addi %iota3A, %add3A_1243 : vector<64x128xi32>
    %select_n3A_1245 = arith.select %lt3A_1241, %add3A_1244, %select_n3A_1237 : vector<64x128xi1>, vector<64x128xi32>
    %select_n3A_1246 = arith.select %lt3A_1241, %squeeze3A_1240, %select_n3A_1238 : vector<64x128xi1>, vector<64x128xf32>
    %slice3A_1247 = vector.extract_strided_slice %select_n3A_1060 {offsets = [0, 24, 0], sizes = [64, 1, 128], strides = [1, 1, 1]} : vector<64x32x128xf32> to vector<64x1x128xf32>
    %squeeze3A_1248 = vector.shape_cast %slice3A_1247 : vector<64x1x128xf32> to vector<64x128xf32>
    %lt3A_1249 = arith.cmpf olt, %squeeze3A_1248, %select_n3A_1246 : vector<64x128xf32>
    %add3A_1250 = arith.constant 3072 : i32
    %add3A_1251 = vector.broadcast %add3A_1250 : i32 to vector<64x128xi32>
    %add3A_1252 = arith.addi %iota3A, %add3A_1251 : vector<64x128xi32>
    %select_n3A_1253 = arith.select %lt3A_1249, %add3A_1252, %select_n3A_1245 : vector<64x128xi1>, vector<64x128xi32>
    %select_n3A_1254 = arith.select %lt3A_1249, %squeeze3A_1248, %select_n3A_1246 : vector<64x128xi1>, vector<64x128xf32>
    %slice3A_1255 = vector.extract_strided_slice %select_n3A_1060 {offsets = [0, 25, 0], sizes = [64, 1, 128], strides = [1, 1, 1]} : vector<64x32x128xf32> to vector<64x1x128xf32>
    %squeeze3A_1256 = vector.shape_cast %slice3A_1255 : vector<64x1x128xf32> to vector<64x128xf32>
    %lt3A_1257 = arith.cmpf olt, %squeeze3A_1256, %select_n3A_1254 : vector<64x128xf32>
    %add3A_1258 = arith.constant 3200 : i32
    %add3A_1259 = vector.broadcast %add3A_1258 : i32 to vector<64x128xi32>
    %add3A_1260 = arith.addi %iota3A, %add3A_1259 : vector<64x128xi32>
    %select_n3A_1261 = arith.select %lt3A_1257, %add3A_1260, %select_n3A_1253 : vector<64x128xi1>, vector<64x128xi32>
    %select_n3A_1262 = arith.select %lt3A_1257, %squeeze3A_1256, %select_n3A_1254 : vector<64x128xi1>, vector<64x128xf32>
    %slice3A_1263 = vector.extract_strided_slice %select_n3A_1060 {offsets = [0, 26, 0], sizes = [64, 1, 128], strides = [1, 1, 1]} : vector<64x32x128xf32> to vector<64x1x128xf32>
    %squeeze3A_1264 = vector.shape_cast %slice3A_1263 : vector<64x1x128xf32> to vector<64x128xf32>
    %lt3A_1265 = arith.cmpf olt, %squeeze3A_1264, %select_n3A_1262 : vector<64x128xf32>
    %add3A_1266 = arith.constant 3328 : i32
    %add3A_1267 = vector.broadcast %add3A_1266 : i32 to vector<64x128xi32>
    %add3A_1268 = arith.addi %iota3A, %add3A_1267 : vector<64x128xi32>
    %select_n3A_1269 = arith.select %lt3A_1265, %add3A_1268, %select_n3A_1261 : vector<64x128xi1>, vector<64x128xi32>
    %select_n3A_1270 = arith.select %lt3A_1265, %squeeze3A_1264, %select_n3A_1262 : vector<64x128xi1>, vector<64x128xf32>
    %slice3A_1271 = vector.extract_strided_slice %select_n3A_1060 {offsets = [0, 27, 0], sizes = [64, 1, 128], strides = [1, 1, 1]} : vector<64x32x128xf32> to vector<64x1x128xf32>
    %squeeze3A_1272 = vector.shape_cast %slice3A_1271 : vector<64x1x128xf32> to vector<64x128xf32>
    %lt3A_1273 = arith.cmpf olt, %squeeze3A_1272, %select_n3A_1270 : vector<64x128xf32>
    %add3A_1274 = arith.constant 3456 : i32
    %add3A_1275 = vector.broadcast %add3A_1274 : i32 to vector<64x128xi32>
    %add3A_1276 = arith.addi %iota3A, %add3A_1275 : vector<64x128xi32>
    %select_n3A_1277 = arith.select %lt3A_1273, %add3A_1276, %select_n3A_1269 : vector<64x128xi1>, vector<64x128xi32>
    %select_n3A_1278 = arith.select %lt3A_1273, %squeeze3A_1272, %select_n3A_1270 : vector<64x128xi1>, vector<64x128xf32>
    %slice3A_1279 = vector.extract_strided_slice %select_n3A_1060 {offsets = [0, 28, 0], sizes = [64, 1, 128], strides = [1, 1, 1]} : vector<64x32x128xf32> to vector<64x1x128xf32>
    %squeeze3A_1280 = vector.shape_cast %slice3A_1279 : vector<64x1x128xf32> to vector<64x128xf32>
    %lt3A_1281 = arith.cmpf olt, %squeeze3A_1280, %select_n3A_1278 : vector<64x128xf32>
    %add3A_1282 = arith.constant 3584 : i32
    %add3A_1283 = vector.broadcast %add3A_1282 : i32 to vector<64x128xi32>
    %add3A_1284 = arith.addi %iota3A, %add3A_1283 : vector<64x128xi32>
    %select_n3A_1285 = arith.select %lt3A_1281, %add3A_1284, %select_n3A_1277 : vector<64x128xi1>, vector<64x128xi32>
    %select_n3A_1286 = arith.select %lt3A_1281, %squeeze3A_1280, %select_n3A_1278 : vector<64x128xi1>, vector<64x128xf32>
    %slice3A_1287 = vector.extract_strided_slice %select_n3A_1060 {offsets = [0, 29, 0], sizes = [64, 1, 128], strides = [1, 1, 1]} : vector<64x32x128xf32> to vector<64x1x128xf32>
    %squeeze3A_1288 = vector.shape_cast %slice3A_1287 : vector<64x1x128xf32> to vector<64x128xf32>
    %lt3A_1289 = arith.cmpf olt, %squeeze3A_1288, %select_n3A_1286 : vector<64x128xf32>
    %add3A_1290 = arith.constant 3712 : i32
    %add3A_1291 = vector.broadcast %add3A_1290 : i32 to vector<64x128xi32>
    %add3A_1292 = arith.addi %iota3A, %add3A_1291 : vector<64x128xi32>
    %select_n3A_1293 = arith.select %lt3A_1289, %add3A_1292, %select_n3A_1285 : vector<64x128xi1>, vector<64x128xi32>
    %select_n3A_1294 = arith.select %lt3A_1289, %squeeze3A_1288, %select_n3A_1286 : vector<64x128xi1>, vector<64x128xf32>
    %slice3A_1295 = vector.extract_strided_slice %select_n3A_1060 {offsets = [0, 30, 0], sizes = [64, 1, 128], strides = [1, 1, 1]} : vector<64x32x128xf32> to vector<64x1x128xf32>
    %squeeze3A_1296 = vector.shape_cast %slice3A_1295 : vector<64x1x128xf32> to vector<64x128xf32>
    %lt3A_1297 = arith.cmpf olt, %squeeze3A_1296, %select_n3A_1294 : vector<64x128xf32>
    %add3A_1298 = arith.constant 3840 : i32
    %add3A_1299 = vector.broadcast %add3A_1298 : i32 to vector<64x128xi32>
    %add3A_1300 = arith.addi %iota3A, %add3A_1299 : vector<64x128xi32>
    %select_n3A_1301 = arith.select %lt3A_1297, %add3A_1300, %select_n3A_1293 : vector<64x128xi1>, vector<64x128xi32>
    %select_n3A_1302 = arith.select %lt3A_1297, %squeeze3A_1296, %select_n3A_1294 : vector<64x128xi1>, vector<64x128xf32>
    %slice3A_1303 = vector.extract_strided_slice %select_n3A_1060 {offsets = [0, 31, 0], sizes = [64, 1, 128], strides = [1, 1, 1]} : vector<64x32x128xf32> to vector<64x1x128xf32>
    %squeeze3A_1304 = vector.shape_cast %slice3A_1303 : vector<64x1x128xf32> to vector<64x128xf32>
    %lt3A_1305 = arith.cmpf olt, %squeeze3A_1304, %select_n3A_1302 : vector<64x128xf32>
    %add3A_1306 = arith.constant 3968 : i32
    %add3A_1307 = vector.broadcast %add3A_1306 : i32 to vector<64x128xi32>
    %add3A_1308 = arith.addi %iota3A, %add3A_1307 : vector<64x128xi32>
    %select_n3A_1309 = arith.select %lt3A_1305, %add3A_1308, %select_n3A_1301 : vector<64x128xi1>, vector<64x128xi32>
    %select_n3A_1310 = arith.select %lt3A_1305, %squeeze3A_1304, %select_n3A_1302 : vector<64x128xi1>, vector<64x128xf32>
    %broadcast_in_dim3A_1311 = vector.shape_cast %select_n3A_1309 : vector<64x128xi32> to vector<64x1x128xi32>
    %eq3A_1312 = vector.broadcast %add3A_39 : vector<1x32x128xi32> to vector<64x32x128xi32>
    %eq3A_1313 = vector.broadcast %broadcast_in_dim3A_1311 : vector<64x1x128xi32> to vector<64x32x128xi32>
    %eq3A_1314 = arith.cmpi eq, %eq3A_1312, %eq3A_1313 : vector<64x32x128xi32>
    %jit3A_1315 = arith.constant 0x7F800000 : f32
    %broadcast_in_dim3A_1316 = vector.broadcast %jit3A_1315 : f32 to vector<64x32x128xf32>
    %select_n3A_1317 = arith.select %eq3A_1314, %broadcast_in_dim3A_1316, %select_n3A_1060 : vector<64x32x128xi1>, vector<64x32x128xf32>
    %slice3A_1318 = vector.extract_strided_slice %select_n3A_1317 {offsets = [0, 0, 0], sizes = [64, 1, 128], strides = [1, 1, 1]} : vector<64x32x128xf32> to vector<64x1x128xf32>
    %squeeze3A_1319 = vector.shape_cast %slice3A_1318 : vector<64x1x128xf32> to vector<64x128xf32>
    %slice3A_1320 = vector.extract_strided_slice %select_n3A_1317 {offsets = [0, 1, 0], sizes = [64, 1, 128], strides = [1, 1, 1]} : vector<64x32x128xf32> to vector<64x1x128xf32>
    %squeeze3A_1321 = vector.shape_cast %slice3A_1320 : vector<64x1x128xf32> to vector<64x128xf32>
    %lt3A_1322 = arith.cmpf olt, %squeeze3A_1321, %squeeze3A_1319 : vector<64x128xf32>
    %add3A_1323 = arith.constant 128 : i32
    %add3A_1324 = vector.broadcast %add3A_1323 : i32 to vector<64x128xi32>
    %add3A_1325 = arith.addi %iota3A, %add3A_1324 : vector<64x128xi32>
    %select_n3A_1326 = arith.select %lt3A_1322, %add3A_1325, %iota3A : vector<64x128xi1>, vector<64x128xi32>
    %select_n3A_1327 = arith.select %lt3A_1322, %squeeze3A_1321, %squeeze3A_1319 : vector<64x128xi1>, vector<64x128xf32>
    %slice3A_1328 = vector.extract_strided_slice %select_n3A_1317 {offsets = [0, 2, 0], sizes = [64, 1, 128], strides = [1, 1, 1]} : vector<64x32x128xf32> to vector<64x1x128xf32>
    %squeeze3A_1329 = vector.shape_cast %slice3A_1328 : vector<64x1x128xf32> to vector<64x128xf32>
    %lt3A_1330 = arith.cmpf olt, %squeeze3A_1329, %select_n3A_1327 : vector<64x128xf32>
    %add3A_1331 = arith.constant 256 : i32
    %add3A_1332 = vector.broadcast %add3A_1331 : i32 to vector<64x128xi32>
    %add3A_1333 = arith.addi %iota3A, %add3A_1332 : vector<64x128xi32>
    %select_n3A_1334 = arith.select %lt3A_1330, %add3A_1333, %select_n3A_1326 : vector<64x128xi1>, vector<64x128xi32>
    %select_n3A_1335 = arith.select %lt3A_1330, %squeeze3A_1329, %select_n3A_1327 : vector<64x128xi1>, vector<64x128xf32>
    %slice3A_1336 = vector.extract_strided_slice %select_n3A_1317 {offsets = [0, 3, 0], sizes = [64, 1, 128], strides = [1, 1, 1]} : vector<64x32x128xf32> to vector<64x1x128xf32>
    %squeeze3A_1337 = vector.shape_cast %slice3A_1336 : vector<64x1x128xf32> to vector<64x128xf32>
    %lt3A_1338 = arith.cmpf olt, %squeeze3A_1337, %select_n3A_1335 : vector<64x128xf32>
    %add3A_1339 = arith.constant 384 : i32
    %add3A_1340 = vector.broadcast %add3A_1339 : i32 to vector<64x128xi32>
    %add3A_1341 = arith.addi %iota3A, %add3A_1340 : vector<64x128xi32>
    %select_n3A_1342 = arith.select %lt3A_1338, %add3A_1341, %select_n3A_1334 : vector<64x128xi1>, vector<64x128xi32>
    %select_n3A_1343 = arith.select %lt3A_1338, %squeeze3A_1337, %select_n3A_1335 : vector<64x128xi1>, vector<64x128xf32>
    %slice3A_1344 = vector.extract_strided_slice %select_n3A_1317 {offsets = [0, 4, 0], sizes = [64, 1, 128], strides = [1, 1, 1]} : vector<64x32x128xf32> to vector<64x1x128xf32>
    %squeeze3A_1345 = vector.shape_cast %slice3A_1344 : vector<64x1x128xf32> to vector<64x128xf32>
    %lt3A_1346 = arith.cmpf olt, %squeeze3A_1345, %select_n3A_1343 : vector<64x128xf32>
    %add3A_1347 = arith.constant 512 : i32
    %add3A_1348 = vector.broadcast %add3A_1347 : i32 to vector<64x128xi32>
    %add3A_1349 = arith.addi %iota3A, %add3A_1348 : vector<64x128xi32>
    %select_n3A_1350 = arith.select %lt3A_1346, %add3A_1349, %select_n3A_1342 : vector<64x128xi1>, vector<64x128xi32>
    %select_n3A_1351 = arith.select %lt3A_1346, %squeeze3A_1345, %select_n3A_1343 : vector<64x128xi1>, vector<64x128xf32>
    %slice3A_1352 = vector.extract_strided_slice %select_n3A_1317 {offsets = [0, 5, 0], sizes = [64, 1, 128], strides = [1, 1, 1]} : vector<64x32x128xf32> to vector<64x1x128xf32>
    %squeeze3A_1353 = vector.shape_cast %slice3A_1352 : vector<64x1x128xf32> to vector<64x128xf32>
    %lt3A_1354 = arith.cmpf olt, %squeeze3A_1353, %select_n3A_1351 : vector<64x128xf32>
    %add3A_1355 = arith.constant 640 : i32
    %add3A_1356 = vector.broadcast %add3A_1355 : i32 to vector<64x128xi32>
    %add3A_1357 = arith.addi %iota3A, %add3A_1356 : vector<64x128xi32>
    %select_n3A_1358 = arith.select %lt3A_1354, %add3A_1357, %select_n3A_1350 : vector<64x128xi1>, vector<64x128xi32>
    %select_n3A_1359 = arith.select %lt3A_1354, %squeeze3A_1353, %select_n3A_1351 : vector<64x128xi1>, vector<64x128xf32>
    %slice3A_1360 = vector.extract_strided_slice %select_n3A_1317 {offsets = [0, 6, 0], sizes = [64, 1, 128], strides = [1, 1, 1]} : vector<64x32x128xf32> to vector<64x1x128xf32>
    %squeeze3A_1361 = vector.shape_cast %slice3A_1360 : vector<64x1x128xf32> to vector<64x128xf32>
    %lt3A_1362 = arith.cmpf olt, %squeeze3A_1361, %select_n3A_1359 : vector<64x128xf32>
    %add3A_1363 = arith.constant 768 : i32
    %add3A_1364 = vector.broadcast %add3A_1363 : i32 to vector<64x128xi32>
    %add3A_1365 = arith.addi %iota3A, %add3A_1364 : vector<64x128xi32>
    %select_n3A_1366 = arith.select %lt3A_1362, %add3A_1365, %select_n3A_1358 : vector<64x128xi1>, vector<64x128xi32>
    %select_n3A_1367 = arith.select %lt3A_1362, %squeeze3A_1361, %select_n3A_1359 : vector<64x128xi1>, vector<64x128xf32>
    %slice3A_1368 = vector.extract_strided_slice %select_n3A_1317 {offsets = [0, 7, 0], sizes = [64, 1, 128], strides = [1, 1, 1]} : vector<64x32x128xf32> to vector<64x1x128xf32>
    %squeeze3A_1369 = vector.shape_cast %slice3A_1368 : vector<64x1x128xf32> to vector<64x128xf32>
    %lt3A_1370 = arith.cmpf olt, %squeeze3A_1369, %select_n3A_1367 : vector<64x128xf32>
    %add3A_1371 = arith.constant 896 : i32
    %add3A_1372 = vector.broadcast %add3A_1371 : i32 to vector<64x128xi32>
    %add3A_1373 = arith.addi %iota3A, %add3A_1372 : vector<64x128xi32>
    %select_n3A_1374 = arith.select %lt3A_1370, %add3A_1373, %select_n3A_1366 : vector<64x128xi1>, vector<64x128xi32>
    %select_n3A_1375 = arith.select %lt3A_1370, %squeeze3A_1369, %select_n3A_1367 : vector<64x128xi1>, vector<64x128xf32>
    %slice3A_1376 = vector.extract_strided_slice %select_n3A_1317 {offsets = [0, 8, 0], sizes = [64, 1, 128], strides = [1, 1, 1]} : vector<64x32x128xf32> to vector<64x1x128xf32>
    %squeeze3A_1377 = vector.shape_cast %slice3A_1376 : vector<64x1x128xf32> to vector<64x128xf32>
    %lt3A_1378 = arith.cmpf olt, %squeeze3A_1377, %select_n3A_1375 : vector<64x128xf32>
    %add3A_1379 = arith.constant 1024 : i32
    %add3A_1380 = vector.broadcast %add3A_1379 : i32 to vector<64x128xi32>
    %add3A_1381 = arith.addi %iota3A, %add3A_1380 : vector<64x128xi32>
    %select_n3A_1382 = arith.select %lt3A_1378, %add3A_1381, %select_n3A_1374 : vector<64x128xi1>, vector<64x128xi32>
    %select_n3A_1383 = arith.select %lt3A_1378, %squeeze3A_1377, %select_n3A_1375 : vector<64x128xi1>, vector<64x128xf32>
    %slice3A_1384 = vector.extract_strided_slice %select_n3A_1317 {offsets = [0, 9, 0], sizes = [64, 1, 128], strides = [1, 1, 1]} : vector<64x32x128xf32> to vector<64x1x128xf32>
    %squeeze3A_1385 = vector.shape_cast %slice3A_1384 : vector<64x1x128xf32> to vector<64x128xf32>
    %lt3A_1386 = arith.cmpf olt, %squeeze3A_1385, %select_n3A_1383 : vector<64x128xf32>
    %add3A_1387 = arith.constant 1152 : i32
    %add3A_1388 = vector.broadcast %add3A_1387 : i32 to vector<64x128xi32>
    %add3A_1389 = arith.addi %iota3A, %add3A_1388 : vector<64x128xi32>
    %select_n3A_1390 = arith.select %lt3A_1386, %add3A_1389, %select_n3A_1382 : vector<64x128xi1>, vector<64x128xi32>
    %select_n3A_1391 = arith.select %lt3A_1386, %squeeze3A_1385, %select_n3A_1383 : vector<64x128xi1>, vector<64x128xf32>
    %slice3A_1392 = vector.extract_strided_slice %select_n3A_1317 {offsets = [0, 10, 0], sizes = [64, 1, 128], strides = [1, 1, 1]} : vector<64x32x128xf32> to vector<64x1x128xf32>
    %squeeze3A_1393 = vector.shape_cast %slice3A_1392 : vector<64x1x128xf32> to vector<64x128xf32>
    %lt3A_1394 = arith.cmpf olt, %squeeze3A_1393, %select_n3A_1391 : vector<64x128xf32>
    %add3A_1395 = arith.constant 1280 : i32
    %add3A_1396 = vector.broadcast %add3A_1395 : i32 to vector<64x128xi32>
    %add3A_1397 = arith.addi %iota3A, %add3A_1396 : vector<64x128xi32>
    %select_n3A_1398 = arith.select %lt3A_1394, %add3A_1397, %select_n3A_1390 : vector<64x128xi1>, vector<64x128xi32>
    %select_n3A_1399 = arith.select %lt3A_1394, %squeeze3A_1393, %select_n3A_1391 : vector<64x128xi1>, vector<64x128xf32>
    %slice3A_1400 = vector.extract_strided_slice %select_n3A_1317 {offsets = [0, 11, 0], sizes = [64, 1, 128], strides = [1, 1, 1]} : vector<64x32x128xf32> to vector<64x1x128xf32>
    %squeeze3A_1401 = vector.shape_cast %slice3A_1400 : vector<64x1x128xf32> to vector<64x128xf32>
    %lt3A_1402 = arith.cmpf olt, %squeeze3A_1401, %select_n3A_1399 : vector<64x128xf32>
    %add3A_1403 = arith.constant 1408 : i32
    %add3A_1404 = vector.broadcast %add3A_1403 : i32 to vector<64x128xi32>
    %add3A_1405 = arith.addi %iota3A, %add3A_1404 : vector<64x128xi32>
    %select_n3A_1406 = arith.select %lt3A_1402, %add3A_1405, %select_n3A_1398 : vector<64x128xi1>, vector<64x128xi32>
    %select_n3A_1407 = arith.select %lt3A_1402, %squeeze3A_1401, %select_n3A_1399 : vector<64x128xi1>, vector<64x128xf32>
    %slice3A_1408 = vector.extract_strided_slice %select_n3A_1317 {offsets = [0, 12, 0], sizes = [64, 1, 128], strides = [1, 1, 1]} : vector<64x32x128xf32> to vector<64x1x128xf32>
    %squeeze3A_1409 = vector.shape_cast %slice3A_1408 : vector<64x1x128xf32> to vector<64x128xf32>
    %lt3A_1410 = arith.cmpf olt, %squeeze3A_1409, %select_n3A_1407 : vector<64x128xf32>
    %add3A_1411 = arith.constant 1536 : i32
    %add3A_1412 = vector.broadcast %add3A_1411 : i32 to vector<64x128xi32>
    %add3A_1413 = arith.addi %iota3A, %add3A_1412 : vector<64x128xi32>
    %select_n3A_1414 = arith.select %lt3A_1410, %add3A_1413, %select_n3A_1406 : vector<64x128xi1>, vector<64x128xi32>
    %select_n3A_1415 = arith.select %lt3A_1410, %squeeze3A_1409, %select_n3A_1407 : vector<64x128xi1>, vector<64x128xf32>
    %slice3A_1416 = vector.extract_strided_slice %select_n3A_1317 {offsets = [0, 13, 0], sizes = [64, 1, 128], strides = [1, 1, 1]} : vector<64x32x128xf32> to vector<64x1x128xf32>
    %squeeze3A_1417 = vector.shape_cast %slice3A_1416 : vector<64x1x128xf32> to vector<64x128xf32>
    %lt3A_1418 = arith.cmpf olt, %squeeze3A_1417, %select_n3A_1415 : vector<64x128xf32>
    %add3A_1419 = arith.constant 1664 : i32
    %add3A_1420 = vector.broadcast %add3A_1419 : i32 to vector<64x128xi32>
    %add3A_1421 = arith.addi %iota3A, %add3A_1420 : vector<64x128xi32>
    %select_n3A_1422 = arith.select %lt3A_1418, %add3A_1421, %select_n3A_1414 : vector<64x128xi1>, vector<64x128xi32>
    %select_n3A_1423 = arith.select %lt3A_1418, %squeeze3A_1417, %select_n3A_1415 : vector<64x128xi1>, vector<64x128xf32>
    %slice3A_1424 = vector.extract_strided_slice %select_n3A_1317 {offsets = [0, 14, 0], sizes = [64, 1, 128], strides = [1, 1, 1]} : vector<64x32x128xf32> to vector<64x1x128xf32>
    %squeeze3A_1425 = vector.shape_cast %slice3A_1424 : vector<64x1x128xf32> to vector<64x128xf32>
    %lt3A_1426 = arith.cmpf olt, %squeeze3A_1425, %select_n3A_1423 : vector<64x128xf32>
    %add3A_1427 = arith.constant 1792 : i32
    %add3A_1428 = vector.broadcast %add3A_1427 : i32 to vector<64x128xi32>
    %add3A_1429 = arith.addi %iota3A, %add3A_1428 : vector<64x128xi32>
    %select_n3A_1430 = arith.select %lt3A_1426, %add3A_1429, %select_n3A_1422 : vector<64x128xi1>, vector<64x128xi32>
    %select_n3A_1431 = arith.select %lt3A_1426, %squeeze3A_1425, %select_n3A_1423 : vector<64x128xi1>, vector<64x128xf32>
    %slice3A_1432 = vector.extract_strided_slice %select_n3A_1317 {offsets = [0, 15, 0], sizes = [64, 1, 128], strides = [1, 1, 1]} : vector<64x32x128xf32> to vector<64x1x128xf32>
    %squeeze3A_1433 = vector.shape_cast %slice3A_1432 : vector<64x1x128xf32> to vector<64x128xf32>
    %lt3A_1434 = arith.cmpf olt, %squeeze3A_1433, %select_n3A_1431 : vector<64x128xf32>
    %add3A_1435 = arith.constant 1920 : i32
    %add3A_1436 = vector.broadcast %add3A_1435 : i32 to vector<64x128xi32>
    %add3A_1437 = arith.addi %iota3A, %add3A_1436 : vector<64x128xi32>
    %select_n3A_1438 = arith.select %lt3A_1434, %add3A_1437, %select_n3A_1430 : vector<64x128xi1>, vector<64x128xi32>
    %select_n3A_1439 = arith.select %lt3A_1434, %squeeze3A_1433, %select_n3A_1431 : vector<64x128xi1>, vector<64x128xf32>
    %slice3A_1440 = vector.extract_strided_slice %select_n3A_1317 {offsets = [0, 16, 0], sizes = [64, 1, 128], strides = [1, 1, 1]} : vector<64x32x128xf32> to vector<64x1x128xf32>
    %squeeze3A_1441 = vector.shape_cast %slice3A_1440 : vector<64x1x128xf32> to vector<64x128xf32>
    %lt3A_1442 = arith.cmpf olt, %squeeze3A_1441, %select_n3A_1439 : vector<64x128xf32>
    %add3A_1443 = arith.constant 2048 : i32
    %add3A_1444 = vector.broadcast %add3A_1443 : i32 to vector<64x128xi32>
    %add3A_1445 = arith.addi %iota3A, %add3A_1444 : vector<64x128xi32>
    %select_n3A_1446 = arith.select %lt3A_1442, %add3A_1445, %select_n3A_1438 : vector<64x128xi1>, vector<64x128xi32>
    %select_n3A_1447 = arith.select %lt3A_1442, %squeeze3A_1441, %select_n3A_1439 : vector<64x128xi1>, vector<64x128xf32>
    %slice3A_1448 = vector.extract_strided_slice %select_n3A_1317 {offsets = [0, 17, 0], sizes = [64, 1, 128], strides = [1, 1, 1]} : vector<64x32x128xf32> to vector<64x1x128xf32>
    %squeeze3A_1449 = vector.shape_cast %slice3A_1448 : vector<64x1x128xf32> to vector<64x128xf32>
    %lt3A_1450 = arith.cmpf olt, %squeeze3A_1449, %select_n3A_1447 : vector<64x128xf32>
    %add3A_1451 = arith.constant 2176 : i32
    %add3A_1452 = vector.broadcast %add3A_1451 : i32 to vector<64x128xi32>
    %add3A_1453 = arith.addi %iota3A, %add3A_1452 : vector<64x128xi32>
    %select_n3A_1454 = arith.select %lt3A_1450, %add3A_1453, %select_n3A_1446 : vector<64x128xi1>, vector<64x128xi32>
    %select_n3A_1455 = arith.select %lt3A_1450, %squeeze3A_1449, %select_n3A_1447 : vector<64x128xi1>, vector<64x128xf32>
    %slice3A_1456 = vector.extract_strided_slice %select_n3A_1317 {offsets = [0, 18, 0], sizes = [64, 1, 128], strides = [1, 1, 1]} : vector<64x32x128xf32> to vector<64x1x128xf32>
    %squeeze3A_1457 = vector.shape_cast %slice3A_1456 : vector<64x1x128xf32> to vector<64x128xf32>
    %lt3A_1458 = arith.cmpf olt, %squeeze3A_1457, %select_n3A_1455 : vector<64x128xf32>
    %add3A_1459 = arith.constant 2304 : i32
    %add3A_1460 = vector.broadcast %add3A_1459 : i32 to vector<64x128xi32>
    %add3A_1461 = arith.addi %iota3A, %add3A_1460 : vector<64x128xi32>
    %select_n3A_1462 = arith.select %lt3A_1458, %add3A_1461, %select_n3A_1454 : vector<64x128xi1>, vector<64x128xi32>
    %select_n3A_1463 = arith.select %lt3A_1458, %squeeze3A_1457, %select_n3A_1455 : vector<64x128xi1>, vector<64x128xf32>
    %slice3A_1464 = vector.extract_strided_slice %select_n3A_1317 {offsets = [0, 19, 0], sizes = [64, 1, 128], strides = [1, 1, 1]} : vector<64x32x128xf32> to vector<64x1x128xf32>
    %squeeze3A_1465 = vector.shape_cast %slice3A_1464 : vector<64x1x128xf32> to vector<64x128xf32>
    %lt3A_1466 = arith.cmpf olt, %squeeze3A_1465, %select_n3A_1463 : vector<64x128xf32>
    %add3A_1467 = arith.constant 2432 : i32
    %add3A_1468 = vector.broadcast %add3A_1467 : i32 to vector<64x128xi32>
    %add3A_1469 = arith.addi %iota3A, %add3A_1468 : vector<64x128xi32>
    %select_n3A_1470 = arith.select %lt3A_1466, %add3A_1469, %select_n3A_1462 : vector<64x128xi1>, vector<64x128xi32>
    %select_n3A_1471 = arith.select %lt3A_1466, %squeeze3A_1465, %select_n3A_1463 : vector<64x128xi1>, vector<64x128xf32>
    %slice3A_1472 = vector.extract_strided_slice %select_n3A_1317 {offsets = [0, 20, 0], sizes = [64, 1, 128], strides = [1, 1, 1]} : vector<64x32x128xf32> to vector<64x1x128xf32>
    %squeeze3A_1473 = vector.shape_cast %slice3A_1472 : vector<64x1x128xf32> to vector<64x128xf32>
    %lt3A_1474 = arith.cmpf olt, %squeeze3A_1473, %select_n3A_1471 : vector<64x128xf32>
    %add3A_1475 = arith.constant 2560 : i32
    %add3A_1476 = vector.broadcast %add3A_1475 : i32 to vector<64x128xi32>
    %add3A_1477 = arith.addi %iota3A, %add3A_1476 : vector<64x128xi32>
    %select_n3A_1478 = arith.select %lt3A_1474, %add3A_1477, %select_n3A_1470 : vector<64x128xi1>, vector<64x128xi32>
    %select_n3A_1479 = arith.select %lt3A_1474, %squeeze3A_1473, %select_n3A_1471 : vector<64x128xi1>, vector<64x128xf32>
    %slice3A_1480 = vector.extract_strided_slice %select_n3A_1317 {offsets = [0, 21, 0], sizes = [64, 1, 128], strides = [1, 1, 1]} : vector<64x32x128xf32> to vector<64x1x128xf32>
    %squeeze3A_1481 = vector.shape_cast %slice3A_1480 : vector<64x1x128xf32> to vector<64x128xf32>
    %lt3A_1482 = arith.cmpf olt, %squeeze3A_1481, %select_n3A_1479 : vector<64x128xf32>
    %add3A_1483 = arith.constant 2688 : i32
    %add3A_1484 = vector.broadcast %add3A_1483 : i32 to vector<64x128xi32>
    %add3A_1485 = arith.addi %iota3A, %add3A_1484 : vector<64x128xi32>
    %select_n3A_1486 = arith.select %lt3A_1482, %add3A_1485, %select_n3A_1478 : vector<64x128xi1>, vector<64x128xi32>
    %select_n3A_1487 = arith.select %lt3A_1482, %squeeze3A_1481, %select_n3A_1479 : vector<64x128xi1>, vector<64x128xf32>
    %slice3A_1488 = vector.extract_strided_slice %select_n3A_1317 {offsets = [0, 22, 0], sizes = [64, 1, 128], strides = [1, 1, 1]} : vector<64x32x128xf32> to vector<64x1x128xf32>
    %squeeze3A_1489 = vector.shape_cast %slice3A_1488 : vector<64x1x128xf32> to vector<64x128xf32>
    %lt3A_1490 = arith.cmpf olt, %squeeze3A_1489, %select_n3A_1487 : vector<64x128xf32>
    %add3A_1491 = arith.constant 2816 : i32
    %add3A_1492 = vector.broadcast %add3A_1491 : i32 to vector<64x128xi32>
    %add3A_1493 = arith.addi %iota3A, %add3A_1492 : vector<64x128xi32>
    %select_n3A_1494 = arith.select %lt3A_1490, %add3A_1493, %select_n3A_1486 : vector<64x128xi1>, vector<64x128xi32>
    %select_n3A_1495 = arith.select %lt3A_1490, %squeeze3A_1489, %select_n3A_1487 : vector<64x128xi1>, vector<64x128xf32>
    %slice3A_1496 = vector.extract_strided_slice %select_n3A_1317 {offsets = [0, 23, 0], sizes = [64, 1, 128], strides = [1, 1, 1]} : vector<64x32x128xf32> to vector<64x1x128xf32>
    %squeeze3A_1497 = vector.shape_cast %slice3A_1496 : vector<64x1x128xf32> to vector<64x128xf32>
    %lt3A_1498 = arith.cmpf olt, %squeeze3A_1497, %select_n3A_1495 : vector<64x128xf32>
    %add3A_1499 = arith.constant 2944 : i32
    %add3A_1500 = vector.broadcast %add3A_1499 : i32 to vector<64x128xi32>
    %add3A_1501 = arith.addi %iota3A, %add3A_1500 : vector<64x128xi32>
    %select_n3A_1502 = arith.select %lt3A_1498, %add3A_1501, %select_n3A_1494 : vector<64x128xi1>, vector<64x128xi32>
    %select_n3A_1503 = arith.select %lt3A_1498, %squeeze3A_1497, %select_n3A_1495 : vector<64x128xi1>, vector<64x128xf32>
    %slice3A_1504 = vector.extract_strided_slice %select_n3A_1317 {offsets = [0, 24, 0], sizes = [64, 1, 128], strides = [1, 1, 1]} : vector<64x32x128xf32> to vector<64x1x128xf32>
    %squeeze3A_1505 = vector.shape_cast %slice3A_1504 : vector<64x1x128xf32> to vector<64x128xf32>
    %lt3A_1506 = arith.cmpf olt, %squeeze3A_1505, %select_n3A_1503 : vector<64x128xf32>
    %add3A_1507 = arith.constant 3072 : i32
    %add3A_1508 = vector.broadcast %add3A_1507 : i32 to vector<64x128xi32>
    %add3A_1509 = arith.addi %iota3A, %add3A_1508 : vector<64x128xi32>
    %select_n3A_1510 = arith.select %lt3A_1506, %add3A_1509, %select_n3A_1502 : vector<64x128xi1>, vector<64x128xi32>
    %select_n3A_1511 = arith.select %lt3A_1506, %squeeze3A_1505, %select_n3A_1503 : vector<64x128xi1>, vector<64x128xf32>
    %slice3A_1512 = vector.extract_strided_slice %select_n3A_1317 {offsets = [0, 25, 0], sizes = [64, 1, 128], strides = [1, 1, 1]} : vector<64x32x128xf32> to vector<64x1x128xf32>
    %squeeze3A_1513 = vector.shape_cast %slice3A_1512 : vector<64x1x128xf32> to vector<64x128xf32>
    %lt3A_1514 = arith.cmpf olt, %squeeze3A_1513, %select_n3A_1511 : vector<64x128xf32>
    %add3A_1515 = arith.constant 3200 : i32
    %add3A_1516 = vector.broadcast %add3A_1515 : i32 to vector<64x128xi32>
    %add3A_1517 = arith.addi %iota3A, %add3A_1516 : vector<64x128xi32>
    %select_n3A_1518 = arith.select %lt3A_1514, %add3A_1517, %select_n3A_1510 : vector<64x128xi1>, vector<64x128xi32>
    %select_n3A_1519 = arith.select %lt3A_1514, %squeeze3A_1513, %select_n3A_1511 : vector<64x128xi1>, vector<64x128xf32>
    %slice3A_1520 = vector.extract_strided_slice %select_n3A_1317 {offsets = [0, 26, 0], sizes = [64, 1, 128], strides = [1, 1, 1]} : vector<64x32x128xf32> to vector<64x1x128xf32>
    %squeeze3A_1521 = vector.shape_cast %slice3A_1520 : vector<64x1x128xf32> to vector<64x128xf32>
    %lt3A_1522 = arith.cmpf olt, %squeeze3A_1521, %select_n3A_1519 : vector<64x128xf32>
    %add3A_1523 = arith.constant 3328 : i32
    %add3A_1524 = vector.broadcast %add3A_1523 : i32 to vector<64x128xi32>
    %add3A_1525 = arith.addi %iota3A, %add3A_1524 : vector<64x128xi32>
    %select_n3A_1526 = arith.select %lt3A_1522, %add3A_1525, %select_n3A_1518 : vector<64x128xi1>, vector<64x128xi32>
    %select_n3A_1527 = arith.select %lt3A_1522, %squeeze3A_1521, %select_n3A_1519 : vector<64x128xi1>, vector<64x128xf32>
    %slice3A_1528 = vector.extract_strided_slice %select_n3A_1317 {offsets = [0, 27, 0], sizes = [64, 1, 128], strides = [1, 1, 1]} : vector<64x32x128xf32> to vector<64x1x128xf32>
    %squeeze3A_1529 = vector.shape_cast %slice3A_1528 : vector<64x1x128xf32> to vector<64x128xf32>
    %lt3A_1530 = arith.cmpf olt, %squeeze3A_1529, %select_n3A_1527 : vector<64x128xf32>
    %add3A_1531 = arith.constant 3456 : i32
    %add3A_1532 = vector.broadcast %add3A_1531 : i32 to vector<64x128xi32>
    %add3A_1533 = arith.addi %iota3A, %add3A_1532 : vector<64x128xi32>
    %select_n3A_1534 = arith.select %lt3A_1530, %add3A_1533, %select_n3A_1526 : vector<64x128xi1>, vector<64x128xi32>
    %select_n3A_1535 = arith.select %lt3A_1530, %squeeze3A_1529, %select_n3A_1527 : vector<64x128xi1>, vector<64x128xf32>
    %slice3A_1536 = vector.extract_strided_slice %select_n3A_1317 {offsets = [0, 28, 0], sizes = [64, 1, 128], strides = [1, 1, 1]} : vector<64x32x128xf32> to vector<64x1x128xf32>
    %squeeze3A_1537 = vector.shape_cast %slice3A_1536 : vector<64x1x128xf32> to vector<64x128xf32>
    %lt3A_1538 = arith.cmpf olt, %squeeze3A_1537, %select_n3A_1535 : vector<64x128xf32>
    %add3A_1539 = arith.constant 3584 : i32
    %add3A_1540 = vector.broadcast %add3A_1539 : i32 to vector<64x128xi32>
    %add3A_1541 = arith.addi %iota3A, %add3A_1540 : vector<64x128xi32>
    %select_n3A_1542 = arith.select %lt3A_1538, %add3A_1541, %select_n3A_1534 : vector<64x128xi1>, vector<64x128xi32>
    %select_n3A_1543 = arith.select %lt3A_1538, %squeeze3A_1537, %select_n3A_1535 : vector<64x128xi1>, vector<64x128xf32>
    %slice3A_1544 = vector.extract_strided_slice %select_n3A_1317 {offsets = [0, 29, 0], sizes = [64, 1, 128], strides = [1, 1, 1]} : vector<64x32x128xf32> to vector<64x1x128xf32>
    %squeeze3A_1545 = vector.shape_cast %slice3A_1544 : vector<64x1x128xf32> to vector<64x128xf32>
    %lt3A_1546 = arith.cmpf olt, %squeeze3A_1545, %select_n3A_1543 : vector<64x128xf32>
    %add3A_1547 = arith.constant 3712 : i32
    %add3A_1548 = vector.broadcast %add3A_1547 : i32 to vector<64x128xi32>
    %add3A_1549 = arith.addi %iota3A, %add3A_1548 : vector<64x128xi32>
    %select_n3A_1550 = arith.select %lt3A_1546, %add3A_1549, %select_n3A_1542 : vector<64x128xi1>, vector<64x128xi32>
    %select_n3A_1551 = arith.select %lt3A_1546, %squeeze3A_1545, %select_n3A_1543 : vector<64x128xi1>, vector<64x128xf32>
    %slice3A_1552 = vector.extract_strided_slice %select_n3A_1317 {offsets = [0, 30, 0], sizes = [64, 1, 128], strides = [1, 1, 1]} : vector<64x32x128xf32> to vector<64x1x128xf32>
    %squeeze3A_1553 = vector.shape_cast %slice3A_1552 : vector<64x1x128xf32> to vector<64x128xf32>
    %lt3A_1554 = arith.cmpf olt, %squeeze3A_1553, %select_n3A_1551 : vector<64x128xf32>
    %add3A_1555 = arith.constant 3840 : i32
    %add3A_1556 = vector.broadcast %add3A_1555 : i32 to vector<64x128xi32>
    %add3A_1557 = arith.addi %iota3A, %add3A_1556 : vector<64x128xi32>
    %select_n3A_1558 = arith.select %lt3A_1554, %add3A_1557, %select_n3A_1550 : vector<64x128xi1>, vector<64x128xi32>
    %select_n3A_1559 = arith.select %lt3A_1554, %squeeze3A_1553, %select_n3A_1551 : vector<64x128xi1>, vector<64x128xf32>
    %slice3A_1560 = vector.extract_strided_slice %select_n3A_1317 {offsets = [0, 31, 0], sizes = [64, 1, 128], strides = [1, 1, 1]} : vector<64x32x128xf32> to vector<64x1x128xf32>
    %squeeze3A_1561 = vector.shape_cast %slice3A_1560 : vector<64x1x128xf32> to vector<64x128xf32>
    %lt3A_1562 = arith.cmpf olt, %squeeze3A_1561, %select_n3A_1559 : vector<64x128xf32>
    %add3A_1563 = arith.constant 3968 : i32
    %add3A_1564 = vector.broadcast %add3A_1563 : i32 to vector<64x128xi32>
    %add3A_1565 = arith.addi %iota3A, %add3A_1564 : vector<64x128xi32>
    %select_n3A_1566 = arith.select %lt3A_1562, %add3A_1565, %select_n3A_1558 : vector<64x128xi1>, vector<64x128xi32>
    %select_n3A_1567 = arith.select %lt3A_1562, %squeeze3A_1561, %select_n3A_1559 : vector<64x128xi1>, vector<64x128xf32>
    %broadcast_in_dim3A_1568 = arith.constant 0 : i32
    %broadcast_in_dim3A_1569 = vector.broadcast %broadcast_in_dim3A_1568 : i32 to vector<64x128xi32>
    %reduce_min3A = arith.constant dense<0x7F800000> : vector<64xf32>
    %reduce_min3A_1570 = vector.multi_reduction <minimumf>, %select_n3A_285, %reduce_min3A [1] : vector<64x128xf32> to vector<64xf32>
    %broadcast_in_dim3A_1571 = vector.shape_cast %reduce_min3A_1570 : vector<64xf32> to vector<64x1xf32>
    %eq3A_1572 = vector.broadcast %broadcast_in_dim3A_1571 : vector<64x1xf32> to vector<64x128xf32>
    %eq3A_1573 = arith.cmpf oeq, %select_n3A_285, %eq3A_1572 : vector<64x128xf32>
    %jit3A_1574 = arith.constant 1073741824 : i32
    %broadcast_in_dim3A_1575 = vector.broadcast %jit3A_1574 : i32 to vector<64x128xi32>
    %select_n3A_1576 = arith.select %eq3A_1573, %select_n3A_284, %broadcast_in_dim3A_1575 : vector<64x128xi1>, vector<64x128xi32>
    %reduce_min3A_1577 = arith.constant dense<2147483647> : vector<64xi32>
    %reduce_min3A_1578 = vector.multi_reduction <minsi>, %select_n3A_1576, %reduce_min3A_1577 [1] : vector<64x128xi32> to vector<64xi32>
    %broadcast_in_dim3A_1579 = vector.shape_cast %reduce_min3A_1578 : vector<64xi32> to vector<64x1xi32>
    %eq3A_1580 = vector.broadcast %broadcast_in_dim3A_1579 : vector<64x1xi32> to vector<64x128xi32>
    %eq3A_1581 = arith.cmpi eq, %select_n3A_284, %eq3A_1580 : vector<64x128xi32>
    %jit3A_1582 = arith.constant 1 : i32
    %jit3A_1583 = arith.constant 0 : i32
    %broadcast_in_dim3A_1584 = vector.broadcast %jit3A_1582 : i32 to vector<64x128xi32>
    %broadcast_in_dim3A_1585 = vector.broadcast %jit3A_1583 : i32 to vector<64x128xi32>
    %select_n3A_1586 = arith.select %eq3A_1581, %broadcast_in_dim3A_1584, %broadcast_in_dim3A_1585 : vector<64x128xi1>, vector<64x128xi32>
    %add3A_1587 = arith.addi %broadcast_in_dim3A_1569, %select_n3A_1586 : vector<64x128xi32>
    %broadcast_in_dim3A_1588 = arith.constant 0x7F800000 : f32
    %broadcast_in_dim3A_1589 = vector.broadcast %broadcast_in_dim3A_1588 : f32 to vector<64x128xf32>
    %broadcast_in_dim3A_1590 = arith.constant 1073741824 : i32
    %broadcast_in_dim3A_1591 = vector.broadcast %broadcast_in_dim3A_1590 : i32 to vector<64x128xi32>
    %eq3A_1592 = arith.constant 1 : i32
    %eq3A_1593 = vector.broadcast %eq3A_1592 : i32 to vector<64x128xi32>
    %eq3A_1594 = arith.cmpi eq, %add3A_1587, %eq3A_1593 : vector<64x128xi32>
    %select_n3A_1595 = arith.select %eq3A_1594, %select_n3A_539, %broadcast_in_dim3A_1589 : vector<64x128xi1>, vector<64x128xf32>
    %select_n3A_1596 = arith.select %eq3A_1594, %select_n3A_538, %broadcast_in_dim3A_1591 : vector<64x128xi1>, vector<64x128xi32>
    %eq3A_1597 = arith.constant 2 : i32
    %eq3A_1598 = vector.broadcast %eq3A_1597 : i32 to vector<64x128xi32>
    %eq3A_1599 = arith.cmpi eq, %add3A_1587, %eq3A_1598 : vector<64x128xi32>
    %select_n3A_1600 = arith.select %eq3A_1599, %select_n3A_796, %select_n3A_1595 : vector<64x128xi1>, vector<64x128xf32>
    %select_n3A_1601 = arith.select %eq3A_1599, %select_n3A_795, %select_n3A_1596 : vector<64x128xi1>, vector<64x128xi32>
    %eq3A_1602 = arith.constant 3 : i32
    %eq3A_1603 = vector.broadcast %eq3A_1602 : i32 to vector<64x128xi32>
    %eq3A_1604 = arith.cmpi eq, %add3A_1587, %eq3A_1603 : vector<64x128xi32>
    %select_n3A_1605 = arith.select %eq3A_1604, %select_n3A_1053, %select_n3A_1600 : vector<64x128xi1>, vector<64x128xf32>
    %select_n3A_1606 = arith.select %eq3A_1604, %select_n3A_1052, %select_n3A_1601 : vector<64x128xi1>, vector<64x128xi32>
    %eq3A_1607 = arith.constant 4 : i32
    %eq3A_1608 = vector.broadcast %eq3A_1607 : i32 to vector<64x128xi32>
    %eq3A_1609 = arith.cmpi eq, %add3A_1587, %eq3A_1608 : vector<64x128xi32>
    %select_n3A_1610 = arith.select %eq3A_1609, %select_n3A_1310, %select_n3A_1605 : vector<64x128xi1>, vector<64x128xf32>
    %select_n3A_1611 = arith.select %eq3A_1609, %select_n3A_1309, %select_n3A_1606 : vector<64x128xi1>, vector<64x128xi32>
    %eq3A_1612 = arith.constant 5 : i32
    %eq3A_1613 = vector.broadcast %eq3A_1612 : i32 to vector<64x128xi32>
    %eq3A_1614 = arith.cmpi eq, %add3A_1587, %eq3A_1613 : vector<64x128xi32>
    %select_n3A_1615 = arith.select %eq3A_1614, %select_n3A_1567, %select_n3A_1610 : vector<64x128xi1>, vector<64x128xf32>
    %select_n3A_1616 = arith.select %eq3A_1614, %select_n3A_1566, %select_n3A_1611 : vector<64x128xi1>, vector<64x128xi32>
    %select_n3A_1617 = arith.select %eq3A_1581, %select_n3A_1615, %select_n3A_285 : vector<64x128xi1>, vector<64x128xf32>
    %select_n3A_1618 = arith.select %eq3A_1581, %select_n3A_1616, %select_n3A_284 : vector<64x128xi1>, vector<64x128xi32>
    %reduce_min3A_1619 = arith.constant dense<0x7F800000> : vector<64xf32>
    %reduce_min3A_1620 = vector.multi_reduction <minimumf>, %select_n3A_1617, %reduce_min3A_1619 [1] : vector<64x128xf32> to vector<64xf32>
    %broadcast_in_dim3A_1621 = vector.shape_cast %reduce_min3A_1620 : vector<64xf32> to vector<64x1xf32>
    %eq3A_1622 = vector.broadcast %broadcast_in_dim3A_1621 : vector<64x1xf32> to vector<64x128xf32>
    %eq3A_1623 = arith.cmpf oeq, %select_n3A_1617, %eq3A_1622 : vector<64x128xf32>
    %jit3A_1624 = arith.constant 1073741824 : i32
    %broadcast_in_dim3A_1625 = vector.broadcast %jit3A_1624 : i32 to vector<64x128xi32>
    %select_n3A_1626 = arith.select %eq3A_1623, %select_n3A_1618, %broadcast_in_dim3A_1625 : vector<64x128xi1>, vector<64x128xi32>
    %reduce_min3A_1627 = arith.constant dense<2147483647> : vector<64xi32>
    %reduce_min3A_1628 = vector.multi_reduction <minsi>, %select_n3A_1626, %reduce_min3A_1627 [1] : vector<64x128xi32> to vector<64xi32>
    %broadcast_in_dim3A_1629 = vector.shape_cast %reduce_min3A_1628 : vector<64xi32> to vector<64x1xi32>
    %eq3A_1630 = vector.broadcast %broadcast_in_dim3A_1629 : vector<64x1xi32> to vector<64x128xi32>
    %eq3A_1631 = arith.cmpi eq, %select_n3A_1618, %eq3A_1630 : vector<64x128xi32>
    %jit3A_1632 = arith.constant 1 : i32
    %jit3A_1633 = arith.constant 0 : i32
    %broadcast_in_dim3A_1634 = vector.broadcast %jit3A_1632 : i32 to vector<64x128xi32>
    %broadcast_in_dim3A_1635 = vector.broadcast %jit3A_1633 : i32 to vector<64x128xi32>
    %select_n3A_1636 = arith.select %eq3A_1631, %broadcast_in_dim3A_1634, %broadcast_in_dim3A_1635 : vector<64x128xi1>, vector<64x128xi32>
    %add3A_1637 = arith.addi %add3A_1587, %select_n3A_1636 : vector<64x128xi32>
    %broadcast_in_dim3A_1638 = arith.constant 0x7F800000 : f32
    %broadcast_in_dim3A_1639 = vector.broadcast %broadcast_in_dim3A_1638 : f32 to vector<64x128xf32>
    %broadcast_in_dim3A_1640 = arith.constant 1073741824 : i32
    %broadcast_in_dim3A_1641 = vector.broadcast %broadcast_in_dim3A_1640 : i32 to vector<64x128xi32>
    %eq3A_1642 = arith.constant 1 : i32
    %eq3A_1643 = vector.broadcast %eq3A_1642 : i32 to vector<64x128xi32>
    %eq3A_1644 = arith.cmpi eq, %add3A_1637, %eq3A_1643 : vector<64x128xi32>
    %select_n3A_1645 = arith.select %eq3A_1644, %select_n3A_539, %broadcast_in_dim3A_1639 : vector<64x128xi1>, vector<64x128xf32>
    %select_n3A_1646 = arith.select %eq3A_1644, %select_n3A_538, %broadcast_in_dim3A_1641 : vector<64x128xi1>, vector<64x128xi32>
    %eq3A_1647 = arith.constant 2 : i32
    %eq3A_1648 = vector.broadcast %eq3A_1647 : i32 to vector<64x128xi32>
    %eq3A_1649 = arith.cmpi eq, %add3A_1637, %eq3A_1648 : vector<64x128xi32>
    %select_n3A_1650 = arith.select %eq3A_1649, %select_n3A_796, %select_n3A_1645 : vector<64x128xi1>, vector<64x128xf32>
    %select_n3A_1651 = arith.select %eq3A_1649, %select_n3A_795, %select_n3A_1646 : vector<64x128xi1>, vector<64x128xi32>
    %eq3A_1652 = arith.constant 3 : i32
    %eq3A_1653 = vector.broadcast %eq3A_1652 : i32 to vector<64x128xi32>
    %eq3A_1654 = arith.cmpi eq, %add3A_1637, %eq3A_1653 : vector<64x128xi32>
    %select_n3A_1655 = arith.select %eq3A_1654, %select_n3A_1053, %select_n3A_1650 : vector<64x128xi1>, vector<64x128xf32>
    %select_n3A_1656 = arith.select %eq3A_1654, %select_n3A_1052, %select_n3A_1651 : vector<64x128xi1>, vector<64x128xi32>
    %eq3A_1657 = arith.constant 4 : i32
    %eq3A_1658 = vector.broadcast %eq3A_1657 : i32 to vector<64x128xi32>
    %eq3A_1659 = arith.cmpi eq, %add3A_1637, %eq3A_1658 : vector<64x128xi32>
    %select_n3A_1660 = arith.select %eq3A_1659, %select_n3A_1310, %select_n3A_1655 : vector<64x128xi1>, vector<64x128xf32>
    %select_n3A_1661 = arith.select %eq3A_1659, %select_n3A_1309, %select_n3A_1656 : vector<64x128xi1>, vector<64x128xi32>
    %eq3A_1662 = arith.constant 5 : i32
    %eq3A_1663 = vector.broadcast %eq3A_1662 : i32 to vector<64x128xi32>
    %eq3A_1664 = arith.cmpi eq, %add3A_1637, %eq3A_1663 : vector<64x128xi32>
    %select_n3A_1665 = arith.select %eq3A_1664, %select_n3A_1567, %select_n3A_1660 : vector<64x128xi1>, vector<64x128xf32>
    %select_n3A_1666 = arith.select %eq3A_1664, %select_n3A_1566, %select_n3A_1661 : vector<64x128xi1>, vector<64x128xi32>
    %select_n3A_1667 = arith.select %eq3A_1631, %select_n3A_1665, %select_n3A_1617 : vector<64x128xi1>, vector<64x128xf32>
    %select_n3A_1668 = arith.select %eq3A_1631, %select_n3A_1666, %select_n3A_1618 : vector<64x128xi1>, vector<64x128xi32>
    %reduce_min3A_1669 = arith.constant dense<0x7F800000> : vector<64xf32>
    %reduce_min3A_1670 = vector.multi_reduction <minimumf>, %select_n3A_1667, %reduce_min3A_1669 [1] : vector<64x128xf32> to vector<64xf32>
    %broadcast_in_dim3A_1671 = vector.shape_cast %reduce_min3A_1670 : vector<64xf32> to vector<64x1xf32>
    %eq3A_1672 = vector.broadcast %broadcast_in_dim3A_1671 : vector<64x1xf32> to vector<64x128xf32>
    %eq3A_1673 = arith.cmpf oeq, %select_n3A_1667, %eq3A_1672 : vector<64x128xf32>
    %jit3A_1674 = arith.constant 1073741824 : i32
    %broadcast_in_dim3A_1675 = vector.broadcast %jit3A_1674 : i32 to vector<64x128xi32>
    %select_n3A_1676 = arith.select %eq3A_1673, %select_n3A_1668, %broadcast_in_dim3A_1675 : vector<64x128xi1>, vector<64x128xi32>
    %reduce_min3A_1677 = arith.constant dense<2147483647> : vector<64xi32>
    %reduce_min3A_1678 = vector.multi_reduction <minsi>, %select_n3A_1676, %reduce_min3A_1677 [1] : vector<64x128xi32> to vector<64xi32>
    %broadcast_in_dim3A_1679 = vector.shape_cast %reduce_min3A_1678 : vector<64xi32> to vector<64x1xi32>
    %eq3A_1680 = vector.broadcast %broadcast_in_dim3A_1679 : vector<64x1xi32> to vector<64x128xi32>
    %eq3A_1681 = arith.cmpi eq, %select_n3A_1668, %eq3A_1680 : vector<64x128xi32>
    %jit3A_1682 = arith.constant 1 : i32
    %jit3A_1683 = arith.constant 0 : i32
    %broadcast_in_dim3A_1684 = vector.broadcast %jit3A_1682 : i32 to vector<64x128xi32>
    %broadcast_in_dim3A_1685 = vector.broadcast %jit3A_1683 : i32 to vector<64x128xi32>
    %select_n3A_1686 = arith.select %eq3A_1681, %broadcast_in_dim3A_1684, %broadcast_in_dim3A_1685 : vector<64x128xi1>, vector<64x128xi32>
    %add3A_1687 = arith.addi %add3A_1637, %select_n3A_1686 : vector<64x128xi32>
    %broadcast_in_dim3A_1688 = arith.constant 0x7F800000 : f32
    %broadcast_in_dim3A_1689 = vector.broadcast %broadcast_in_dim3A_1688 : f32 to vector<64x128xf32>
    %broadcast_in_dim3A_1690 = arith.constant 1073741824 : i32
    %broadcast_in_dim3A_1691 = vector.broadcast %broadcast_in_dim3A_1690 : i32 to vector<64x128xi32>
    %eq3A_1692 = arith.constant 1 : i32
    %eq3A_1693 = vector.broadcast %eq3A_1692 : i32 to vector<64x128xi32>
    %eq3A_1694 = arith.cmpi eq, %add3A_1687, %eq3A_1693 : vector<64x128xi32>
    %select_n3A_1695 = arith.select %eq3A_1694, %select_n3A_539, %broadcast_in_dim3A_1689 : vector<64x128xi1>, vector<64x128xf32>
    %select_n3A_1696 = arith.select %eq3A_1694, %select_n3A_538, %broadcast_in_dim3A_1691 : vector<64x128xi1>, vector<64x128xi32>
    %eq3A_1697 = arith.constant 2 : i32
    %eq3A_1698 = vector.broadcast %eq3A_1697 : i32 to vector<64x128xi32>
    %eq3A_1699 = arith.cmpi eq, %add3A_1687, %eq3A_1698 : vector<64x128xi32>
    %select_n3A_1700 = arith.select %eq3A_1699, %select_n3A_796, %select_n3A_1695 : vector<64x128xi1>, vector<64x128xf32>
    %select_n3A_1701 = arith.select %eq3A_1699, %select_n3A_795, %select_n3A_1696 : vector<64x128xi1>, vector<64x128xi32>
    %eq3A_1702 = arith.constant 3 : i32
    %eq3A_1703 = vector.broadcast %eq3A_1702 : i32 to vector<64x128xi32>
    %eq3A_1704 = arith.cmpi eq, %add3A_1687, %eq3A_1703 : vector<64x128xi32>
    %select_n3A_1705 = arith.select %eq3A_1704, %select_n3A_1053, %select_n3A_1700 : vector<64x128xi1>, vector<64x128xf32>
    %select_n3A_1706 = arith.select %eq3A_1704, %select_n3A_1052, %select_n3A_1701 : vector<64x128xi1>, vector<64x128xi32>
    %eq3A_1707 = arith.constant 4 : i32
    %eq3A_1708 = vector.broadcast %eq3A_1707 : i32 to vector<64x128xi32>
    %eq3A_1709 = arith.cmpi eq, %add3A_1687, %eq3A_1708 : vector<64x128xi32>
    %select_n3A_1710 = arith.select %eq3A_1709, %select_n3A_1310, %select_n3A_1705 : vector<64x128xi1>, vector<64x128xf32>
    %select_n3A_1711 = arith.select %eq3A_1709, %select_n3A_1309, %select_n3A_1706 : vector<64x128xi1>, vector<64x128xi32>
    %eq3A_1712 = arith.constant 5 : i32
    %eq3A_1713 = vector.broadcast %eq3A_1712 : i32 to vector<64x128xi32>
    %eq3A_1714 = arith.cmpi eq, %add3A_1687, %eq3A_1713 : vector<64x128xi32>
    %select_n3A_1715 = arith.select %eq3A_1714, %select_n3A_1567, %select_n3A_1710 : vector<64x128xi1>, vector<64x128xf32>
    %select_n3A_1716 = arith.select %eq3A_1714, %select_n3A_1566, %select_n3A_1711 : vector<64x128xi1>, vector<64x128xi32>
    %select_n3A_1717 = arith.select %eq3A_1681, %select_n3A_1715, %select_n3A_1667 : vector<64x128xi1>, vector<64x128xf32>
    %select_n3A_1718 = arith.select %eq3A_1681, %select_n3A_1716, %select_n3A_1668 : vector<64x128xi1>, vector<64x128xi32>
    %reduce_min3A_1719 = arith.constant dense<0x7F800000> : vector<64xf32>
    %reduce_min3A_1720 = vector.multi_reduction <minimumf>, %select_n3A_1717, %reduce_min3A_1719 [1] : vector<64x128xf32> to vector<64xf32>
    %broadcast_in_dim3A_1721 = vector.shape_cast %reduce_min3A_1720 : vector<64xf32> to vector<64x1xf32>
    %eq3A_1722 = vector.broadcast %broadcast_in_dim3A_1721 : vector<64x1xf32> to vector<64x128xf32>
    %eq3A_1723 = arith.cmpf oeq, %select_n3A_1717, %eq3A_1722 : vector<64x128xf32>
    %jit3A_1724 = arith.constant 1073741824 : i32
    %broadcast_in_dim3A_1725 = vector.broadcast %jit3A_1724 : i32 to vector<64x128xi32>
    %select_n3A_1726 = arith.select %eq3A_1723, %select_n3A_1718, %broadcast_in_dim3A_1725 : vector<64x128xi1>, vector<64x128xi32>
    %reduce_min3A_1727 = arith.constant dense<2147483647> : vector<64xi32>
    %reduce_min3A_1728 = vector.multi_reduction <minsi>, %select_n3A_1726, %reduce_min3A_1727 [1] : vector<64x128xi32> to vector<64xi32>
    %broadcast_in_dim3A_1729 = vector.shape_cast %reduce_min3A_1728 : vector<64xi32> to vector<64x1xi32>
    %eq3A_1730 = vector.broadcast %broadcast_in_dim3A_1729 : vector<64x1xi32> to vector<64x128xi32>
    %eq3A_1731 = arith.cmpi eq, %select_n3A_1718, %eq3A_1730 : vector<64x128xi32>
    %jit3A_1732 = arith.constant 1 : i32
    %jit3A_1733 = arith.constant 0 : i32
    %broadcast_in_dim3A_1734 = vector.broadcast %jit3A_1732 : i32 to vector<64x128xi32>
    %broadcast_in_dim3A_1735 = vector.broadcast %jit3A_1733 : i32 to vector<64x128xi32>
    %select_n3A_1736 = arith.select %eq3A_1731, %broadcast_in_dim3A_1734, %broadcast_in_dim3A_1735 : vector<64x128xi1>, vector<64x128xi32>
    %add3A_1737 = arith.addi %add3A_1687, %select_n3A_1736 : vector<64x128xi32>
    %broadcast_in_dim3A_1738 = arith.constant 0x7F800000 : f32
    %broadcast_in_dim3A_1739 = vector.broadcast %broadcast_in_dim3A_1738 : f32 to vector<64x128xf32>
    %broadcast_in_dim3A_1740 = arith.constant 1073741824 : i32
    %broadcast_in_dim3A_1741 = vector.broadcast %broadcast_in_dim3A_1740 : i32 to vector<64x128xi32>
    %eq3A_1742 = arith.constant 1 : i32
    %eq3A_1743 = vector.broadcast %eq3A_1742 : i32 to vector<64x128xi32>
    %eq3A_1744 = arith.cmpi eq, %add3A_1737, %eq3A_1743 : vector<64x128xi32>
    %select_n3A_1745 = arith.select %eq3A_1744, %select_n3A_539, %broadcast_in_dim3A_1739 : vector<64x128xi1>, vector<64x128xf32>
    %select_n3A_1746 = arith.select %eq3A_1744, %select_n3A_538, %broadcast_in_dim3A_1741 : vector<64x128xi1>, vector<64x128xi32>
    %eq3A_1747 = arith.constant 2 : i32
    %eq3A_1748 = vector.broadcast %eq3A_1747 : i32 to vector<64x128xi32>
    %eq3A_1749 = arith.cmpi eq, %add3A_1737, %eq3A_1748 : vector<64x128xi32>
    %select_n3A_1750 = arith.select %eq3A_1749, %select_n3A_796, %select_n3A_1745 : vector<64x128xi1>, vector<64x128xf32>
    %select_n3A_1751 = arith.select %eq3A_1749, %select_n3A_795, %select_n3A_1746 : vector<64x128xi1>, vector<64x128xi32>
    %eq3A_1752 = arith.constant 3 : i32
    %eq3A_1753 = vector.broadcast %eq3A_1752 : i32 to vector<64x128xi32>
    %eq3A_1754 = arith.cmpi eq, %add3A_1737, %eq3A_1753 : vector<64x128xi32>
    %select_n3A_1755 = arith.select %eq3A_1754, %select_n3A_1053, %select_n3A_1750 : vector<64x128xi1>, vector<64x128xf32>
    %select_n3A_1756 = arith.select %eq3A_1754, %select_n3A_1052, %select_n3A_1751 : vector<64x128xi1>, vector<64x128xi32>
    %eq3A_1757 = arith.constant 4 : i32
    %eq3A_1758 = vector.broadcast %eq3A_1757 : i32 to vector<64x128xi32>
    %eq3A_1759 = arith.cmpi eq, %add3A_1737, %eq3A_1758 : vector<64x128xi32>
    %select_n3A_1760 = arith.select %eq3A_1759, %select_n3A_1310, %select_n3A_1755 : vector<64x128xi1>, vector<64x128xf32>
    %select_n3A_1761 = arith.select %eq3A_1759, %select_n3A_1309, %select_n3A_1756 : vector<64x128xi1>, vector<64x128xi32>
    %eq3A_1762 = arith.constant 5 : i32
    %eq3A_1763 = vector.broadcast %eq3A_1762 : i32 to vector<64x128xi32>
    %eq3A_1764 = arith.cmpi eq, %add3A_1737, %eq3A_1763 : vector<64x128xi32>
    %select_n3A_1765 = arith.select %eq3A_1764, %select_n3A_1567, %select_n3A_1760 : vector<64x128xi1>, vector<64x128xf32>
    %select_n3A_1766 = arith.select %eq3A_1764, %select_n3A_1566, %select_n3A_1761 : vector<64x128xi1>, vector<64x128xi32>
    %select_n3A_1767 = arith.select %eq3A_1731, %select_n3A_1765, %select_n3A_1717 : vector<64x128xi1>, vector<64x128xf32>
    %select_n3A_1768 = arith.select %eq3A_1731, %select_n3A_1766, %select_n3A_1718 : vector<64x128xi1>, vector<64x128xi32>
    %reduce_min3A_1769 = arith.constant dense<0x7F800000> : vector<64xf32>
    %reduce_min3A_1770 = vector.multi_reduction <minimumf>, %select_n3A_1767, %reduce_min3A_1769 [1] : vector<64x128xf32> to vector<64xf32>
    %broadcast_in_dim3A_1771 = vector.shape_cast %reduce_min3A_1770 : vector<64xf32> to vector<64x1xf32>
    %eq3A_1772 = vector.broadcast %broadcast_in_dim3A_1771 : vector<64x1xf32> to vector<64x128xf32>
    %eq3A_1773 = arith.cmpf oeq, %select_n3A_1767, %eq3A_1772 : vector<64x128xf32>
    %jit3A_1774 = arith.constant 1073741824 : i32
    %broadcast_in_dim3A_1775 = vector.broadcast %jit3A_1774 : i32 to vector<64x128xi32>
    %select_n3A_1776 = arith.select %eq3A_1773, %select_n3A_1768, %broadcast_in_dim3A_1775 : vector<64x128xi1>, vector<64x128xi32>
    %reduce_min3A_1777 = arith.constant dense<2147483647> : vector<64xi32>
    %reduce_min3A_1778 = vector.multi_reduction <minsi>, %select_n3A_1776, %reduce_min3A_1777 [1] : vector<64x128xi32> to vector<64xi32>
    %broadcast_in_dim3A_1779 = vector.shape_cast %reduce_min3A_1778 : vector<64xi32> to vector<64x1xi32>
    %eq3A_1780 = vector.broadcast %broadcast_in_dim3A_1779 : vector<64x1xi32> to vector<64x128xi32>
    %eq3A_1781 = arith.cmpi eq, %select_n3A_1768, %eq3A_1780 : vector<64x128xi32>
    %jit3A_1782 = arith.constant 1 : i32
    %jit3A_1783 = arith.constant 0 : i32
    %broadcast_in_dim3A_1784 = vector.broadcast %jit3A_1782 : i32 to vector<64x128xi32>
    %broadcast_in_dim3A_1785 = vector.broadcast %jit3A_1783 : i32 to vector<64x128xi32>
    %select_n3A_1786 = arith.select %eq3A_1781, %broadcast_in_dim3A_1784, %broadcast_in_dim3A_1785 : vector<64x128xi1>, vector<64x128xi32>
    %add3A_1787 = arith.addi %add3A_1737, %select_n3A_1786 : vector<64x128xi32>
    %broadcast_in_dim3A_1788 = arith.constant 0x7F800000 : f32
    %broadcast_in_dim3A_1789 = vector.broadcast %broadcast_in_dim3A_1788 : f32 to vector<64x128xf32>
    %broadcast_in_dim3A_1790 = arith.constant 1073741824 : i32
    %broadcast_in_dim3A_1791 = vector.broadcast %broadcast_in_dim3A_1790 : i32 to vector<64x128xi32>
    %eq3A_1792 = arith.constant 1 : i32
    %eq3A_1793 = vector.broadcast %eq3A_1792 : i32 to vector<64x128xi32>
    %eq3A_1794 = arith.cmpi eq, %add3A_1787, %eq3A_1793 : vector<64x128xi32>
    %select_n3A_1795 = arith.select %eq3A_1794, %select_n3A_539, %broadcast_in_dim3A_1789 : vector<64x128xi1>, vector<64x128xf32>
    %select_n3A_1796 = arith.select %eq3A_1794, %select_n3A_538, %broadcast_in_dim3A_1791 : vector<64x128xi1>, vector<64x128xi32>
    %eq3A_1797 = arith.constant 2 : i32
    %eq3A_1798 = vector.broadcast %eq3A_1797 : i32 to vector<64x128xi32>
    %eq3A_1799 = arith.cmpi eq, %add3A_1787, %eq3A_1798 : vector<64x128xi32>
    %select_n3A_1800 = arith.select %eq3A_1799, %select_n3A_796, %select_n3A_1795 : vector<64x128xi1>, vector<64x128xf32>
    %select_n3A_1801 = arith.select %eq3A_1799, %select_n3A_795, %select_n3A_1796 : vector<64x128xi1>, vector<64x128xi32>
    %eq3A_1802 = arith.constant 3 : i32
    %eq3A_1803 = vector.broadcast %eq3A_1802 : i32 to vector<64x128xi32>
    %eq3A_1804 = arith.cmpi eq, %add3A_1787, %eq3A_1803 : vector<64x128xi32>
    %select_n3A_1805 = arith.select %eq3A_1804, %select_n3A_1053, %select_n3A_1800 : vector<64x128xi1>, vector<64x128xf32>
    %select_n3A_1806 = arith.select %eq3A_1804, %select_n3A_1052, %select_n3A_1801 : vector<64x128xi1>, vector<64x128xi32>
    %eq3A_1807 = arith.constant 4 : i32
    %eq3A_1808 = vector.broadcast %eq3A_1807 : i32 to vector<64x128xi32>
    %eq3A_1809 = arith.cmpi eq, %add3A_1787, %eq3A_1808 : vector<64x128xi32>
    %select_n3A_1810 = arith.select %eq3A_1809, %select_n3A_1310, %select_n3A_1805 : vector<64x128xi1>, vector<64x128xf32>
    %select_n3A_1811 = arith.select %eq3A_1809, %select_n3A_1309, %select_n3A_1806 : vector<64x128xi1>, vector<64x128xi32>
    %eq3A_1812 = arith.constant 5 : i32
    %eq3A_1813 = vector.broadcast %eq3A_1812 : i32 to vector<64x128xi32>
    %eq3A_1814 = arith.cmpi eq, %add3A_1787, %eq3A_1813 : vector<64x128xi32>
    %select_n3A_1815 = arith.select %eq3A_1814, %select_n3A_1567, %select_n3A_1810 : vector<64x128xi1>, vector<64x128xf32>
    %select_n3A_1816 = arith.select %eq3A_1814, %select_n3A_1566, %select_n3A_1811 : vector<64x128xi1>, vector<64x128xi32>
    %select_n3A_1817 = arith.select %eq3A_1781, %select_n3A_1815, %select_n3A_1767 : vector<64x128xi1>, vector<64x128xf32>
    %select_n3A_1818 = arith.select %eq3A_1781, %select_n3A_1816, %select_n3A_1768 : vector<64x128xi1>, vector<64x128xi32>
    %reduce_min3A_1819 = arith.constant dense<0x7F800000> : vector<64xf32>
    %reduce_min3A_1820 = vector.multi_reduction <minimumf>, %select_n3A_1817, %reduce_min3A_1819 [1] : vector<64x128xf32> to vector<64xf32>
    %broadcast_in_dim3A_1821 = vector.shape_cast %reduce_min3A_1820 : vector<64xf32> to vector<64x1xf32>
    %eq3A_1822 = vector.broadcast %broadcast_in_dim3A_1821 : vector<64x1xf32> to vector<64x128xf32>
    %eq3A_1823 = arith.cmpf oeq, %select_n3A_1817, %eq3A_1822 : vector<64x128xf32>
    %jit3A_1824 = arith.constant 1073741824 : i32
    %broadcast_in_dim3A_1825 = vector.broadcast %jit3A_1824 : i32 to vector<64x128xi32>
    %select_n3A_1826 = arith.select %eq3A_1823, %select_n3A_1818, %broadcast_in_dim3A_1825 : vector<64x128xi1>, vector<64x128xi32>
    %reduce_min3A_1827 = arith.constant dense<2147483647> : vector<64xi32>
    %reduce_min3A_1828 = vector.multi_reduction <minsi>, %select_n3A_1826, %reduce_min3A_1827 [1] : vector<64x128xi32> to vector<64xi32>
    %broadcast_in_dim3A_1829 = vector.shape_cast %reduce_min3A_1828 : vector<64xi32> to vector<64x1xi32>
    %eq3A_1830 = vector.broadcast %broadcast_in_dim3A_1829 : vector<64x1xi32> to vector<64x128xi32>
    %eq3A_1831 = arith.cmpi eq, %select_n3A_1818, %eq3A_1830 : vector<64x128xi32>
    %jit3A_1832 = arith.constant 1 : i32
    %jit3A_1833 = arith.constant 0 : i32
    %broadcast_in_dim3A_1834 = vector.broadcast %jit3A_1832 : i32 to vector<64x128xi32>
    %broadcast_in_dim3A_1835 = vector.broadcast %jit3A_1833 : i32 to vector<64x128xi32>
    %select_n3A_1836 = arith.select %eq3A_1831, %broadcast_in_dim3A_1834, %broadcast_in_dim3A_1835 : vector<64x128xi1>, vector<64x128xi32>
    %add3A_1837 = arith.addi %add3A_1787, %select_n3A_1836 : vector<64x128xi32>
    %broadcast_in_dim3A_1838 = arith.constant 0x7F800000 : f32
    %broadcast_in_dim3A_1839 = vector.broadcast %broadcast_in_dim3A_1838 : f32 to vector<64x128xf32>
    %broadcast_in_dim3A_1840 = arith.constant 1073741824 : i32
    %broadcast_in_dim3A_1841 = vector.broadcast %broadcast_in_dim3A_1840 : i32 to vector<64x128xi32>
    %eq3A_1842 = arith.constant 1 : i32
    %eq3A_1843 = vector.broadcast %eq3A_1842 : i32 to vector<64x128xi32>
    %eq3A_1844 = arith.cmpi eq, %add3A_1837, %eq3A_1843 : vector<64x128xi32>
    %select_n3A_1845 = arith.select %eq3A_1844, %select_n3A_539, %broadcast_in_dim3A_1839 : vector<64x128xi1>, vector<64x128xf32>
    %select_n3A_1846 = arith.select %eq3A_1844, %select_n3A_538, %broadcast_in_dim3A_1841 : vector<64x128xi1>, vector<64x128xi32>
    %eq3A_1847 = arith.constant 2 : i32
    %eq3A_1848 = vector.broadcast %eq3A_1847 : i32 to vector<64x128xi32>
    %eq3A_1849 = arith.cmpi eq, %add3A_1837, %eq3A_1848 : vector<64x128xi32>
    %select_n3A_1850 = arith.select %eq3A_1849, %select_n3A_796, %select_n3A_1845 : vector<64x128xi1>, vector<64x128xf32>
    %select_n3A_1851 = arith.select %eq3A_1849, %select_n3A_795, %select_n3A_1846 : vector<64x128xi1>, vector<64x128xi32>
    %eq3A_1852 = arith.constant 3 : i32
    %eq3A_1853 = vector.broadcast %eq3A_1852 : i32 to vector<64x128xi32>
    %eq3A_1854 = arith.cmpi eq, %add3A_1837, %eq3A_1853 : vector<64x128xi32>
    %select_n3A_1855 = arith.select %eq3A_1854, %select_n3A_1053, %select_n3A_1850 : vector<64x128xi1>, vector<64x128xf32>
    %select_n3A_1856 = arith.select %eq3A_1854, %select_n3A_1052, %select_n3A_1851 : vector<64x128xi1>, vector<64x128xi32>
    %eq3A_1857 = arith.constant 4 : i32
    %eq3A_1858 = vector.broadcast %eq3A_1857 : i32 to vector<64x128xi32>
    %eq3A_1859 = arith.cmpi eq, %add3A_1837, %eq3A_1858 : vector<64x128xi32>
    %select_n3A_1860 = arith.select %eq3A_1859, %select_n3A_1310, %select_n3A_1855 : vector<64x128xi1>, vector<64x128xf32>
    %select_n3A_1861 = arith.select %eq3A_1859, %select_n3A_1309, %select_n3A_1856 : vector<64x128xi1>, vector<64x128xi32>
    %eq3A_1862 = arith.constant 5 : i32
    %eq3A_1863 = vector.broadcast %eq3A_1862 : i32 to vector<64x128xi32>
    %eq3A_1864 = arith.cmpi eq, %add3A_1837, %eq3A_1863 : vector<64x128xi32>
    %select_n3A_1865 = arith.select %eq3A_1864, %select_n3A_1567, %select_n3A_1860 : vector<64x128xi1>, vector<64x128xf32>
    %select_n3A_1866 = arith.select %eq3A_1864, %select_n3A_1566, %select_n3A_1861 : vector<64x128xi1>, vector<64x128xi32>
    %select_n3A_1867 = arith.select %eq3A_1831, %select_n3A_1865, %select_n3A_1817 : vector<64x128xi1>, vector<64x128xf32>
    %select_n3A_1868 = arith.select %eq3A_1831, %select_n3A_1866, %select_n3A_1818 : vector<64x128xi1>, vector<64x128xi32>
    %reduce_min3A_1869 = arith.constant dense<0x7F800000> : vector<64xf32>
    %reduce_min3A_1870 = vector.multi_reduction <minimumf>, %select_n3A_1867, %reduce_min3A_1869 [1] : vector<64x128xf32> to vector<64xf32>
    %broadcast_in_dim3A_1871 = vector.shape_cast %reduce_min3A_1870 : vector<64xf32> to vector<64x1xf32>
    %eq3A_1872 = vector.broadcast %broadcast_in_dim3A_1871 : vector<64x1xf32> to vector<64x128xf32>
    %eq3A_1873 = arith.cmpf oeq, %select_n3A_1867, %eq3A_1872 : vector<64x128xf32>
    %jit3A_1874 = arith.constant 1073741824 : i32
    %broadcast_in_dim3A_1875 = vector.broadcast %jit3A_1874 : i32 to vector<64x128xi32>
    %select_n3A_1876 = arith.select %eq3A_1873, %select_n3A_1868, %broadcast_in_dim3A_1875 : vector<64x128xi1>, vector<64x128xi32>
    %reduce_min3A_1877 = arith.constant dense<2147483647> : vector<64xi32>
    %reduce_min3A_1878 = vector.multi_reduction <minsi>, %select_n3A_1876, %reduce_min3A_1877 [1] : vector<64x128xi32> to vector<64xi32>
    %broadcast_in_dim3A_1879 = vector.shape_cast %reduce_min3A_1878 : vector<64xi32> to vector<64x1xi32>
    %eq3A_1880 = vector.broadcast %broadcast_in_dim3A_1879 : vector<64x1xi32> to vector<64x128xi32>
    %eq3A_1881 = arith.cmpi eq, %select_n3A_1868, %eq3A_1880 : vector<64x128xi32>
    %jit3A_1882 = arith.constant 1 : i32
    %jit3A_1883 = arith.constant 0 : i32
    %broadcast_in_dim3A_1884 = vector.broadcast %jit3A_1882 : i32 to vector<64x128xi32>
    %broadcast_in_dim3A_1885 = vector.broadcast %jit3A_1883 : i32 to vector<64x128xi32>
    %select_n3A_1886 = arith.select %eq3A_1881, %broadcast_in_dim3A_1884, %broadcast_in_dim3A_1885 : vector<64x128xi1>, vector<64x128xi32>
    %add3A_1887 = arith.addi %add3A_1837, %select_n3A_1886 : vector<64x128xi32>
    %broadcast_in_dim3A_1888 = arith.constant 0x7F800000 : f32
    %broadcast_in_dim3A_1889 = vector.broadcast %broadcast_in_dim3A_1888 : f32 to vector<64x128xf32>
    %broadcast_in_dim3A_1890 = arith.constant 1073741824 : i32
    %broadcast_in_dim3A_1891 = vector.broadcast %broadcast_in_dim3A_1890 : i32 to vector<64x128xi32>
    %eq3A_1892 = arith.constant 1 : i32
    %eq3A_1893 = vector.broadcast %eq3A_1892 : i32 to vector<64x128xi32>
    %eq3A_1894 = arith.cmpi eq, %add3A_1887, %eq3A_1893 : vector<64x128xi32>
    %select_n3A_1895 = arith.select %eq3A_1894, %select_n3A_539, %broadcast_in_dim3A_1889 : vector<64x128xi1>, vector<64x128xf32>
    %select_n3A_1896 = arith.select %eq3A_1894, %select_n3A_538, %broadcast_in_dim3A_1891 : vector<64x128xi1>, vector<64x128xi32>
    %eq3A_1897 = arith.constant 2 : i32
    %eq3A_1898 = vector.broadcast %eq3A_1897 : i32 to vector<64x128xi32>
    %eq3A_1899 = arith.cmpi eq, %add3A_1887, %eq3A_1898 : vector<64x128xi32>
    %select_n3A_1900 = arith.select %eq3A_1899, %select_n3A_796, %select_n3A_1895 : vector<64x128xi1>, vector<64x128xf32>
    %select_n3A_1901 = arith.select %eq3A_1899, %select_n3A_795, %select_n3A_1896 : vector<64x128xi1>, vector<64x128xi32>
    %eq3A_1902 = arith.constant 3 : i32
    %eq3A_1903 = vector.broadcast %eq3A_1902 : i32 to vector<64x128xi32>
    %eq3A_1904 = arith.cmpi eq, %add3A_1887, %eq3A_1903 : vector<64x128xi32>
    %select_n3A_1905 = arith.select %eq3A_1904, %select_n3A_1053, %select_n3A_1900 : vector<64x128xi1>, vector<64x128xf32>
    %select_n3A_1906 = arith.select %eq3A_1904, %select_n3A_1052, %select_n3A_1901 : vector<64x128xi1>, vector<64x128xi32>
    %eq3A_1907 = arith.constant 4 : i32
    %eq3A_1908 = vector.broadcast %eq3A_1907 : i32 to vector<64x128xi32>
    %eq3A_1909 = arith.cmpi eq, %add3A_1887, %eq3A_1908 : vector<64x128xi32>
    %select_n3A_1910 = arith.select %eq3A_1909, %select_n3A_1310, %select_n3A_1905 : vector<64x128xi1>, vector<64x128xf32>
    %select_n3A_1911 = arith.select %eq3A_1909, %select_n3A_1309, %select_n3A_1906 : vector<64x128xi1>, vector<64x128xi32>
    %eq3A_1912 = arith.constant 5 : i32
    %eq3A_1913 = vector.broadcast %eq3A_1912 : i32 to vector<64x128xi32>
    %eq3A_1914 = arith.cmpi eq, %add3A_1887, %eq3A_1913 : vector<64x128xi32>
    %select_n3A_1915 = arith.select %eq3A_1914, %select_n3A_1567, %select_n3A_1910 : vector<64x128xi1>, vector<64x128xf32>
    %select_n3A_1916 = arith.select %eq3A_1914, %select_n3A_1566, %select_n3A_1911 : vector<64x128xi1>, vector<64x128xi32>
    %select_n3A_1917 = arith.select %eq3A_1881, %select_n3A_1915, %select_n3A_1867 : vector<64x128xi1>, vector<64x128xf32>
    %select_n3A_1918 = arith.select %eq3A_1881, %select_n3A_1916, %select_n3A_1868 : vector<64x128xi1>, vector<64x128xi32>
    %reduce_min3A_1919 = arith.constant dense<0x7F800000> : vector<64xf32>
    %reduce_min3A_1920 = vector.multi_reduction <minimumf>, %select_n3A_1917, %reduce_min3A_1919 [1] : vector<64x128xf32> to vector<64xf32>
    %broadcast_in_dim3A_1921 = vector.shape_cast %reduce_min3A_1920 : vector<64xf32> to vector<64x1xf32>
    %eq3A_1922 = vector.broadcast %broadcast_in_dim3A_1921 : vector<64x1xf32> to vector<64x128xf32>
    %eq3A_1923 = arith.cmpf oeq, %select_n3A_1917, %eq3A_1922 : vector<64x128xf32>
    %jit3A_1924 = arith.constant 1073741824 : i32
    %broadcast_in_dim3A_1925 = vector.broadcast %jit3A_1924 : i32 to vector<64x128xi32>
    %select_n3A_1926 = arith.select %eq3A_1923, %select_n3A_1918, %broadcast_in_dim3A_1925 : vector<64x128xi1>, vector<64x128xi32>
    %reduce_min3A_1927 = arith.constant dense<2147483647> : vector<64xi32>
    %reduce_min3A_1928 = vector.multi_reduction <minsi>, %select_n3A_1926, %reduce_min3A_1927 [1] : vector<64x128xi32> to vector<64xi32>
    %broadcast_in_dim3A_1929 = vector.shape_cast %reduce_min3A_1928 : vector<64xi32> to vector<64x1xi32>
    %eq3A_1930 = vector.broadcast %broadcast_in_dim3A_1929 : vector<64x1xi32> to vector<64x128xi32>
    %eq3A_1931 = arith.cmpi eq, %select_n3A_1918, %eq3A_1930 : vector<64x128xi32>
    %jit3A_1932 = arith.constant 1 : i32
    %jit3A_1933 = arith.constant 0 : i32
    %broadcast_in_dim3A_1934 = vector.broadcast %jit3A_1932 : i32 to vector<64x128xi32>
    %broadcast_in_dim3A_1935 = vector.broadcast %jit3A_1933 : i32 to vector<64x128xi32>
    %select_n3A_1936 = arith.select %eq3A_1931, %broadcast_in_dim3A_1934, %broadcast_in_dim3A_1935 : vector<64x128xi1>, vector<64x128xi32>
    %add3A_1937 = arith.addi %add3A_1887, %select_n3A_1936 : vector<64x128xi32>
    %broadcast_in_dim3A_1938 = arith.constant 0x7F800000 : f32
    %broadcast_in_dim3A_1939 = vector.broadcast %broadcast_in_dim3A_1938 : f32 to vector<64x128xf32>
    %broadcast_in_dim3A_1940 = arith.constant 1073741824 : i32
    %broadcast_in_dim3A_1941 = vector.broadcast %broadcast_in_dim3A_1940 : i32 to vector<64x128xi32>
    %eq3A_1942 = arith.constant 1 : i32
    %eq3A_1943 = vector.broadcast %eq3A_1942 : i32 to vector<64x128xi32>
    %eq3A_1944 = arith.cmpi eq, %add3A_1937, %eq3A_1943 : vector<64x128xi32>
    %select_n3A_1945 = arith.select %eq3A_1944, %select_n3A_539, %broadcast_in_dim3A_1939 : vector<64x128xi1>, vector<64x128xf32>
    %select_n3A_1946 = arith.select %eq3A_1944, %select_n3A_538, %broadcast_in_dim3A_1941 : vector<64x128xi1>, vector<64x128xi32>
    %eq3A_1947 = arith.constant 2 : i32
    %eq3A_1948 = vector.broadcast %eq3A_1947 : i32 to vector<64x128xi32>
    %eq3A_1949 = arith.cmpi eq, %add3A_1937, %eq3A_1948 : vector<64x128xi32>
    %select_n3A_1950 = arith.select %eq3A_1949, %select_n3A_796, %select_n3A_1945 : vector<64x128xi1>, vector<64x128xf32>
    %select_n3A_1951 = arith.select %eq3A_1949, %select_n3A_795, %select_n3A_1946 : vector<64x128xi1>, vector<64x128xi32>
    %eq3A_1952 = arith.constant 3 : i32
    %eq3A_1953 = vector.broadcast %eq3A_1952 : i32 to vector<64x128xi32>
    %eq3A_1954 = arith.cmpi eq, %add3A_1937, %eq3A_1953 : vector<64x128xi32>
    %select_n3A_1955 = arith.select %eq3A_1954, %select_n3A_1053, %select_n3A_1950 : vector<64x128xi1>, vector<64x128xf32>
    %select_n3A_1956 = arith.select %eq3A_1954, %select_n3A_1052, %select_n3A_1951 : vector<64x128xi1>, vector<64x128xi32>
    %eq3A_1957 = arith.constant 4 : i32
    %eq3A_1958 = vector.broadcast %eq3A_1957 : i32 to vector<64x128xi32>
    %eq3A_1959 = arith.cmpi eq, %add3A_1937, %eq3A_1958 : vector<64x128xi32>
    %select_n3A_1960 = arith.select %eq3A_1959, %select_n3A_1310, %select_n3A_1955 : vector<64x128xi1>, vector<64x128xf32>
    %select_n3A_1961 = arith.select %eq3A_1959, %select_n3A_1309, %select_n3A_1956 : vector<64x128xi1>, vector<64x128xi32>
    %eq3A_1962 = arith.constant 5 : i32
    %eq3A_1963 = vector.broadcast %eq3A_1962 : i32 to vector<64x128xi32>
    %eq3A_1964 = arith.cmpi eq, %add3A_1937, %eq3A_1963 : vector<64x128xi32>
    %select_n3A_1965 = arith.select %eq3A_1964, %select_n3A_1567, %select_n3A_1960 : vector<64x128xi1>, vector<64x128xf32>
    %select_n3A_1966 = arith.select %eq3A_1964, %select_n3A_1566, %select_n3A_1961 : vector<64x128xi1>, vector<64x128xi32>
    %select_n3A_1967 = arith.select %eq3A_1931, %select_n3A_1965, %select_n3A_1917 : vector<64x128xi1>, vector<64x128xf32>
    %select_n3A_1968 = arith.select %eq3A_1931, %select_n3A_1966, %select_n3A_1918 : vector<64x128xi1>, vector<64x128xi32>
    %reduce_min3A_1969 = arith.constant dense<0x7F800000> : vector<64xf32>
    %reduce_min3A_1970 = vector.multi_reduction <minimumf>, %select_n3A_1967, %reduce_min3A_1969 [1] : vector<64x128xf32> to vector<64xf32>
    %broadcast_in_dim3A_1971 = vector.shape_cast %reduce_min3A_1970 : vector<64xf32> to vector<64x1xf32>
    %eq3A_1972 = vector.broadcast %broadcast_in_dim3A_1971 : vector<64x1xf32> to vector<64x128xf32>
    %eq3A_1973 = arith.cmpf oeq, %select_n3A_1967, %eq3A_1972 : vector<64x128xf32>
    %jit3A_1974 = arith.constant 1073741824 : i32
    %broadcast_in_dim3A_1975 = vector.broadcast %jit3A_1974 : i32 to vector<64x128xi32>
    %select_n3A_1976 = arith.select %eq3A_1973, %select_n3A_1968, %broadcast_in_dim3A_1975 : vector<64x128xi1>, vector<64x128xi32>
    %reduce_min3A_1977 = arith.constant dense<2147483647> : vector<64xi32>
    %reduce_min3A_1978 = vector.multi_reduction <minsi>, %select_n3A_1976, %reduce_min3A_1977 [1] : vector<64x128xi32> to vector<64xi32>
    %broadcast_in_dim3A_1979 = vector.shape_cast %reduce_min3A_1978 : vector<64xi32> to vector<64x1xi32>
    %eq3A_1980 = vector.broadcast %broadcast_in_dim3A_1979 : vector<64x1xi32> to vector<64x128xi32>
    %eq3A_1981 = arith.cmpi eq, %select_n3A_1968, %eq3A_1980 : vector<64x128xi32>
    %jit3A_1982 = arith.constant 1 : i32
    %jit3A_1983 = arith.constant 0 : i32
    %broadcast_in_dim3A_1984 = vector.broadcast %jit3A_1982 : i32 to vector<64x128xi32>
    %broadcast_in_dim3A_1985 = vector.broadcast %jit3A_1983 : i32 to vector<64x128xi32>
    %select_n3A_1986 = arith.select %eq3A_1981, %broadcast_in_dim3A_1984, %broadcast_in_dim3A_1985 : vector<64x128xi1>, vector<64x128xi32>
    %add3A_1987 = arith.addi %add3A_1937, %select_n3A_1986 : vector<64x128xi32>
    %broadcast_in_dim3A_1988 = arith.constant 0x7F800000 : f32
    %broadcast_in_dim3A_1989 = vector.broadcast %broadcast_in_dim3A_1988 : f32 to vector<64x128xf32>
    %broadcast_in_dim3A_1990 = arith.constant 1073741824 : i32
    %broadcast_in_dim3A_1991 = vector.broadcast %broadcast_in_dim3A_1990 : i32 to vector<64x128xi32>
    %eq3A_1992 = arith.constant 1 : i32
    %eq3A_1993 = vector.broadcast %eq3A_1992 : i32 to vector<64x128xi32>
    %eq3A_1994 = arith.cmpi eq, %add3A_1987, %eq3A_1993 : vector<64x128xi32>
    %select_n3A_1995 = arith.select %eq3A_1994, %select_n3A_539, %broadcast_in_dim3A_1989 : vector<64x128xi1>, vector<64x128xf32>
    %select_n3A_1996 = arith.select %eq3A_1994, %select_n3A_538, %broadcast_in_dim3A_1991 : vector<64x128xi1>, vector<64x128xi32>
    %eq3A_1997 = arith.constant 2 : i32
    %eq3A_1998 = vector.broadcast %eq3A_1997 : i32 to vector<64x128xi32>
    %eq3A_1999 = arith.cmpi eq, %add3A_1987, %eq3A_1998 : vector<64x128xi32>
    %select_n3A_2000 = arith.select %eq3A_1999, %select_n3A_796, %select_n3A_1995 : vector<64x128xi1>, vector<64x128xf32>
    %select_n3A_2001 = arith.select %eq3A_1999, %select_n3A_795, %select_n3A_1996 : vector<64x128xi1>, vector<64x128xi32>
    %eq3A_2002 = arith.constant 3 : i32
    %eq3A_2003 = vector.broadcast %eq3A_2002 : i32 to vector<64x128xi32>
    %eq3A_2004 = arith.cmpi eq, %add3A_1987, %eq3A_2003 : vector<64x128xi32>
    %select_n3A_2005 = arith.select %eq3A_2004, %select_n3A_1053, %select_n3A_2000 : vector<64x128xi1>, vector<64x128xf32>
    %select_n3A_2006 = arith.select %eq3A_2004, %select_n3A_1052, %select_n3A_2001 : vector<64x128xi1>, vector<64x128xi32>
    %eq3A_2007 = arith.constant 4 : i32
    %eq3A_2008 = vector.broadcast %eq3A_2007 : i32 to vector<64x128xi32>
    %eq3A_2009 = arith.cmpi eq, %add3A_1987, %eq3A_2008 : vector<64x128xi32>
    %select_n3A_2010 = arith.select %eq3A_2009, %select_n3A_1310, %select_n3A_2005 : vector<64x128xi1>, vector<64x128xf32>
    %select_n3A_2011 = arith.select %eq3A_2009, %select_n3A_1309, %select_n3A_2006 : vector<64x128xi1>, vector<64x128xi32>
    %eq3A_2012 = arith.constant 5 : i32
    %eq3A_2013 = vector.broadcast %eq3A_2012 : i32 to vector<64x128xi32>
    %eq3A_2014 = arith.cmpi eq, %add3A_1987, %eq3A_2013 : vector<64x128xi32>
    %select_n3A_2015 = arith.select %eq3A_2014, %select_n3A_1567, %select_n3A_2010 : vector<64x128xi1>, vector<64x128xf32>
    %select_n3A_2016 = arith.select %eq3A_2014, %select_n3A_1566, %select_n3A_2011 : vector<64x128xi1>, vector<64x128xi32>
    %select_n3A_2017 = arith.select %eq3A_1981, %select_n3A_2015, %select_n3A_1967 : vector<64x128xi1>, vector<64x128xf32>
    %select_n3A_2018 = arith.select %eq3A_1981, %select_n3A_2016, %select_n3A_1968 : vector<64x128xi1>, vector<64x128xi32>
    %reduce_min3A_2019 = arith.constant dense<0x7F800000> : vector<64xf32>
    %reduce_min3A_2020 = vector.multi_reduction <minimumf>, %select_n3A_2017, %reduce_min3A_2019 [1] : vector<64x128xf32> to vector<64xf32>
    %broadcast_in_dim3A_2021 = vector.shape_cast %reduce_min3A_2020 : vector<64xf32> to vector<64x1xf32>
    %eq3A_2022 = vector.broadcast %broadcast_in_dim3A_2021 : vector<64x1xf32> to vector<64x128xf32>
    %eq3A_2023 = arith.cmpf oeq, %select_n3A_2017, %eq3A_2022 : vector<64x128xf32>
    %jit3A_2024 = arith.constant 1073741824 : i32
    %broadcast_in_dim3A_2025 = vector.broadcast %jit3A_2024 : i32 to vector<64x128xi32>
    %select_n3A_2026 = arith.select %eq3A_2023, %select_n3A_2018, %broadcast_in_dim3A_2025 : vector<64x128xi1>, vector<64x128xi32>
    %reduce_min3A_2027 = arith.constant dense<2147483647> : vector<64xi32>
    %reduce_min3A_2028 = vector.multi_reduction <minsi>, %select_n3A_2026, %reduce_min3A_2027 [1] : vector<64x128xi32> to vector<64xi32>
    %broadcast_in_dim3A_2029 = vector.shape_cast %reduce_min3A_2028 : vector<64xi32> to vector<64x1xi32>
    %eq3A_2030 = vector.broadcast %broadcast_in_dim3A_2029 : vector<64x1xi32> to vector<64x128xi32>
    %eq3A_2031 = arith.cmpi eq, %select_n3A_2018, %eq3A_2030 : vector<64x128xi32>
    %jit3A_2032 = arith.constant 1 : i32
    %jit3A_2033 = arith.constant 0 : i32
    %broadcast_in_dim3A_2034 = vector.broadcast %jit3A_2032 : i32 to vector<64x128xi32>
    %broadcast_in_dim3A_2035 = vector.broadcast %jit3A_2033 : i32 to vector<64x128xi32>
    %select_n3A_2036 = arith.select %eq3A_2031, %broadcast_in_dim3A_2034, %broadcast_in_dim3A_2035 : vector<64x128xi1>, vector<64x128xi32>
    %add3A_2037 = arith.addi %add3A_1987, %select_n3A_2036 : vector<64x128xi32>
    %broadcast_in_dim3A_2038 = arith.constant 0x7F800000 : f32
    %broadcast_in_dim3A_2039 = vector.broadcast %broadcast_in_dim3A_2038 : f32 to vector<64x128xf32>
    %broadcast_in_dim3A_2040 = arith.constant 1073741824 : i32
    %broadcast_in_dim3A_2041 = vector.broadcast %broadcast_in_dim3A_2040 : i32 to vector<64x128xi32>
    %eq3A_2042 = arith.constant 1 : i32
    %eq3A_2043 = vector.broadcast %eq3A_2042 : i32 to vector<64x128xi32>
    %eq3A_2044 = arith.cmpi eq, %add3A_2037, %eq3A_2043 : vector<64x128xi32>
    %select_n3A_2045 = arith.select %eq3A_2044, %select_n3A_539, %broadcast_in_dim3A_2039 : vector<64x128xi1>, vector<64x128xf32>
    %select_n3A_2046 = arith.select %eq3A_2044, %select_n3A_538, %broadcast_in_dim3A_2041 : vector<64x128xi1>, vector<64x128xi32>
    %eq3A_2047 = arith.constant 2 : i32
    %eq3A_2048 = vector.broadcast %eq3A_2047 : i32 to vector<64x128xi32>
    %eq3A_2049 = arith.cmpi eq, %add3A_2037, %eq3A_2048 : vector<64x128xi32>
    %select_n3A_2050 = arith.select %eq3A_2049, %select_n3A_796, %select_n3A_2045 : vector<64x128xi1>, vector<64x128xf32>
    %select_n3A_2051 = arith.select %eq3A_2049, %select_n3A_795, %select_n3A_2046 : vector<64x128xi1>, vector<64x128xi32>
    %eq3A_2052 = arith.constant 3 : i32
    %eq3A_2053 = vector.broadcast %eq3A_2052 : i32 to vector<64x128xi32>
    %eq3A_2054 = arith.cmpi eq, %add3A_2037, %eq3A_2053 : vector<64x128xi32>
    %select_n3A_2055 = arith.select %eq3A_2054, %select_n3A_1053, %select_n3A_2050 : vector<64x128xi1>, vector<64x128xf32>
    %select_n3A_2056 = arith.select %eq3A_2054, %select_n3A_1052, %select_n3A_2051 : vector<64x128xi1>, vector<64x128xi32>
    %eq3A_2057 = arith.constant 4 : i32
    %eq3A_2058 = vector.broadcast %eq3A_2057 : i32 to vector<64x128xi32>
    %eq3A_2059 = arith.cmpi eq, %add3A_2037, %eq3A_2058 : vector<64x128xi32>
    %select_n3A_2060 = arith.select %eq3A_2059, %select_n3A_1310, %select_n3A_2055 : vector<64x128xi1>, vector<64x128xf32>
    %select_n3A_2061 = arith.select %eq3A_2059, %select_n3A_1309, %select_n3A_2056 : vector<64x128xi1>, vector<64x128xi32>
    %eq3A_2062 = arith.constant 5 : i32
    %eq3A_2063 = vector.broadcast %eq3A_2062 : i32 to vector<64x128xi32>
    %eq3A_2064 = arith.cmpi eq, %add3A_2037, %eq3A_2063 : vector<64x128xi32>
    %select_n3A_2065 = arith.select %eq3A_2064, %select_n3A_1567, %select_n3A_2060 : vector<64x128xi1>, vector<64x128xf32>
    %select_n3A_2066 = arith.select %eq3A_2064, %select_n3A_1566, %select_n3A_2061 : vector<64x128xi1>, vector<64x128xi32>
    %select_n3A_2067 = arith.select %eq3A_2031, %select_n3A_2065, %select_n3A_2017 : vector<64x128xi1>, vector<64x128xf32>
    %select_n3A_2068 = arith.select %eq3A_2031, %select_n3A_2066, %select_n3A_2018 : vector<64x128xi1>, vector<64x128xi32>
    %reduce_min3A_2069 = arith.constant dense<0x7F800000> : vector<64xf32>
    %reduce_min3A_2070 = vector.multi_reduction <minimumf>, %select_n3A_2067, %reduce_min3A_2069 [1] : vector<64x128xf32> to vector<64xf32>
    %broadcast_in_dim3A_2071 = vector.shape_cast %reduce_min3A_2070 : vector<64xf32> to vector<64x1xf32>
    %eq3A_2072 = vector.broadcast %broadcast_in_dim3A_2071 : vector<64x1xf32> to vector<64x128xf32>
    %eq3A_2073 = arith.cmpf oeq, %select_n3A_2067, %eq3A_2072 : vector<64x128xf32>
    %jit3A_2074 = arith.constant 1073741824 : i32
    %broadcast_in_dim3A_2075 = vector.broadcast %jit3A_2074 : i32 to vector<64x128xi32>
    %select_n3A_2076 = arith.select %eq3A_2073, %select_n3A_2068, %broadcast_in_dim3A_2075 : vector<64x128xi1>, vector<64x128xi32>
    %reduce_min3A_2077 = arith.constant dense<2147483647> : vector<64xi32>
    %reduce_min3A_2078 = vector.multi_reduction <minsi>, %select_n3A_2076, %reduce_min3A_2077 [1] : vector<64x128xi32> to vector<64xi32>
    %broadcast_in_dim3A_2079 = vector.shape_cast %reduce_min3A_2078 : vector<64xi32> to vector<64x1xi32>
    %eq3A_2080 = vector.broadcast %broadcast_in_dim3A_2079 : vector<64x1xi32> to vector<64x128xi32>
    %eq3A_2081 = arith.cmpi eq, %select_n3A_2068, %eq3A_2080 : vector<64x128xi32>
    %jit3A_2082 = arith.constant 1 : i32
    %jit3A_2083 = arith.constant 0 : i32
    %broadcast_in_dim3A_2084 = vector.broadcast %jit3A_2082 : i32 to vector<64x128xi32>
    %broadcast_in_dim3A_2085 = vector.broadcast %jit3A_2083 : i32 to vector<64x128xi32>
    %select_n3A_2086 = arith.select %eq3A_2081, %broadcast_in_dim3A_2084, %broadcast_in_dim3A_2085 : vector<64x128xi1>, vector<64x128xi32>
    %add3A_2087 = arith.addi %add3A_2037, %select_n3A_2086 : vector<64x128xi32>
    %broadcast_in_dim3A_2088 = arith.constant 0x7F800000 : f32
    %broadcast_in_dim3A_2089 = vector.broadcast %broadcast_in_dim3A_2088 : f32 to vector<64x128xf32>
    %broadcast_in_dim3A_2090 = arith.constant 1073741824 : i32
    %broadcast_in_dim3A_2091 = vector.broadcast %broadcast_in_dim3A_2090 : i32 to vector<64x128xi32>
    %eq3A_2092 = arith.constant 1 : i32
    %eq3A_2093 = vector.broadcast %eq3A_2092 : i32 to vector<64x128xi32>
    %eq3A_2094 = arith.cmpi eq, %add3A_2087, %eq3A_2093 : vector<64x128xi32>
    %select_n3A_2095 = arith.select %eq3A_2094, %select_n3A_539, %broadcast_in_dim3A_2089 : vector<64x128xi1>, vector<64x128xf32>
    %select_n3A_2096 = arith.select %eq3A_2094, %select_n3A_538, %broadcast_in_dim3A_2091 : vector<64x128xi1>, vector<64x128xi32>
    %eq3A_2097 = arith.constant 2 : i32
    %eq3A_2098 = vector.broadcast %eq3A_2097 : i32 to vector<64x128xi32>
    %eq3A_2099 = arith.cmpi eq, %add3A_2087, %eq3A_2098 : vector<64x128xi32>
    %select_n3A_2100 = arith.select %eq3A_2099, %select_n3A_796, %select_n3A_2095 : vector<64x128xi1>, vector<64x128xf32>
    %select_n3A_2101 = arith.select %eq3A_2099, %select_n3A_795, %select_n3A_2096 : vector<64x128xi1>, vector<64x128xi32>
    %eq3A_2102 = arith.constant 3 : i32
    %eq3A_2103 = vector.broadcast %eq3A_2102 : i32 to vector<64x128xi32>
    %eq3A_2104 = arith.cmpi eq, %add3A_2087, %eq3A_2103 : vector<64x128xi32>
    %select_n3A_2105 = arith.select %eq3A_2104, %select_n3A_1053, %select_n3A_2100 : vector<64x128xi1>, vector<64x128xf32>
    %select_n3A_2106 = arith.select %eq3A_2104, %select_n3A_1052, %select_n3A_2101 : vector<64x128xi1>, vector<64x128xi32>
    %eq3A_2107 = arith.constant 4 : i32
    %eq3A_2108 = vector.broadcast %eq3A_2107 : i32 to vector<64x128xi32>
    %eq3A_2109 = arith.cmpi eq, %add3A_2087, %eq3A_2108 : vector<64x128xi32>
    %select_n3A_2110 = arith.select %eq3A_2109, %select_n3A_1310, %select_n3A_2105 : vector<64x128xi1>, vector<64x128xf32>
    %select_n3A_2111 = arith.select %eq3A_2109, %select_n3A_1309, %select_n3A_2106 : vector<64x128xi1>, vector<64x128xi32>
    %eq3A_2112 = arith.constant 5 : i32
    %eq3A_2113 = vector.broadcast %eq3A_2112 : i32 to vector<64x128xi32>
    %eq3A_2114 = arith.cmpi eq, %add3A_2087, %eq3A_2113 : vector<64x128xi32>
    %select_n3A_2115 = arith.select %eq3A_2114, %select_n3A_1567, %select_n3A_2110 : vector<64x128xi1>, vector<64x128xf32>
    %select_n3A_2116 = arith.select %eq3A_2114, %select_n3A_1566, %select_n3A_2111 : vector<64x128xi1>, vector<64x128xi32>
    %select_n3A_2117 = arith.select %eq3A_2081, %select_n3A_2115, %select_n3A_2067 : vector<64x128xi1>, vector<64x128xf32>
    %select_n3A_2118 = arith.select %eq3A_2081, %select_n3A_2116, %select_n3A_2068 : vector<64x128xi1>, vector<64x128xi32>
    %reduce_min3A_2119 = arith.constant dense<0x7F800000> : vector<64xf32>
    %reduce_min3A_2120 = vector.multi_reduction <minimumf>, %select_n3A_2117, %reduce_min3A_2119 [1] : vector<64x128xf32> to vector<64xf32>
    %broadcast_in_dim3A_2121 = vector.shape_cast %reduce_min3A_2120 : vector<64xf32> to vector<64x1xf32>
    %eq3A_2122 = vector.broadcast %broadcast_in_dim3A_2121 : vector<64x1xf32> to vector<64x128xf32>
    %eq3A_2123 = arith.cmpf oeq, %select_n3A_2117, %eq3A_2122 : vector<64x128xf32>
    %jit3A_2124 = arith.constant 1073741824 : i32
    %broadcast_in_dim3A_2125 = vector.broadcast %jit3A_2124 : i32 to vector<64x128xi32>
    %select_n3A_2126 = arith.select %eq3A_2123, %select_n3A_2118, %broadcast_in_dim3A_2125 : vector<64x128xi1>, vector<64x128xi32>
    %reduce_min3A_2127 = arith.constant dense<2147483647> : vector<64xi32>
    %reduce_min3A_2128 = vector.multi_reduction <minsi>, %select_n3A_2126, %reduce_min3A_2127 [1] : vector<64x128xi32> to vector<64xi32>
    %broadcast_in_dim3A_2129 = vector.shape_cast %reduce_min3A_2128 : vector<64xi32> to vector<64x1xi32>
    %eq3A_2130 = vector.broadcast %broadcast_in_dim3A_2129 : vector<64x1xi32> to vector<64x128xi32>
    %eq3A_2131 = arith.cmpi eq, %select_n3A_2118, %eq3A_2130 : vector<64x128xi32>
    %jit3A_2132 = arith.constant 1 : i32
    %jit3A_2133 = arith.constant 0 : i32
    %broadcast_in_dim3A_2134 = vector.broadcast %jit3A_2132 : i32 to vector<64x128xi32>
    %broadcast_in_dim3A_2135 = vector.broadcast %jit3A_2133 : i32 to vector<64x128xi32>
    %select_n3A_2136 = arith.select %eq3A_2131, %broadcast_in_dim3A_2134, %broadcast_in_dim3A_2135 : vector<64x128xi1>, vector<64x128xi32>
    %add3A_2137 = arith.addi %add3A_2087, %select_n3A_2136 : vector<64x128xi32>
    %broadcast_in_dim3A_2138 = arith.constant 0x7F800000 : f32
    %broadcast_in_dim3A_2139 = vector.broadcast %broadcast_in_dim3A_2138 : f32 to vector<64x128xf32>
    %broadcast_in_dim3A_2140 = arith.constant 1073741824 : i32
    %broadcast_in_dim3A_2141 = vector.broadcast %broadcast_in_dim3A_2140 : i32 to vector<64x128xi32>
    %eq3A_2142 = arith.constant 1 : i32
    %eq3A_2143 = vector.broadcast %eq3A_2142 : i32 to vector<64x128xi32>
    %eq3A_2144 = arith.cmpi eq, %add3A_2137, %eq3A_2143 : vector<64x128xi32>
    %select_n3A_2145 = arith.select %eq3A_2144, %select_n3A_539, %broadcast_in_dim3A_2139 : vector<64x128xi1>, vector<64x128xf32>
    %select_n3A_2146 = arith.select %eq3A_2144, %select_n3A_538, %broadcast_in_dim3A_2141 : vector<64x128xi1>, vector<64x128xi32>
    %eq3A_2147 = arith.constant 2 : i32
    %eq3A_2148 = vector.broadcast %eq3A_2147 : i32 to vector<64x128xi32>
    %eq3A_2149 = arith.cmpi eq, %add3A_2137, %eq3A_2148 : vector<64x128xi32>
    %select_n3A_2150 = arith.select %eq3A_2149, %select_n3A_796, %select_n3A_2145 : vector<64x128xi1>, vector<64x128xf32>
    %select_n3A_2151 = arith.select %eq3A_2149, %select_n3A_795, %select_n3A_2146 : vector<64x128xi1>, vector<64x128xi32>
    %eq3A_2152 = arith.constant 3 : i32
    %eq3A_2153 = vector.broadcast %eq3A_2152 : i32 to vector<64x128xi32>
    %eq3A_2154 = arith.cmpi eq, %add3A_2137, %eq3A_2153 : vector<64x128xi32>
    %select_n3A_2155 = arith.select %eq3A_2154, %select_n3A_1053, %select_n3A_2150 : vector<64x128xi1>, vector<64x128xf32>
    %select_n3A_2156 = arith.select %eq3A_2154, %select_n3A_1052, %select_n3A_2151 : vector<64x128xi1>, vector<64x128xi32>
    %eq3A_2157 = arith.constant 4 : i32
    %eq3A_2158 = vector.broadcast %eq3A_2157 : i32 to vector<64x128xi32>
    %eq3A_2159 = arith.cmpi eq, %add3A_2137, %eq3A_2158 : vector<64x128xi32>
    %select_n3A_2160 = arith.select %eq3A_2159, %select_n3A_1310, %select_n3A_2155 : vector<64x128xi1>, vector<64x128xf32>
    %select_n3A_2161 = arith.select %eq3A_2159, %select_n3A_1309, %select_n3A_2156 : vector<64x128xi1>, vector<64x128xi32>
    %eq3A_2162 = arith.constant 5 : i32
    %eq3A_2163 = vector.broadcast %eq3A_2162 : i32 to vector<64x128xi32>
    %eq3A_2164 = arith.cmpi eq, %add3A_2137, %eq3A_2163 : vector<64x128xi32>
    %select_n3A_2165 = arith.select %eq3A_2164, %select_n3A_1567, %select_n3A_2160 : vector<64x128xi1>, vector<64x128xf32>
    %select_n3A_2166 = arith.select %eq3A_2164, %select_n3A_1566, %select_n3A_2161 : vector<64x128xi1>, vector<64x128xi32>
    %select_n3A_2167 = arith.select %eq3A_2131, %select_n3A_2165, %select_n3A_2117 : vector<64x128xi1>, vector<64x128xf32>
    %select_n3A_2168 = arith.select %eq3A_2131, %select_n3A_2166, %select_n3A_2118 : vector<64x128xi1>, vector<64x128xi32>
    %reduce_min3A_2169 = arith.constant dense<0x7F800000> : vector<64xf32>
    %reduce_min3A_2170 = vector.multi_reduction <minimumf>, %select_n3A_2167, %reduce_min3A_2169 [1] : vector<64x128xf32> to vector<64xf32>
    %broadcast_in_dim3A_2171 = vector.shape_cast %reduce_min3A_2170 : vector<64xf32> to vector<64x1xf32>
    %eq3A_2172 = vector.broadcast %broadcast_in_dim3A_2171 : vector<64x1xf32> to vector<64x128xf32>
    %eq3A_2173 = arith.cmpf oeq, %select_n3A_2167, %eq3A_2172 : vector<64x128xf32>
    %jit3A_2174 = arith.constant 1073741824 : i32
    %broadcast_in_dim3A_2175 = vector.broadcast %jit3A_2174 : i32 to vector<64x128xi32>
    %select_n3A_2176 = arith.select %eq3A_2173, %select_n3A_2168, %broadcast_in_dim3A_2175 : vector<64x128xi1>, vector<64x128xi32>
    %reduce_min3A_2177 = arith.constant dense<2147483647> : vector<64xi32>
    %reduce_min3A_2178 = vector.multi_reduction <minsi>, %select_n3A_2176, %reduce_min3A_2177 [1] : vector<64x128xi32> to vector<64xi32>
    %broadcast_in_dim3A_2179 = vector.shape_cast %reduce_min3A_2178 : vector<64xi32> to vector<64x1xi32>
    %eq3A_2180 = vector.broadcast %broadcast_in_dim3A_2179 : vector<64x1xi32> to vector<64x128xi32>
    %eq3A_2181 = arith.cmpi eq, %select_n3A_2168, %eq3A_2180 : vector<64x128xi32>
    %jit3A_2182 = arith.constant 1 : i32
    %jit3A_2183 = arith.constant 0 : i32
    %broadcast_in_dim3A_2184 = vector.broadcast %jit3A_2182 : i32 to vector<64x128xi32>
    %broadcast_in_dim3A_2185 = vector.broadcast %jit3A_2183 : i32 to vector<64x128xi32>
    %select_n3A_2186 = arith.select %eq3A_2181, %broadcast_in_dim3A_2184, %broadcast_in_dim3A_2185 : vector<64x128xi1>, vector<64x128xi32>
    %add3A_2187 = arith.addi %add3A_2137, %select_n3A_2186 : vector<64x128xi32>
    %broadcast_in_dim3A_2188 = arith.constant 0x7F800000 : f32
    %broadcast_in_dim3A_2189 = vector.broadcast %broadcast_in_dim3A_2188 : f32 to vector<64x128xf32>
    %broadcast_in_dim3A_2190 = arith.constant 1073741824 : i32
    %broadcast_in_dim3A_2191 = vector.broadcast %broadcast_in_dim3A_2190 : i32 to vector<64x128xi32>
    %eq3A_2192 = arith.constant 1 : i32
    %eq3A_2193 = vector.broadcast %eq3A_2192 : i32 to vector<64x128xi32>
    %eq3A_2194 = arith.cmpi eq, %add3A_2187, %eq3A_2193 : vector<64x128xi32>
    %select_n3A_2195 = arith.select %eq3A_2194, %select_n3A_539, %broadcast_in_dim3A_2189 : vector<64x128xi1>, vector<64x128xf32>
    %select_n3A_2196 = arith.select %eq3A_2194, %select_n3A_538, %broadcast_in_dim3A_2191 : vector<64x128xi1>, vector<64x128xi32>
    %eq3A_2197 = arith.constant 2 : i32
    %eq3A_2198 = vector.broadcast %eq3A_2197 : i32 to vector<64x128xi32>
    %eq3A_2199 = arith.cmpi eq, %add3A_2187, %eq3A_2198 : vector<64x128xi32>
    %select_n3A_2200 = arith.select %eq3A_2199, %select_n3A_796, %select_n3A_2195 : vector<64x128xi1>, vector<64x128xf32>
    %select_n3A_2201 = arith.select %eq3A_2199, %select_n3A_795, %select_n3A_2196 : vector<64x128xi1>, vector<64x128xi32>
    %eq3A_2202 = arith.constant 3 : i32
    %eq3A_2203 = vector.broadcast %eq3A_2202 : i32 to vector<64x128xi32>
    %eq3A_2204 = arith.cmpi eq, %add3A_2187, %eq3A_2203 : vector<64x128xi32>
    %select_n3A_2205 = arith.select %eq3A_2204, %select_n3A_1053, %select_n3A_2200 : vector<64x128xi1>, vector<64x128xf32>
    %select_n3A_2206 = arith.select %eq3A_2204, %select_n3A_1052, %select_n3A_2201 : vector<64x128xi1>, vector<64x128xi32>
    %eq3A_2207 = arith.constant 4 : i32
    %eq3A_2208 = vector.broadcast %eq3A_2207 : i32 to vector<64x128xi32>
    %eq3A_2209 = arith.cmpi eq, %add3A_2187, %eq3A_2208 : vector<64x128xi32>
    %select_n3A_2210 = arith.select %eq3A_2209, %select_n3A_1310, %select_n3A_2205 : vector<64x128xi1>, vector<64x128xf32>
    %select_n3A_2211 = arith.select %eq3A_2209, %select_n3A_1309, %select_n3A_2206 : vector<64x128xi1>, vector<64x128xi32>
    %eq3A_2212 = arith.constant 5 : i32
    %eq3A_2213 = vector.broadcast %eq3A_2212 : i32 to vector<64x128xi32>
    %eq3A_2214 = arith.cmpi eq, %add3A_2187, %eq3A_2213 : vector<64x128xi32>
    %select_n3A_2215 = arith.select %eq3A_2214, %select_n3A_1567, %select_n3A_2210 : vector<64x128xi1>, vector<64x128xf32>
    %select_n3A_2216 = arith.select %eq3A_2214, %select_n3A_1566, %select_n3A_2211 : vector<64x128xi1>, vector<64x128xi32>
    %select_n3A_2217 = arith.select %eq3A_2181, %select_n3A_2215, %select_n3A_2167 : vector<64x128xi1>, vector<64x128xf32>
    %select_n3A_2218 = arith.select %eq3A_2181, %select_n3A_2216, %select_n3A_2168 : vector<64x128xi1>, vector<64x128xi32>
    %reduce_min3A_2219 = arith.constant dense<0x7F800000> : vector<64xf32>
    %reduce_min3A_2220 = vector.multi_reduction <minimumf>, %select_n3A_2217, %reduce_min3A_2219 [1] : vector<64x128xf32> to vector<64xf32>
    %broadcast_in_dim3A_2221 = vector.shape_cast %reduce_min3A_2220 : vector<64xf32> to vector<64x1xf32>
    %eq3A_2222 = vector.broadcast %broadcast_in_dim3A_2221 : vector<64x1xf32> to vector<64x128xf32>
    %eq3A_2223 = arith.cmpf oeq, %select_n3A_2217, %eq3A_2222 : vector<64x128xf32>
    %jit3A_2224 = arith.constant 1073741824 : i32
    %broadcast_in_dim3A_2225 = vector.broadcast %jit3A_2224 : i32 to vector<64x128xi32>
    %select_n3A_2226 = arith.select %eq3A_2223, %select_n3A_2218, %broadcast_in_dim3A_2225 : vector<64x128xi1>, vector<64x128xi32>
    %reduce_min3A_2227 = arith.constant dense<2147483647> : vector<64xi32>
    %reduce_min3A_2228 = vector.multi_reduction <minsi>, %select_n3A_2226, %reduce_min3A_2227 [1] : vector<64x128xi32> to vector<64xi32>
    %broadcast_in_dim3A_2229 = vector.shape_cast %reduce_min3A_2228 : vector<64xi32> to vector<64x1xi32>
    %eq3A_2230 = vector.broadcast %broadcast_in_dim3A_2229 : vector<64x1xi32> to vector<64x128xi32>
    %eq3A_2231 = arith.cmpi eq, %select_n3A_2218, %eq3A_2230 : vector<64x128xi32>
    %jit3A_2232 = arith.constant 1 : i32
    %jit3A_2233 = arith.constant 0 : i32
    %broadcast_in_dim3A_2234 = vector.broadcast %jit3A_2232 : i32 to vector<64x128xi32>
    %broadcast_in_dim3A_2235 = vector.broadcast %jit3A_2233 : i32 to vector<64x128xi32>
    %select_n3A_2236 = arith.select %eq3A_2231, %broadcast_in_dim3A_2234, %broadcast_in_dim3A_2235 : vector<64x128xi1>, vector<64x128xi32>
    %add3A_2237 = arith.addi %add3A_2187, %select_n3A_2236 : vector<64x128xi32>
    %broadcast_in_dim3A_2238 = arith.constant 0x7F800000 : f32
    %broadcast_in_dim3A_2239 = vector.broadcast %broadcast_in_dim3A_2238 : f32 to vector<64x128xf32>
    %broadcast_in_dim3A_2240 = arith.constant 1073741824 : i32
    %broadcast_in_dim3A_2241 = vector.broadcast %broadcast_in_dim3A_2240 : i32 to vector<64x128xi32>
    %eq3A_2242 = arith.constant 1 : i32
    %eq3A_2243 = vector.broadcast %eq3A_2242 : i32 to vector<64x128xi32>
    %eq3A_2244 = arith.cmpi eq, %add3A_2237, %eq3A_2243 : vector<64x128xi32>
    %select_n3A_2245 = arith.select %eq3A_2244, %select_n3A_539, %broadcast_in_dim3A_2239 : vector<64x128xi1>, vector<64x128xf32>
    %select_n3A_2246 = arith.select %eq3A_2244, %select_n3A_538, %broadcast_in_dim3A_2241 : vector<64x128xi1>, vector<64x128xi32>
    %eq3A_2247 = arith.constant 2 : i32
    %eq3A_2248 = vector.broadcast %eq3A_2247 : i32 to vector<64x128xi32>
    %eq3A_2249 = arith.cmpi eq, %add3A_2237, %eq3A_2248 : vector<64x128xi32>
    %select_n3A_2250 = arith.select %eq3A_2249, %select_n3A_796, %select_n3A_2245 : vector<64x128xi1>, vector<64x128xf32>
    %select_n3A_2251 = arith.select %eq3A_2249, %select_n3A_795, %select_n3A_2246 : vector<64x128xi1>, vector<64x128xi32>
    %eq3A_2252 = arith.constant 3 : i32
    %eq3A_2253 = vector.broadcast %eq3A_2252 : i32 to vector<64x128xi32>
    %eq3A_2254 = arith.cmpi eq, %add3A_2237, %eq3A_2253 : vector<64x128xi32>
    %select_n3A_2255 = arith.select %eq3A_2254, %select_n3A_1053, %select_n3A_2250 : vector<64x128xi1>, vector<64x128xf32>
    %select_n3A_2256 = arith.select %eq3A_2254, %select_n3A_1052, %select_n3A_2251 : vector<64x128xi1>, vector<64x128xi32>
    %eq3A_2257 = arith.constant 4 : i32
    %eq3A_2258 = vector.broadcast %eq3A_2257 : i32 to vector<64x128xi32>
    %eq3A_2259 = arith.cmpi eq, %add3A_2237, %eq3A_2258 : vector<64x128xi32>
    %select_n3A_2260 = arith.select %eq3A_2259, %select_n3A_1310, %select_n3A_2255 : vector<64x128xi1>, vector<64x128xf32>
    %select_n3A_2261 = arith.select %eq3A_2259, %select_n3A_1309, %select_n3A_2256 : vector<64x128xi1>, vector<64x128xi32>
    %eq3A_2262 = arith.constant 5 : i32
    %eq3A_2263 = vector.broadcast %eq3A_2262 : i32 to vector<64x128xi32>
    %eq3A_2264 = arith.cmpi eq, %add3A_2237, %eq3A_2263 : vector<64x128xi32>
    %select_n3A_2265 = arith.select %eq3A_2264, %select_n3A_1567, %select_n3A_2260 : vector<64x128xi1>, vector<64x128xf32>
    %select_n3A_2266 = arith.select %eq3A_2264, %select_n3A_1566, %select_n3A_2261 : vector<64x128xi1>, vector<64x128xi32>
    %select_n3A_2267 = arith.select %eq3A_2231, %select_n3A_2265, %select_n3A_2217 : vector<64x128xi1>, vector<64x128xf32>
    %select_n3A_2268 = arith.select %eq3A_2231, %select_n3A_2266, %select_n3A_2218 : vector<64x128xi1>, vector<64x128xi32>
    %reduce_min3A_2269 = arith.constant dense<0x7F800000> : vector<64xf32>
    %reduce_min3A_2270 = vector.multi_reduction <minimumf>, %select_n3A_2267, %reduce_min3A_2269 [1] : vector<64x128xf32> to vector<64xf32>
    %broadcast_in_dim3A_2271 = vector.shape_cast %reduce_min3A_2270 : vector<64xf32> to vector<64x1xf32>
    %eq3A_2272 = vector.broadcast %broadcast_in_dim3A_2271 : vector<64x1xf32> to vector<64x128xf32>
    %eq3A_2273 = arith.cmpf oeq, %select_n3A_2267, %eq3A_2272 : vector<64x128xf32>
    %jit3A_2274 = arith.constant 1073741824 : i32
    %broadcast_in_dim3A_2275 = vector.broadcast %jit3A_2274 : i32 to vector<64x128xi32>
    %select_n3A_2276 = arith.select %eq3A_2273, %select_n3A_2268, %broadcast_in_dim3A_2275 : vector<64x128xi1>, vector<64x128xi32>
    %reduce_min3A_2277 = arith.constant dense<2147483647> : vector<64xi32>
    %reduce_min3A_2278 = vector.multi_reduction <minsi>, %select_n3A_2276, %reduce_min3A_2277 [1] : vector<64x128xi32> to vector<64xi32>
    %broadcast_in_dim3A_2279 = vector.shape_cast %reduce_min3A_2278 : vector<64xi32> to vector<64x1xi32>
    %eq3A_2280 = vector.broadcast %broadcast_in_dim3A_2279 : vector<64x1xi32> to vector<64x128xi32>
    %eq3A_2281 = arith.cmpi eq, %select_n3A_2268, %eq3A_2280 : vector<64x128xi32>
    %jit3A_2282 = arith.constant 1 : i32
    %jit3A_2283 = arith.constant 0 : i32
    %broadcast_in_dim3A_2284 = vector.broadcast %jit3A_2282 : i32 to vector<64x128xi32>
    %broadcast_in_dim3A_2285 = vector.broadcast %jit3A_2283 : i32 to vector<64x128xi32>
    %select_n3A_2286 = arith.select %eq3A_2281, %broadcast_in_dim3A_2284, %broadcast_in_dim3A_2285 : vector<64x128xi1>, vector<64x128xi32>
    %add3A_2287 = arith.addi %add3A_2237, %select_n3A_2286 : vector<64x128xi32>
    %broadcast_in_dim3A_2288 = arith.constant 0x7F800000 : f32
    %broadcast_in_dim3A_2289 = vector.broadcast %broadcast_in_dim3A_2288 : f32 to vector<64x128xf32>
    %broadcast_in_dim3A_2290 = arith.constant 1073741824 : i32
    %broadcast_in_dim3A_2291 = vector.broadcast %broadcast_in_dim3A_2290 : i32 to vector<64x128xi32>
    %eq3A_2292 = arith.constant 1 : i32
    %eq3A_2293 = vector.broadcast %eq3A_2292 : i32 to vector<64x128xi32>
    %eq3A_2294 = arith.cmpi eq, %add3A_2287, %eq3A_2293 : vector<64x128xi32>
    %select_n3A_2295 = arith.select %eq3A_2294, %select_n3A_539, %broadcast_in_dim3A_2289 : vector<64x128xi1>, vector<64x128xf32>
    %select_n3A_2296 = arith.select %eq3A_2294, %select_n3A_538, %broadcast_in_dim3A_2291 : vector<64x128xi1>, vector<64x128xi32>
    %eq3A_2297 = arith.constant 2 : i32
    %eq3A_2298 = vector.broadcast %eq3A_2297 : i32 to vector<64x128xi32>
    %eq3A_2299 = arith.cmpi eq, %add3A_2287, %eq3A_2298 : vector<64x128xi32>
    %select_n3A_2300 = arith.select %eq3A_2299, %select_n3A_796, %select_n3A_2295 : vector<64x128xi1>, vector<64x128xf32>
    %select_n3A_2301 = arith.select %eq3A_2299, %select_n3A_795, %select_n3A_2296 : vector<64x128xi1>, vector<64x128xi32>
    %eq3A_2302 = arith.constant 3 : i32
    %eq3A_2303 = vector.broadcast %eq3A_2302 : i32 to vector<64x128xi32>
    %eq3A_2304 = arith.cmpi eq, %add3A_2287, %eq3A_2303 : vector<64x128xi32>
    %select_n3A_2305 = arith.select %eq3A_2304, %select_n3A_1053, %select_n3A_2300 : vector<64x128xi1>, vector<64x128xf32>
    %select_n3A_2306 = arith.select %eq3A_2304, %select_n3A_1052, %select_n3A_2301 : vector<64x128xi1>, vector<64x128xi32>
    %eq3A_2307 = arith.constant 4 : i32
    %eq3A_2308 = vector.broadcast %eq3A_2307 : i32 to vector<64x128xi32>
    %eq3A_2309 = arith.cmpi eq, %add3A_2287, %eq3A_2308 : vector<64x128xi32>
    %select_n3A_2310 = arith.select %eq3A_2309, %select_n3A_1310, %select_n3A_2305 : vector<64x128xi1>, vector<64x128xf32>
    %select_n3A_2311 = arith.select %eq3A_2309, %select_n3A_1309, %select_n3A_2306 : vector<64x128xi1>, vector<64x128xi32>
    %eq3A_2312 = arith.constant 5 : i32
    %eq3A_2313 = vector.broadcast %eq3A_2312 : i32 to vector<64x128xi32>
    %eq3A_2314 = arith.cmpi eq, %add3A_2287, %eq3A_2313 : vector<64x128xi32>
    %select_n3A_2315 = arith.select %eq3A_2314, %select_n3A_1567, %select_n3A_2310 : vector<64x128xi1>, vector<64x128xf32>
    %select_n3A_2316 = arith.select %eq3A_2314, %select_n3A_1566, %select_n3A_2311 : vector<64x128xi1>, vector<64x128xi32>
    %select_n3A_2317 = arith.select %eq3A_2281, %select_n3A_2315, %select_n3A_2267 : vector<64x128xi1>, vector<64x128xf32>
    %select_n3A_2318 = arith.select %eq3A_2281, %select_n3A_2316, %select_n3A_2268 : vector<64x128xi1>, vector<64x128xi32>
    %reduce_min3A_2319 = arith.constant dense<0x7F800000> : vector<64xf32>
    %reduce_min3A_2320 = vector.multi_reduction <minimumf>, %select_n3A_2317, %reduce_min3A_2319 [1] : vector<64x128xf32> to vector<64xf32>
    %broadcast_in_dim3A_2321 = vector.shape_cast %reduce_min3A_2320 : vector<64xf32> to vector<64x1xf32>
    %eq3A_2322 = vector.broadcast %broadcast_in_dim3A_2321 : vector<64x1xf32> to vector<64x128xf32>
    %eq3A_2323 = arith.cmpf oeq, %select_n3A_2317, %eq3A_2322 : vector<64x128xf32>
    %jit3A_2324 = arith.constant 1073741824 : i32
    %broadcast_in_dim3A_2325 = vector.broadcast %jit3A_2324 : i32 to vector<64x128xi32>
    %select_n3A_2326 = arith.select %eq3A_2323, %select_n3A_2318, %broadcast_in_dim3A_2325 : vector<64x128xi1>, vector<64x128xi32>
    %reduce_min3A_2327 = arith.constant dense<2147483647> : vector<64xi32>
    %reduce_min3A_2328 = vector.multi_reduction <minsi>, %select_n3A_2326, %reduce_min3A_2327 [1] : vector<64x128xi32> to vector<64xi32>
    %broadcast_in_dim3A_2329 = vector.shape_cast %reduce_min3A_2328 : vector<64xi32> to vector<64x1xi32>
    %eq3A_2330 = vector.broadcast %broadcast_in_dim3A_2329 : vector<64x1xi32> to vector<64x128xi32>
    %eq3A_2331 = arith.cmpi eq, %select_n3A_2318, %eq3A_2330 : vector<64x128xi32>
    %jit3A_2332 = arith.constant 1 : i32
    %jit3A_2333 = arith.constant 0 : i32
    %broadcast_in_dim3A_2334 = vector.broadcast %jit3A_2332 : i32 to vector<64x128xi32>
    %broadcast_in_dim3A_2335 = vector.broadcast %jit3A_2333 : i32 to vector<64x128xi32>
    %select_n3A_2336 = arith.select %eq3A_2331, %broadcast_in_dim3A_2334, %broadcast_in_dim3A_2335 : vector<64x128xi1>, vector<64x128xi32>
    %add3A_2337 = arith.addi %add3A_2287, %select_n3A_2336 : vector<64x128xi32>
    %broadcast_in_dim3A_2338 = arith.constant 0x7F800000 : f32
    %broadcast_in_dim3A_2339 = vector.broadcast %broadcast_in_dim3A_2338 : f32 to vector<64x128xf32>
    %broadcast_in_dim3A_2340 = arith.constant 1073741824 : i32
    %broadcast_in_dim3A_2341 = vector.broadcast %broadcast_in_dim3A_2340 : i32 to vector<64x128xi32>
    %eq3A_2342 = arith.constant 1 : i32
    %eq3A_2343 = vector.broadcast %eq3A_2342 : i32 to vector<64x128xi32>
    %eq3A_2344 = arith.cmpi eq, %add3A_2337, %eq3A_2343 : vector<64x128xi32>
    %select_n3A_2345 = arith.select %eq3A_2344, %select_n3A_539, %broadcast_in_dim3A_2339 : vector<64x128xi1>, vector<64x128xf32>
    %select_n3A_2346 = arith.select %eq3A_2344, %select_n3A_538, %broadcast_in_dim3A_2341 : vector<64x128xi1>, vector<64x128xi32>
    %eq3A_2347 = arith.constant 2 : i32
    %eq3A_2348 = vector.broadcast %eq3A_2347 : i32 to vector<64x128xi32>
    %eq3A_2349 = arith.cmpi eq, %add3A_2337, %eq3A_2348 : vector<64x128xi32>
    %select_n3A_2350 = arith.select %eq3A_2349, %select_n3A_796, %select_n3A_2345 : vector<64x128xi1>, vector<64x128xf32>
    %select_n3A_2351 = arith.select %eq3A_2349, %select_n3A_795, %select_n3A_2346 : vector<64x128xi1>, vector<64x128xi32>
    %eq3A_2352 = arith.constant 3 : i32
    %eq3A_2353 = vector.broadcast %eq3A_2352 : i32 to vector<64x128xi32>
    %eq3A_2354 = arith.cmpi eq, %add3A_2337, %eq3A_2353 : vector<64x128xi32>
    %select_n3A_2355 = arith.select %eq3A_2354, %select_n3A_1053, %select_n3A_2350 : vector<64x128xi1>, vector<64x128xf32>
    %select_n3A_2356 = arith.select %eq3A_2354, %select_n3A_1052, %select_n3A_2351 : vector<64x128xi1>, vector<64x128xi32>
    %eq3A_2357 = arith.constant 4 : i32
    %eq3A_2358 = vector.broadcast %eq3A_2357 : i32 to vector<64x128xi32>
    %eq3A_2359 = arith.cmpi eq, %add3A_2337, %eq3A_2358 : vector<64x128xi32>
    %select_n3A_2360 = arith.select %eq3A_2359, %select_n3A_1310, %select_n3A_2355 : vector<64x128xi1>, vector<64x128xf32>
    %select_n3A_2361 = arith.select %eq3A_2359, %select_n3A_1309, %select_n3A_2356 : vector<64x128xi1>, vector<64x128xi32>
    %eq3A_2362 = arith.constant 5 : i32
    %eq3A_2363 = vector.broadcast %eq3A_2362 : i32 to vector<64x128xi32>
    %eq3A_2364 = arith.cmpi eq, %add3A_2337, %eq3A_2363 : vector<64x128xi32>
    %select_n3A_2365 = arith.select %eq3A_2364, %select_n3A_1567, %select_n3A_2360 : vector<64x128xi1>, vector<64x128xf32>
    %select_n3A_2366 = arith.select %eq3A_2364, %select_n3A_1566, %select_n3A_2361 : vector<64x128xi1>, vector<64x128xi32>
    %select_n3A_2367 = arith.select %eq3A_2331, %select_n3A_2365, %select_n3A_2317 : vector<64x128xi1>, vector<64x128xf32>
    %select_n3A_2368 = arith.select %eq3A_2331, %select_n3A_2366, %select_n3A_2318 : vector<64x128xi1>, vector<64x128xi32>
    %reduce_min3A_2369 = arith.constant dense<0x7F800000> : vector<64xf32>
    %reduce_min3A_2370 = vector.multi_reduction <minimumf>, %select_n3A_2367, %reduce_min3A_2369 [1] : vector<64x128xf32> to vector<64xf32>
    %broadcast_in_dim3A_2371 = vector.shape_cast %reduce_min3A_2370 : vector<64xf32> to vector<64x1xf32>
    %eq3A_2372 = vector.broadcast %broadcast_in_dim3A_2371 : vector<64x1xf32> to vector<64x128xf32>
    %eq3A_2373 = arith.cmpf oeq, %select_n3A_2367, %eq3A_2372 : vector<64x128xf32>
    %jit3A_2374 = arith.constant 1073741824 : i32
    %broadcast_in_dim3A_2375 = vector.broadcast %jit3A_2374 : i32 to vector<64x128xi32>
    %select_n3A_2376 = arith.select %eq3A_2373, %select_n3A_2368, %broadcast_in_dim3A_2375 : vector<64x128xi1>, vector<64x128xi32>
    %reduce_min3A_2377 = arith.constant dense<2147483647> : vector<64xi32>
    %reduce_min3A_2378 = vector.multi_reduction <minsi>, %select_n3A_2376, %reduce_min3A_2377 [1] : vector<64x128xi32> to vector<64xi32>
    %broadcast_in_dim3A_2379 = vector.shape_cast %reduce_min3A_2378 : vector<64xi32> to vector<64x1xi32>
    %eq3A_2380 = vector.broadcast %broadcast_in_dim3A_2379 : vector<64x1xi32> to vector<64x128xi32>
    %eq3A_2381 = arith.cmpi eq, %select_n3A_2368, %eq3A_2380 : vector<64x128xi32>
    %jit3A_2382 = arith.constant 1 : i32
    %jit3A_2383 = arith.constant 0 : i32
    %broadcast_in_dim3A_2384 = vector.broadcast %jit3A_2382 : i32 to vector<64x128xi32>
    %broadcast_in_dim3A_2385 = vector.broadcast %jit3A_2383 : i32 to vector<64x128xi32>
    %select_n3A_2386 = arith.select %eq3A_2381, %broadcast_in_dim3A_2384, %broadcast_in_dim3A_2385 : vector<64x128xi1>, vector<64x128xi32>
    %add3A_2387 = arith.addi %add3A_2337, %select_n3A_2386 : vector<64x128xi32>
    %broadcast_in_dim3A_2388 = arith.constant 0x7F800000 : f32
    %broadcast_in_dim3A_2389 = vector.broadcast %broadcast_in_dim3A_2388 : f32 to vector<64x128xf32>
    %broadcast_in_dim3A_2390 = arith.constant 1073741824 : i32
    %broadcast_in_dim3A_2391 = vector.broadcast %broadcast_in_dim3A_2390 : i32 to vector<64x128xi32>
    %eq3A_2392 = arith.constant 1 : i32
    %eq3A_2393 = vector.broadcast %eq3A_2392 : i32 to vector<64x128xi32>
    %eq3A_2394 = arith.cmpi eq, %add3A_2387, %eq3A_2393 : vector<64x128xi32>
    %select_n3A_2395 = arith.select %eq3A_2394, %select_n3A_539, %broadcast_in_dim3A_2389 : vector<64x128xi1>, vector<64x128xf32>
    %select_n3A_2396 = arith.select %eq3A_2394, %select_n3A_538, %broadcast_in_dim3A_2391 : vector<64x128xi1>, vector<64x128xi32>
    %eq3A_2397 = arith.constant 2 : i32
    %eq3A_2398 = vector.broadcast %eq3A_2397 : i32 to vector<64x128xi32>
    %eq3A_2399 = arith.cmpi eq, %add3A_2387, %eq3A_2398 : vector<64x128xi32>
    %select_n3A_2400 = arith.select %eq3A_2399, %select_n3A_796, %select_n3A_2395 : vector<64x128xi1>, vector<64x128xf32>
    %select_n3A_2401 = arith.select %eq3A_2399, %select_n3A_795, %select_n3A_2396 : vector<64x128xi1>, vector<64x128xi32>
    %eq3A_2402 = arith.constant 3 : i32
    %eq3A_2403 = vector.broadcast %eq3A_2402 : i32 to vector<64x128xi32>
    %eq3A_2404 = arith.cmpi eq, %add3A_2387, %eq3A_2403 : vector<64x128xi32>
    %select_n3A_2405 = arith.select %eq3A_2404, %select_n3A_1053, %select_n3A_2400 : vector<64x128xi1>, vector<64x128xf32>
    %select_n3A_2406 = arith.select %eq3A_2404, %select_n3A_1052, %select_n3A_2401 : vector<64x128xi1>, vector<64x128xi32>
    %eq3A_2407 = arith.constant 4 : i32
    %eq3A_2408 = vector.broadcast %eq3A_2407 : i32 to vector<64x128xi32>
    %eq3A_2409 = arith.cmpi eq, %add3A_2387, %eq3A_2408 : vector<64x128xi32>
    %select_n3A_2410 = arith.select %eq3A_2409, %select_n3A_1310, %select_n3A_2405 : vector<64x128xi1>, vector<64x128xf32>
    %select_n3A_2411 = arith.select %eq3A_2409, %select_n3A_1309, %select_n3A_2406 : vector<64x128xi1>, vector<64x128xi32>
    %eq3A_2412 = arith.constant 5 : i32
    %eq3A_2413 = vector.broadcast %eq3A_2412 : i32 to vector<64x128xi32>
    %eq3A_2414 = arith.cmpi eq, %add3A_2387, %eq3A_2413 : vector<64x128xi32>
    %select_n3A_2415 = arith.select %eq3A_2414, %select_n3A_1567, %select_n3A_2410 : vector<64x128xi1>, vector<64x128xf32>
    %select_n3A_2416 = arith.select %eq3A_2414, %select_n3A_1566, %select_n3A_2411 : vector<64x128xi1>, vector<64x128xi32>
    %select_n3A_2417 = arith.select %eq3A_2381, %select_n3A_2415, %select_n3A_2367 : vector<64x128xi1>, vector<64x128xf32>
    %select_n3A_2418 = arith.select %eq3A_2381, %select_n3A_2416, %select_n3A_2368 : vector<64x128xi1>, vector<64x128xi32>
    %reduce_min3A_2419 = arith.constant dense<0x7F800000> : vector<64xf32>
    %reduce_min3A_2420 = vector.multi_reduction <minimumf>, %select_n3A_2417, %reduce_min3A_2419 [1] : vector<64x128xf32> to vector<64xf32>
    %broadcast_in_dim3A_2421 = vector.shape_cast %reduce_min3A_2420 : vector<64xf32> to vector<64x1xf32>
    %eq3A_2422 = vector.broadcast %broadcast_in_dim3A_2421 : vector<64x1xf32> to vector<64x128xf32>
    %eq3A_2423 = arith.cmpf oeq, %select_n3A_2417, %eq3A_2422 : vector<64x128xf32>
    %jit3A_2424 = arith.constant 1073741824 : i32
    %broadcast_in_dim3A_2425 = vector.broadcast %jit3A_2424 : i32 to vector<64x128xi32>
    %select_n3A_2426 = arith.select %eq3A_2423, %select_n3A_2418, %broadcast_in_dim3A_2425 : vector<64x128xi1>, vector<64x128xi32>
    %reduce_min3A_2427 = arith.constant dense<2147483647> : vector<64xi32>
    %reduce_min3A_2428 = vector.multi_reduction <minsi>, %select_n3A_2426, %reduce_min3A_2427 [1] : vector<64x128xi32> to vector<64xi32>
    %broadcast_in_dim3A_2429 = vector.shape_cast %reduce_min3A_2428 : vector<64xi32> to vector<64x1xi32>
    %eq3A_2430 = vector.broadcast %broadcast_in_dim3A_2429 : vector<64x1xi32> to vector<64x128xi32>
    %eq3A_2431 = arith.cmpi eq, %select_n3A_2418, %eq3A_2430 : vector<64x128xi32>
    %jit3A_2432 = arith.constant 1 : i32
    %jit3A_2433 = arith.constant 0 : i32
    %broadcast_in_dim3A_2434 = vector.broadcast %jit3A_2432 : i32 to vector<64x128xi32>
    %broadcast_in_dim3A_2435 = vector.broadcast %jit3A_2433 : i32 to vector<64x128xi32>
    %select_n3A_2436 = arith.select %eq3A_2431, %broadcast_in_dim3A_2434, %broadcast_in_dim3A_2435 : vector<64x128xi1>, vector<64x128xi32>
    %add3A_2437 = arith.addi %add3A_2387, %select_n3A_2436 : vector<64x128xi32>
    %broadcast_in_dim3A_2438 = arith.constant 0x7F800000 : f32
    %broadcast_in_dim3A_2439 = vector.broadcast %broadcast_in_dim3A_2438 : f32 to vector<64x128xf32>
    %broadcast_in_dim3A_2440 = arith.constant 1073741824 : i32
    %broadcast_in_dim3A_2441 = vector.broadcast %broadcast_in_dim3A_2440 : i32 to vector<64x128xi32>
    %eq3A_2442 = arith.constant 1 : i32
    %eq3A_2443 = vector.broadcast %eq3A_2442 : i32 to vector<64x128xi32>
    %eq3A_2444 = arith.cmpi eq, %add3A_2437, %eq3A_2443 : vector<64x128xi32>
    %select_n3A_2445 = arith.select %eq3A_2444, %select_n3A_539, %broadcast_in_dim3A_2439 : vector<64x128xi1>, vector<64x128xf32>
    %select_n3A_2446 = arith.select %eq3A_2444, %select_n3A_538, %broadcast_in_dim3A_2441 : vector<64x128xi1>, vector<64x128xi32>
    %eq3A_2447 = arith.constant 2 : i32
    %eq3A_2448 = vector.broadcast %eq3A_2447 : i32 to vector<64x128xi32>
    %eq3A_2449 = arith.cmpi eq, %add3A_2437, %eq3A_2448 : vector<64x128xi32>
    %select_n3A_2450 = arith.select %eq3A_2449, %select_n3A_796, %select_n3A_2445 : vector<64x128xi1>, vector<64x128xf32>
    %select_n3A_2451 = arith.select %eq3A_2449, %select_n3A_795, %select_n3A_2446 : vector<64x128xi1>, vector<64x128xi32>
    %eq3A_2452 = arith.constant 3 : i32
    %eq3A_2453 = vector.broadcast %eq3A_2452 : i32 to vector<64x128xi32>
    %eq3A_2454 = arith.cmpi eq, %add3A_2437, %eq3A_2453 : vector<64x128xi32>
    %select_n3A_2455 = arith.select %eq3A_2454, %select_n3A_1053, %select_n3A_2450 : vector<64x128xi1>, vector<64x128xf32>
    %select_n3A_2456 = arith.select %eq3A_2454, %select_n3A_1052, %select_n3A_2451 : vector<64x128xi1>, vector<64x128xi32>
    %eq3A_2457 = arith.constant 4 : i32
    %eq3A_2458 = vector.broadcast %eq3A_2457 : i32 to vector<64x128xi32>
    %eq3A_2459 = arith.cmpi eq, %add3A_2437, %eq3A_2458 : vector<64x128xi32>
    %select_n3A_2460 = arith.select %eq3A_2459, %select_n3A_1310, %select_n3A_2455 : vector<64x128xi1>, vector<64x128xf32>
    %select_n3A_2461 = arith.select %eq3A_2459, %select_n3A_1309, %select_n3A_2456 : vector<64x128xi1>, vector<64x128xi32>
    %eq3A_2462 = arith.constant 5 : i32
    %eq3A_2463 = vector.broadcast %eq3A_2462 : i32 to vector<64x128xi32>
    %eq3A_2464 = arith.cmpi eq, %add3A_2437, %eq3A_2463 : vector<64x128xi32>
    %select_n3A_2465 = arith.select %eq3A_2464, %select_n3A_1567, %select_n3A_2460 : vector<64x128xi1>, vector<64x128xf32>
    %select_n3A_2466 = arith.select %eq3A_2464, %select_n3A_1566, %select_n3A_2461 : vector<64x128xi1>, vector<64x128xi32>
    %select_n3A_2467 = arith.select %eq3A_2431, %select_n3A_2465, %select_n3A_2417 : vector<64x128xi1>, vector<64x128xf32>
    %select_n3A_2468 = arith.select %eq3A_2431, %select_n3A_2466, %select_n3A_2418 : vector<64x128xi1>, vector<64x128xi32>
    %reduce_min3A_2469 = arith.constant dense<0x7F800000> : vector<64xf32>
    %reduce_min3A_2470 = vector.multi_reduction <minimumf>, %select_n3A_2467, %reduce_min3A_2469 [1] : vector<64x128xf32> to vector<64xf32>
    %broadcast_in_dim3A_2471 = vector.shape_cast %reduce_min3A_2470 : vector<64xf32> to vector<64x1xf32>
    %eq3A_2472 = vector.broadcast %broadcast_in_dim3A_2471 : vector<64x1xf32> to vector<64x128xf32>
    %eq3A_2473 = arith.cmpf oeq, %select_n3A_2467, %eq3A_2472 : vector<64x128xf32>
    %jit3A_2474 = arith.constant 1073741824 : i32
    %broadcast_in_dim3A_2475 = vector.broadcast %jit3A_2474 : i32 to vector<64x128xi32>
    %select_n3A_2476 = arith.select %eq3A_2473, %select_n3A_2468, %broadcast_in_dim3A_2475 : vector<64x128xi1>, vector<64x128xi32>
    %reduce_min3A_2477 = arith.constant dense<2147483647> : vector<64xi32>
    %reduce_min3A_2478 = vector.multi_reduction <minsi>, %select_n3A_2476, %reduce_min3A_2477 [1] : vector<64x128xi32> to vector<64xi32>
    %broadcast_in_dim3A_2479 = vector.shape_cast %reduce_min3A_2478 : vector<64xi32> to vector<64x1xi32>
    %eq3A_2480 = vector.broadcast %broadcast_in_dim3A_2479 : vector<64x1xi32> to vector<64x128xi32>
    %eq3A_2481 = arith.cmpi eq, %select_n3A_2468, %eq3A_2480 : vector<64x128xi32>
    %jit3A_2482 = arith.constant 1 : i32
    %jit3A_2483 = arith.constant 0 : i32
    %broadcast_in_dim3A_2484 = vector.broadcast %jit3A_2482 : i32 to vector<64x128xi32>
    %broadcast_in_dim3A_2485 = vector.broadcast %jit3A_2483 : i32 to vector<64x128xi32>
    %select_n3A_2486 = arith.select %eq3A_2481, %broadcast_in_dim3A_2484, %broadcast_in_dim3A_2485 : vector<64x128xi1>, vector<64x128xi32>
    %add3A_2487 = arith.addi %add3A_2437, %select_n3A_2486 : vector<64x128xi32>
    %broadcast_in_dim3A_2488 = arith.constant 0x7F800000 : f32
    %broadcast_in_dim3A_2489 = vector.broadcast %broadcast_in_dim3A_2488 : f32 to vector<64x128xf32>
    %broadcast_in_dim3A_2490 = arith.constant 1073741824 : i32
    %broadcast_in_dim3A_2491 = vector.broadcast %broadcast_in_dim3A_2490 : i32 to vector<64x128xi32>
    %eq3A_2492 = arith.constant 1 : i32
    %eq3A_2493 = vector.broadcast %eq3A_2492 : i32 to vector<64x128xi32>
    %eq3A_2494 = arith.cmpi eq, %add3A_2487, %eq3A_2493 : vector<64x128xi32>
    %select_n3A_2495 = arith.select %eq3A_2494, %select_n3A_539, %broadcast_in_dim3A_2489 : vector<64x128xi1>, vector<64x128xf32>
    %select_n3A_2496 = arith.select %eq3A_2494, %select_n3A_538, %broadcast_in_dim3A_2491 : vector<64x128xi1>, vector<64x128xi32>
    %eq3A_2497 = arith.constant 2 : i32
    %eq3A_2498 = vector.broadcast %eq3A_2497 : i32 to vector<64x128xi32>
    %eq3A_2499 = arith.cmpi eq, %add3A_2487, %eq3A_2498 : vector<64x128xi32>
    %select_n3A_2500 = arith.select %eq3A_2499, %select_n3A_796, %select_n3A_2495 : vector<64x128xi1>, vector<64x128xf32>
    %select_n3A_2501 = arith.select %eq3A_2499, %select_n3A_795, %select_n3A_2496 : vector<64x128xi1>, vector<64x128xi32>
    %eq3A_2502 = arith.constant 3 : i32
    %eq3A_2503 = vector.broadcast %eq3A_2502 : i32 to vector<64x128xi32>
    %eq3A_2504 = arith.cmpi eq, %add3A_2487, %eq3A_2503 : vector<64x128xi32>
    %select_n3A_2505 = arith.select %eq3A_2504, %select_n3A_1053, %select_n3A_2500 : vector<64x128xi1>, vector<64x128xf32>
    %select_n3A_2506 = arith.select %eq3A_2504, %select_n3A_1052, %select_n3A_2501 : vector<64x128xi1>, vector<64x128xi32>
    %eq3A_2507 = arith.constant 4 : i32
    %eq3A_2508 = vector.broadcast %eq3A_2507 : i32 to vector<64x128xi32>
    %eq3A_2509 = arith.cmpi eq, %add3A_2487, %eq3A_2508 : vector<64x128xi32>
    %select_n3A_2510 = arith.select %eq3A_2509, %select_n3A_1310, %select_n3A_2505 : vector<64x128xi1>, vector<64x128xf32>
    %select_n3A_2511 = arith.select %eq3A_2509, %select_n3A_1309, %select_n3A_2506 : vector<64x128xi1>, vector<64x128xi32>
    %eq3A_2512 = arith.constant 5 : i32
    %eq3A_2513 = vector.broadcast %eq3A_2512 : i32 to vector<64x128xi32>
    %eq3A_2514 = arith.cmpi eq, %add3A_2487, %eq3A_2513 : vector<64x128xi32>
    %select_n3A_2515 = arith.select %eq3A_2514, %select_n3A_1567, %select_n3A_2510 : vector<64x128xi1>, vector<64x128xf32>
    %select_n3A_2516 = arith.select %eq3A_2514, %select_n3A_1566, %select_n3A_2511 : vector<64x128xi1>, vector<64x128xi32>
    %select_n3A_2517 = arith.select %eq3A_2481, %select_n3A_2515, %select_n3A_2467 : vector<64x128xi1>, vector<64x128xf32>
    %select_n3A_2518 = arith.select %eq3A_2481, %select_n3A_2516, %select_n3A_2468 : vector<64x128xi1>, vector<64x128xi32>
    %reduce_min3A_2519 = arith.constant dense<0x7F800000> : vector<64xf32>
    %reduce_min3A_2520 = vector.multi_reduction <minimumf>, %select_n3A_2517, %reduce_min3A_2519 [1] : vector<64x128xf32> to vector<64xf32>
    %broadcast_in_dim3A_2521 = vector.shape_cast %reduce_min3A_2520 : vector<64xf32> to vector<64x1xf32>
    %eq3A_2522 = vector.broadcast %broadcast_in_dim3A_2521 : vector<64x1xf32> to vector<64x128xf32>
    %eq3A_2523 = arith.cmpf oeq, %select_n3A_2517, %eq3A_2522 : vector<64x128xf32>
    %jit3A_2524 = arith.constant 1073741824 : i32
    %broadcast_in_dim3A_2525 = vector.broadcast %jit3A_2524 : i32 to vector<64x128xi32>
    %select_n3A_2526 = arith.select %eq3A_2523, %select_n3A_2518, %broadcast_in_dim3A_2525 : vector<64x128xi1>, vector<64x128xi32>
    %reduce_min3A_2527 = arith.constant dense<2147483647> : vector<64xi32>
    %reduce_min3A_2528 = vector.multi_reduction <minsi>, %select_n3A_2526, %reduce_min3A_2527 [1] : vector<64x128xi32> to vector<64xi32>
    %broadcast_in_dim3A_2529 = vector.shape_cast %reduce_min3A_2528 : vector<64xi32> to vector<64x1xi32>
    %eq3A_2530 = vector.broadcast %broadcast_in_dim3A_2529 : vector<64x1xi32> to vector<64x128xi32>
    %eq3A_2531 = arith.cmpi eq, %select_n3A_2518, %eq3A_2530 : vector<64x128xi32>
    %jit3A_2532 = arith.constant 1 : i32
    %jit3A_2533 = arith.constant 0 : i32
    %broadcast_in_dim3A_2534 = vector.broadcast %jit3A_2532 : i32 to vector<64x128xi32>
    %broadcast_in_dim3A_2535 = vector.broadcast %jit3A_2533 : i32 to vector<64x128xi32>
    %select_n3A_2536 = arith.select %eq3A_2531, %broadcast_in_dim3A_2534, %broadcast_in_dim3A_2535 : vector<64x128xi1>, vector<64x128xi32>
    %add3A_2537 = arith.addi %add3A_2487, %select_n3A_2536 : vector<64x128xi32>
    %broadcast_in_dim3A_2538 = arith.constant 0x7F800000 : f32
    %broadcast_in_dim3A_2539 = vector.broadcast %broadcast_in_dim3A_2538 : f32 to vector<64x128xf32>
    %broadcast_in_dim3A_2540 = arith.constant 1073741824 : i32
    %broadcast_in_dim3A_2541 = vector.broadcast %broadcast_in_dim3A_2540 : i32 to vector<64x128xi32>
    %eq3A_2542 = arith.constant 1 : i32
    %eq3A_2543 = vector.broadcast %eq3A_2542 : i32 to vector<64x128xi32>
    %eq3A_2544 = arith.cmpi eq, %add3A_2537, %eq3A_2543 : vector<64x128xi32>
    %select_n3A_2545 = arith.select %eq3A_2544, %select_n3A_539, %broadcast_in_dim3A_2539 : vector<64x128xi1>, vector<64x128xf32>
    %select_n3A_2546 = arith.select %eq3A_2544, %select_n3A_538, %broadcast_in_dim3A_2541 : vector<64x128xi1>, vector<64x128xi32>
    %eq3A_2547 = arith.constant 2 : i32
    %eq3A_2548 = vector.broadcast %eq3A_2547 : i32 to vector<64x128xi32>
    %eq3A_2549 = arith.cmpi eq, %add3A_2537, %eq3A_2548 : vector<64x128xi32>
    %select_n3A_2550 = arith.select %eq3A_2549, %select_n3A_796, %select_n3A_2545 : vector<64x128xi1>, vector<64x128xf32>
    %select_n3A_2551 = arith.select %eq3A_2549, %select_n3A_795, %select_n3A_2546 : vector<64x128xi1>, vector<64x128xi32>
    %eq3A_2552 = arith.constant 3 : i32
    %eq3A_2553 = vector.broadcast %eq3A_2552 : i32 to vector<64x128xi32>
    %eq3A_2554 = arith.cmpi eq, %add3A_2537, %eq3A_2553 : vector<64x128xi32>
    %select_n3A_2555 = arith.select %eq3A_2554, %select_n3A_1053, %select_n3A_2550 : vector<64x128xi1>, vector<64x128xf32>
    %select_n3A_2556 = arith.select %eq3A_2554, %select_n3A_1052, %select_n3A_2551 : vector<64x128xi1>, vector<64x128xi32>
    %eq3A_2557 = arith.constant 4 : i32
    %eq3A_2558 = vector.broadcast %eq3A_2557 : i32 to vector<64x128xi32>
    %eq3A_2559 = arith.cmpi eq, %add3A_2537, %eq3A_2558 : vector<64x128xi32>
    %select_n3A_2560 = arith.select %eq3A_2559, %select_n3A_1310, %select_n3A_2555 : vector<64x128xi1>, vector<64x128xf32>
    %select_n3A_2561 = arith.select %eq3A_2559, %select_n3A_1309, %select_n3A_2556 : vector<64x128xi1>, vector<64x128xi32>
    %eq3A_2562 = arith.constant 5 : i32
    %eq3A_2563 = vector.broadcast %eq3A_2562 : i32 to vector<64x128xi32>
    %eq3A_2564 = arith.cmpi eq, %add3A_2537, %eq3A_2563 : vector<64x128xi32>
    %select_n3A_2565 = arith.select %eq3A_2564, %select_n3A_1567, %select_n3A_2560 : vector<64x128xi1>, vector<64x128xf32>
    %select_n3A_2566 = arith.select %eq3A_2564, %select_n3A_1566, %select_n3A_2561 : vector<64x128xi1>, vector<64x128xi32>
    %select_n3A_2567 = arith.select %eq3A_2531, %select_n3A_2565, %select_n3A_2517 : vector<64x128xi1>, vector<64x128xf32>
    %select_n3A_2568 = arith.select %eq3A_2531, %select_n3A_2566, %select_n3A_2518 : vector<64x128xi1>, vector<64x128xi32>
    %reduce_min3A_2569 = arith.constant dense<0x7F800000> : vector<64xf32>
    %reduce_min3A_2570 = vector.multi_reduction <minimumf>, %select_n3A_2567, %reduce_min3A_2569 [1] : vector<64x128xf32> to vector<64xf32>
    %broadcast_in_dim3A_2571 = vector.shape_cast %reduce_min3A_2570 : vector<64xf32> to vector<64x1xf32>
    %eq3A_2572 = vector.broadcast %broadcast_in_dim3A_2571 : vector<64x1xf32> to vector<64x128xf32>
    %eq3A_2573 = arith.cmpf oeq, %select_n3A_2567, %eq3A_2572 : vector<64x128xf32>
    %jit3A_2574 = arith.constant 1073741824 : i32
    %broadcast_in_dim3A_2575 = vector.broadcast %jit3A_2574 : i32 to vector<64x128xi32>
    %select_n3A_2576 = arith.select %eq3A_2573, %select_n3A_2568, %broadcast_in_dim3A_2575 : vector<64x128xi1>, vector<64x128xi32>
    %reduce_min3A_2577 = arith.constant dense<2147483647> : vector<64xi32>
    %reduce_min3A_2578 = vector.multi_reduction <minsi>, %select_n3A_2576, %reduce_min3A_2577 [1] : vector<64x128xi32> to vector<64xi32>
    %broadcast_in_dim3A_2579 = vector.shape_cast %reduce_min3A_2578 : vector<64xi32> to vector<64x1xi32>
    %eq3A_2580 = vector.broadcast %broadcast_in_dim3A_2579 : vector<64x1xi32> to vector<64x128xi32>
    %eq3A_2581 = arith.cmpi eq, %select_n3A_2568, %eq3A_2580 : vector<64x128xi32>
    %jit3A_2582 = arith.constant 1 : i32
    %jit3A_2583 = arith.constant 0 : i32
    %broadcast_in_dim3A_2584 = vector.broadcast %jit3A_2582 : i32 to vector<64x128xi32>
    %broadcast_in_dim3A_2585 = vector.broadcast %jit3A_2583 : i32 to vector<64x128xi32>
    %select_n3A_2586 = arith.select %eq3A_2581, %broadcast_in_dim3A_2584, %broadcast_in_dim3A_2585 : vector<64x128xi1>, vector<64x128xi32>
    %add3A_2587 = arith.addi %add3A_2537, %select_n3A_2586 : vector<64x128xi32>
    %broadcast_in_dim3A_2588 = arith.constant 0x7F800000 : f32
    %broadcast_in_dim3A_2589 = vector.broadcast %broadcast_in_dim3A_2588 : f32 to vector<64x128xf32>
    %broadcast_in_dim3A_2590 = arith.constant 1073741824 : i32
    %broadcast_in_dim3A_2591 = vector.broadcast %broadcast_in_dim3A_2590 : i32 to vector<64x128xi32>
    %eq3A_2592 = arith.constant 1 : i32
    %eq3A_2593 = vector.broadcast %eq3A_2592 : i32 to vector<64x128xi32>
    %eq3A_2594 = arith.cmpi eq, %add3A_2587, %eq3A_2593 : vector<64x128xi32>
    %select_n3A_2595 = arith.select %eq3A_2594, %select_n3A_539, %broadcast_in_dim3A_2589 : vector<64x128xi1>, vector<64x128xf32>
    %select_n3A_2596 = arith.select %eq3A_2594, %select_n3A_538, %broadcast_in_dim3A_2591 : vector<64x128xi1>, vector<64x128xi32>
    %eq3A_2597 = arith.constant 2 : i32
    %eq3A_2598 = vector.broadcast %eq3A_2597 : i32 to vector<64x128xi32>
    %eq3A_2599 = arith.cmpi eq, %add3A_2587, %eq3A_2598 : vector<64x128xi32>
    %select_n3A_2600 = arith.select %eq3A_2599, %select_n3A_796, %select_n3A_2595 : vector<64x128xi1>, vector<64x128xf32>
    %select_n3A_2601 = arith.select %eq3A_2599, %select_n3A_795, %select_n3A_2596 : vector<64x128xi1>, vector<64x128xi32>
    %eq3A_2602 = arith.constant 3 : i32
    %eq3A_2603 = vector.broadcast %eq3A_2602 : i32 to vector<64x128xi32>
    %eq3A_2604 = arith.cmpi eq, %add3A_2587, %eq3A_2603 : vector<64x128xi32>
    %select_n3A_2605 = arith.select %eq3A_2604, %select_n3A_1053, %select_n3A_2600 : vector<64x128xi1>, vector<64x128xf32>
    %select_n3A_2606 = arith.select %eq3A_2604, %select_n3A_1052, %select_n3A_2601 : vector<64x128xi1>, vector<64x128xi32>
    %eq3A_2607 = arith.constant 4 : i32
    %eq3A_2608 = vector.broadcast %eq3A_2607 : i32 to vector<64x128xi32>
    %eq3A_2609 = arith.cmpi eq, %add3A_2587, %eq3A_2608 : vector<64x128xi32>
    %select_n3A_2610 = arith.select %eq3A_2609, %select_n3A_1310, %select_n3A_2605 : vector<64x128xi1>, vector<64x128xf32>
    %select_n3A_2611 = arith.select %eq3A_2609, %select_n3A_1309, %select_n3A_2606 : vector<64x128xi1>, vector<64x128xi32>
    %eq3A_2612 = arith.constant 5 : i32
    %eq3A_2613 = vector.broadcast %eq3A_2612 : i32 to vector<64x128xi32>
    %eq3A_2614 = arith.cmpi eq, %add3A_2587, %eq3A_2613 : vector<64x128xi32>
    %select_n3A_2615 = arith.select %eq3A_2614, %select_n3A_1567, %select_n3A_2610 : vector<64x128xi1>, vector<64x128xf32>
    %select_n3A_2616 = arith.select %eq3A_2614, %select_n3A_1566, %select_n3A_2611 : vector<64x128xi1>, vector<64x128xi32>
    %select_n3A_2617 = arith.select %eq3A_2581, %select_n3A_2615, %select_n3A_2567 : vector<64x128xi1>, vector<64x128xf32>
    %select_n3A_2618 = arith.select %eq3A_2581, %select_n3A_2616, %select_n3A_2568 : vector<64x128xi1>, vector<64x128xi32>
    %reduce_min3A_2619 = arith.constant dense<0x7F800000> : vector<64xf32>
    %reduce_min3A_2620 = vector.multi_reduction <minimumf>, %select_n3A_2617, %reduce_min3A_2619 [1] : vector<64x128xf32> to vector<64xf32>
    %broadcast_in_dim3A_2621 = vector.shape_cast %reduce_min3A_2620 : vector<64xf32> to vector<64x1xf32>
    %eq3A_2622 = vector.broadcast %broadcast_in_dim3A_2621 : vector<64x1xf32> to vector<64x128xf32>
    %eq3A_2623 = arith.cmpf oeq, %select_n3A_2617, %eq3A_2622 : vector<64x128xf32>
    %jit3A_2624 = arith.constant 1073741824 : i32
    %broadcast_in_dim3A_2625 = vector.broadcast %jit3A_2624 : i32 to vector<64x128xi32>
    %select_n3A_2626 = arith.select %eq3A_2623, %select_n3A_2618, %broadcast_in_dim3A_2625 : vector<64x128xi1>, vector<64x128xi32>
    %reduce_min3A_2627 = arith.constant dense<2147483647> : vector<64xi32>
    %reduce_min3A_2628 = vector.multi_reduction <minsi>, %select_n3A_2626, %reduce_min3A_2627 [1] : vector<64x128xi32> to vector<64xi32>
    %broadcast_in_dim3A_2629 = vector.shape_cast %reduce_min3A_2628 : vector<64xi32> to vector<64x1xi32>
    %eq3A_2630 = vector.broadcast %broadcast_in_dim3A_2629 : vector<64x1xi32> to vector<64x128xi32>
    %eq3A_2631 = arith.cmpi eq, %select_n3A_2618, %eq3A_2630 : vector<64x128xi32>
    %jit3A_2632 = arith.constant 1 : i32
    %jit3A_2633 = arith.constant 0 : i32
    %broadcast_in_dim3A_2634 = vector.broadcast %jit3A_2632 : i32 to vector<64x128xi32>
    %broadcast_in_dim3A_2635 = vector.broadcast %jit3A_2633 : i32 to vector<64x128xi32>
    %select_n3A_2636 = arith.select %eq3A_2631, %broadcast_in_dim3A_2634, %broadcast_in_dim3A_2635 : vector<64x128xi1>, vector<64x128xi32>
    %add3A_2637 = arith.addi %add3A_2587, %select_n3A_2636 : vector<64x128xi32>
    %broadcast_in_dim3A_2638 = arith.constant 0x7F800000 : f32
    %broadcast_in_dim3A_2639 = vector.broadcast %broadcast_in_dim3A_2638 : f32 to vector<64x128xf32>
    %broadcast_in_dim3A_2640 = arith.constant 1073741824 : i32
    %broadcast_in_dim3A_2641 = vector.broadcast %broadcast_in_dim3A_2640 : i32 to vector<64x128xi32>
    %eq3A_2642 = arith.constant 1 : i32
    %eq3A_2643 = vector.broadcast %eq3A_2642 : i32 to vector<64x128xi32>
    %eq3A_2644 = arith.cmpi eq, %add3A_2637, %eq3A_2643 : vector<64x128xi32>
    %select_n3A_2645 = arith.select %eq3A_2644, %select_n3A_539, %broadcast_in_dim3A_2639 : vector<64x128xi1>, vector<64x128xf32>
    %select_n3A_2646 = arith.select %eq3A_2644, %select_n3A_538, %broadcast_in_dim3A_2641 : vector<64x128xi1>, vector<64x128xi32>
    %eq3A_2647 = arith.constant 2 : i32
    %eq3A_2648 = vector.broadcast %eq3A_2647 : i32 to vector<64x128xi32>
    %eq3A_2649 = arith.cmpi eq, %add3A_2637, %eq3A_2648 : vector<64x128xi32>
    %select_n3A_2650 = arith.select %eq3A_2649, %select_n3A_796, %select_n3A_2645 : vector<64x128xi1>, vector<64x128xf32>
    %select_n3A_2651 = arith.select %eq3A_2649, %select_n3A_795, %select_n3A_2646 : vector<64x128xi1>, vector<64x128xi32>
    %eq3A_2652 = arith.constant 3 : i32
    %eq3A_2653 = vector.broadcast %eq3A_2652 : i32 to vector<64x128xi32>
    %eq3A_2654 = arith.cmpi eq, %add3A_2637, %eq3A_2653 : vector<64x128xi32>
    %select_n3A_2655 = arith.select %eq3A_2654, %select_n3A_1053, %select_n3A_2650 : vector<64x128xi1>, vector<64x128xf32>
    %select_n3A_2656 = arith.select %eq3A_2654, %select_n3A_1052, %select_n3A_2651 : vector<64x128xi1>, vector<64x128xi32>
    %eq3A_2657 = arith.constant 4 : i32
    %eq3A_2658 = vector.broadcast %eq3A_2657 : i32 to vector<64x128xi32>
    %eq3A_2659 = arith.cmpi eq, %add3A_2637, %eq3A_2658 : vector<64x128xi32>
    %select_n3A_2660 = arith.select %eq3A_2659, %select_n3A_1310, %select_n3A_2655 : vector<64x128xi1>, vector<64x128xf32>
    %select_n3A_2661 = arith.select %eq3A_2659, %select_n3A_1309, %select_n3A_2656 : vector<64x128xi1>, vector<64x128xi32>
    %eq3A_2662 = arith.constant 5 : i32
    %eq3A_2663 = vector.broadcast %eq3A_2662 : i32 to vector<64x128xi32>
    %eq3A_2664 = arith.cmpi eq, %add3A_2637, %eq3A_2663 : vector<64x128xi32>
    %select_n3A_2665 = arith.select %eq3A_2664, %select_n3A_1567, %select_n3A_2660 : vector<64x128xi1>, vector<64x128xf32>
    %select_n3A_2666 = arith.select %eq3A_2664, %select_n3A_1566, %select_n3A_2661 : vector<64x128xi1>, vector<64x128xi32>
    %select_n3A_2667 = arith.select %eq3A_2631, %select_n3A_2665, %select_n3A_2617 : vector<64x128xi1>, vector<64x128xf32>
    %select_n3A_2668 = arith.select %eq3A_2631, %select_n3A_2666, %select_n3A_2618 : vector<64x128xi1>, vector<64x128xi32>
    %reduce_min3A_2669 = arith.constant dense<0x7F800000> : vector<64xf32>
    %reduce_min3A_2670 = vector.multi_reduction <minimumf>, %select_n3A_2667, %reduce_min3A_2669 [1] : vector<64x128xf32> to vector<64xf32>
    %broadcast_in_dim3A_2671 = vector.shape_cast %reduce_min3A_2670 : vector<64xf32> to vector<64x1xf32>
    %eq3A_2672 = vector.broadcast %broadcast_in_dim3A_2671 : vector<64x1xf32> to vector<64x128xf32>
    %eq3A_2673 = arith.cmpf oeq, %select_n3A_2667, %eq3A_2672 : vector<64x128xf32>
    %jit3A_2674 = arith.constant 1073741824 : i32
    %broadcast_in_dim3A_2675 = vector.broadcast %jit3A_2674 : i32 to vector<64x128xi32>
    %select_n3A_2676 = arith.select %eq3A_2673, %select_n3A_2668, %broadcast_in_dim3A_2675 : vector<64x128xi1>, vector<64x128xi32>
    %reduce_min3A_2677 = arith.constant dense<2147483647> : vector<64xi32>
    %reduce_min3A_2678 = vector.multi_reduction <minsi>, %select_n3A_2676, %reduce_min3A_2677 [1] : vector<64x128xi32> to vector<64xi32>
    %broadcast_in_dim3A_2679 = vector.shape_cast %reduce_min3A_2678 : vector<64xi32> to vector<64x1xi32>
    %eq3A_2680 = vector.broadcast %broadcast_in_dim3A_2679 : vector<64x1xi32> to vector<64x128xi32>
    %eq3A_2681 = arith.cmpi eq, %select_n3A_2668, %eq3A_2680 : vector<64x128xi32>
    %jit3A_2682 = arith.constant 1 : i32
    %jit3A_2683 = arith.constant 0 : i32
    %broadcast_in_dim3A_2684 = vector.broadcast %jit3A_2682 : i32 to vector<64x128xi32>
    %broadcast_in_dim3A_2685 = vector.broadcast %jit3A_2683 : i32 to vector<64x128xi32>
    %select_n3A_2686 = arith.select %eq3A_2681, %broadcast_in_dim3A_2684, %broadcast_in_dim3A_2685 : vector<64x128xi1>, vector<64x128xi32>
    %add3A_2687 = arith.addi %add3A_2637, %select_n3A_2686 : vector<64x128xi32>
    %broadcast_in_dim3A_2688 = arith.constant 0x7F800000 : f32
    %broadcast_in_dim3A_2689 = vector.broadcast %broadcast_in_dim3A_2688 : f32 to vector<64x128xf32>
    %broadcast_in_dim3A_2690 = arith.constant 1073741824 : i32
    %broadcast_in_dim3A_2691 = vector.broadcast %broadcast_in_dim3A_2690 : i32 to vector<64x128xi32>
    %eq3A_2692 = arith.constant 1 : i32
    %eq3A_2693 = vector.broadcast %eq3A_2692 : i32 to vector<64x128xi32>
    %eq3A_2694 = arith.cmpi eq, %add3A_2687, %eq3A_2693 : vector<64x128xi32>
    %select_n3A_2695 = arith.select %eq3A_2694, %select_n3A_539, %broadcast_in_dim3A_2689 : vector<64x128xi1>, vector<64x128xf32>
    %select_n3A_2696 = arith.select %eq3A_2694, %select_n3A_538, %broadcast_in_dim3A_2691 : vector<64x128xi1>, vector<64x128xi32>
    %eq3A_2697 = arith.constant 2 : i32
    %eq3A_2698 = vector.broadcast %eq3A_2697 : i32 to vector<64x128xi32>
    %eq3A_2699 = arith.cmpi eq, %add3A_2687, %eq3A_2698 : vector<64x128xi32>
    %select_n3A_2700 = arith.select %eq3A_2699, %select_n3A_796, %select_n3A_2695 : vector<64x128xi1>, vector<64x128xf32>
    %select_n3A_2701 = arith.select %eq3A_2699, %select_n3A_795, %select_n3A_2696 : vector<64x128xi1>, vector<64x128xi32>
    %eq3A_2702 = arith.constant 3 : i32
    %eq3A_2703 = vector.broadcast %eq3A_2702 : i32 to vector<64x128xi32>
    %eq3A_2704 = arith.cmpi eq, %add3A_2687, %eq3A_2703 : vector<64x128xi32>
    %select_n3A_2705 = arith.select %eq3A_2704, %select_n3A_1053, %select_n3A_2700 : vector<64x128xi1>, vector<64x128xf32>
    %select_n3A_2706 = arith.select %eq3A_2704, %select_n3A_1052, %select_n3A_2701 : vector<64x128xi1>, vector<64x128xi32>
    %eq3A_2707 = arith.constant 4 : i32
    %eq3A_2708 = vector.broadcast %eq3A_2707 : i32 to vector<64x128xi32>
    %eq3A_2709 = arith.cmpi eq, %add3A_2687, %eq3A_2708 : vector<64x128xi32>
    %select_n3A_2710 = arith.select %eq3A_2709, %select_n3A_1310, %select_n3A_2705 : vector<64x128xi1>, vector<64x128xf32>
    %select_n3A_2711 = arith.select %eq3A_2709, %select_n3A_1309, %select_n3A_2706 : vector<64x128xi1>, vector<64x128xi32>
    %eq3A_2712 = arith.constant 5 : i32
    %eq3A_2713 = vector.broadcast %eq3A_2712 : i32 to vector<64x128xi32>
    %eq3A_2714 = arith.cmpi eq, %add3A_2687, %eq3A_2713 : vector<64x128xi32>
    %select_n3A_2715 = arith.select %eq3A_2714, %select_n3A_1567, %select_n3A_2710 : vector<64x128xi1>, vector<64x128xf32>
    %select_n3A_2716 = arith.select %eq3A_2714, %select_n3A_1566, %select_n3A_2711 : vector<64x128xi1>, vector<64x128xi32>
    %select_n3A_2717 = arith.select %eq3A_2681, %select_n3A_2715, %select_n3A_2667 : vector<64x128xi1>, vector<64x128xf32>
    %select_n3A_2718 = arith.select %eq3A_2681, %select_n3A_2716, %select_n3A_2668 : vector<64x128xi1>, vector<64x128xi32>
    %reduce_min3A_2719 = arith.constant dense<0x7F800000> : vector<64xf32>
    %reduce_min3A_2720 = vector.multi_reduction <minimumf>, %select_n3A_2717, %reduce_min3A_2719 [1] : vector<64x128xf32> to vector<64xf32>
    %broadcast_in_dim3A_2721 = vector.shape_cast %reduce_min3A_2720 : vector<64xf32> to vector<64x1xf32>
    %eq3A_2722 = vector.broadcast %broadcast_in_dim3A_2721 : vector<64x1xf32> to vector<64x128xf32>
    %eq3A_2723 = arith.cmpf oeq, %select_n3A_2717, %eq3A_2722 : vector<64x128xf32>
    %jit3A_2724 = arith.constant 1073741824 : i32
    %broadcast_in_dim3A_2725 = vector.broadcast %jit3A_2724 : i32 to vector<64x128xi32>
    %select_n3A_2726 = arith.select %eq3A_2723, %select_n3A_2718, %broadcast_in_dim3A_2725 : vector<64x128xi1>, vector<64x128xi32>
    %reduce_min3A_2727 = arith.constant dense<2147483647> : vector<64xi32>
    %reduce_min3A_2728 = vector.multi_reduction <minsi>, %select_n3A_2726, %reduce_min3A_2727 [1] : vector<64x128xi32> to vector<64xi32>
    %broadcast_in_dim3A_2729 = vector.shape_cast %reduce_min3A_2728 : vector<64xi32> to vector<64x1xi32>
    %eq3A_2730 = vector.broadcast %broadcast_in_dim3A_2729 : vector<64x1xi32> to vector<64x128xi32>
    %eq3A_2731 = arith.cmpi eq, %select_n3A_2718, %eq3A_2730 : vector<64x128xi32>
    %jit3A_2732 = arith.constant 1 : i32
    %jit3A_2733 = arith.constant 0 : i32
    %broadcast_in_dim3A_2734 = vector.broadcast %jit3A_2732 : i32 to vector<64x128xi32>
    %broadcast_in_dim3A_2735 = vector.broadcast %jit3A_2733 : i32 to vector<64x128xi32>
    %select_n3A_2736 = arith.select %eq3A_2731, %broadcast_in_dim3A_2734, %broadcast_in_dim3A_2735 : vector<64x128xi1>, vector<64x128xi32>
    %add3A_2737 = arith.addi %add3A_2687, %select_n3A_2736 : vector<64x128xi32>
    %broadcast_in_dim3A_2738 = arith.constant 0x7F800000 : f32
    %broadcast_in_dim3A_2739 = vector.broadcast %broadcast_in_dim3A_2738 : f32 to vector<64x128xf32>
    %broadcast_in_dim3A_2740 = arith.constant 1073741824 : i32
    %broadcast_in_dim3A_2741 = vector.broadcast %broadcast_in_dim3A_2740 : i32 to vector<64x128xi32>
    %eq3A_2742 = arith.constant 1 : i32
    %eq3A_2743 = vector.broadcast %eq3A_2742 : i32 to vector<64x128xi32>
    %eq3A_2744 = arith.cmpi eq, %add3A_2737, %eq3A_2743 : vector<64x128xi32>
    %select_n3A_2745 = arith.select %eq3A_2744, %select_n3A_539, %broadcast_in_dim3A_2739 : vector<64x128xi1>, vector<64x128xf32>
    %select_n3A_2746 = arith.select %eq3A_2744, %select_n3A_538, %broadcast_in_dim3A_2741 : vector<64x128xi1>, vector<64x128xi32>
    %eq3A_2747 = arith.constant 2 : i32
    %eq3A_2748 = vector.broadcast %eq3A_2747 : i32 to vector<64x128xi32>
    %eq3A_2749 = arith.cmpi eq, %add3A_2737, %eq3A_2748 : vector<64x128xi32>
    %select_n3A_2750 = arith.select %eq3A_2749, %select_n3A_796, %select_n3A_2745 : vector<64x128xi1>, vector<64x128xf32>
    %select_n3A_2751 = arith.select %eq3A_2749, %select_n3A_795, %select_n3A_2746 : vector<64x128xi1>, vector<64x128xi32>
    %eq3A_2752 = arith.constant 3 : i32
    %eq3A_2753 = vector.broadcast %eq3A_2752 : i32 to vector<64x128xi32>
    %eq3A_2754 = arith.cmpi eq, %add3A_2737, %eq3A_2753 : vector<64x128xi32>
    %select_n3A_2755 = arith.select %eq3A_2754, %select_n3A_1053, %select_n3A_2750 : vector<64x128xi1>, vector<64x128xf32>
    %select_n3A_2756 = arith.select %eq3A_2754, %select_n3A_1052, %select_n3A_2751 : vector<64x128xi1>, vector<64x128xi32>
    %eq3A_2757 = arith.constant 4 : i32
    %eq3A_2758 = vector.broadcast %eq3A_2757 : i32 to vector<64x128xi32>
    %eq3A_2759 = arith.cmpi eq, %add3A_2737, %eq3A_2758 : vector<64x128xi32>
    %select_n3A_2760 = arith.select %eq3A_2759, %select_n3A_1310, %select_n3A_2755 : vector<64x128xi1>, vector<64x128xf32>
    %select_n3A_2761 = arith.select %eq3A_2759, %select_n3A_1309, %select_n3A_2756 : vector<64x128xi1>, vector<64x128xi32>
    %eq3A_2762 = arith.constant 5 : i32
    %eq3A_2763 = vector.broadcast %eq3A_2762 : i32 to vector<64x128xi32>
    %eq3A_2764 = arith.cmpi eq, %add3A_2737, %eq3A_2763 : vector<64x128xi32>
    %select_n3A_2765 = arith.select %eq3A_2764, %select_n3A_1567, %select_n3A_2760 : vector<64x128xi1>, vector<64x128xf32>
    %select_n3A_2766 = arith.select %eq3A_2764, %select_n3A_1566, %select_n3A_2761 : vector<64x128xi1>, vector<64x128xi32>
    %select_n3A_2767 = arith.select %eq3A_2731, %select_n3A_2765, %select_n3A_2717 : vector<64x128xi1>, vector<64x128xf32>
    %select_n3A_2768 = arith.select %eq3A_2731, %select_n3A_2766, %select_n3A_2718 : vector<64x128xi1>, vector<64x128xi32>
    %reduce_min3A_2769 = arith.constant dense<0x7F800000> : vector<64xf32>
    %reduce_min3A_2770 = vector.multi_reduction <minimumf>, %select_n3A_2767, %reduce_min3A_2769 [1] : vector<64x128xf32> to vector<64xf32>
    %broadcast_in_dim3A_2771 = vector.shape_cast %reduce_min3A_2770 : vector<64xf32> to vector<64x1xf32>
    %eq3A_2772 = vector.broadcast %broadcast_in_dim3A_2771 : vector<64x1xf32> to vector<64x128xf32>
    %eq3A_2773 = arith.cmpf oeq, %select_n3A_2767, %eq3A_2772 : vector<64x128xf32>
    %jit3A_2774 = arith.constant 1073741824 : i32
    %broadcast_in_dim3A_2775 = vector.broadcast %jit3A_2774 : i32 to vector<64x128xi32>
    %select_n3A_2776 = arith.select %eq3A_2773, %select_n3A_2768, %broadcast_in_dim3A_2775 : vector<64x128xi1>, vector<64x128xi32>
    %reduce_min3A_2777 = arith.constant dense<2147483647> : vector<64xi32>
    %reduce_min3A_2778 = vector.multi_reduction <minsi>, %select_n3A_2776, %reduce_min3A_2777 [1] : vector<64x128xi32> to vector<64xi32>
    %broadcast_in_dim3A_2779 = vector.shape_cast %reduce_min3A_2778 : vector<64xi32> to vector<64x1xi32>
    %eq3A_2780 = vector.broadcast %broadcast_in_dim3A_2779 : vector<64x1xi32> to vector<64x128xi32>
    %eq3A_2781 = arith.cmpi eq, %select_n3A_2768, %eq3A_2780 : vector<64x128xi32>
    %jit3A_2782 = arith.constant 1 : i32
    %jit3A_2783 = arith.constant 0 : i32
    %broadcast_in_dim3A_2784 = vector.broadcast %jit3A_2782 : i32 to vector<64x128xi32>
    %broadcast_in_dim3A_2785 = vector.broadcast %jit3A_2783 : i32 to vector<64x128xi32>
    %select_n3A_2786 = arith.select %eq3A_2781, %broadcast_in_dim3A_2784, %broadcast_in_dim3A_2785 : vector<64x128xi1>, vector<64x128xi32>
    %add3A_2787 = arith.addi %add3A_2737, %select_n3A_2786 : vector<64x128xi32>
    %broadcast_in_dim3A_2788 = arith.constant 0x7F800000 : f32
    %broadcast_in_dim3A_2789 = vector.broadcast %broadcast_in_dim3A_2788 : f32 to vector<64x128xf32>
    %broadcast_in_dim3A_2790 = arith.constant 1073741824 : i32
    %broadcast_in_dim3A_2791 = vector.broadcast %broadcast_in_dim3A_2790 : i32 to vector<64x128xi32>
    %eq3A_2792 = arith.constant 1 : i32
    %eq3A_2793 = vector.broadcast %eq3A_2792 : i32 to vector<64x128xi32>
    %eq3A_2794 = arith.cmpi eq, %add3A_2787, %eq3A_2793 : vector<64x128xi32>
    %select_n3A_2795 = arith.select %eq3A_2794, %select_n3A_539, %broadcast_in_dim3A_2789 : vector<64x128xi1>, vector<64x128xf32>
    %select_n3A_2796 = arith.select %eq3A_2794, %select_n3A_538, %broadcast_in_dim3A_2791 : vector<64x128xi1>, vector<64x128xi32>
    %eq3A_2797 = arith.constant 2 : i32
    %eq3A_2798 = vector.broadcast %eq3A_2797 : i32 to vector<64x128xi32>
    %eq3A_2799 = arith.cmpi eq, %add3A_2787, %eq3A_2798 : vector<64x128xi32>
    %select_n3A_2800 = arith.select %eq3A_2799, %select_n3A_796, %select_n3A_2795 : vector<64x128xi1>, vector<64x128xf32>
    %select_n3A_2801 = arith.select %eq3A_2799, %select_n3A_795, %select_n3A_2796 : vector<64x128xi1>, vector<64x128xi32>
    %eq3A_2802 = arith.constant 3 : i32
    %eq3A_2803 = vector.broadcast %eq3A_2802 : i32 to vector<64x128xi32>
    %eq3A_2804 = arith.cmpi eq, %add3A_2787, %eq3A_2803 : vector<64x128xi32>
    %select_n3A_2805 = arith.select %eq3A_2804, %select_n3A_1053, %select_n3A_2800 : vector<64x128xi1>, vector<64x128xf32>
    %select_n3A_2806 = arith.select %eq3A_2804, %select_n3A_1052, %select_n3A_2801 : vector<64x128xi1>, vector<64x128xi32>
    %eq3A_2807 = arith.constant 4 : i32
    %eq3A_2808 = vector.broadcast %eq3A_2807 : i32 to vector<64x128xi32>
    %eq3A_2809 = arith.cmpi eq, %add3A_2787, %eq3A_2808 : vector<64x128xi32>
    %select_n3A_2810 = arith.select %eq3A_2809, %select_n3A_1310, %select_n3A_2805 : vector<64x128xi1>, vector<64x128xf32>
    %select_n3A_2811 = arith.select %eq3A_2809, %select_n3A_1309, %select_n3A_2806 : vector<64x128xi1>, vector<64x128xi32>
    %eq3A_2812 = arith.constant 5 : i32
    %eq3A_2813 = vector.broadcast %eq3A_2812 : i32 to vector<64x128xi32>
    %eq3A_2814 = arith.cmpi eq, %add3A_2787, %eq3A_2813 : vector<64x128xi32>
    %select_n3A_2815 = arith.select %eq3A_2814, %select_n3A_1567, %select_n3A_2810 : vector<64x128xi1>, vector<64x128xf32>
    %select_n3A_2816 = arith.select %eq3A_2814, %select_n3A_1566, %select_n3A_2811 : vector<64x128xi1>, vector<64x128xi32>
    %select_n3A_2817 = arith.select %eq3A_2781, %select_n3A_2815, %select_n3A_2767 : vector<64x128xi1>, vector<64x128xf32>
    %select_n3A_2818 = arith.select %eq3A_2781, %select_n3A_2816, %select_n3A_2768 : vector<64x128xi1>, vector<64x128xi32>
    %reduce_min3A_2819 = arith.constant dense<0x7F800000> : vector<64xf32>
    %reduce_min3A_2820 = vector.multi_reduction <minimumf>, %select_n3A_2817, %reduce_min3A_2819 [1] : vector<64x128xf32> to vector<64xf32>
    %broadcast_in_dim3A_2821 = vector.shape_cast %reduce_min3A_2820 : vector<64xf32> to vector<64x1xf32>
    %eq3A_2822 = vector.broadcast %broadcast_in_dim3A_2821 : vector<64x1xf32> to vector<64x128xf32>
    %eq3A_2823 = arith.cmpf oeq, %select_n3A_2817, %eq3A_2822 : vector<64x128xf32>
    %jit3A_2824 = arith.constant 1073741824 : i32
    %broadcast_in_dim3A_2825 = vector.broadcast %jit3A_2824 : i32 to vector<64x128xi32>
    %select_n3A_2826 = arith.select %eq3A_2823, %select_n3A_2818, %broadcast_in_dim3A_2825 : vector<64x128xi1>, vector<64x128xi32>
    %reduce_min3A_2827 = arith.constant dense<2147483647> : vector<64xi32>
    %reduce_min3A_2828 = vector.multi_reduction <minsi>, %select_n3A_2826, %reduce_min3A_2827 [1] : vector<64x128xi32> to vector<64xi32>
    %broadcast_in_dim3A_2829 = vector.shape_cast %reduce_min3A_2828 : vector<64xi32> to vector<64x1xi32>
    %eq3A_2830 = vector.broadcast %broadcast_in_dim3A_2829 : vector<64x1xi32> to vector<64x128xi32>
    %eq3A_2831 = arith.cmpi eq, %select_n3A_2818, %eq3A_2830 : vector<64x128xi32>
    %jit3A_2832 = arith.constant 1 : i32
    %jit3A_2833 = arith.constant 0 : i32
    %broadcast_in_dim3A_2834 = vector.broadcast %jit3A_2832 : i32 to vector<64x128xi32>
    %broadcast_in_dim3A_2835 = vector.broadcast %jit3A_2833 : i32 to vector<64x128xi32>
    %select_n3A_2836 = arith.select %eq3A_2831, %broadcast_in_dim3A_2834, %broadcast_in_dim3A_2835 : vector<64x128xi1>, vector<64x128xi32>
    %add3A_2837 = arith.addi %add3A_2787, %select_n3A_2836 : vector<64x128xi32>
    %broadcast_in_dim3A_2838 = arith.constant 0x7F800000 : f32
    %broadcast_in_dim3A_2839 = vector.broadcast %broadcast_in_dim3A_2838 : f32 to vector<64x128xf32>
    %broadcast_in_dim3A_2840 = arith.constant 1073741824 : i32
    %broadcast_in_dim3A_2841 = vector.broadcast %broadcast_in_dim3A_2840 : i32 to vector<64x128xi32>
    %eq3A_2842 = arith.constant 1 : i32
    %eq3A_2843 = vector.broadcast %eq3A_2842 : i32 to vector<64x128xi32>
    %eq3A_2844 = arith.cmpi eq, %add3A_2837, %eq3A_2843 : vector<64x128xi32>
    %select_n3A_2845 = arith.select %eq3A_2844, %select_n3A_539, %broadcast_in_dim3A_2839 : vector<64x128xi1>, vector<64x128xf32>
    %select_n3A_2846 = arith.select %eq3A_2844, %select_n3A_538, %broadcast_in_dim3A_2841 : vector<64x128xi1>, vector<64x128xi32>
    %eq3A_2847 = arith.constant 2 : i32
    %eq3A_2848 = vector.broadcast %eq3A_2847 : i32 to vector<64x128xi32>
    %eq3A_2849 = arith.cmpi eq, %add3A_2837, %eq3A_2848 : vector<64x128xi32>
    %select_n3A_2850 = arith.select %eq3A_2849, %select_n3A_796, %select_n3A_2845 : vector<64x128xi1>, vector<64x128xf32>
    %select_n3A_2851 = arith.select %eq3A_2849, %select_n3A_795, %select_n3A_2846 : vector<64x128xi1>, vector<64x128xi32>
    %eq3A_2852 = arith.constant 3 : i32
    %eq3A_2853 = vector.broadcast %eq3A_2852 : i32 to vector<64x128xi32>
    %eq3A_2854 = arith.cmpi eq, %add3A_2837, %eq3A_2853 : vector<64x128xi32>
    %select_n3A_2855 = arith.select %eq3A_2854, %select_n3A_1053, %select_n3A_2850 : vector<64x128xi1>, vector<64x128xf32>
    %select_n3A_2856 = arith.select %eq3A_2854, %select_n3A_1052, %select_n3A_2851 : vector<64x128xi1>, vector<64x128xi32>
    %eq3A_2857 = arith.constant 4 : i32
    %eq3A_2858 = vector.broadcast %eq3A_2857 : i32 to vector<64x128xi32>
    %eq3A_2859 = arith.cmpi eq, %add3A_2837, %eq3A_2858 : vector<64x128xi32>
    %select_n3A_2860 = arith.select %eq3A_2859, %select_n3A_1310, %select_n3A_2855 : vector<64x128xi1>, vector<64x128xf32>
    %select_n3A_2861 = arith.select %eq3A_2859, %select_n3A_1309, %select_n3A_2856 : vector<64x128xi1>, vector<64x128xi32>
    %eq3A_2862 = arith.constant 5 : i32
    %eq3A_2863 = vector.broadcast %eq3A_2862 : i32 to vector<64x128xi32>
    %eq3A_2864 = arith.cmpi eq, %add3A_2837, %eq3A_2863 : vector<64x128xi32>
    %select_n3A_2865 = arith.select %eq3A_2864, %select_n3A_1567, %select_n3A_2860 : vector<64x128xi1>, vector<64x128xf32>
    %select_n3A_2866 = arith.select %eq3A_2864, %select_n3A_1566, %select_n3A_2861 : vector<64x128xi1>, vector<64x128xi32>
    %select_n3A_2867 = arith.select %eq3A_2831, %select_n3A_2865, %select_n3A_2817 : vector<64x128xi1>, vector<64x128xf32>
    %select_n3A_2868 = arith.select %eq3A_2831, %select_n3A_2866, %select_n3A_2818 : vector<64x128xi1>, vector<64x128xi32>
    %reduce_min3A_2869 = arith.constant dense<0x7F800000> : vector<64xf32>
    %reduce_min3A_2870 = vector.multi_reduction <minimumf>, %select_n3A_2867, %reduce_min3A_2869 [1] : vector<64x128xf32> to vector<64xf32>
    %broadcast_in_dim3A_2871 = vector.shape_cast %reduce_min3A_2870 : vector<64xf32> to vector<64x1xf32>
    %eq3A_2872 = vector.broadcast %broadcast_in_dim3A_2871 : vector<64x1xf32> to vector<64x128xf32>
    %eq3A_2873 = arith.cmpf oeq, %select_n3A_2867, %eq3A_2872 : vector<64x128xf32>
    %jit3A_2874 = arith.constant 1073741824 : i32
    %broadcast_in_dim3A_2875 = vector.broadcast %jit3A_2874 : i32 to vector<64x128xi32>
    %select_n3A_2876 = arith.select %eq3A_2873, %select_n3A_2868, %broadcast_in_dim3A_2875 : vector<64x128xi1>, vector<64x128xi32>
    %reduce_min3A_2877 = arith.constant dense<2147483647> : vector<64xi32>
    %reduce_min3A_2878 = vector.multi_reduction <minsi>, %select_n3A_2876, %reduce_min3A_2877 [1] : vector<64x128xi32> to vector<64xi32>
    %broadcast_in_dim3A_2879 = vector.shape_cast %reduce_min3A_2878 : vector<64xi32> to vector<64x1xi32>
    %eq3A_2880 = vector.broadcast %broadcast_in_dim3A_2879 : vector<64x1xi32> to vector<64x128xi32>
    %eq3A_2881 = arith.cmpi eq, %select_n3A_2868, %eq3A_2880 : vector<64x128xi32>
    %jit3A_2882 = arith.constant 1 : i32
    %jit3A_2883 = arith.constant 0 : i32
    %broadcast_in_dim3A_2884 = vector.broadcast %jit3A_2882 : i32 to vector<64x128xi32>
    %broadcast_in_dim3A_2885 = vector.broadcast %jit3A_2883 : i32 to vector<64x128xi32>
    %select_n3A_2886 = arith.select %eq3A_2881, %broadcast_in_dim3A_2884, %broadcast_in_dim3A_2885 : vector<64x128xi1>, vector<64x128xi32>
    %add3A_2887 = arith.addi %add3A_2837, %select_n3A_2886 : vector<64x128xi32>
    %broadcast_in_dim3A_2888 = arith.constant 0x7F800000 : f32
    %broadcast_in_dim3A_2889 = vector.broadcast %broadcast_in_dim3A_2888 : f32 to vector<64x128xf32>
    %broadcast_in_dim3A_2890 = arith.constant 1073741824 : i32
    %broadcast_in_dim3A_2891 = vector.broadcast %broadcast_in_dim3A_2890 : i32 to vector<64x128xi32>
    %eq3A_2892 = arith.constant 1 : i32
    %eq3A_2893 = vector.broadcast %eq3A_2892 : i32 to vector<64x128xi32>
    %eq3A_2894 = arith.cmpi eq, %add3A_2887, %eq3A_2893 : vector<64x128xi32>
    %select_n3A_2895 = arith.select %eq3A_2894, %select_n3A_539, %broadcast_in_dim3A_2889 : vector<64x128xi1>, vector<64x128xf32>
    %select_n3A_2896 = arith.select %eq3A_2894, %select_n3A_538, %broadcast_in_dim3A_2891 : vector<64x128xi1>, vector<64x128xi32>
    %eq3A_2897 = arith.constant 2 : i32
    %eq3A_2898 = vector.broadcast %eq3A_2897 : i32 to vector<64x128xi32>
    %eq3A_2899 = arith.cmpi eq, %add3A_2887, %eq3A_2898 : vector<64x128xi32>
    %select_n3A_2900 = arith.select %eq3A_2899, %select_n3A_796, %select_n3A_2895 : vector<64x128xi1>, vector<64x128xf32>
    %select_n3A_2901 = arith.select %eq3A_2899, %select_n3A_795, %select_n3A_2896 : vector<64x128xi1>, vector<64x128xi32>
    %eq3A_2902 = arith.constant 3 : i32
    %eq3A_2903 = vector.broadcast %eq3A_2902 : i32 to vector<64x128xi32>
    %eq3A_2904 = arith.cmpi eq, %add3A_2887, %eq3A_2903 : vector<64x128xi32>
    %select_n3A_2905 = arith.select %eq3A_2904, %select_n3A_1053, %select_n3A_2900 : vector<64x128xi1>, vector<64x128xf32>
    %select_n3A_2906 = arith.select %eq3A_2904, %select_n3A_1052, %select_n3A_2901 : vector<64x128xi1>, vector<64x128xi32>
    %eq3A_2907 = arith.constant 4 : i32
    %eq3A_2908 = vector.broadcast %eq3A_2907 : i32 to vector<64x128xi32>
    %eq3A_2909 = arith.cmpi eq, %add3A_2887, %eq3A_2908 : vector<64x128xi32>
    %select_n3A_2910 = arith.select %eq3A_2909, %select_n3A_1310, %select_n3A_2905 : vector<64x128xi1>, vector<64x128xf32>
    %select_n3A_2911 = arith.select %eq3A_2909, %select_n3A_1309, %select_n3A_2906 : vector<64x128xi1>, vector<64x128xi32>
    %eq3A_2912 = arith.constant 5 : i32
    %eq3A_2913 = vector.broadcast %eq3A_2912 : i32 to vector<64x128xi32>
    %eq3A_2914 = arith.cmpi eq, %add3A_2887, %eq3A_2913 : vector<64x128xi32>
    %select_n3A_2915 = arith.select %eq3A_2914, %select_n3A_1567, %select_n3A_2910 : vector<64x128xi1>, vector<64x128xf32>
    %select_n3A_2916 = arith.select %eq3A_2914, %select_n3A_1566, %select_n3A_2911 : vector<64x128xi1>, vector<64x128xi32>
    %select_n3A_2917 = arith.select %eq3A_2881, %select_n3A_2915, %select_n3A_2867 : vector<64x128xi1>, vector<64x128xf32>
    %select_n3A_2918 = arith.select %eq3A_2881, %select_n3A_2916, %select_n3A_2868 : vector<64x128xi1>, vector<64x128xi32>
    %reduce_min3A_2919 = arith.constant dense<0x7F800000> : vector<64xf32>
    %reduce_min3A_2920 = vector.multi_reduction <minimumf>, %select_n3A_2917, %reduce_min3A_2919 [1] : vector<64x128xf32> to vector<64xf32>
    %broadcast_in_dim3A_2921 = vector.shape_cast %reduce_min3A_2920 : vector<64xf32> to vector<64x1xf32>
    %eq3A_2922 = vector.broadcast %broadcast_in_dim3A_2921 : vector<64x1xf32> to vector<64x128xf32>
    %eq3A_2923 = arith.cmpf oeq, %select_n3A_2917, %eq3A_2922 : vector<64x128xf32>
    %jit3A_2924 = arith.constant 1073741824 : i32
    %broadcast_in_dim3A_2925 = vector.broadcast %jit3A_2924 : i32 to vector<64x128xi32>
    %select_n3A_2926 = arith.select %eq3A_2923, %select_n3A_2918, %broadcast_in_dim3A_2925 : vector<64x128xi1>, vector<64x128xi32>
    %reduce_min3A_2927 = arith.constant dense<2147483647> : vector<64xi32>
    %reduce_min3A_2928 = vector.multi_reduction <minsi>, %select_n3A_2926, %reduce_min3A_2927 [1] : vector<64x128xi32> to vector<64xi32>
    %broadcast_in_dim3A_2929 = vector.shape_cast %reduce_min3A_2928 : vector<64xi32> to vector<64x1xi32>
    %eq3A_2930 = vector.broadcast %broadcast_in_dim3A_2929 : vector<64x1xi32> to vector<64x128xi32>
    %eq3A_2931 = arith.cmpi eq, %select_n3A_2918, %eq3A_2930 : vector<64x128xi32>
    %jit3A_2932 = arith.constant 1 : i32
    %jit3A_2933 = arith.constant 0 : i32
    %broadcast_in_dim3A_2934 = vector.broadcast %jit3A_2932 : i32 to vector<64x128xi32>
    %broadcast_in_dim3A_2935 = vector.broadcast %jit3A_2933 : i32 to vector<64x128xi32>
    %select_n3A_2936 = arith.select %eq3A_2931, %broadcast_in_dim3A_2934, %broadcast_in_dim3A_2935 : vector<64x128xi1>, vector<64x128xi32>
    %add3A_2937 = arith.addi %add3A_2887, %select_n3A_2936 : vector<64x128xi32>
    %broadcast_in_dim3A_2938 = arith.constant 0x7F800000 : f32
    %broadcast_in_dim3A_2939 = vector.broadcast %broadcast_in_dim3A_2938 : f32 to vector<64x128xf32>
    %broadcast_in_dim3A_2940 = arith.constant 1073741824 : i32
    %broadcast_in_dim3A_2941 = vector.broadcast %broadcast_in_dim3A_2940 : i32 to vector<64x128xi32>
    %eq3A_2942 = arith.constant 1 : i32
    %eq3A_2943 = vector.broadcast %eq3A_2942 : i32 to vector<64x128xi32>
    %eq3A_2944 = arith.cmpi eq, %add3A_2937, %eq3A_2943 : vector<64x128xi32>
    %select_n3A_2945 = arith.select %eq3A_2944, %select_n3A_539, %broadcast_in_dim3A_2939 : vector<64x128xi1>, vector<64x128xf32>
    %select_n3A_2946 = arith.select %eq3A_2944, %select_n3A_538, %broadcast_in_dim3A_2941 : vector<64x128xi1>, vector<64x128xi32>
    %eq3A_2947 = arith.constant 2 : i32
    %eq3A_2948 = vector.broadcast %eq3A_2947 : i32 to vector<64x128xi32>
    %eq3A_2949 = arith.cmpi eq, %add3A_2937, %eq3A_2948 : vector<64x128xi32>
    %select_n3A_2950 = arith.select %eq3A_2949, %select_n3A_796, %select_n3A_2945 : vector<64x128xi1>, vector<64x128xf32>
    %select_n3A_2951 = arith.select %eq3A_2949, %select_n3A_795, %select_n3A_2946 : vector<64x128xi1>, vector<64x128xi32>
    %eq3A_2952 = arith.constant 3 : i32
    %eq3A_2953 = vector.broadcast %eq3A_2952 : i32 to vector<64x128xi32>
    %eq3A_2954 = arith.cmpi eq, %add3A_2937, %eq3A_2953 : vector<64x128xi32>
    %select_n3A_2955 = arith.select %eq3A_2954, %select_n3A_1053, %select_n3A_2950 : vector<64x128xi1>, vector<64x128xf32>
    %select_n3A_2956 = arith.select %eq3A_2954, %select_n3A_1052, %select_n3A_2951 : vector<64x128xi1>, vector<64x128xi32>
    %eq3A_2957 = arith.constant 4 : i32
    %eq3A_2958 = vector.broadcast %eq3A_2957 : i32 to vector<64x128xi32>
    %eq3A_2959 = arith.cmpi eq, %add3A_2937, %eq3A_2958 : vector<64x128xi32>
    %select_n3A_2960 = arith.select %eq3A_2959, %select_n3A_1310, %select_n3A_2955 : vector<64x128xi1>, vector<64x128xf32>
    %select_n3A_2961 = arith.select %eq3A_2959, %select_n3A_1309, %select_n3A_2956 : vector<64x128xi1>, vector<64x128xi32>
    %eq3A_2962 = arith.constant 5 : i32
    %eq3A_2963 = vector.broadcast %eq3A_2962 : i32 to vector<64x128xi32>
    %eq3A_2964 = arith.cmpi eq, %add3A_2937, %eq3A_2963 : vector<64x128xi32>
    %select_n3A_2965 = arith.select %eq3A_2964, %select_n3A_1567, %select_n3A_2960 : vector<64x128xi1>, vector<64x128xf32>
    %select_n3A_2966 = arith.select %eq3A_2964, %select_n3A_1566, %select_n3A_2961 : vector<64x128xi1>, vector<64x128xi32>
    %select_n3A_2967 = arith.select %eq3A_2931, %select_n3A_2965, %select_n3A_2917 : vector<64x128xi1>, vector<64x128xf32>
    %select_n3A_2968 = arith.select %eq3A_2931, %select_n3A_2966, %select_n3A_2918 : vector<64x128xi1>, vector<64x128xi32>
    %reduce_min3A_2969 = arith.constant dense<0x7F800000> : vector<64xf32>
    %reduce_min3A_2970 = vector.multi_reduction <minimumf>, %select_n3A_2967, %reduce_min3A_2969 [1] : vector<64x128xf32> to vector<64xf32>
    %broadcast_in_dim3A_2971 = vector.shape_cast %reduce_min3A_2970 : vector<64xf32> to vector<64x1xf32>
    %eq3A_2972 = vector.broadcast %broadcast_in_dim3A_2971 : vector<64x1xf32> to vector<64x128xf32>
    %eq3A_2973 = arith.cmpf oeq, %select_n3A_2967, %eq3A_2972 : vector<64x128xf32>
    %jit3A_2974 = arith.constant 1073741824 : i32
    %broadcast_in_dim3A_2975 = vector.broadcast %jit3A_2974 : i32 to vector<64x128xi32>
    %select_n3A_2976 = arith.select %eq3A_2973, %select_n3A_2968, %broadcast_in_dim3A_2975 : vector<64x128xi1>, vector<64x128xi32>
    %reduce_min3A_2977 = arith.constant dense<2147483647> : vector<64xi32>
    %reduce_min3A_2978 = vector.multi_reduction <minsi>, %select_n3A_2976, %reduce_min3A_2977 [1] : vector<64x128xi32> to vector<64xi32>
    %broadcast_in_dim3A_2979 = vector.shape_cast %reduce_min3A_2978 : vector<64xi32> to vector<64x1xi32>
    %eq3A_2980 = vector.broadcast %broadcast_in_dim3A_2979 : vector<64x1xi32> to vector<64x128xi32>
    %eq3A_2981 = arith.cmpi eq, %select_n3A_2968, %eq3A_2980 : vector<64x128xi32>
    %jit3A_2982 = arith.constant 1 : i32
    %jit3A_2983 = arith.constant 0 : i32
    %broadcast_in_dim3A_2984 = vector.broadcast %jit3A_2982 : i32 to vector<64x128xi32>
    %broadcast_in_dim3A_2985 = vector.broadcast %jit3A_2983 : i32 to vector<64x128xi32>
    %select_n3A_2986 = arith.select %eq3A_2981, %broadcast_in_dim3A_2984, %broadcast_in_dim3A_2985 : vector<64x128xi1>, vector<64x128xi32>
    %add3A_2987 = arith.addi %add3A_2937, %select_n3A_2986 : vector<64x128xi32>
    %broadcast_in_dim3A_2988 = arith.constant 0x7F800000 : f32
    %broadcast_in_dim3A_2989 = vector.broadcast %broadcast_in_dim3A_2988 : f32 to vector<64x128xf32>
    %broadcast_in_dim3A_2990 = arith.constant 1073741824 : i32
    %broadcast_in_dim3A_2991 = vector.broadcast %broadcast_in_dim3A_2990 : i32 to vector<64x128xi32>
    %eq3A_2992 = arith.constant 1 : i32
    %eq3A_2993 = vector.broadcast %eq3A_2992 : i32 to vector<64x128xi32>
    %eq3A_2994 = arith.cmpi eq, %add3A_2987, %eq3A_2993 : vector<64x128xi32>
    %select_n3A_2995 = arith.select %eq3A_2994, %select_n3A_539, %broadcast_in_dim3A_2989 : vector<64x128xi1>, vector<64x128xf32>
    %select_n3A_2996 = arith.select %eq3A_2994, %select_n3A_538, %broadcast_in_dim3A_2991 : vector<64x128xi1>, vector<64x128xi32>
    %eq3A_2997 = arith.constant 2 : i32
    %eq3A_2998 = vector.broadcast %eq3A_2997 : i32 to vector<64x128xi32>
    %eq3A_2999 = arith.cmpi eq, %add3A_2987, %eq3A_2998 : vector<64x128xi32>
    %select_n3A_3000 = arith.select %eq3A_2999, %select_n3A_796, %select_n3A_2995 : vector<64x128xi1>, vector<64x128xf32>
    %select_n3A_3001 = arith.select %eq3A_2999, %select_n3A_795, %select_n3A_2996 : vector<64x128xi1>, vector<64x128xi32>
    %eq3A_3002 = arith.constant 3 : i32
    %eq3A_3003 = vector.broadcast %eq3A_3002 : i32 to vector<64x128xi32>
    %eq3A_3004 = arith.cmpi eq, %add3A_2987, %eq3A_3003 : vector<64x128xi32>
    %select_n3A_3005 = arith.select %eq3A_3004, %select_n3A_1053, %select_n3A_3000 : vector<64x128xi1>, vector<64x128xf32>
    %select_n3A_3006 = arith.select %eq3A_3004, %select_n3A_1052, %select_n3A_3001 : vector<64x128xi1>, vector<64x128xi32>
    %eq3A_3007 = arith.constant 4 : i32
    %eq3A_3008 = vector.broadcast %eq3A_3007 : i32 to vector<64x128xi32>
    %eq3A_3009 = arith.cmpi eq, %add3A_2987, %eq3A_3008 : vector<64x128xi32>
    %select_n3A_3010 = arith.select %eq3A_3009, %select_n3A_1310, %select_n3A_3005 : vector<64x128xi1>, vector<64x128xf32>
    %select_n3A_3011 = arith.select %eq3A_3009, %select_n3A_1309, %select_n3A_3006 : vector<64x128xi1>, vector<64x128xi32>
    %eq3A_3012 = arith.constant 5 : i32
    %eq3A_3013 = vector.broadcast %eq3A_3012 : i32 to vector<64x128xi32>
    %eq3A_3014 = arith.cmpi eq, %add3A_2987, %eq3A_3013 : vector<64x128xi32>
    %select_n3A_3015 = arith.select %eq3A_3014, %select_n3A_1567, %select_n3A_3010 : vector<64x128xi1>, vector<64x128xf32>
    %select_n3A_3016 = arith.select %eq3A_3014, %select_n3A_1566, %select_n3A_3011 : vector<64x128xi1>, vector<64x128xi32>
    %select_n3A_3017 = arith.select %eq3A_2981, %select_n3A_3015, %select_n3A_2967 : vector<64x128xi1>, vector<64x128xf32>
    %select_n3A_3018 = arith.select %eq3A_2981, %select_n3A_3016, %select_n3A_2968 : vector<64x128xi1>, vector<64x128xi32>
    %reduce_min3A_3019 = arith.constant dense<0x7F800000> : vector<64xf32>
    %reduce_min3A_3020 = vector.multi_reduction <minimumf>, %select_n3A_3017, %reduce_min3A_3019 [1] : vector<64x128xf32> to vector<64xf32>
    %broadcast_in_dim3A_3021 = vector.shape_cast %reduce_min3A_3020 : vector<64xf32> to vector<64x1xf32>
    %eq3A_3022 = vector.broadcast %broadcast_in_dim3A_3021 : vector<64x1xf32> to vector<64x128xf32>
    %eq3A_3023 = arith.cmpf oeq, %select_n3A_3017, %eq3A_3022 : vector<64x128xf32>
    %jit3A_3024 = arith.constant 1073741824 : i32
    %broadcast_in_dim3A_3025 = vector.broadcast %jit3A_3024 : i32 to vector<64x128xi32>
    %select_n3A_3026 = arith.select %eq3A_3023, %select_n3A_3018, %broadcast_in_dim3A_3025 : vector<64x128xi1>, vector<64x128xi32>
    %reduce_min3A_3027 = arith.constant dense<2147483647> : vector<64xi32>
    %reduce_min3A_3028 = vector.multi_reduction <minsi>, %select_n3A_3026, %reduce_min3A_3027 [1] : vector<64x128xi32> to vector<64xi32>
    %broadcast_in_dim3A_3029 = vector.shape_cast %reduce_min3A_3028 : vector<64xi32> to vector<64x1xi32>
    %eq3A_3030 = vector.broadcast %broadcast_in_dim3A_3029 : vector<64x1xi32> to vector<64x128xi32>
    %eq3A_3031 = arith.cmpi eq, %select_n3A_3018, %eq3A_3030 : vector<64x128xi32>
    %jit3A_3032 = arith.constant 1 : i32
    %jit3A_3033 = arith.constant 0 : i32
    %broadcast_in_dim3A_3034 = vector.broadcast %jit3A_3032 : i32 to vector<64x128xi32>
    %broadcast_in_dim3A_3035 = vector.broadcast %jit3A_3033 : i32 to vector<64x128xi32>
    %select_n3A_3036 = arith.select %eq3A_3031, %broadcast_in_dim3A_3034, %broadcast_in_dim3A_3035 : vector<64x128xi1>, vector<64x128xi32>
    %add3A_3037 = arith.addi %add3A_2987, %select_n3A_3036 : vector<64x128xi32>
    %broadcast_in_dim3A_3038 = arith.constant 0x7F800000 : f32
    %broadcast_in_dim3A_3039 = vector.broadcast %broadcast_in_dim3A_3038 : f32 to vector<64x128xf32>
    %broadcast_in_dim3A_3040 = arith.constant 1073741824 : i32
    %broadcast_in_dim3A_3041 = vector.broadcast %broadcast_in_dim3A_3040 : i32 to vector<64x128xi32>
    %eq3A_3042 = arith.constant 1 : i32
    %eq3A_3043 = vector.broadcast %eq3A_3042 : i32 to vector<64x128xi32>
    %eq3A_3044 = arith.cmpi eq, %add3A_3037, %eq3A_3043 : vector<64x128xi32>
    %select_n3A_3045 = arith.select %eq3A_3044, %select_n3A_539, %broadcast_in_dim3A_3039 : vector<64x128xi1>, vector<64x128xf32>
    %select_n3A_3046 = arith.select %eq3A_3044, %select_n3A_538, %broadcast_in_dim3A_3041 : vector<64x128xi1>, vector<64x128xi32>
    %eq3A_3047 = arith.constant 2 : i32
    %eq3A_3048 = vector.broadcast %eq3A_3047 : i32 to vector<64x128xi32>
    %eq3A_3049 = arith.cmpi eq, %add3A_3037, %eq3A_3048 : vector<64x128xi32>
    %select_n3A_3050 = arith.select %eq3A_3049, %select_n3A_796, %select_n3A_3045 : vector<64x128xi1>, vector<64x128xf32>
    %select_n3A_3051 = arith.select %eq3A_3049, %select_n3A_795, %select_n3A_3046 : vector<64x128xi1>, vector<64x128xi32>
    %eq3A_3052 = arith.constant 3 : i32
    %eq3A_3053 = vector.broadcast %eq3A_3052 : i32 to vector<64x128xi32>
    %eq3A_3054 = arith.cmpi eq, %add3A_3037, %eq3A_3053 : vector<64x128xi32>
    %select_n3A_3055 = arith.select %eq3A_3054, %select_n3A_1053, %select_n3A_3050 : vector<64x128xi1>, vector<64x128xf32>
    %select_n3A_3056 = arith.select %eq3A_3054, %select_n3A_1052, %select_n3A_3051 : vector<64x128xi1>, vector<64x128xi32>
    %eq3A_3057 = arith.constant 4 : i32
    %eq3A_3058 = vector.broadcast %eq3A_3057 : i32 to vector<64x128xi32>
    %eq3A_3059 = arith.cmpi eq, %add3A_3037, %eq3A_3058 : vector<64x128xi32>
    %select_n3A_3060 = arith.select %eq3A_3059, %select_n3A_1310, %select_n3A_3055 : vector<64x128xi1>, vector<64x128xf32>
    %select_n3A_3061 = arith.select %eq3A_3059, %select_n3A_1309, %select_n3A_3056 : vector<64x128xi1>, vector<64x128xi32>
    %eq3A_3062 = arith.constant 5 : i32
    %eq3A_3063 = vector.broadcast %eq3A_3062 : i32 to vector<64x128xi32>
    %eq3A_3064 = arith.cmpi eq, %add3A_3037, %eq3A_3063 : vector<64x128xi32>
    %select_n3A_3065 = arith.select %eq3A_3064, %select_n3A_1567, %select_n3A_3060 : vector<64x128xi1>, vector<64x128xf32>
    %select_n3A_3066 = arith.select %eq3A_3064, %select_n3A_1566, %select_n3A_3061 : vector<64x128xi1>, vector<64x128xi32>
    %select_n3A_3067 = arith.select %eq3A_3031, %select_n3A_3065, %select_n3A_3017 : vector<64x128xi1>, vector<64x128xf32>
    %select_n3A_3068 = arith.select %eq3A_3031, %select_n3A_3066, %select_n3A_3018 : vector<64x128xi1>, vector<64x128xi32>
    %reduce_min3A_3069 = arith.constant dense<0x7F800000> : vector<64xf32>
    %reduce_min3A_3070 = vector.multi_reduction <minimumf>, %select_n3A_3067, %reduce_min3A_3069 [1] : vector<64x128xf32> to vector<64xf32>
    %broadcast_in_dim3A_3071 = vector.shape_cast %reduce_min3A_3070 : vector<64xf32> to vector<64x1xf32>
    %eq3A_3072 = vector.broadcast %broadcast_in_dim3A_3071 : vector<64x1xf32> to vector<64x128xf32>
    %eq3A_3073 = arith.cmpf oeq, %select_n3A_3067, %eq3A_3072 : vector<64x128xf32>
    %jit3A_3074 = arith.constant 1073741824 : i32
    %broadcast_in_dim3A_3075 = vector.broadcast %jit3A_3074 : i32 to vector<64x128xi32>
    %select_n3A_3076 = arith.select %eq3A_3073, %select_n3A_3068, %broadcast_in_dim3A_3075 : vector<64x128xi1>, vector<64x128xi32>
    %reduce_min3A_3077 = arith.constant dense<2147483647> : vector<64xi32>
    %reduce_min3A_3078 = vector.multi_reduction <minsi>, %select_n3A_3076, %reduce_min3A_3077 [1] : vector<64x128xi32> to vector<64xi32>
    %broadcast_in_dim3A_3079 = vector.shape_cast %reduce_min3A_3078 : vector<64xi32> to vector<64x1xi32>
    %eq3A_3080 = vector.broadcast %broadcast_in_dim3A_3079 : vector<64x1xi32> to vector<64x128xi32>
    %eq3A_3081 = arith.cmpi eq, %select_n3A_3068, %eq3A_3080 : vector<64x128xi32>
    %jit3A_3082 = arith.constant 1 : i32
    %jit3A_3083 = arith.constant 0 : i32
    %broadcast_in_dim3A_3084 = vector.broadcast %jit3A_3082 : i32 to vector<64x128xi32>
    %broadcast_in_dim3A_3085 = vector.broadcast %jit3A_3083 : i32 to vector<64x128xi32>
    %select_n3A_3086 = arith.select %eq3A_3081, %broadcast_in_dim3A_3084, %broadcast_in_dim3A_3085 : vector<64x128xi1>, vector<64x128xi32>
    %add3A_3087 = arith.addi %add3A_3037, %select_n3A_3086 : vector<64x128xi32>
    %broadcast_in_dim3A_3088 = arith.constant 0x7F800000 : f32
    %broadcast_in_dim3A_3089 = vector.broadcast %broadcast_in_dim3A_3088 : f32 to vector<64x128xf32>
    %broadcast_in_dim3A_3090 = arith.constant 1073741824 : i32
    %broadcast_in_dim3A_3091 = vector.broadcast %broadcast_in_dim3A_3090 : i32 to vector<64x128xi32>
    %eq3A_3092 = arith.constant 1 : i32
    %eq3A_3093 = vector.broadcast %eq3A_3092 : i32 to vector<64x128xi32>
    %eq3A_3094 = arith.cmpi eq, %add3A_3087, %eq3A_3093 : vector<64x128xi32>
    %select_n3A_3095 = arith.select %eq3A_3094, %select_n3A_539, %broadcast_in_dim3A_3089 : vector<64x128xi1>, vector<64x128xf32>
    %select_n3A_3096 = arith.select %eq3A_3094, %select_n3A_538, %broadcast_in_dim3A_3091 : vector<64x128xi1>, vector<64x128xi32>
    %eq3A_3097 = arith.constant 2 : i32
    %eq3A_3098 = vector.broadcast %eq3A_3097 : i32 to vector<64x128xi32>
    %eq3A_3099 = arith.cmpi eq, %add3A_3087, %eq3A_3098 : vector<64x128xi32>
    %select_n3A_3100 = arith.select %eq3A_3099, %select_n3A_796, %select_n3A_3095 : vector<64x128xi1>, vector<64x128xf32>
    %select_n3A_3101 = arith.select %eq3A_3099, %select_n3A_795, %select_n3A_3096 : vector<64x128xi1>, vector<64x128xi32>
    %eq3A_3102 = arith.constant 3 : i32
    %eq3A_3103 = vector.broadcast %eq3A_3102 : i32 to vector<64x128xi32>
    %eq3A_3104 = arith.cmpi eq, %add3A_3087, %eq3A_3103 : vector<64x128xi32>
    %select_n3A_3105 = arith.select %eq3A_3104, %select_n3A_1053, %select_n3A_3100 : vector<64x128xi1>, vector<64x128xf32>
    %select_n3A_3106 = arith.select %eq3A_3104, %select_n3A_1052, %select_n3A_3101 : vector<64x128xi1>, vector<64x128xi32>
    %eq3A_3107 = arith.constant 4 : i32
    %eq3A_3108 = vector.broadcast %eq3A_3107 : i32 to vector<64x128xi32>
    %eq3A_3109 = arith.cmpi eq, %add3A_3087, %eq3A_3108 : vector<64x128xi32>
    %select_n3A_3110 = arith.select %eq3A_3109, %select_n3A_1310, %select_n3A_3105 : vector<64x128xi1>, vector<64x128xf32>
    %select_n3A_3111 = arith.select %eq3A_3109, %select_n3A_1309, %select_n3A_3106 : vector<64x128xi1>, vector<64x128xi32>
    %eq3A_3112 = arith.constant 5 : i32
    %eq3A_3113 = vector.broadcast %eq3A_3112 : i32 to vector<64x128xi32>
    %eq3A_3114 = arith.cmpi eq, %add3A_3087, %eq3A_3113 : vector<64x128xi32>
    %select_n3A_3115 = arith.select %eq3A_3114, %select_n3A_1567, %select_n3A_3110 : vector<64x128xi1>, vector<64x128xf32>
    %select_n3A_3116 = arith.select %eq3A_3114, %select_n3A_1566, %select_n3A_3111 : vector<64x128xi1>, vector<64x128xi32>
    %select_n3A_3117 = arith.select %eq3A_3081, %select_n3A_3115, %select_n3A_3067 : vector<64x128xi1>, vector<64x128xf32>
    %select_n3A_3118 = arith.select %eq3A_3081, %select_n3A_3116, %select_n3A_3068 : vector<64x128xi1>, vector<64x128xi32>
    %reduce_min3A_3119 = arith.constant dense<0x7F800000> : vector<64xf32>
    %reduce_min3A_3120 = vector.multi_reduction <minimumf>, %select_n3A_3117, %reduce_min3A_3119 [1] : vector<64x128xf32> to vector<64xf32>
    %broadcast_in_dim3A_3121 = vector.shape_cast %reduce_min3A_3120 : vector<64xf32> to vector<64x1xf32>
    %eq3A_3122 = vector.broadcast %broadcast_in_dim3A_3121 : vector<64x1xf32> to vector<64x128xf32>
    %eq3A_3123 = arith.cmpf oeq, %select_n3A_3117, %eq3A_3122 : vector<64x128xf32>
    %jit3A_3124 = arith.constant 1073741824 : i32
    %broadcast_in_dim3A_3125 = vector.broadcast %jit3A_3124 : i32 to vector<64x128xi32>
    %select_n3A_3126 = arith.select %eq3A_3123, %select_n3A_3118, %broadcast_in_dim3A_3125 : vector<64x128xi1>, vector<64x128xi32>
    %reduce_min3A_3127 = arith.constant dense<2147483647> : vector<64xi32>
    %reduce_min3A_3128 = vector.multi_reduction <minsi>, %select_n3A_3126, %reduce_min3A_3127 [1] : vector<64x128xi32> to vector<64xi32>
    %broadcast_in_dim3A_3129 = vector.shape_cast %reduce_min3A_3128 : vector<64xi32> to vector<64x1xi32>
    %eq3A_3130 = vector.broadcast %broadcast_in_dim3A_3129 : vector<64x1xi32> to vector<64x128xi32>
    %eq3A_3131 = arith.cmpi eq, %select_n3A_3118, %eq3A_3130 : vector<64x128xi32>
    %jit3A_3132 = arith.constant 1 : i32
    %jit3A_3133 = arith.constant 0 : i32
    %broadcast_in_dim3A_3134 = vector.broadcast %jit3A_3132 : i32 to vector<64x128xi32>
    %broadcast_in_dim3A_3135 = vector.broadcast %jit3A_3133 : i32 to vector<64x128xi32>
    %select_n3A_3136 = arith.select %eq3A_3131, %broadcast_in_dim3A_3134, %broadcast_in_dim3A_3135 : vector<64x128xi1>, vector<64x128xi32>
    %add3A_3137 = arith.addi %add3A_3087, %select_n3A_3136 : vector<64x128xi32>
    %concatenate3A_3138 = tpu.concatenate %broadcast_in_dim3A_1579, %broadcast_in_dim3A_1629, %broadcast_in_dim3A_1679, %broadcast_in_dim3A_1729, %broadcast_in_dim3A_1779, %broadcast_in_dim3A_1829, %broadcast_in_dim3A_1879, %broadcast_in_dim3A_1929, %broadcast_in_dim3A_1979, %broadcast_in_dim3A_2029, %broadcast_in_dim3A_2079, %broadcast_in_dim3A_2129, %broadcast_in_dim3A_2179, %broadcast_in_dim3A_2229, %broadcast_in_dim3A_2279, %broadcast_in_dim3A_2329, %broadcast_in_dim3A_2379, %broadcast_in_dim3A_2429, %broadcast_in_dim3A_2479, %broadcast_in_dim3A_2529, %broadcast_in_dim3A_2579, %broadcast_in_dim3A_2629, %broadcast_in_dim3A_2679, %broadcast_in_dim3A_2729, %broadcast_in_dim3A_2779, %broadcast_in_dim3A_2829, %broadcast_in_dim3A_2879, %broadcast_in_dim3A_2929, %broadcast_in_dim3A_2979, %broadcast_in_dim3A_3029, %broadcast_in_dim3A_3079, %broadcast_in_dim3A_3129 in 1 : vector<64x1xi32>, vector<64x1xi32>, vector<64x1xi32>, vector<64x1xi32>, vector<64x1xi32>, vector<64x1xi32>, vector<64x1xi32>, vector<64x1xi32>, vector<64x1xi32>, vector<64x1xi32>, vector<64x1xi32>, vector<64x1xi32>, vector<64x1xi32>, vector<64x1xi32>, vector<64x1xi32>, vector<64x1xi32>, vector<64x1xi32>, vector<64x1xi32>, vector<64x1xi32>, vector<64x1xi32>, vector<64x1xi32>, vector<64x1xi32>, vector<64x1xi32>, vector<64x1xi32>, vector<64x1xi32>, vector<64x1xi32>, vector<64x1xi32>, vector<64x1xi32>, vector<64x1xi32>, vector<64x1xi32>, vector<64x1xi32>, vector<64x1xi32> -> vector<64x32xi32>
    %reduce_max3A = vector.shape_cast %add3A_3137 : vector<64x128xi32> to vector<1x64x128xi32>
    %reduce_max3A_3139 = arith.constant dense<-2147483648> : vector<1xi32>
    %reduce_max3A_3140 = vector.multi_reduction <maxsi>, %reduce_max3A, %reduce_max3A_3139 [1, 2] : vector<1x64x128xi32> to vector<1xi32>
    %reduce_max3A_3141 = vector.shape_cast %reduce_max3A_3140 : vector<1xi32> to vector<1x1x1xi32>
    %reduce_max3A_3142 = vector.extract %reduce_max3A_3141[0, 0, 0] : i32 from vector<1x1x1xi32>
    %ge3A = arith.constant 6 : i32
    %ge3A_3143 = arith.cmpi sge, %reduce_max3A_3142, %ge3A : i32
    %convert_element_type3A = arith.extui %ge3A_3143 : i1 to i32
    %cond3A = arith.constant 1073741824 : i32
    %cond3A_3144 = arith.constant 0x7F800000 : f32
    %cond3A_3145 = arith.constant 0 : i32
    %cond3A_3146 = arith.cmpi ne, %convert_element_type3A, %cond3A_3145 : i32
    %cond3A_3147 = scf.if %cond3A_3146 -> (vector<64x32xi32>) {
      %iota3A_3157 = tpu.iota {dimensions = array<i32: 1>} : vector<64x4096xi32>
      %reduce_min3A_3158 = arith.constant dense<0x7F800000> : vector<64xf32>
      %reduce_min3A_3159 = vector.multi_reduction <minimumf>, %add3A_33, %reduce_min3A_3158 [1] : vector<64x4096xf32> to vector<64xf32>
      %broadcast_in_dim3A_3160 = vector.shape_cast %reduce_min3A_3159 : vector<64xf32> to vector<64x1xf32>
      %eq3A_3161 = vector.broadcast %broadcast_in_dim3A_3160 : vector<64x1xf32> to vector<64x4096xf32>
      %eq3A_3162 = arith.cmpf oeq, %add3A_33, %eq3A_3161 : vector<64x4096xf32>
      %broadcast_in_dim3A_3163 = vector.broadcast %cond3A : i32 to vector<64x4096xi32>
      %select_n3A_3164 = arith.select %eq3A_3162, %iota3A_3157, %broadcast_in_dim3A_3163 : vector<64x4096xi1>, vector<64x4096xi32>
      %reduce_min3A_3165 = arith.constant dense<2147483647> : vector<64xi32>
      %reduce_min3A_3166 = vector.multi_reduction <minsi>, %select_n3A_3164, %reduce_min3A_3165 [1] : vector<64x4096xi32> to vector<64xi32>
      %broadcast_in_dim3A_3167 = vector.shape_cast %reduce_min3A_3166 : vector<64xi32> to vector<64x1xi32>
      %eq3A_3168 = vector.broadcast %broadcast_in_dim3A_3167 : vector<64x1xi32> to vector<64x4096xi32>
      %eq3A_3169 = arith.cmpi eq, %iota3A_3157, %eq3A_3168 : vector<64x4096xi32>
      %broadcast_in_dim3A_3170 = vector.broadcast %cond3A_3144 : f32 to vector<64x4096xf32>
      %select_n3A_3171 = arith.select %eq3A_3169, %broadcast_in_dim3A_3170, %add3A_33 : vector<64x4096xi1>, vector<64x4096xf32>
      %reduce_min3A_3172 = arith.constant dense<0x7F800000> : vector<64xf32>
      %reduce_min3A_3173 = vector.multi_reduction <minimumf>, %select_n3A_3171, %reduce_min3A_3172 [1] : vector<64x4096xf32> to vector<64xf32>
      %broadcast_in_dim3A_3174 = vector.shape_cast %reduce_min3A_3173 : vector<64xf32> to vector<64x1xf32>
      %eq3A_3175 = vector.broadcast %broadcast_in_dim3A_3174 : vector<64x1xf32> to vector<64x4096xf32>
      %eq3A_3176 = arith.cmpf oeq, %select_n3A_3171, %eq3A_3175 : vector<64x4096xf32>
      %broadcast_in_dim3A_3177 = vector.broadcast %cond3A : i32 to vector<64x4096xi32>
      %select_n3A_3178 = arith.select %eq3A_3176, %iota3A_3157, %broadcast_in_dim3A_3177 : vector<64x4096xi1>, vector<64x4096xi32>
      %reduce_min3A_3179 = arith.constant dense<2147483647> : vector<64xi32>
      %reduce_min3A_3180 = vector.multi_reduction <minsi>, %select_n3A_3178, %reduce_min3A_3179 [1] : vector<64x4096xi32> to vector<64xi32>
      %broadcast_in_dim3A_3181 = vector.shape_cast %reduce_min3A_3180 : vector<64xi32> to vector<64x1xi32>
      %eq3A_3182 = vector.broadcast %broadcast_in_dim3A_3181 : vector<64x1xi32> to vector<64x4096xi32>
      %eq3A_3183 = arith.cmpi eq, %iota3A_3157, %eq3A_3182 : vector<64x4096xi32>
      %broadcast_in_dim3A_3184 = vector.broadcast %cond3A_3144 : f32 to vector<64x4096xf32>
      %select_n3A_3185 = arith.select %eq3A_3183, %broadcast_in_dim3A_3184, %select_n3A_3171 : vector<64x4096xi1>, vector<64x4096xf32>
      %reduce_min3A_3186 = arith.constant dense<0x7F800000> : vector<64xf32>
      %reduce_min3A_3187 = vector.multi_reduction <minimumf>, %select_n3A_3185, %reduce_min3A_3186 [1] : vector<64x4096xf32> to vector<64xf32>
      %broadcast_in_dim3A_3188 = vector.shape_cast %reduce_min3A_3187 : vector<64xf32> to vector<64x1xf32>
      %eq3A_3189 = vector.broadcast %broadcast_in_dim3A_3188 : vector<64x1xf32> to vector<64x4096xf32>
      %eq3A_3190 = arith.cmpf oeq, %select_n3A_3185, %eq3A_3189 : vector<64x4096xf32>
      %broadcast_in_dim3A_3191 = vector.broadcast %cond3A : i32 to vector<64x4096xi32>
      %select_n3A_3192 = arith.select %eq3A_3190, %iota3A_3157, %broadcast_in_dim3A_3191 : vector<64x4096xi1>, vector<64x4096xi32>
      %reduce_min3A_3193 = arith.constant dense<2147483647> : vector<64xi32>
      %reduce_min3A_3194 = vector.multi_reduction <minsi>, %select_n3A_3192, %reduce_min3A_3193 [1] : vector<64x4096xi32> to vector<64xi32>
      %broadcast_in_dim3A_3195 = vector.shape_cast %reduce_min3A_3194 : vector<64xi32> to vector<64x1xi32>
      %eq3A_3196 = vector.broadcast %broadcast_in_dim3A_3195 : vector<64x1xi32> to vector<64x4096xi32>
      %eq3A_3197 = arith.cmpi eq, %iota3A_3157, %eq3A_3196 : vector<64x4096xi32>
      %broadcast_in_dim3A_3198 = vector.broadcast %cond3A_3144 : f32 to vector<64x4096xf32>
      %select_n3A_3199 = arith.select %eq3A_3197, %broadcast_in_dim3A_3198, %select_n3A_3185 : vector<64x4096xi1>, vector<64x4096xf32>
      %reduce_min3A_3200 = arith.constant dense<0x7F800000> : vector<64xf32>
      %reduce_min3A_3201 = vector.multi_reduction <minimumf>, %select_n3A_3199, %reduce_min3A_3200 [1] : vector<64x4096xf32> to vector<64xf32>
      %broadcast_in_dim3A_3202 = vector.shape_cast %reduce_min3A_3201 : vector<64xf32> to vector<64x1xf32>
      %eq3A_3203 = vector.broadcast %broadcast_in_dim3A_3202 : vector<64x1xf32> to vector<64x4096xf32>
      %eq3A_3204 = arith.cmpf oeq, %select_n3A_3199, %eq3A_3203 : vector<64x4096xf32>
      %broadcast_in_dim3A_3205 = vector.broadcast %cond3A : i32 to vector<64x4096xi32>
      %select_n3A_3206 = arith.select %eq3A_3204, %iota3A_3157, %broadcast_in_dim3A_3205 : vector<64x4096xi1>, vector<64x4096xi32>
      %reduce_min3A_3207 = arith.constant dense<2147483647> : vector<64xi32>
      %reduce_min3A_3208 = vector.multi_reduction <minsi>, %select_n3A_3206, %reduce_min3A_3207 [1] : vector<64x4096xi32> to vector<64xi32>
      %broadcast_in_dim3A_3209 = vector.shape_cast %reduce_min3A_3208 : vector<64xi32> to vector<64x1xi32>
      %eq3A_3210 = vector.broadcast %broadcast_in_dim3A_3209 : vector<64x1xi32> to vector<64x4096xi32>
      %eq3A_3211 = arith.cmpi eq, %iota3A_3157, %eq3A_3210 : vector<64x4096xi32>
      %broadcast_in_dim3A_3212 = vector.broadcast %cond3A_3144 : f32 to vector<64x4096xf32>
      %select_n3A_3213 = arith.select %eq3A_3211, %broadcast_in_dim3A_3212, %select_n3A_3199 : vector<64x4096xi1>, vector<64x4096xf32>
      %reduce_min3A_3214 = arith.constant dense<0x7F800000> : vector<64xf32>
      %reduce_min3A_3215 = vector.multi_reduction <minimumf>, %select_n3A_3213, %reduce_min3A_3214 [1] : vector<64x4096xf32> to vector<64xf32>
      %broadcast_in_dim3A_3216 = vector.shape_cast %reduce_min3A_3215 : vector<64xf32> to vector<64x1xf32>
      %eq3A_3217 = vector.broadcast %broadcast_in_dim3A_3216 : vector<64x1xf32> to vector<64x4096xf32>
      %eq3A_3218 = arith.cmpf oeq, %select_n3A_3213, %eq3A_3217 : vector<64x4096xf32>
      %broadcast_in_dim3A_3219 = vector.broadcast %cond3A : i32 to vector<64x4096xi32>
      %select_n3A_3220 = arith.select %eq3A_3218, %iota3A_3157, %broadcast_in_dim3A_3219 : vector<64x4096xi1>, vector<64x4096xi32>
      %reduce_min3A_3221 = arith.constant dense<2147483647> : vector<64xi32>
      %reduce_min3A_3222 = vector.multi_reduction <minsi>, %select_n3A_3220, %reduce_min3A_3221 [1] : vector<64x4096xi32> to vector<64xi32>
      %broadcast_in_dim3A_3223 = vector.shape_cast %reduce_min3A_3222 : vector<64xi32> to vector<64x1xi32>
      %eq3A_3224 = vector.broadcast %broadcast_in_dim3A_3223 : vector<64x1xi32> to vector<64x4096xi32>
      %eq3A_3225 = arith.cmpi eq, %iota3A_3157, %eq3A_3224 : vector<64x4096xi32>
      %broadcast_in_dim3A_3226 = vector.broadcast %cond3A_3144 : f32 to vector<64x4096xf32>
      %select_n3A_3227 = arith.select %eq3A_3225, %broadcast_in_dim3A_3226, %select_n3A_3213 : vector<64x4096xi1>, vector<64x4096xf32>
      %reduce_min3A_3228 = arith.constant dense<0x7F800000> : vector<64xf32>
      %reduce_min3A_3229 = vector.multi_reduction <minimumf>, %select_n3A_3227, %reduce_min3A_3228 [1] : vector<64x4096xf32> to vector<64xf32>
      %broadcast_in_dim3A_3230 = vector.shape_cast %reduce_min3A_3229 : vector<64xf32> to vector<64x1xf32>
      %eq3A_3231 = vector.broadcast %broadcast_in_dim3A_3230 : vector<64x1xf32> to vector<64x4096xf32>
      %eq3A_3232 = arith.cmpf oeq, %select_n3A_3227, %eq3A_3231 : vector<64x4096xf32>
      %broadcast_in_dim3A_3233 = vector.broadcast %cond3A : i32 to vector<64x4096xi32>
      %select_n3A_3234 = arith.select %eq3A_3232, %iota3A_3157, %broadcast_in_dim3A_3233 : vector<64x4096xi1>, vector<64x4096xi32>
      %reduce_min3A_3235 = arith.constant dense<2147483647> : vector<64xi32>
      %reduce_min3A_3236 = vector.multi_reduction <minsi>, %select_n3A_3234, %reduce_min3A_3235 [1] : vector<64x4096xi32> to vector<64xi32>
      %broadcast_in_dim3A_3237 = vector.shape_cast %reduce_min3A_3236 : vector<64xi32> to vector<64x1xi32>
      %eq3A_3238 = vector.broadcast %broadcast_in_dim3A_3237 : vector<64x1xi32> to vector<64x4096xi32>
      %eq3A_3239 = arith.cmpi eq, %iota3A_3157, %eq3A_3238 : vector<64x4096xi32>
      %broadcast_in_dim3A_3240 = vector.broadcast %cond3A_3144 : f32 to vector<64x4096xf32>
      %select_n3A_3241 = arith.select %eq3A_3239, %broadcast_in_dim3A_3240, %select_n3A_3227 : vector<64x4096xi1>, vector<64x4096xf32>
      %reduce_min3A_3242 = arith.constant dense<0x7F800000> : vector<64xf32>
      %reduce_min3A_3243 = vector.multi_reduction <minimumf>, %select_n3A_3241, %reduce_min3A_3242 [1] : vector<64x4096xf32> to vector<64xf32>
      %broadcast_in_dim3A_3244 = vector.shape_cast %reduce_min3A_3243 : vector<64xf32> to vector<64x1xf32>
      %eq3A_3245 = vector.broadcast %broadcast_in_dim3A_3244 : vector<64x1xf32> to vector<64x4096xf32>
      %eq3A_3246 = arith.cmpf oeq, %select_n3A_3241, %eq3A_3245 : vector<64x4096xf32>
      %broadcast_in_dim3A_3247 = vector.broadcast %cond3A : i32 to vector<64x4096xi32>
      %select_n3A_3248 = arith.select %eq3A_3246, %iota3A_3157, %broadcast_in_dim3A_3247 : vector<64x4096xi1>, vector<64x4096xi32>
      %reduce_min3A_3249 = arith.constant dense<2147483647> : vector<64xi32>
      %reduce_min3A_3250 = vector.multi_reduction <minsi>, %select_n3A_3248, %reduce_min3A_3249 [1] : vector<64x4096xi32> to vector<64xi32>
      %broadcast_in_dim3A_3251 = vector.shape_cast %reduce_min3A_3250 : vector<64xi32> to vector<64x1xi32>
      %eq3A_3252 = vector.broadcast %broadcast_in_dim3A_3251 : vector<64x1xi32> to vector<64x4096xi32>
      %eq3A_3253 = arith.cmpi eq, %iota3A_3157, %eq3A_3252 : vector<64x4096xi32>
      %broadcast_in_dim3A_3254 = vector.broadcast %cond3A_3144 : f32 to vector<64x4096xf32>
      %select_n3A_3255 = arith.select %eq3A_3253, %broadcast_in_dim3A_3254, %select_n3A_3241 : vector<64x4096xi1>, vector<64x4096xf32>
      %reduce_min3A_3256 = arith.constant dense<0x7F800000> : vector<64xf32>
      %reduce_min3A_3257 = vector.multi_reduction <minimumf>, %select_n3A_3255, %reduce_min3A_3256 [1] : vector<64x4096xf32> to vector<64xf32>
      %broadcast_in_dim3A_3258 = vector.shape_cast %reduce_min3A_3257 : vector<64xf32> to vector<64x1xf32>
      %eq3A_3259 = vector.broadcast %broadcast_in_dim3A_3258 : vector<64x1xf32> to vector<64x4096xf32>
      %eq3A_3260 = arith.cmpf oeq, %select_n3A_3255, %eq3A_3259 : vector<64x4096xf32>
      %broadcast_in_dim3A_3261 = vector.broadcast %cond3A : i32 to vector<64x4096xi32>
      %select_n3A_3262 = arith.select %eq3A_3260, %iota3A_3157, %broadcast_in_dim3A_3261 : vector<64x4096xi1>, vector<64x4096xi32>
      %reduce_min3A_3263 = arith.constant dense<2147483647> : vector<64xi32>
      %reduce_min3A_3264 = vector.multi_reduction <minsi>, %select_n3A_3262, %reduce_min3A_3263 [1] : vector<64x4096xi32> to vector<64xi32>
      %broadcast_in_dim3A_3265 = vector.shape_cast %reduce_min3A_3264 : vector<64xi32> to vector<64x1xi32>
      %eq3A_3266 = vector.broadcast %broadcast_in_dim3A_3265 : vector<64x1xi32> to vector<64x4096xi32>
      %eq3A_3267 = arith.cmpi eq, %iota3A_3157, %eq3A_3266 : vector<64x4096xi32>
      %broadcast_in_dim3A_3268 = vector.broadcast %cond3A_3144 : f32 to vector<64x4096xf32>
      %select_n3A_3269 = arith.select %eq3A_3267, %broadcast_in_dim3A_3268, %select_n3A_3255 : vector<64x4096xi1>, vector<64x4096xf32>
      %reduce_min3A_3270 = arith.constant dense<0x7F800000> : vector<64xf32>
      %reduce_min3A_3271 = vector.multi_reduction <minimumf>, %select_n3A_3269, %reduce_min3A_3270 [1] : vector<64x4096xf32> to vector<64xf32>
      %broadcast_in_dim3A_3272 = vector.shape_cast %reduce_min3A_3271 : vector<64xf32> to vector<64x1xf32>
      %eq3A_3273 = vector.broadcast %broadcast_in_dim3A_3272 : vector<64x1xf32> to vector<64x4096xf32>
      %eq3A_3274 = arith.cmpf oeq, %select_n3A_3269, %eq3A_3273 : vector<64x4096xf32>
      %broadcast_in_dim3A_3275 = vector.broadcast %cond3A : i32 to vector<64x4096xi32>
      %select_n3A_3276 = arith.select %eq3A_3274, %iota3A_3157, %broadcast_in_dim3A_3275 : vector<64x4096xi1>, vector<64x4096xi32>
      %reduce_min3A_3277 = arith.constant dense<2147483647> : vector<64xi32>
      %reduce_min3A_3278 = vector.multi_reduction <minsi>, %select_n3A_3276, %reduce_min3A_3277 [1] : vector<64x4096xi32> to vector<64xi32>
      %broadcast_in_dim3A_3279 = vector.shape_cast %reduce_min3A_3278 : vector<64xi32> to vector<64x1xi32>
      %eq3A_3280 = vector.broadcast %broadcast_in_dim3A_3279 : vector<64x1xi32> to vector<64x4096xi32>
      %eq3A_3281 = arith.cmpi eq, %iota3A_3157, %eq3A_3280 : vector<64x4096xi32>
      %broadcast_in_dim3A_3282 = vector.broadcast %cond3A_3144 : f32 to vector<64x4096xf32>
      %select_n3A_3283 = arith.select %eq3A_3281, %broadcast_in_dim3A_3282, %select_n3A_3269 : vector<64x4096xi1>, vector<64x4096xf32>
      %reduce_min3A_3284 = arith.constant dense<0x7F800000> : vector<64xf32>
      %reduce_min3A_3285 = vector.multi_reduction <minimumf>, %select_n3A_3283, %reduce_min3A_3284 [1] : vector<64x4096xf32> to vector<64xf32>
      %broadcast_in_dim3A_3286 = vector.shape_cast %reduce_min3A_3285 : vector<64xf32> to vector<64x1xf32>
      %eq3A_3287 = vector.broadcast %broadcast_in_dim3A_3286 : vector<64x1xf32> to vector<64x4096xf32>
      %eq3A_3288 = arith.cmpf oeq, %select_n3A_3283, %eq3A_3287 : vector<64x4096xf32>
      %broadcast_in_dim3A_3289 = vector.broadcast %cond3A : i32 to vector<64x4096xi32>
      %select_n3A_3290 = arith.select %eq3A_3288, %iota3A_3157, %broadcast_in_dim3A_3289 : vector<64x4096xi1>, vector<64x4096xi32>
      %reduce_min3A_3291 = arith.constant dense<2147483647> : vector<64xi32>
      %reduce_min3A_3292 = vector.multi_reduction <minsi>, %select_n3A_3290, %reduce_min3A_3291 [1] : vector<64x4096xi32> to vector<64xi32>
      %broadcast_in_dim3A_3293 = vector.shape_cast %reduce_min3A_3292 : vector<64xi32> to vector<64x1xi32>
      %eq3A_3294 = vector.broadcast %broadcast_in_dim3A_3293 : vector<64x1xi32> to vector<64x4096xi32>
      %eq3A_3295 = arith.cmpi eq, %iota3A_3157, %eq3A_3294 : vector<64x4096xi32>
      %broadcast_in_dim3A_3296 = vector.broadcast %cond3A_3144 : f32 to vector<64x4096xf32>
      %select_n3A_3297 = arith.select %eq3A_3295, %broadcast_in_dim3A_3296, %select_n3A_3283 : vector<64x4096xi1>, vector<64x4096xf32>
      %reduce_min3A_3298 = arith.constant dense<0x7F800000> : vector<64xf32>
      %reduce_min3A_3299 = vector.multi_reduction <minimumf>, %select_n3A_3297, %reduce_min3A_3298 [1] : vector<64x4096xf32> to vector<64xf32>
      %broadcast_in_dim3A_3300 = vector.shape_cast %reduce_min3A_3299 : vector<64xf32> to vector<64x1xf32>
      %eq3A_3301 = vector.broadcast %broadcast_in_dim3A_3300 : vector<64x1xf32> to vector<64x4096xf32>
      %eq3A_3302 = arith.cmpf oeq, %select_n3A_3297, %eq3A_3301 : vector<64x4096xf32>
      %broadcast_in_dim3A_3303 = vector.broadcast %cond3A : i32 to vector<64x4096xi32>
      %select_n3A_3304 = arith.select %eq3A_3302, %iota3A_3157, %broadcast_in_dim3A_3303 : vector<64x4096xi1>, vector<64x4096xi32>
      %reduce_min3A_3305 = arith.constant dense<2147483647> : vector<64xi32>
      %reduce_min3A_3306 = vector.multi_reduction <minsi>, %select_n3A_3304, %reduce_min3A_3305 [1] : vector<64x4096xi32> to vector<64xi32>
      %broadcast_in_dim3A_3307 = vector.shape_cast %reduce_min3A_3306 : vector<64xi32> to vector<64x1xi32>
      %eq3A_3308 = vector.broadcast %broadcast_in_dim3A_3307 : vector<64x1xi32> to vector<64x4096xi32>
      %eq3A_3309 = arith.cmpi eq, %iota3A_3157, %eq3A_3308 : vector<64x4096xi32>
      %broadcast_in_dim3A_3310 = vector.broadcast %cond3A_3144 : f32 to vector<64x4096xf32>
      %select_n3A_3311 = arith.select %eq3A_3309, %broadcast_in_dim3A_3310, %select_n3A_3297 : vector<64x4096xi1>, vector<64x4096xf32>
      %reduce_min3A_3312 = arith.constant dense<0x7F800000> : vector<64xf32>
      %reduce_min3A_3313 = vector.multi_reduction <minimumf>, %select_n3A_3311, %reduce_min3A_3312 [1] : vector<64x4096xf32> to vector<64xf32>
      %broadcast_in_dim3A_3314 = vector.shape_cast %reduce_min3A_3313 : vector<64xf32> to vector<64x1xf32>
      %eq3A_3315 = vector.broadcast %broadcast_in_dim3A_3314 : vector<64x1xf32> to vector<64x4096xf32>
      %eq3A_3316 = arith.cmpf oeq, %select_n3A_3311, %eq3A_3315 : vector<64x4096xf32>
      %broadcast_in_dim3A_3317 = vector.broadcast %cond3A : i32 to vector<64x4096xi32>
      %select_n3A_3318 = arith.select %eq3A_3316, %iota3A_3157, %broadcast_in_dim3A_3317 : vector<64x4096xi1>, vector<64x4096xi32>
      %reduce_min3A_3319 = arith.constant dense<2147483647> : vector<64xi32>
      %reduce_min3A_3320 = vector.multi_reduction <minsi>, %select_n3A_3318, %reduce_min3A_3319 [1] : vector<64x4096xi32> to vector<64xi32>
      %broadcast_in_dim3A_3321 = vector.shape_cast %reduce_min3A_3320 : vector<64xi32> to vector<64x1xi32>
      %eq3A_3322 = vector.broadcast %broadcast_in_dim3A_3321 : vector<64x1xi32> to vector<64x4096xi32>
      %eq3A_3323 = arith.cmpi eq, %iota3A_3157, %eq3A_3322 : vector<64x4096xi32>
      %broadcast_in_dim3A_3324 = vector.broadcast %cond3A_3144 : f32 to vector<64x4096xf32>
      %select_n3A_3325 = arith.select %eq3A_3323, %broadcast_in_dim3A_3324, %select_n3A_3311 : vector<64x4096xi1>, vector<64x4096xf32>
      %reduce_min3A_3326 = arith.constant dense<0x7F800000> : vector<64xf32>
      %reduce_min3A_3327 = vector.multi_reduction <minimumf>, %select_n3A_3325, %reduce_min3A_3326 [1] : vector<64x4096xf32> to vector<64xf32>
      %broadcast_in_dim3A_3328 = vector.shape_cast %reduce_min3A_3327 : vector<64xf32> to vector<64x1xf32>
      %eq3A_3329 = vector.broadcast %broadcast_in_dim3A_3328 : vector<64x1xf32> to vector<64x4096xf32>
      %eq3A_3330 = arith.cmpf oeq, %select_n3A_3325, %eq3A_3329 : vector<64x4096xf32>
      %broadcast_in_dim3A_3331 = vector.broadcast %cond3A : i32 to vector<64x4096xi32>
      %select_n3A_3332 = arith.select %eq3A_3330, %iota3A_3157, %broadcast_in_dim3A_3331 : vector<64x4096xi1>, vector<64x4096xi32>
      %reduce_min3A_3333 = arith.constant dense<2147483647> : vector<64xi32>
      %reduce_min3A_3334 = vector.multi_reduction <minsi>, %select_n3A_3332, %reduce_min3A_3333 [1] : vector<64x4096xi32> to vector<64xi32>
      %broadcast_in_dim3A_3335 = vector.shape_cast %reduce_min3A_3334 : vector<64xi32> to vector<64x1xi32>
      %eq3A_3336 = vector.broadcast %broadcast_in_dim3A_3335 : vector<64x1xi32> to vector<64x4096xi32>
      %eq3A_3337 = arith.cmpi eq, %iota3A_3157, %eq3A_3336 : vector<64x4096xi32>
      %broadcast_in_dim3A_3338 = vector.broadcast %cond3A_3144 : f32 to vector<64x4096xf32>
      %select_n3A_3339 = arith.select %eq3A_3337, %broadcast_in_dim3A_3338, %select_n3A_3325 : vector<64x4096xi1>, vector<64x4096xf32>
      %reduce_min3A_3340 = arith.constant dense<0x7F800000> : vector<64xf32>
      %reduce_min3A_3341 = vector.multi_reduction <minimumf>, %select_n3A_3339, %reduce_min3A_3340 [1] : vector<64x4096xf32> to vector<64xf32>
      %broadcast_in_dim3A_3342 = vector.shape_cast %reduce_min3A_3341 : vector<64xf32> to vector<64x1xf32>
      %eq3A_3343 = vector.broadcast %broadcast_in_dim3A_3342 : vector<64x1xf32> to vector<64x4096xf32>
      %eq3A_3344 = arith.cmpf oeq, %select_n3A_3339, %eq3A_3343 : vector<64x4096xf32>
      %broadcast_in_dim3A_3345 = vector.broadcast %cond3A : i32 to vector<64x4096xi32>
      %select_n3A_3346 = arith.select %eq3A_3344, %iota3A_3157, %broadcast_in_dim3A_3345 : vector<64x4096xi1>, vector<64x4096xi32>
      %reduce_min3A_3347 = arith.constant dense<2147483647> : vector<64xi32>
      %reduce_min3A_3348 = vector.multi_reduction <minsi>, %select_n3A_3346, %reduce_min3A_3347 [1] : vector<64x4096xi32> to vector<64xi32>
      %broadcast_in_dim3A_3349 = vector.shape_cast %reduce_min3A_3348 : vector<64xi32> to vector<64x1xi32>
      %eq3A_3350 = vector.broadcast %broadcast_in_dim3A_3349 : vector<64x1xi32> to vector<64x4096xi32>
      %eq3A_3351 = arith.cmpi eq, %iota3A_3157, %eq3A_3350 : vector<64x4096xi32>
      %broadcast_in_dim3A_3352 = vector.broadcast %cond3A_3144 : f32 to vector<64x4096xf32>
      %select_n3A_3353 = arith.select %eq3A_3351, %broadcast_in_dim3A_3352, %select_n3A_3339 : vector<64x4096xi1>, vector<64x4096xf32>
      %reduce_min3A_3354 = arith.constant dense<0x7F800000> : vector<64xf32>
      %reduce_min3A_3355 = vector.multi_reduction <minimumf>, %select_n3A_3353, %reduce_min3A_3354 [1] : vector<64x4096xf32> to vector<64xf32>
      %broadcast_in_dim3A_3356 = vector.shape_cast %reduce_min3A_3355 : vector<64xf32> to vector<64x1xf32>
      %eq3A_3357 = vector.broadcast %broadcast_in_dim3A_3356 : vector<64x1xf32> to vector<64x4096xf32>
      %eq3A_3358 = arith.cmpf oeq, %select_n3A_3353, %eq3A_3357 : vector<64x4096xf32>
      %broadcast_in_dim3A_3359 = vector.broadcast %cond3A : i32 to vector<64x4096xi32>
      %select_n3A_3360 = arith.select %eq3A_3358, %iota3A_3157, %broadcast_in_dim3A_3359 : vector<64x4096xi1>, vector<64x4096xi32>
      %reduce_min3A_3361 = arith.constant dense<2147483647> : vector<64xi32>
      %reduce_min3A_3362 = vector.multi_reduction <minsi>, %select_n3A_3360, %reduce_min3A_3361 [1] : vector<64x4096xi32> to vector<64xi32>
      %broadcast_in_dim3A_3363 = vector.shape_cast %reduce_min3A_3362 : vector<64xi32> to vector<64x1xi32>
      %eq3A_3364 = vector.broadcast %broadcast_in_dim3A_3363 : vector<64x1xi32> to vector<64x4096xi32>
      %eq3A_3365 = arith.cmpi eq, %iota3A_3157, %eq3A_3364 : vector<64x4096xi32>
      %broadcast_in_dim3A_3366 = vector.broadcast %cond3A_3144 : f32 to vector<64x4096xf32>
      %select_n3A_3367 = arith.select %eq3A_3365, %broadcast_in_dim3A_3366, %select_n3A_3353 : vector<64x4096xi1>, vector<64x4096xf32>
      %reduce_min3A_3368 = arith.constant dense<0x7F800000> : vector<64xf32>
      %reduce_min3A_3369 = vector.multi_reduction <minimumf>, %select_n3A_3367, %reduce_min3A_3368 [1] : vector<64x4096xf32> to vector<64xf32>
      %broadcast_in_dim3A_3370 = vector.shape_cast %reduce_min3A_3369 : vector<64xf32> to vector<64x1xf32>
      %eq3A_3371 = vector.broadcast %broadcast_in_dim3A_3370 : vector<64x1xf32> to vector<64x4096xf32>
      %eq3A_3372 = arith.cmpf oeq, %select_n3A_3367, %eq3A_3371 : vector<64x4096xf32>
      %broadcast_in_dim3A_3373 = vector.broadcast %cond3A : i32 to vector<64x4096xi32>
      %select_n3A_3374 = arith.select %eq3A_3372, %iota3A_3157, %broadcast_in_dim3A_3373 : vector<64x4096xi1>, vector<64x4096xi32>
      %reduce_min3A_3375 = arith.constant dense<2147483647> : vector<64xi32>
      %reduce_min3A_3376 = vector.multi_reduction <minsi>, %select_n3A_3374, %reduce_min3A_3375 [1] : vector<64x4096xi32> to vector<64xi32>
      %broadcast_in_dim3A_3377 = vector.shape_cast %reduce_min3A_3376 : vector<64xi32> to vector<64x1xi32>
      %eq3A_3378 = vector.broadcast %broadcast_in_dim3A_3377 : vector<64x1xi32> to vector<64x4096xi32>
      %eq3A_3379 = arith.cmpi eq, %iota3A_3157, %eq3A_3378 : vector<64x4096xi32>
      %broadcast_in_dim3A_3380 = vector.broadcast %cond3A_3144 : f32 to vector<64x4096xf32>
      %select_n3A_3381 = arith.select %eq3A_3379, %broadcast_in_dim3A_3380, %select_n3A_3367 : vector<64x4096xi1>, vector<64x4096xf32>
      %reduce_min3A_3382 = arith.constant dense<0x7F800000> : vector<64xf32>
      %reduce_min3A_3383 = vector.multi_reduction <minimumf>, %select_n3A_3381, %reduce_min3A_3382 [1] : vector<64x4096xf32> to vector<64xf32>
      %broadcast_in_dim3A_3384 = vector.shape_cast %reduce_min3A_3383 : vector<64xf32> to vector<64x1xf32>
      %eq3A_3385 = vector.broadcast %broadcast_in_dim3A_3384 : vector<64x1xf32> to vector<64x4096xf32>
      %eq3A_3386 = arith.cmpf oeq, %select_n3A_3381, %eq3A_3385 : vector<64x4096xf32>
      %broadcast_in_dim3A_3387 = vector.broadcast %cond3A : i32 to vector<64x4096xi32>
      %select_n3A_3388 = arith.select %eq3A_3386, %iota3A_3157, %broadcast_in_dim3A_3387 : vector<64x4096xi1>, vector<64x4096xi32>
      %reduce_min3A_3389 = arith.constant dense<2147483647> : vector<64xi32>
      %reduce_min3A_3390 = vector.multi_reduction <minsi>, %select_n3A_3388, %reduce_min3A_3389 [1] : vector<64x4096xi32> to vector<64xi32>
      %broadcast_in_dim3A_3391 = vector.shape_cast %reduce_min3A_3390 : vector<64xi32> to vector<64x1xi32>
      %eq3A_3392 = vector.broadcast %broadcast_in_dim3A_3391 : vector<64x1xi32> to vector<64x4096xi32>
      %eq3A_3393 = arith.cmpi eq, %iota3A_3157, %eq3A_3392 : vector<64x4096xi32>
      %broadcast_in_dim3A_3394 = vector.broadcast %cond3A_3144 : f32 to vector<64x4096xf32>
      %select_n3A_3395 = arith.select %eq3A_3393, %broadcast_in_dim3A_3394, %select_n3A_3381 : vector<64x4096xi1>, vector<64x4096xf32>
      %reduce_min3A_3396 = arith.constant dense<0x7F800000> : vector<64xf32>
      %reduce_min3A_3397 = vector.multi_reduction <minimumf>, %select_n3A_3395, %reduce_min3A_3396 [1] : vector<64x4096xf32> to vector<64xf32>
      %broadcast_in_dim3A_3398 = vector.shape_cast %reduce_min3A_3397 : vector<64xf32> to vector<64x1xf32>
      %eq3A_3399 = vector.broadcast %broadcast_in_dim3A_3398 : vector<64x1xf32> to vector<64x4096xf32>
      %eq3A_3400 = arith.cmpf oeq, %select_n3A_3395, %eq3A_3399 : vector<64x4096xf32>
      %broadcast_in_dim3A_3401 = vector.broadcast %cond3A : i32 to vector<64x4096xi32>
      %select_n3A_3402 = arith.select %eq3A_3400, %iota3A_3157, %broadcast_in_dim3A_3401 : vector<64x4096xi1>, vector<64x4096xi32>
      %reduce_min3A_3403 = arith.constant dense<2147483647> : vector<64xi32>
      %reduce_min3A_3404 = vector.multi_reduction <minsi>, %select_n3A_3402, %reduce_min3A_3403 [1] : vector<64x4096xi32> to vector<64xi32>
      %broadcast_in_dim3A_3405 = vector.shape_cast %reduce_min3A_3404 : vector<64xi32> to vector<64x1xi32>
      %eq3A_3406 = vector.broadcast %broadcast_in_dim3A_3405 : vector<64x1xi32> to vector<64x4096xi32>
      %eq3A_3407 = arith.cmpi eq, %iota3A_3157, %eq3A_3406 : vector<64x4096xi32>
      %broadcast_in_dim3A_3408 = vector.broadcast %cond3A_3144 : f32 to vector<64x4096xf32>
      %select_n3A_3409 = arith.select %eq3A_3407, %broadcast_in_dim3A_3408, %select_n3A_3395 : vector<64x4096xi1>, vector<64x4096xf32>
      %reduce_min3A_3410 = arith.constant dense<0x7F800000> : vector<64xf32>
      %reduce_min3A_3411 = vector.multi_reduction <minimumf>, %select_n3A_3409, %reduce_min3A_3410 [1] : vector<64x4096xf32> to vector<64xf32>
      %broadcast_in_dim3A_3412 = vector.shape_cast %reduce_min3A_3411 : vector<64xf32> to vector<64x1xf32>
      %eq3A_3413 = vector.broadcast %broadcast_in_dim3A_3412 : vector<64x1xf32> to vector<64x4096xf32>
      %eq3A_3414 = arith.cmpf oeq, %select_n3A_3409, %eq3A_3413 : vector<64x4096xf32>
      %broadcast_in_dim3A_3415 = vector.broadcast %cond3A : i32 to vector<64x4096xi32>
      %select_n3A_3416 = arith.select %eq3A_3414, %iota3A_3157, %broadcast_in_dim3A_3415 : vector<64x4096xi1>, vector<64x4096xi32>
      %reduce_min3A_3417 = arith.constant dense<2147483647> : vector<64xi32>
      %reduce_min3A_3418 = vector.multi_reduction <minsi>, %select_n3A_3416, %reduce_min3A_3417 [1] : vector<64x4096xi32> to vector<64xi32>
      %broadcast_in_dim3A_3419 = vector.shape_cast %reduce_min3A_3418 : vector<64xi32> to vector<64x1xi32>
      %eq3A_3420 = vector.broadcast %broadcast_in_dim3A_3419 : vector<64x1xi32> to vector<64x4096xi32>
      %eq3A_3421 = arith.cmpi eq, %iota3A_3157, %eq3A_3420 : vector<64x4096xi32>
      %broadcast_in_dim3A_3422 = vector.broadcast %cond3A_3144 : f32 to vector<64x4096xf32>
      %select_n3A_3423 = arith.select %eq3A_3421, %broadcast_in_dim3A_3422, %select_n3A_3409 : vector<64x4096xi1>, vector<64x4096xf32>
      %reduce_min3A_3424 = arith.constant dense<0x7F800000> : vector<64xf32>
      %reduce_min3A_3425 = vector.multi_reduction <minimumf>, %select_n3A_3423, %reduce_min3A_3424 [1] : vector<64x4096xf32> to vector<64xf32>
      %broadcast_in_dim3A_3426 = vector.shape_cast %reduce_min3A_3425 : vector<64xf32> to vector<64x1xf32>
      %eq3A_3427 = vector.broadcast %broadcast_in_dim3A_3426 : vector<64x1xf32> to vector<64x4096xf32>
      %eq3A_3428 = arith.cmpf oeq, %select_n3A_3423, %eq3A_3427 : vector<64x4096xf32>
      %broadcast_in_dim3A_3429 = vector.broadcast %cond3A : i32 to vector<64x4096xi32>
      %select_n3A_3430 = arith.select %eq3A_3428, %iota3A_3157, %broadcast_in_dim3A_3429 : vector<64x4096xi1>, vector<64x4096xi32>
      %reduce_min3A_3431 = arith.constant dense<2147483647> : vector<64xi32>
      %reduce_min3A_3432 = vector.multi_reduction <minsi>, %select_n3A_3430, %reduce_min3A_3431 [1] : vector<64x4096xi32> to vector<64xi32>
      %broadcast_in_dim3A_3433 = vector.shape_cast %reduce_min3A_3432 : vector<64xi32> to vector<64x1xi32>
      %eq3A_3434 = vector.broadcast %broadcast_in_dim3A_3433 : vector<64x1xi32> to vector<64x4096xi32>
      %eq3A_3435 = arith.cmpi eq, %iota3A_3157, %eq3A_3434 : vector<64x4096xi32>
      %broadcast_in_dim3A_3436 = vector.broadcast %cond3A_3144 : f32 to vector<64x4096xf32>
      %select_n3A_3437 = arith.select %eq3A_3435, %broadcast_in_dim3A_3436, %select_n3A_3423 : vector<64x4096xi1>, vector<64x4096xf32>
      %reduce_min3A_3438 = arith.constant dense<0x7F800000> : vector<64xf32>
      %reduce_min3A_3439 = vector.multi_reduction <minimumf>, %select_n3A_3437, %reduce_min3A_3438 [1] : vector<64x4096xf32> to vector<64xf32>
      %broadcast_in_dim3A_3440 = vector.shape_cast %reduce_min3A_3439 : vector<64xf32> to vector<64x1xf32>
      %eq3A_3441 = vector.broadcast %broadcast_in_dim3A_3440 : vector<64x1xf32> to vector<64x4096xf32>
      %eq3A_3442 = arith.cmpf oeq, %select_n3A_3437, %eq3A_3441 : vector<64x4096xf32>
      %broadcast_in_dim3A_3443 = vector.broadcast %cond3A : i32 to vector<64x4096xi32>
      %select_n3A_3444 = arith.select %eq3A_3442, %iota3A_3157, %broadcast_in_dim3A_3443 : vector<64x4096xi1>, vector<64x4096xi32>
      %reduce_min3A_3445 = arith.constant dense<2147483647> : vector<64xi32>
      %reduce_min3A_3446 = vector.multi_reduction <minsi>, %select_n3A_3444, %reduce_min3A_3445 [1] : vector<64x4096xi32> to vector<64xi32>
      %broadcast_in_dim3A_3447 = vector.shape_cast %reduce_min3A_3446 : vector<64xi32> to vector<64x1xi32>
      %eq3A_3448 = vector.broadcast %broadcast_in_dim3A_3447 : vector<64x1xi32> to vector<64x4096xi32>
      %eq3A_3449 = arith.cmpi eq, %iota3A_3157, %eq3A_3448 : vector<64x4096xi32>
      %broadcast_in_dim3A_3450 = vector.broadcast %cond3A_3144 : f32 to vector<64x4096xf32>
      %select_n3A_3451 = arith.select %eq3A_3449, %broadcast_in_dim3A_3450, %select_n3A_3437 : vector<64x4096xi1>, vector<64x4096xf32>
      %reduce_min3A_3452 = arith.constant dense<0x7F800000> : vector<64xf32>
      %reduce_min3A_3453 = vector.multi_reduction <minimumf>, %select_n3A_3451, %reduce_min3A_3452 [1] : vector<64x4096xf32> to vector<64xf32>
      %broadcast_in_dim3A_3454 = vector.shape_cast %reduce_min3A_3453 : vector<64xf32> to vector<64x1xf32>
      %eq3A_3455 = vector.broadcast %broadcast_in_dim3A_3454 : vector<64x1xf32> to vector<64x4096xf32>
      %eq3A_3456 = arith.cmpf oeq, %select_n3A_3451, %eq3A_3455 : vector<64x4096xf32>
      %broadcast_in_dim3A_3457 = vector.broadcast %cond3A : i32 to vector<64x4096xi32>
      %select_n3A_3458 = arith.select %eq3A_3456, %iota3A_3157, %broadcast_in_dim3A_3457 : vector<64x4096xi1>, vector<64x4096xi32>
      %reduce_min3A_3459 = arith.constant dense<2147483647> : vector<64xi32>
      %reduce_min3A_3460 = vector.multi_reduction <minsi>, %select_n3A_3458, %reduce_min3A_3459 [1] : vector<64x4096xi32> to vector<64xi32>
      %broadcast_in_dim3A_3461 = vector.shape_cast %reduce_min3A_3460 : vector<64xi32> to vector<64x1xi32>
      %eq3A_3462 = vector.broadcast %broadcast_in_dim3A_3461 : vector<64x1xi32> to vector<64x4096xi32>
      %eq3A_3463 = arith.cmpi eq, %iota3A_3157, %eq3A_3462 : vector<64x4096xi32>
      %broadcast_in_dim3A_3464 = vector.broadcast %cond3A_3144 : f32 to vector<64x4096xf32>
      %select_n3A_3465 = arith.select %eq3A_3463, %broadcast_in_dim3A_3464, %select_n3A_3451 : vector<64x4096xi1>, vector<64x4096xf32>
      %reduce_min3A_3466 = arith.constant dense<0x7F800000> : vector<64xf32>
      %reduce_min3A_3467 = vector.multi_reduction <minimumf>, %select_n3A_3465, %reduce_min3A_3466 [1] : vector<64x4096xf32> to vector<64xf32>
      %broadcast_in_dim3A_3468 = vector.shape_cast %reduce_min3A_3467 : vector<64xf32> to vector<64x1xf32>
      %eq3A_3469 = vector.broadcast %broadcast_in_dim3A_3468 : vector<64x1xf32> to vector<64x4096xf32>
      %eq3A_3470 = arith.cmpf oeq, %select_n3A_3465, %eq3A_3469 : vector<64x4096xf32>
      %broadcast_in_dim3A_3471 = vector.broadcast %cond3A : i32 to vector<64x4096xi32>
      %select_n3A_3472 = arith.select %eq3A_3470, %iota3A_3157, %broadcast_in_dim3A_3471 : vector<64x4096xi1>, vector<64x4096xi32>
      %reduce_min3A_3473 = arith.constant dense<2147483647> : vector<64xi32>
      %reduce_min3A_3474 = vector.multi_reduction <minsi>, %select_n3A_3472, %reduce_min3A_3473 [1] : vector<64x4096xi32> to vector<64xi32>
      %broadcast_in_dim3A_3475 = vector.shape_cast %reduce_min3A_3474 : vector<64xi32> to vector<64x1xi32>
      %eq3A_3476 = vector.broadcast %broadcast_in_dim3A_3475 : vector<64x1xi32> to vector<64x4096xi32>
      %eq3A_3477 = arith.cmpi eq, %iota3A_3157, %eq3A_3476 : vector<64x4096xi32>
      %broadcast_in_dim3A_3478 = vector.broadcast %cond3A_3144 : f32 to vector<64x4096xf32>
      %select_n3A_3479 = arith.select %eq3A_3477, %broadcast_in_dim3A_3478, %select_n3A_3465 : vector<64x4096xi1>, vector<64x4096xf32>
      %reduce_min3A_3480 = arith.constant dense<0x7F800000> : vector<64xf32>
      %reduce_min3A_3481 = vector.multi_reduction <minimumf>, %select_n3A_3479, %reduce_min3A_3480 [1] : vector<64x4096xf32> to vector<64xf32>
      %broadcast_in_dim3A_3482 = vector.shape_cast %reduce_min3A_3481 : vector<64xf32> to vector<64x1xf32>
      %eq3A_3483 = vector.broadcast %broadcast_in_dim3A_3482 : vector<64x1xf32> to vector<64x4096xf32>
      %eq3A_3484 = arith.cmpf oeq, %select_n3A_3479, %eq3A_3483 : vector<64x4096xf32>
      %broadcast_in_dim3A_3485 = vector.broadcast %cond3A : i32 to vector<64x4096xi32>
      %select_n3A_3486 = arith.select %eq3A_3484, %iota3A_3157, %broadcast_in_dim3A_3485 : vector<64x4096xi1>, vector<64x4096xi32>
      %reduce_min3A_3487 = arith.constant dense<2147483647> : vector<64xi32>
      %reduce_min3A_3488 = vector.multi_reduction <minsi>, %select_n3A_3486, %reduce_min3A_3487 [1] : vector<64x4096xi32> to vector<64xi32>
      %broadcast_in_dim3A_3489 = vector.shape_cast %reduce_min3A_3488 : vector<64xi32> to vector<64x1xi32>
      %eq3A_3490 = vector.broadcast %broadcast_in_dim3A_3489 : vector<64x1xi32> to vector<64x4096xi32>
      %eq3A_3491 = arith.cmpi eq, %iota3A_3157, %eq3A_3490 : vector<64x4096xi32>
      %broadcast_in_dim3A_3492 = vector.broadcast %cond3A_3144 : f32 to vector<64x4096xf32>
      %select_n3A_3493 = arith.select %eq3A_3491, %broadcast_in_dim3A_3492, %select_n3A_3479 : vector<64x4096xi1>, vector<64x4096xf32>
      %reduce_min3A_3494 = arith.constant dense<0x7F800000> : vector<64xf32>
      %reduce_min3A_3495 = vector.multi_reduction <minimumf>, %select_n3A_3493, %reduce_min3A_3494 [1] : vector<64x4096xf32> to vector<64xf32>
      %broadcast_in_dim3A_3496 = vector.shape_cast %reduce_min3A_3495 : vector<64xf32> to vector<64x1xf32>
      %eq3A_3497 = vector.broadcast %broadcast_in_dim3A_3496 : vector<64x1xf32> to vector<64x4096xf32>
      %eq3A_3498 = arith.cmpf oeq, %select_n3A_3493, %eq3A_3497 : vector<64x4096xf32>
      %broadcast_in_dim3A_3499 = vector.broadcast %cond3A : i32 to vector<64x4096xi32>
      %select_n3A_3500 = arith.select %eq3A_3498, %iota3A_3157, %broadcast_in_dim3A_3499 : vector<64x4096xi1>, vector<64x4096xi32>
      %reduce_min3A_3501 = arith.constant dense<2147483647> : vector<64xi32>
      %reduce_min3A_3502 = vector.multi_reduction <minsi>, %select_n3A_3500, %reduce_min3A_3501 [1] : vector<64x4096xi32> to vector<64xi32>
      %broadcast_in_dim3A_3503 = vector.shape_cast %reduce_min3A_3502 : vector<64xi32> to vector<64x1xi32>
      %eq3A_3504 = vector.broadcast %broadcast_in_dim3A_3503 : vector<64x1xi32> to vector<64x4096xi32>
      %eq3A_3505 = arith.cmpi eq, %iota3A_3157, %eq3A_3504 : vector<64x4096xi32>
      %broadcast_in_dim3A_3506 = vector.broadcast %cond3A_3144 : f32 to vector<64x4096xf32>
      %select_n3A_3507 = arith.select %eq3A_3505, %broadcast_in_dim3A_3506, %select_n3A_3493 : vector<64x4096xi1>, vector<64x4096xf32>
      %reduce_min3A_3508 = arith.constant dense<0x7F800000> : vector<64xf32>
      %reduce_min3A_3509 = vector.multi_reduction <minimumf>, %select_n3A_3507, %reduce_min3A_3508 [1] : vector<64x4096xf32> to vector<64xf32>
      %broadcast_in_dim3A_3510 = vector.shape_cast %reduce_min3A_3509 : vector<64xf32> to vector<64x1xf32>
      %eq3A_3511 = vector.broadcast %broadcast_in_dim3A_3510 : vector<64x1xf32> to vector<64x4096xf32>
      %eq3A_3512 = arith.cmpf oeq, %select_n3A_3507, %eq3A_3511 : vector<64x4096xf32>
      %broadcast_in_dim3A_3513 = vector.broadcast %cond3A : i32 to vector<64x4096xi32>
      %select_n3A_3514 = arith.select %eq3A_3512, %iota3A_3157, %broadcast_in_dim3A_3513 : vector<64x4096xi1>, vector<64x4096xi32>
      %reduce_min3A_3515 = arith.constant dense<2147483647> : vector<64xi32>
      %reduce_min3A_3516 = vector.multi_reduction <minsi>, %select_n3A_3514, %reduce_min3A_3515 [1] : vector<64x4096xi32> to vector<64xi32>
      %broadcast_in_dim3A_3517 = vector.shape_cast %reduce_min3A_3516 : vector<64xi32> to vector<64x1xi32>
      %eq3A_3518 = vector.broadcast %broadcast_in_dim3A_3517 : vector<64x1xi32> to vector<64x4096xi32>
      %eq3A_3519 = arith.cmpi eq, %iota3A_3157, %eq3A_3518 : vector<64x4096xi32>
      %broadcast_in_dim3A_3520 = vector.broadcast %cond3A_3144 : f32 to vector<64x4096xf32>
      %select_n3A_3521 = arith.select %eq3A_3519, %broadcast_in_dim3A_3520, %select_n3A_3507 : vector<64x4096xi1>, vector<64x4096xf32>
      %reduce_min3A_3522 = arith.constant dense<0x7F800000> : vector<64xf32>
      %reduce_min3A_3523 = vector.multi_reduction <minimumf>, %select_n3A_3521, %reduce_min3A_3522 [1] : vector<64x4096xf32> to vector<64xf32>
      %broadcast_in_dim3A_3524 = vector.shape_cast %reduce_min3A_3523 : vector<64xf32> to vector<64x1xf32>
      %eq3A_3525 = vector.broadcast %broadcast_in_dim3A_3524 : vector<64x1xf32> to vector<64x4096xf32>
      %eq3A_3526 = arith.cmpf oeq, %select_n3A_3521, %eq3A_3525 : vector<64x4096xf32>
      %broadcast_in_dim3A_3527 = vector.broadcast %cond3A : i32 to vector<64x4096xi32>
      %select_n3A_3528 = arith.select %eq3A_3526, %iota3A_3157, %broadcast_in_dim3A_3527 : vector<64x4096xi1>, vector<64x4096xi32>
      %reduce_min3A_3529 = arith.constant dense<2147483647> : vector<64xi32>
      %reduce_min3A_3530 = vector.multi_reduction <minsi>, %select_n3A_3528, %reduce_min3A_3529 [1] : vector<64x4096xi32> to vector<64xi32>
      %broadcast_in_dim3A_3531 = vector.shape_cast %reduce_min3A_3530 : vector<64xi32> to vector<64x1xi32>
      %eq3A_3532 = vector.broadcast %broadcast_in_dim3A_3531 : vector<64x1xi32> to vector<64x4096xi32>
      %eq3A_3533 = arith.cmpi eq, %iota3A_3157, %eq3A_3532 : vector<64x4096xi32>
      %broadcast_in_dim3A_3534 = vector.broadcast %cond3A_3144 : f32 to vector<64x4096xf32>
      %select_n3A_3535 = arith.select %eq3A_3533, %broadcast_in_dim3A_3534, %select_n3A_3521 : vector<64x4096xi1>, vector<64x4096xf32>
      %reduce_min3A_3536 = arith.constant dense<0x7F800000> : vector<64xf32>
      %reduce_min3A_3537 = vector.multi_reduction <minimumf>, %select_n3A_3535, %reduce_min3A_3536 [1] : vector<64x4096xf32> to vector<64xf32>
      %broadcast_in_dim3A_3538 = vector.shape_cast %reduce_min3A_3537 : vector<64xf32> to vector<64x1xf32>
      %eq3A_3539 = vector.broadcast %broadcast_in_dim3A_3538 : vector<64x1xf32> to vector<64x4096xf32>
      %eq3A_3540 = arith.cmpf oeq, %select_n3A_3535, %eq3A_3539 : vector<64x4096xf32>
      %broadcast_in_dim3A_3541 = vector.broadcast %cond3A : i32 to vector<64x4096xi32>
      %select_n3A_3542 = arith.select %eq3A_3540, %iota3A_3157, %broadcast_in_dim3A_3541 : vector<64x4096xi1>, vector<64x4096xi32>
      %reduce_min3A_3543 = arith.constant dense<2147483647> : vector<64xi32>
      %reduce_min3A_3544 = vector.multi_reduction <minsi>, %select_n3A_3542, %reduce_min3A_3543 [1] : vector<64x4096xi32> to vector<64xi32>
      %broadcast_in_dim3A_3545 = vector.shape_cast %reduce_min3A_3544 : vector<64xi32> to vector<64x1xi32>
      %eq3A_3546 = vector.broadcast %broadcast_in_dim3A_3545 : vector<64x1xi32> to vector<64x4096xi32>
      %eq3A_3547 = arith.cmpi eq, %iota3A_3157, %eq3A_3546 : vector<64x4096xi32>
      %broadcast_in_dim3A_3548 = vector.broadcast %cond3A_3144 : f32 to vector<64x4096xf32>
      %select_n3A_3549 = arith.select %eq3A_3547, %broadcast_in_dim3A_3548, %select_n3A_3535 : vector<64x4096xi1>, vector<64x4096xf32>
      %reduce_min3A_3550 = arith.constant dense<0x7F800000> : vector<64xf32>
      %reduce_min3A_3551 = vector.multi_reduction <minimumf>, %select_n3A_3549, %reduce_min3A_3550 [1] : vector<64x4096xf32> to vector<64xf32>
      %broadcast_in_dim3A_3552 = vector.shape_cast %reduce_min3A_3551 : vector<64xf32> to vector<64x1xf32>
      %eq3A_3553 = vector.broadcast %broadcast_in_dim3A_3552 : vector<64x1xf32> to vector<64x4096xf32>
      %eq3A_3554 = arith.cmpf oeq, %select_n3A_3549, %eq3A_3553 : vector<64x4096xf32>
      %broadcast_in_dim3A_3555 = vector.broadcast %cond3A : i32 to vector<64x4096xi32>
      %select_n3A_3556 = arith.select %eq3A_3554, %iota3A_3157, %broadcast_in_dim3A_3555 : vector<64x4096xi1>, vector<64x4096xi32>
      %reduce_min3A_3557 = arith.constant dense<2147483647> : vector<64xi32>
      %reduce_min3A_3558 = vector.multi_reduction <minsi>, %select_n3A_3556, %reduce_min3A_3557 [1] : vector<64x4096xi32> to vector<64xi32>
      %broadcast_in_dim3A_3559 = vector.shape_cast %reduce_min3A_3558 : vector<64xi32> to vector<64x1xi32>
      %eq3A_3560 = vector.broadcast %broadcast_in_dim3A_3559 : vector<64x1xi32> to vector<64x4096xi32>
      %eq3A_3561 = arith.cmpi eq, %iota3A_3157, %eq3A_3560 : vector<64x4096xi32>
      %broadcast_in_dim3A_3562 = vector.broadcast %cond3A_3144 : f32 to vector<64x4096xf32>
      %select_n3A_3563 = arith.select %eq3A_3561, %broadcast_in_dim3A_3562, %select_n3A_3549 : vector<64x4096xi1>, vector<64x4096xf32>
      %reduce_min3A_3564 = arith.constant dense<0x7F800000> : vector<64xf32>
      %reduce_min3A_3565 = vector.multi_reduction <minimumf>, %select_n3A_3563, %reduce_min3A_3564 [1] : vector<64x4096xf32> to vector<64xf32>
      %broadcast_in_dim3A_3566 = vector.shape_cast %reduce_min3A_3565 : vector<64xf32> to vector<64x1xf32>
      %eq3A_3567 = vector.broadcast %broadcast_in_dim3A_3566 : vector<64x1xf32> to vector<64x4096xf32>
      %eq3A_3568 = arith.cmpf oeq, %select_n3A_3563, %eq3A_3567 : vector<64x4096xf32>
      %broadcast_in_dim3A_3569 = vector.broadcast %cond3A : i32 to vector<64x4096xi32>
      %select_n3A_3570 = arith.select %eq3A_3568, %iota3A_3157, %broadcast_in_dim3A_3569 : vector<64x4096xi1>, vector<64x4096xi32>
      %reduce_min3A_3571 = arith.constant dense<2147483647> : vector<64xi32>
      %reduce_min3A_3572 = vector.multi_reduction <minsi>, %select_n3A_3570, %reduce_min3A_3571 [1] : vector<64x4096xi32> to vector<64xi32>
      %broadcast_in_dim3A_3573 = vector.shape_cast %reduce_min3A_3572 : vector<64xi32> to vector<64x1xi32>
      %eq3A_3574 = vector.broadcast %broadcast_in_dim3A_3573 : vector<64x1xi32> to vector<64x4096xi32>
      %eq3A_3575 = arith.cmpi eq, %iota3A_3157, %eq3A_3574 : vector<64x4096xi32>
      %broadcast_in_dim3A_3576 = vector.broadcast %cond3A_3144 : f32 to vector<64x4096xf32>
      %select_n3A_3577 = arith.select %eq3A_3575, %broadcast_in_dim3A_3576, %select_n3A_3563 : vector<64x4096xi1>, vector<64x4096xf32>
      %reduce_min3A_3578 = arith.constant dense<0x7F800000> : vector<64xf32>
      %reduce_min3A_3579 = vector.multi_reduction <minimumf>, %select_n3A_3577, %reduce_min3A_3578 [1] : vector<64x4096xf32> to vector<64xf32>
      %broadcast_in_dim3A_3580 = vector.shape_cast %reduce_min3A_3579 : vector<64xf32> to vector<64x1xf32>
      %eq3A_3581 = vector.broadcast %broadcast_in_dim3A_3580 : vector<64x1xf32> to vector<64x4096xf32>
      %eq3A_3582 = arith.cmpf oeq, %select_n3A_3577, %eq3A_3581 : vector<64x4096xf32>
      %broadcast_in_dim3A_3583 = vector.broadcast %cond3A : i32 to vector<64x4096xi32>
      %select_n3A_3584 = arith.select %eq3A_3582, %iota3A_3157, %broadcast_in_dim3A_3583 : vector<64x4096xi1>, vector<64x4096xi32>
      %reduce_min3A_3585 = arith.constant dense<2147483647> : vector<64xi32>
      %reduce_min3A_3586 = vector.multi_reduction <minsi>, %select_n3A_3584, %reduce_min3A_3585 [1] : vector<64x4096xi32> to vector<64xi32>
      %broadcast_in_dim3A_3587 = vector.shape_cast %reduce_min3A_3586 : vector<64xi32> to vector<64x1xi32>
      %eq3A_3588 = vector.broadcast %broadcast_in_dim3A_3587 : vector<64x1xi32> to vector<64x4096xi32>
      %eq3A_3589 = arith.cmpi eq, %iota3A_3157, %eq3A_3588 : vector<64x4096xi32>
      %broadcast_in_dim3A_3590 = vector.broadcast %cond3A_3144 : f32 to vector<64x4096xf32>
      %select_n3A_3591 = arith.select %eq3A_3589, %broadcast_in_dim3A_3590, %select_n3A_3577 : vector<64x4096xi1>, vector<64x4096xf32>
      %reduce_min3A_3592 = arith.constant dense<0x7F800000> : vector<64xf32>
      %reduce_min3A_3593 = vector.multi_reduction <minimumf>, %select_n3A_3591, %reduce_min3A_3592 [1] : vector<64x4096xf32> to vector<64xf32>
      %broadcast_in_dim3A_3594 = vector.shape_cast %reduce_min3A_3593 : vector<64xf32> to vector<64x1xf32>
      %eq3A_3595 = vector.broadcast %broadcast_in_dim3A_3594 : vector<64x1xf32> to vector<64x4096xf32>
      %eq3A_3596 = arith.cmpf oeq, %select_n3A_3591, %eq3A_3595 : vector<64x4096xf32>
      %broadcast_in_dim3A_3597 = vector.broadcast %cond3A : i32 to vector<64x4096xi32>
      %select_n3A_3598 = arith.select %eq3A_3596, %iota3A_3157, %broadcast_in_dim3A_3597 : vector<64x4096xi1>, vector<64x4096xi32>
      %reduce_min3A_3599 = arith.constant dense<2147483647> : vector<64xi32>
      %reduce_min3A_3600 = vector.multi_reduction <minsi>, %select_n3A_3598, %reduce_min3A_3599 [1] : vector<64x4096xi32> to vector<64xi32>
      %broadcast_in_dim3A_3601 = vector.shape_cast %reduce_min3A_3600 : vector<64xi32> to vector<64x1xi32>
      %concatenate3A_3602 = tpu.concatenate %broadcast_in_dim3A_3167, %broadcast_in_dim3A_3181, %broadcast_in_dim3A_3195, %broadcast_in_dim3A_3209, %broadcast_in_dim3A_3223, %broadcast_in_dim3A_3237, %broadcast_in_dim3A_3251, %broadcast_in_dim3A_3265, %broadcast_in_dim3A_3279, %broadcast_in_dim3A_3293, %broadcast_in_dim3A_3307, %broadcast_in_dim3A_3321, %broadcast_in_dim3A_3335, %broadcast_in_dim3A_3349, %broadcast_in_dim3A_3363, %broadcast_in_dim3A_3377, %broadcast_in_dim3A_3391, %broadcast_in_dim3A_3405, %broadcast_in_dim3A_3419, %broadcast_in_dim3A_3433, %broadcast_in_dim3A_3447, %broadcast_in_dim3A_3461, %broadcast_in_dim3A_3475, %broadcast_in_dim3A_3489, %broadcast_in_dim3A_3503, %broadcast_in_dim3A_3517, %broadcast_in_dim3A_3531, %broadcast_in_dim3A_3545, %broadcast_in_dim3A_3559, %broadcast_in_dim3A_3573, %broadcast_in_dim3A_3587, %broadcast_in_dim3A_3601 in 1 : vector<64x1xi32>, vector<64x1xi32>, vector<64x1xi32>, vector<64x1xi32>, vector<64x1xi32>, vector<64x1xi32>, vector<64x1xi32>, vector<64x1xi32>, vector<64x1xi32>, vector<64x1xi32>, vector<64x1xi32>, vector<64x1xi32>, vector<64x1xi32>, vector<64x1xi32>, vector<64x1xi32>, vector<64x1xi32>, vector<64x1xi32>, vector<64x1xi32>, vector<64x1xi32>, vector<64x1xi32>, vector<64x1xi32>, vector<64x1xi32>, vector<64x1xi32>, vector<64x1xi32>, vector<64x1xi32>, vector<64x1xi32>, vector<64x1xi32>, vector<64x1xi32>, vector<64x1xi32>, vector<64x1xi32>, vector<64x1xi32>, vector<64x1xi32> -> vector<64x32xi32>
      scf.yield %concatenate3A_3602 : vector<64x32xi32>
    } else {
      scf.yield %concatenate3A_3138 : vector<64x32xi32>
    }
    %mul3A_3148 = arith.constant 4096 : i32
    %mul3A_3149 = arith.muli %arg0, %mul3A_3148 : i32
    %add3A_3150 = vector.broadcast %mul3A_3149 : i32 to vector<64x32xi32>
    %add3A_3151 = arith.addi %cond3A_3147, %add3A_3150 : vector<64x32xi32>
    %swap3A = arith.constant 0 : index
    %swap3A_3152 = arith.constant 0 : index
    %swap3A_3153 = arith.constant 0 : index
    %swap3A_3154 = vector.load %arg5[%swap3A, %swap3A_3152, %swap3A_3153] : memref<1x64x32xi32, #tpu.memory_space<vmem>>, vector<1x64x32xi32>
    %swap3A_3155 = vector.shape_cast %swap3A_3154 : vector<1x64x32xi32> to vector<64x32xi32>
    %swap3A_3156 = vector.shape_cast %add3A_3151 : vector<64x32xi32> to vector<1x64x32xi32>
    tpu.vector_store %arg5[%swap3A, %swap3A_3152, %swap3A_3153], %swap3A_3156 {strides = array<i32>} : memref<1x64x32xi32, #tpu.memory_space<vmem>>, vector<1x64x32xi32>,
    return
  }
  func.func @transform_0(%arg0: i32, %arg1: i32) -> (i32, i32, i32, i32) {
    %c0_i32 = arith.constant 0 : i32
    %c0_i32_0 = arith.constant 0 : i32
    %c0_i32_1 = arith.constant 0 : i32
    %c0_i32_2 = arith.constant 0 : i32
    return %arg0, %c0_i32, %c0_i32_0, %c0_i32_1 : i32, i32, i32, i32
  }
  func.func @transform_1(%arg0: i32, %arg1: i32) -> (i32, i32, i32) {
    %c0_i32 = arith.constant 0 : i32
    %c0_i32_0 = arith.constant 0 : i32
    return %arg0, %arg1, %c0_i32 : i32, i32, i32
  }
  func.func @transform_2(%arg0: i32, %arg1: i32) -> (i32, i32, i32) {
    %c0_i32 = arith.constant 0 : i32
    %c0_i32_0 = arith.constant 0 : i32
    return %arg0, %arg1, %c0_i32 : i32, i32, i32
  }
  func.func @transform_3(%arg0: i32, %arg1: i32) -> (i32, i32, i32) {
    %c0_i32 = arith.constant 0 : i32
    %c0_i32_0 = arith.constant 0 : i32
    return %arg0, %arg1, %c0_i32 : i32, i32, i32
  }
}

module attributes {stable_mosaic.version = 14 : i64} {
  func.func @_stats_body(%arg0: i32, %arg1: i32, %arg2: memref<1x128x32x128xf32, #tpu.memory_space<vmem>>, %arg3: memref<1x128x32x16xf32, #tpu.memory_space<vmem>>, %arg4: memref<1x8x128xf32, #tpu.memory_space<vmem>>) attributes {dimension_semantics = [#tpu.dimension_semantics<arbitrary>, #tpu.dimension_semantics<arbitrary>], iteration_bounds = array<i64: 8, 8>, scalar_prefetch = 0 : i64, scratch_operands = 0 : i64, tpu.core_type = #tpu.core_type<tc>, window_params = [{transform_indices = @transform_0, window_bounds = array<i64: 1, 128, 32, 128>}, {transform_indices = @transform_1, window_bounds = array<i64: 1, 128, 32, 16>}, {transform_indices = @transform_2, window_bounds = array<i64: 1, 8, 128>}]} {
    %get3A = arith.constant 0 : index
    %get3A_0 = arith.constant 0 : index
    %get3A_1 = arith.constant 0 : index
    %get3A_2 = arith.constant 0 : index
    %get3A_3 = vector.load %arg2[%get3A, %get3A_0, %get3A_1, %get3A_2] : memref<1x128x32x128xf32, #tpu.memory_space<vmem>>, vector<1x128x32x128xf32>
    %reduce_sum3A = arith.constant dense<0.000000e+00> : vector<1x128x128xf32>
    %reduce_sum3A_4 = vector.multi_reduction <add>, %get3A_3, %reduce_sum3A [2] : vector<1x128x32x128xf32> to vector<1x128x128xf32>
    %broadcast_in_dim3A = vector.shape_cast %reduce_sum3A_4 : vector<1x128x128xf32> to vector<1x128x1x128xf32>
    %div3A = arith.constant 3.200000e+01 : f32
    %div3A_5 = vector.broadcast %div3A : f32 to vector<1x128x1x128xf32>
    %div3A_6 = arith.divf %broadcast_in_dim3A, %div3A_5 : vector<1x128x1x128xf32>
    %sub3A = vector.broadcast %div3A_6 : vector<1x128x1x128xf32> to vector<1x128x32x128xf32>
    %sub3A_7 = arith.subf %get3A_3, %sub3A : vector<1x128x32x128xf32>
    %get3A_8 = arith.constant 0 : index
    %get3A_9 = arith.constant 0 : index
    %get3A_10 = arith.constant 0 : index
    %get3A_11 = arith.constant 0 : index
    %get3A_12 = vector.load %arg3[%get3A_8, %get3A_9, %get3A_10, %get3A_11] : memref<1x128x32x16xf32, #tpu.memory_space<vmem>>, vector<1x128x32x2xf32>
    %get3A_13 = vector.shape_cast %get3A_12 : vector<1x128x32x2xf32> to vector<128x32x2xf32>
    %reduce_sum3A_14 = arith.constant dense<0.000000e+00> : vector<128x2xf32>
    %reduce_sum3A_15 = vector.multi_reduction <add>, %get3A_13, %reduce_sum3A_14 [1] : vector<128x32x2xf32> to vector<128x2xf32>
    %broadcast_in_dim3A_16 = vector.shape_cast %reduce_sum3A_15 : vector<128x2xf32> to vector<128x1x2xf32>
    %div3A_17 = arith.constant 3.200000e+01 : f32
    %div3A_18 = vector.broadcast %div3A_17 : f32 to vector<128x1x2xf32>
    %div3A_19 = arith.divf %broadcast_in_dim3A_16, %div3A_18 : vector<128x1x2xf32>
    %sub3A_20 = vector.broadcast %div3A_19 : vector<128x1x2xf32> to vector<128x32x2xf32>
    %sub3A_21 = arith.subf %get3A_13, %sub3A_20 : vector<128x32x2xf32>
    %reduce_sum3A_22 = vector.shape_cast %sub3A_7 : vector<1x128x32x128xf32> to vector<1x1x128x32x128xf32>
    %reduce_sum3A_23 = arith.constant dense<0.000000e+00> : vector<1xf32>
    %reduce_sum3A_24 = vector.multi_reduction <add>, %reduce_sum3A_22, %reduce_sum3A_23 [1, 2, 3, 4] : vector<1x1x128x32x128xf32> to vector<1xf32>
    %reduce_sum3A_25 = vector.shape_cast %reduce_sum3A_24 : vector<1xf32> to vector<1x1x1x1x1xf32>
    %reduce_sum3A_26 = vector.extract %reduce_sum3A_25[0, 0, 0, 0, 0] : f32 from vector<1x1x1x1x1xf32>
    %reduce_sum3A_27 = vector.shape_cast %sub3A_21 : vector<128x32x2xf32> to vector<1x128x32x2xf32>
    %reduce_sum3A_28 = arith.constant dense<0.000000e+00> : vector<1xf32>
    %reduce_sum3A_29 = vector.multi_reduction <add>, %reduce_sum3A_27, %reduce_sum3A_28 [1, 2, 3] : vector<1x128x32x2xf32> to vector<1xf32>
    %reduce_sum3A_30 = vector.shape_cast %reduce_sum3A_29 : vector<1xf32> to vector<1x1x1x1xf32>
    %reduce_sum3A_31 = vector.extract %reduce_sum3A_30[0, 0, 0, 0] : f32 from vector<1x1x1x1xf32>
    %add3A = arith.addf %reduce_sum3A_26, %reduce_sum3A_31 : f32
    %mul3A = arith.mulf %sub3A_7, %sub3A_7 : vector<1x128x32x128xf32>
    %reduce_sum3A_32 = vector.shape_cast %mul3A : vector<1x128x32x128xf32> to vector<1x1x128x32x128xf32>
    %reduce_sum3A_33 = arith.constant dense<0.000000e+00> : vector<1xf32>
    %reduce_sum3A_34 = vector.multi_reduction <add>, %reduce_sum3A_32, %reduce_sum3A_33 [1, 2, 3, 4] : vector<1x1x128x32x128xf32> to vector<1xf32>
    %reduce_sum3A_35 = vector.shape_cast %reduce_sum3A_34 : vector<1xf32> to vector<1x1x1x1x1xf32>
    %reduce_sum3A_36 = vector.extract %reduce_sum3A_35[0, 0, 0, 0, 0] : f32 from vector<1x1x1x1x1xf32>
    %mul3A_37 = arith.mulf %sub3A_21, %sub3A_21 : vector<128x32x2xf32>
    %reduce_sum3A_38 = vector.shape_cast %mul3A_37 : vector<128x32x2xf32> to vector<1x128x32x2xf32>
    %reduce_sum3A_39 = arith.constant dense<0.000000e+00> : vector<1xf32>
    %reduce_sum3A_40 = vector.multi_reduction <add>, %reduce_sum3A_38, %reduce_sum3A_39 [1, 2, 3] : vector<1x128x32x2xf32> to vector<1xf32>
    %reduce_sum3A_41 = vector.shape_cast %reduce_sum3A_40 : vector<1xf32> to vector<1x1x1x1xf32>
    %reduce_sum3A_42 = vector.extract %reduce_sum3A_41[0, 0, 0, 0] : f32 from vector<1x1x1x1xf32>
    %add3A_43 = arith.addf %reduce_sum3A_36, %reduce_sum3A_42 : f32
    %iota3A = tpu.iota {dimensions = array<i32: 2>} : vector<1x8x128xi32>
    %iota3A_44 = tpu.iota {dimensions = array<i32: 1>} : vector<1x8x128xi32>
    %eq3A = arith.constant 0 : i32
    %eq3A_45 = vector.broadcast %eq3A : i32 to vector<1x8x128xi32>
    %eq3A_46 = arith.cmpi eq, %iota3A, %eq3A_45 : vector<1x8x128xi32>
    %eq3A_47 = arith.constant 0 : i32
    %eq3A_48 = vector.broadcast %eq3A_47 : i32 to vector<1x8x128xi32>
    %eq3A_49 = arith.cmpi eq, %iota3A_44, %eq3A_48 : vector<1x8x128xi32>
    %and3A = arith.andi %eq3A_46, %eq3A_49 : vector<1x8x128xi1>
    %jit3A = arith.constant 1.000000e+00 : f32
    %jit3A_50 = arith.constant 0.000000e+00 : f32
    %broadcast_in_dim3A_51 = vector.broadcast %jit3A : f32 to vector<1x8x128xf32>
    %broadcast_in_dim3A_52 = vector.broadcast %jit3A_50 : f32 to vector<1x8x128xf32>
    %select_n3A = arith.select %and3A, %broadcast_in_dim3A_51, %broadcast_in_dim3A_52 : vector<1x8x128xi1>, vector<1x8x128xf32>
    %eq3A_53 = arith.constant 1 : i32
    %eq3A_54 = vector.broadcast %eq3A_53 : i32 to vector<1x8x128xi32>
    %eq3A_55 = arith.cmpi eq, %iota3A, %eq3A_54 : vector<1x8x128xi32>
    %eq3A_56 = arith.constant 0 : i32
    %eq3A_57 = vector.broadcast %eq3A_56 : i32 to vector<1x8x128xi32>
    %eq3A_58 = arith.cmpi eq, %iota3A_44, %eq3A_57 : vector<1x8x128xi32>
    %and3A_59 = arith.andi %eq3A_55, %eq3A_58 : vector<1x8x128xi1>
    %jit3A_60 = arith.constant 1.000000e+00 : f32
    %jit3A_61 = arith.constant 0.000000e+00 : f32
    %broadcast_in_dim3A_62 = vector.broadcast %jit3A_60 : f32 to vector<1x8x128xf32>
    %broadcast_in_dim3A_63 = vector.broadcast %jit3A_61 : f32 to vector<1x8x128xf32>
    %select_n3A_64 = arith.select %and3A_59, %broadcast_in_dim3A_62, %broadcast_in_dim3A_63 : vector<1x8x128xi1>, vector<1x8x128xf32>
    %eq3A_65 = arith.constant 2 : i32
    %eq3A_66 = vector.broadcast %eq3A_65 : i32 to vector<1x8x128xi32>
    %eq3A_67 = arith.cmpi eq, %iota3A, %eq3A_66 : vector<1x8x128xi32>
    %eq3A_68 = arith.constant 0 : i32
    %eq3A_69 = vector.broadcast %eq3A_68 : i32 to vector<1x8x128xi32>
    %eq3A_70 = arith.cmpi eq, %iota3A_44, %eq3A_69 : vector<1x8x128xi32>
    %and3A_71 = arith.andi %eq3A_67, %eq3A_70 : vector<1x8x128xi1>
    %eq3A_72 = arith.constant 0 : i32
    %eq3A_73 = arith.cmpi eq, %arg1, %eq3A_72 : i32
    %convert_element_type3A = arith.extui %eq3A_73 : i1 to i32
    %cond3A = arith.constant 0 : i32
    %cond3A_74 = arith.cmpi ne, %convert_element_type3A, %cond3A : i32
    scf.if %cond3A_74 {
      %broadcast_in_dim3A_93 = arith.constant 0.000000e+00 : f32
      %broadcast_in_dim3A_94 = vector.broadcast %broadcast_in_dim3A_93 : f32 to vector<1x8x128xf32>
      %swap3A_95 = arith.constant 0 : index
      %swap3A_96 = arith.constant 0 : index
      %swap3A_97 = arith.constant 0 : index
      %swap3A_98 = vector.load %arg4[%swap3A_95, %swap3A_96, %swap3A_97] : memref<1x8x128xf32, #tpu.memory_space<vmem>>, vector<1x8x128xf32>
      tpu.vector_store %arg4[%swap3A_95, %swap3A_96, %swap3A_97], %broadcast_in_dim3A_94 {strides = array<i32>} : memref<1x8x128xf32, #tpu.memory_space<vmem>>, vector<1x8x128xf32>,
    } else {
    }
    %get3A_75 = arith.constant 0 : index
    %get3A_76 = arith.constant 0 : index
    %get3A_77 = arith.constant 0 : index
    %get3A_78 = vector.load %arg4[%get3A_75, %get3A_76, %get3A_77] : memref<1x8x128xf32, #tpu.memory_space<vmem>>, vector<1x8x128xf32>
    %mul3A_79 = vector.broadcast %add3A : f32 to vector<1x8x128xf32>
    %mul3A_80 = arith.mulf %mul3A_79, %select_n3A : vector<1x8x128xf32>
    %mul3A_81 = vector.broadcast %add3A_43 : f32 to vector<1x8x128xf32>
    %mul3A_82 = arith.mulf %mul3A_81, %select_n3A_64 : vector<1x8x128xf32>
    %add3A_83 = arith.addf %mul3A_80, %mul3A_82 : vector<1x8x128xf32>
    %add3A_84 = arith.addf %get3A_78, %add3A_83 : vector<1x8x128xf32>
    %swap3A = arith.constant 0 : index
    %swap3A_85 = arith.constant 0 : index
    %swap3A_86 = arith.constant 0 : index
    %swap3A_87 = vector.load %arg4[%swap3A, %swap3A_85, %swap3A_86] : memref<1x8x128xf32, #tpu.memory_space<vmem>>, vector<1x8x128xf32>
    tpu.vector_store %arg4[%swap3A, %swap3A_85, %swap3A_86], %add3A_84 {strides = array<i32>} : memref<1x8x128xf32, #tpu.memory_space<vmem>>, vector<1x8x128xf32>,
    %eq3A_88 = arith.constant 7 : i32
    %eq3A_89 = arith.cmpi eq, %arg1, %eq3A_88 : i32
    %convert_element_type3A_90 = arith.extui %eq3A_89 : i1 to i32
    %cond3A_91 = arith.constant 0 : i32
    %cond3A_92 = arith.cmpi ne, %convert_element_type3A_90, %cond3A_91 : i32
    scf.if %cond3A_92 {
      %get3A_93 = arith.constant 0 : index
      %get3A_94 = arith.constant 0 : index
      %get3A_95 = arith.constant 0 : index
      %get3A_96 = vector.load %arg4[%get3A_93, %get3A_94, %get3A_95] : memref<1x8x128xf32, #tpu.memory_space<vmem>>, vector<1x8x128xf32>
      %mul3A_97 = arith.mulf %get3A_96, %select_n3A : vector<1x8x128xf32>
      %reduce_sum3A_98 = vector.shape_cast %mul3A_97 : vector<1x8x128xf32> to vector<1x1x8x128xf32>
      %reduce_sum3A_99 = arith.constant dense<0.000000e+00> : vector<1xf32>
      %reduce_sum3A_100 = vector.multi_reduction <add>, %reduce_sum3A_98, %reduce_sum3A_99 [1, 2, 3] : vector<1x1x8x128xf32> to vector<1xf32>
      %reduce_sum3A_101 = vector.shape_cast %reduce_sum3A_100 : vector<1xf32> to vector<1x1x1x1xf32>
      %reduce_sum3A_102 = vector.extract %reduce_sum3A_101[0, 0, 0, 0] : f32 from vector<1x1x1x1xf32>
      %mul3A_103 = arith.mulf %get3A_96, %select_n3A_64 : vector<1x8x128xf32>
      %reduce_sum3A_104 = vector.shape_cast %mul3A_103 : vector<1x8x128xf32> to vector<1x1x8x128xf32>
      %reduce_sum3A_105 = arith.constant dense<0.000000e+00> : vector<1xf32>
      %reduce_sum3A_106 = vector.multi_reduction <add>, %reduce_sum3A_104, %reduce_sum3A_105 [1, 2, 3] : vector<1x1x8x128xf32> to vector<1xf32>
      %reduce_sum3A_107 = vector.shape_cast %reduce_sum3A_106 : vector<1xf32> to vector<1x1x1x1xf32>
      %reduce_sum3A_108 = vector.extract %reduce_sum3A_107[0, 0, 0, 0] : f32 from vector<1x1x1x1xf32>
      %mul3A_109 = arith.mulf %reduce_sum3A_102, %reduce_sum3A_102 : f32
      %div3A_110 = arith.constant 4.259840e+06 : f32
      %div3A_111 = arith.divf %mul3A_109, %div3A_110 : f32
      %sub3A_112 = arith.subf %reduce_sum3A_108, %div3A_111 : f32
      %div3A_113 = arith.constant 0x4A81FFFE : f32
      %div3A_114 = arith.divf %sub3A_112, %div3A_113 : f32
      %sqrt3A = math.sqrt %div3A_114 : f32
      %broadcast_in_dim3A_115 = vector.broadcast %sqrt3A : f32 to vector<1x8x128xf32>
      %select_n3A_116 = arith.select %and3A_71, %broadcast_in_dim3A_115, %get3A_96 : vector<1x8x128xi1>, vector<1x8x128xf32>
      %swap3A_117 = arith.constant 0 : index
      %swap3A_118 = arith.constant 0 : index
      %swap3A_119 = arith.constant 0 : index
      %swap3A_120 = vector.load %arg4[%swap3A_117, %swap3A_118, %swap3A_119] : memref<1x8x128xf32, #tpu.memory_space<vmem>>, vector<1x8x128xf32>
      tpu.vector_store %arg4[%swap3A_117, %swap3A_118, %swap3A_119], %select_n3A_116 {strides = array<i32>} : memref<1x8x128xf32, #tpu.memory_space<vmem>>, vector<1x8x128xf32>,
    } else {
    }
    return
  }
  func.func @transform_0(%arg0: i32, %arg1: i32) -> (i32, i32, i32, i32) {
    %c0_i32 = arith.constant 0 : i32
    %c0_i32_0 = arith.constant 0 : i32
    %c0_i32_1 = arith.constant 0 : i32
    return %arg0, %arg1, %c0_i32, %c0_i32_0 : i32, i32, i32, i32
  }
  func.func @transform_1(%arg0: i32, %arg1: i32) -> (i32, i32, i32, i32) {
    %c0_i32 = arith.constant 0 : i32
    %c0_i32_0 = arith.constant 0 : i32
    %c0_i32_1 = arith.constant 0 : i32
    return %arg0, %arg1, %c0_i32, %c0_i32_0 : i32, i32, i32, i32
  }
  func.func @transform_2(%arg0: i32, %arg1: i32) -> (i32, i32, i32) {
    %c0_i32 = arith.constant 0 : i32
    %c0_i32_0 = arith.constant 0 : i32
    %c0_i32_1 = arith.constant 0 : i32
    return %arg0, %c0_i32, %c0_i32_0 : i32, i32, i32
  }
}

module attributes {stable_mosaic.version = 14 : i64} {
  func.func @_final_body(%arg0: i32, %arg1: i32, %arg2: memref<1x64x32x128xf32, #tpu.memory_space<vmem>>, %arg3: memref<1x64x32x16xf32, #tpu.memory_space<vmem>>, %arg4: memref<1x64x128xf32, #tpu.memory_space<vmem>>, %arg5: memref<1x8x128xf32, #tpu.memory_space<vmem>>, %arg6: memref<1x1x1x130xf32, #tpu.memory_space<vmem>>, %arg7: memref<1x1x1x130xf32, #tpu.memory_space<vmem>>, %arg8: memref<1x64x32x258xf32, #tpu.memory_space<vmem>>) attributes {dimension_semantics = [#tpu.dimension_semantics<arbitrary>, #tpu.dimension_semantics<arbitrary>], iteration_bounds = array<i64: 8, 16>, scalar_prefetch = 0 : i64, scratch_operands = 0 : i64, tpu.core_type = #tpu.core_type<tc>, window_params = [{transform_indices = @transform_0, window_bounds = array<i64: 1, 64, 32, 128>}, {transform_indices = @transform_1, window_bounds = array<i64: 1, 64, 32, 16>}, {transform_indices = @transform_2, window_bounds = array<i64: 1, 64, 128>}, {transform_indices = @transform_3, window_bounds = array<i64: 1, 8, 128>}, {pipeline_mode = #tpu.pipeline_mode<synchronous>, transform_indices = @transform_4, window_bounds = array<i64: 1, 1, 1, 130>}, {pipeline_mode = #tpu.pipeline_mode<synchronous>, transform_indices = @transform_5, window_bounds = array<i64: 1, 1, 1, 130>}, {transform_indices = @transform_6, window_bounds = array<i64: 1, 64, 32, 258>}]} {
    %get3A = arith.constant 0 : index
    %get3A_0 = arith.constant 0 : index
    %get3A_1 = arith.constant 2 : index
    %get3A_2 = vector.load %arg5[%get3A, %get3A_0, %get3A_1] : memref<1x8x128xf32, #tpu.memory_space<vmem>>, vector<1x1x1xf32>
    %get3A_3 = vector.extract %get3A_2[0, 0, 0] : f32 from vector<1x1x1xf32>
    %add3A = arith.constant 9.99999974E-6 : f32
    %add3A_4 = arith.addf %get3A_3, %add3A : f32
    %get3A_5 = arith.constant 0 : index
    %get3A_6 = arith.constant 0 : index
    %get3A_7 = arith.constant 0 : index
    %get3A_8 = arith.constant 0 : index
    %get3A_9 = vector.load %arg6[%get3A_5, %get3A_6, %get3A_7, %get3A_8] : memref<1x1x1x130xf32, #tpu.memory_space<vmem>>, vector<1x1x1x128xf32>
    %get3A_10 = vector.shape_cast %get3A_9 : vector<1x1x1x128xf32> to vector<1x128xf32>
    %get3A_11 = arith.constant 0 : index
    %get3A_12 = arith.constant 0 : index
    %get3A_13 = arith.constant 0 : index
    %get3A_14 = arith.constant 0 : index
    %get3A_15 = vector.load %arg7[%get3A_11, %get3A_12, %get3A_13, %get3A_14] : memref<1x1x1x130xf32, #tpu.memory_space<vmem>>, vector<1x1x1x128xf32>
    %get3A_16 = vector.shape_cast %get3A_15 : vector<1x1x1x128xf32> to vector<1x128xf32>
    %get3A_17 = arith.constant 0 : index
    %get3A_18 = arith.constant 0 : index
    %get3A_19 = arith.constant 0 : index
    %get3A_20 = arith.constant 128 : index
    %get3A_21 = vector.load %arg6[%get3A_17, %get3A_18, %get3A_19, %get3A_20] : memref<1x1x1x130xf32, #tpu.memory_space<vmem>>, vector<1x1x1x2xf32>
    %get3A_22 = vector.shape_cast %get3A_21 : vector<1x1x1x2xf32> to vector<1x2xf32>
    %get3A_23 = arith.constant 0 : index
    %get3A_24 = arith.constant 0 : index
    %get3A_25 = arith.constant 0 : index
    %get3A_26 = arith.constant 128 : index
    %get3A_27 = vector.load %arg7[%get3A_23, %get3A_24, %get3A_25, %get3A_26] : memref<1x1x1x130xf32, #tpu.memory_space<vmem>>, vector<1x1x1x2xf32>
    %get3A_28 = vector.shape_cast %get3A_27 : vector<1x1x1x2xf32> to vector<1x2xf32>
    %get3A_29 = arith.constant 0 : index
    %get3A_30 = arith.constant 0 : index
    %get3A_31 = arith.constant 0 : index
    %get3A_32 = arith.constant 0 : index
    %get3A_33 = vector.load %arg2[%get3A_29, %get3A_30, %get3A_31, %get3A_32] : memref<1x64x32x128xf32, #tpu.memory_space<vmem>>, vector<1x64x32x128xf32>
    %reduce_sum3A = arith.constant dense<0.000000e+00> : vector<1x64x128xf32>
    %reduce_sum3A_34 = vector.multi_reduction <add>, %get3A_33, %reduce_sum3A [2] : vector<1x64x32x128xf32> to vector<1x64x128xf32>
    %broadcast_in_dim3A = vector.shape_cast %reduce_sum3A_34 : vector<1x64x128xf32> to vector<1x64x1x128xf32>
    %div3A = arith.constant 3.200000e+01 : f32
    %div3A_35 = vector.broadcast %div3A : f32 to vector<1x64x1x128xf32>
    %div3A_36 = arith.divf %broadcast_in_dim3A, %div3A_35 : vector<1x64x1x128xf32>
    %broadcast_in_dim3A_37 = vector.shape_cast %get3A_10 : vector<1x128xf32> to vector<1x1x1x128xf32>
    %sub3A = vector.broadcast %div3A_36 : vector<1x64x1x128xf32> to vector<1x64x32x128xf32>
    %sub3A_38 = arith.subf %get3A_33, %sub3A : vector<1x64x32x128xf32>
    %div3A_39 = vector.broadcast %add3A_4 : f32 to vector<1x64x32x128xf32>
    %div3A_40 = arith.divf %sub3A_38, %div3A_39 : vector<1x64x32x128xf32>
    %mul3A = vector.broadcast %broadcast_in_dim3A_37 : vector<1x1x1x128xf32> to vector<1x64x32x128xf32>
    %mul3A_41 = arith.mulf %mul3A, %div3A_40 : vector<1x64x32x128xf32>
    %broadcast_in_dim3A_42 = vector.shape_cast %get3A_16 : vector<1x128xf32> to vector<1x1x1x128xf32>
    %add3A_43 = vector.broadcast %broadcast_in_dim3A_42 : vector<1x1x1x128xf32> to vector<1x64x32x128xf32>
    %add3A_44 = arith.addf %mul3A_41, %add3A_43 : vector<1x64x32x128xf32>
    %get3A_45 = arith.constant 0 : index
    %get3A_46 = arith.constant 0 : index
    %get3A_47 = arith.constant 0 : index
    %get3A_48 = arith.constant 0 : index
    %get3A_49 = vector.load %arg3[%get3A_45, %get3A_46, %get3A_47, %get3A_48] : memref<1x64x32x16xf32, #tpu.memory_space<vmem>>, vector<1x64x32x2xf32>
    %get3A_50 = vector.shape_cast %get3A_49 : vector<1x64x32x2xf32> to vector<64x32x2xf32>
    %reduce_sum3A_51 = arith.constant dense<0.000000e+00> : vector<64x2xf32>
    %reduce_sum3A_52 = vector.multi_reduction <add>, %get3A_50, %reduce_sum3A_51 [1] : vector<64x32x2xf32> to vector<64x2xf32>
    %broadcast_in_dim3A_53 = vector.shape_cast %reduce_sum3A_52 : vector<64x2xf32> to vector<64x1x2xf32>
    %div3A_54 = arith.constant 3.200000e+01 : f32
    %div3A_55 = vector.broadcast %div3A_54 : f32 to vector<64x1x2xf32>
    %div3A_56 = arith.divf %broadcast_in_dim3A_53, %div3A_55 : vector<64x1x2xf32>
    %broadcast_in_dim3A_57 = vector.shape_cast %get3A_22 : vector<1x2xf32> to vector<1x1x1x2xf32>
    %sub3A_58 = vector.broadcast %div3A_56 : vector<64x1x2xf32> to vector<64x32x2xf32>
    %sub3A_59 = arith.subf %get3A_50, %sub3A_58 : vector<64x32x2xf32>
    %div3A_60 = vector.broadcast %add3A_4 : f32 to vector<64x32x2xf32>
    %div3A_61 = arith.divf %sub3A_59, %div3A_60 : vector<64x32x2xf32>
    %broadcast_in_dim3A_62 = vector.shape_cast %div3A_61 : vector<64x32x2xf32> to vector<1x64x32x2xf32>
    %mul3A_63 = vector.broadcast %broadcast_in_dim3A_57 : vector<1x1x1x2xf32> to vector<1x64x32x2xf32>
    %mul3A_64 = arith.mulf %mul3A_63, %broadcast_in_dim3A_62 : vector<1x64x32x2xf32>
    %broadcast_in_dim3A_65 = vector.shape_cast %get3A_28 : vector<1x2xf32> to vector<1x1x1x2xf32>
    %add3A_66 = vector.broadcast %broadcast_in_dim3A_65 : vector<1x1x1x2xf32> to vector<1x64x32x2xf32>
    %add3A_67 = arith.addf %mul3A_64, %add3A_66 : vector<1x64x32x2xf32>
    %get3A_68 = arith.constant 0 : index
    %get3A_69 = arith.constant 0 : index
    %get3A_70 = arith.constant 0 : index
    %get3A_71 = vector.load %arg4[%get3A_68, %get3A_69, %get3A_70] : memref<1x64x128xf32, #tpu.memory_space<vmem>>, vector<1x64x128xf32>
    %get3A_72 = vector.shape_cast %get3A_71 : vector<1x64x128xf32> to vector<64x128xf32>
    %broadcast_in_dim3A_73 = vector.shape_cast %get3A_72 : vector<64x128xf32> to vector<64x1x128xf32>
    %broadcast_in_dim3A_74 = vector.shape_cast %broadcast_in_dim3A_73 : vector<64x1x128xf32> to vector<64x1x128xf32>
    %broadcast_in_dim3A_75 = vector.broadcast %broadcast_in_dim3A_74 : vector<64x1x128xf32> to vector<64x32x128xf32>
    %broadcast_in_dim3A_76 = vector.shape_cast %broadcast_in_dim3A_75 : vector<64x32x128xf32> to vector<1x64x32x128xf32>
    %concatenate3A = tpu.concatenate %add3A_44, %add3A_67, %broadcast_in_dim3A_76 in 3 : vector<1x64x32x128xf32>, vector<1x64x32x2xf32>, vector<1x64x32x128xf32> -> vector<1x64x32x258xf32>
    %swap3A = arith.constant 0 : index
    %swap3A_77 = arith.constant 0 : index
    %swap3A_78 = arith.constant 0 : index
    %swap3A_79 = arith.constant 0 : index
    %swap3A_80 = vector.load %arg8[%swap3A, %swap3A_77, %swap3A_78, %swap3A_79] : memref<1x64x32x258xf32, #tpu.memory_space<vmem>>, vector<1x64x32x258xf32>
    tpu.vector_store %arg8[%swap3A, %swap3A_77, %swap3A_78, %swap3A_79], %concatenate3A {strides = array<i32>} : memref<1x64x32x258xf32, #tpu.memory_space<vmem>>, vector<1x64x32x258xf32>,
    return
  }
  func.func @transform_0(%arg0: i32, %arg1: i32) -> (i32, i32, i32, i32) {
    %c0_i32 = arith.constant 0 : i32
    %c0_i32_0 = arith.constant 0 : i32
    %c0_i32_1 = arith.constant 0 : i32
    return %arg0, %arg1, %c0_i32, %c0_i32_0 : i32, i32, i32, i32
  }
  func.func @transform_1(%arg0: i32, %arg1: i32) -> (i32, i32, i32, i32) {
    %c0_i32 = arith.constant 0 : i32
    %c0_i32_0 = arith.constant 0 : i32
    %c0_i32_1 = arith.constant 0 : i32
    return %arg0, %arg1, %c0_i32, %c0_i32_0 : i32, i32, i32, i32
  }
  func.func @transform_2(%arg0: i32, %arg1: i32) -> (i32, i32, i32) {
    %c0_i32 = arith.constant 0 : i32
    %c0_i32_0 = arith.constant 0 : i32
    return %arg0, %arg1, %c0_i32 : i32, i32, i32
  }
  func.func @transform_3(%arg0: i32, %arg1: i32) -> (i32, i32, i32) {
    %c0_i32 = arith.constant 0 : i32
    %c0_i32_0 = arith.constant 0 : i32
    %c0_i32_1 = arith.constant 0 : i32
    return %arg0, %c0_i32, %c0_i32_0 : i32, i32, i32
  }
  func.func @transform_4(%arg0: i32, %arg1: i32) -> (i32, i32, i32, i32) {
    %c0_i32 = arith.constant 0 : i32
    %c0_i32_0 = arith.constant 0 : i32
    %c0_i32_1 = arith.constant 0 : i32
    %c0_i32_2 = arith.constant 0 : i32
    %c0_i32_3 = arith.constant 0 : i32
    return %c0_i32, %c0_i32_0, %c0_i32_1, %c0_i32_2 : i32, i32, i32, i32
  }
  func.func @transform_5(%arg0: i32, %arg1: i32) -> (i32, i32, i32, i32) {
    %c0_i32 = arith.constant 0 : i32
    %c0_i32_0 = arith.constant 0 : i32
    %c0_i32_1 = arith.constant 0 : i32
    %c0_i32_2 = arith.constant 0 : i32
    %c0_i32_3 = arith.constant 0 : i32
    return %c0_i32, %c0_i32_0, %c0_i32_1, %c0_i32_2 : i32, i32, i32, i32
  }
  func.func @transform_6(%arg0: i32, %arg1: i32) -> (i32, i32, i32, i32) {
    %c0_i32 = arith.constant 0 : i32
    %c0_i32_0 = arith.constant 0 : i32
    %c0_i32_1 = arith.constant 0 : i32
    return %arg0, %arg1, %c0_i32, %c0_i32_0 : i32, i32, i32, i32
  }
}

</mosaic_0001>

<sc_bundles>
// kernel: kernel.7.cloned.1.call-start
scs
__scs_entry_jumppad:
0x0: {  	(pc) =	sbr.rel $0x88, $3  }
0x1: {  	(tag) =	ssettag $0x0;
	lr =	simm.s32 $0x1  }
0x2: {  	[smem:$0x3F9D] =	sst lr;
	_ =	strace $0xD0000000  }
0x3: {  	_ = 	snop  }
0x4: {  	_ = 	snop  }
0x5: {  	_ = 	snop  }
0x6: {  	_ = 	snop  }
0x7: {  	_ = 	snop  }
__scs_overlays_trampoline_lowered:
0x8: {  	[smem:$0x3FAC] =	sst s0  }
0x9: {  	[smem:$0x3FAD] =	sst s1  }
0xa: {  	[smem:$0x3FAE] =	sst s2  }
0xb: {  	[smem:$0x3FAF] =	sst s3  }
0xc: {  	[smem:$0x3FB0] =	sst s4  }
0xd: {  	[smem:$0x3FB1] =	sst s5  }
0xe: {  	[smem:$0x3FB2] =	sst s6  }
0xf: {  	[smem:$0x3FB3] =	sst s7  }
0x10: {  	[smem:$0x3FB4] =	sst s8  }
0x11: {  	[smem:$0x3FB5] =	sst s9;
	s0 =	simm.s32 @!p0 $0x0  }
0x12: {  	s1 =	sld [smem:$0x3F9B];
	s0 =	simm.s32 @p0 $0x1  }
0x13: {  	[smem:$0x3FB6] =	sst s0;
	s0 =	simm.s32 @!p1 $0x0  }
0x14: {  	s2 =	sld [smem:$0x3F9A];
	s0 =	simm.s32 @p1 $0x1  }
0x15: {  	[smem:$0x3FB7] =	sst s0;
	s0 =	simm.s32 @!p2 $0x0  }
0x16: {  	s3 =	sld [smem:$0x3FDB];
	s0 =	simm.s32 @p2 $0x1  }
0x17: {  	s4 =	simm.s32 $0x1BF5;
	[smem:$0x3FB9] =	sst s0  }
0x18: {  	s0 =	sld [smem:$0x3F9C];
	_ =	swait.ge [sflag:s4], $0x0  }
0x19: {  	s7 =	sld [smem:$0x3F9D]  }
0x1a: {  	s8 =	sadd.s32 $0xFFFFE003, lr  }
0x1b: {  	s9 =	sadd.s32 $0xFFFFFEF7, lr;
	s5 =	simm.s32 $0xFFFFFFFF;
	p2 =	slt.u32 s8, $0xFFFFF086  }
0x1c: {  	p1 =	slt.u32 s9, $0xF7A;
	s5 =	simm.s32 @!p2 $0x0  }
0x1d: {  	s5 =	simm.s32 @p1 $0x1;
	p0 =	seq.s32 s7, s2  }
0x1e: {  	s7 =	smul.u32 @!p0 $0xF7A, s2;
	p2 =	seq.s32 @!p0 s5, $0x0  }
0x1f: {  	s9 =	smul.u32 $0xF7A, s1;
	s8 =	simm.s32 @!p0 $0x1BF5;
	p2 =	por !p2, p0  }
0x20: {  	[sflag:s8] =	ssyncset.s32 @!p0 $0xFFFFF086;
	s6 =	sadd.s32 @!p0 s3, s7;
	s7 =	simm.s32 @!p0 $0x108  }
0x21: {  	s3 =	sadd.s32 s3, s9;
	s6 =	sadd.s32 @!p0 $0x88, s6;
	s7 =	simm.s32 @p2 $0x1082  }
0x22: {  	[simem:s7], [sflag:s8] =	dma.local @!p0 [hbm:s6], $0xF7A  }
0x23: {  	s9 =	sor.u32 $0xD0000000, s2;
	s6 =	simm.s32 $0x108;
	_ =	swait.ge @!p0 [sflag:s8], $0x0  }
0x24: {  	s3 =	sadd.s32 $0x88, s3;
	s6 =	simm.s32 @!p1 $0x1082;
	[sflag:s4] =	ssyncset.s32 $0xFFFFF086  }
0x25: {  	[simem:s6], [sflag:s4] =	dma.local [hbm:s3], $0xF7A  }
0x26: {  	[smem:$0x3F9D] =	sst s1;
	(tag) =	ssettag s2;
	_ =	strace s9  }
0x27: {  	s1 =	sld [smem:$0x3FAD]  }
0x28: {  	s2 =	sld [smem:$0x3FAE]  }
0x29: {  	s4 =	sld [smem:$0x3FB0]  }
0x2a: {  	p0 =	seq.s32 s5, $0x0;
	s5 =	sld [smem:$0x3FB1]  }
0x2b: {  	s6 =	sld [smem:$0x3FB2]  }
0x2c: {  	s7 =	sld [smem:$0x3FB3]  }
0x2d: {  	s3 =	simm.s32 $0x108;
	s8 =	sld [smem:$0x3FB4]  }
0x2e: {  	s3 =	simm.s32 @!p0 $0x1082;
	s9 =	sld [smem:$0x3FB5]  }
0x2f: {  	lr =	sadd.s32 s0, s3;
	s0 =	sld [smem:$0x3FAC]  }
0x30: {  	s3 =	sld [smem:$0x3FAF]  }
0x31: {  	[smem:$0x3FB8] =	sst s10  }
0x32: {  	s10 =	sld [smem:$0x3FB6];
	_ =	sdelay $0x3  }
0x33: {  	p0 =	seq.s32 s10, $0x1;
	s10 =	sld [smem:$0x3FB8];
	_ =	sdelay $0x3  }
0x34: {  	[smem:$0x3FB8] =	sst s10  }
0x35: {  	s10 =	sld [smem:$0x3FB7];
	_ =	sdelay $0x3  }
0x36: {  	p1 =	seq.s32 s10, $0x1;
	s10 =	sld [smem:$0x3FB8];
	_ =	sdelay $0x3  }
0x37: {  	[smem:$0x3FB8] =	sst s10  }
0x38: {  	s10 =	sld [smem:$0x3FB9]  }
0x39: {  	_ = 	snop;
	(pc) =	sbr.ind lr, $3  }
0x3a: {  	_ = 	snop  }
0x3b: {  	_ = 	snop  }
0x3c: {  	p2 =	seq.s32 s10, $0x1;
	s10 =	sld [smem:$0x3FB8]  }
0x3d: {  	_ =	shalt  }
0x3e: {  	_ =	shalt  }
0x3f: {  	_ =	shalt  }
0x40: {  	_ =	shalt  }
0x41: {  	_ =	shalt  }
0x42: {  	_ =	shalt  }
0x43: {  	_ =	shalt  }
0x44: {  	_ =	shalt  }
0x45: {  	_ =	shalt  }
0x46: {  	_ =	shalt  }
0x47: {  	_ =	shalt  }
0x48: {  	_ =	shalt  }
0x49: {  	_ =	shalt  }
0x4a: {  	_ =	shalt  }
0x4b: {  	_ =	shalt  }
0x4c: {  	_ =	shalt  }
0x4d: {  	_ =	shalt  }
0x4e: {  	_ =	shalt  }
0x4f: {  	_ =	shalt  }
0x50: {  	_ =	shalt  }
0x51: {  	_ =	shalt  }
0x52: {  	_ =	shalt  }
0x53: {  	_ =	shalt  }
0x54: {  	_ =	shalt  }
0x55: {  	_ =	shalt  }
0x56: {  	_ =	shalt  }
0x57: {  	_ =	shalt  }
0x58: {  	_ =	shalt  }
0x59: {  	_ =	shalt  }
0x5a: {  	_ =	shalt  }
0x5b: {  	_ =	shalt  }
0x5c: {  	_ =	shalt  }
0x5d: {  	_ =	shalt  }
0x5e: {  	_ =	shalt  }
0x5f: {  	_ =	shalt  }
0x60: {  	_ =	shalt  }
0x61: {  	_ =	shalt  }
0x62: {  	_ =	shalt  }
0x63: {  	_ =	shalt  }
0x64: {  	_ =	shalt  }
0x65: {  	_ =	shalt  }
0x66: {  	_ =	shalt  }
0x67: {  	_ =	shalt  }
0x68: {  	_ =	shalt  }
0x69: {  	_ =	shalt  }
0x6a: {  	_ =	shalt  }
0x6b: {  	_ =	shalt  }
0x6c: {  	_ =	shalt  }
0x6d: {  	_ =	shalt  }
0x6e: {  	_ =	shalt  }
0x6f: {  	_ =	shalt  }
0x70: {  	_ =	shalt  }
0x71: {  	_ =	shalt  }
0x72: {  	_ =	shalt  }
0x73: {  	_ =	shalt  }
0x74: {  	_ =	shalt  }
0x75: {  	_ =	shalt  }
0x76: {  	_ =	shalt  }
0x77: {  	_ =	shalt  }
0x78: {  	_ =	shalt  }
0x79: {  	_ =	shalt  }
0x7a: {  	_ =	shalt  }
0x7b: {  	_ =	shalt  }
0x7c: {  	_ =	shalt  }
0x7d: {  	_ =	shalt  }
0x7e: {  	_ =	shalt  }
0x7f: {  	_ =	shalt  }
0x80: {  	_ =	shalt  }
0x81: {  	_ =	shalt  }
0x82: {  	_ =	shalt  }
0x83: {  	_ =	shalt  }
0x84: {  	_ =	shalt  }
0x85: {  	_ =	shalt  }
0x86: {  	_ =	shalt  }
0x87: {  	_ =	shalt  }
.Lfunc_end0:
.L_simem_size_0:
called_computation_lowered:
.L_overlay_start_0:
0x88: {  	s2 =	sld [smem:$0x3FD9]  }
0x89: {  	s3 =	sld [smem:$0x3FFE];
	_ =	sdelay $0x1  }
0x8a: {  	s1 =	srdreg.scid  }
0x8b: {  	s0 =	sand.u32 $0x1, s1  }
0x8c: {  	s14 =	sshll.u32 s0, $0xA;
	s2 =	sadd.s32 s3, s2  }
0x8d: {  	s2 =	sadd.s32 s2, s14  }
0x8e: {  	[smem:$0x3FC4] =	sst s2  }
0x8f: {  	_ = 	snop  }
0x90: {  	s2 =	sld [smem:$0x3FD0];
	_ =	sdelay $0x2  }
0x91: {  	s4 =	simm.s32 $0xA;
	s5 =	simm.s32 $0x10;
	s15 =	sld [smem:$0x3FC8]  }
0x92: {  	[smem:s5], [sflag:s4] =	dma.local [hbm:s2], $0x1  }
0x93: {  	_ =	swait.eq [sflag:s4], $0x1  }
0x94: {  	[sflag:s4] =	ssyncset.done $0x0  }
0x95: {  	[sflag:s4] =	ssyncadd.s32 $0xFFFFFFFF  }
0x96: {  	s16 =	sld [smem:$0x11];
	(tm) =	ssettm $0x1  }
0x97: {  	s17 =	sld [smem:$0x3FFB];
	_ =	sdelay $0x3  }
0x98: {  	_ =	strace s17  }
0x99: {  	s4 =	sld [smem:$0x3FFC];
	_ =	sdelay $0x3  }
0x9a: {  	_ =	strace s4  }
0x9b: {  	s4 =	sld [smem:$0x3FFD];
	_ =	sdelay $0x3  }
0x9c: {  	_ =	strace s4  }
0x9d: {  	_ =	strace $0x8FFFFFFF  }
0x9e: {  	s18 =	sld [smem:$0x3FDB];
	_ =	sdelay $0x1  }
0x9f: {  	s19 =	simm.s32 $_scs_section_size  }
0xa0: {  	s6 =	simm.s32 $_size__tile_overlayer_lowered;
	s7 =	simm.s32 $_tile_overlayer_lowered  }
0xa1: {  	s22 =	simm.s32 $0x1BFF;
	s21 =	sshll.u32 s7, $0x1;
	s4 =	sadd.s32 s19, s18  }
0xa2: {  	s8 =	simm.s32 $0x0;
	s20 =	sshll.u32 s6, $0x1;
	s6 =	sadd.s32 s21, s4  }
0xa3: {  	[timem:s8], [sflag:s22] =	dma.local [hbm:s6], s20  }
0xa4: {  	_ =	swait.ge [sflag:s22], s20  }
0xa5: {  	s5 =	ssub.s32 $0x0, s20;
	[sflag:s22] =	ssyncset.done $0x0  }
0xa6: {  	[sflag:s22] =	ssyncadd.s32 s5;
	_ =	sdelay $0x1  }
0xa7: {  	s23 =	simm.s32 $0x1B8B  }
0xa8: {  	_ =	swait.ge [sflag:s23], $0x1  }
0xa9: {  	[sflag:s23] =	ssyncset.done $0x0  }
0xaa: {  	s25 =	simm.s32 $0x1B8E;
	s24 =	sld [smem:$0x3FFE];
	[sflag:s23] =	ssyncadd.s32 $0xFFFFFFFF  }
0xab: {  	s26 =	simm.s32 $execute0_lowered;
	[smem:$0x3FD2] =	sst s25  }
0xac: {  	s6 =	sshll.u32 s26, $0x1;
	_ =	strace $0x80000046;
	[dreg:$0x1] =	wrdreg $0xFFFFFFFF  }
0xad: {  	s28 =	simm.s32 $_size_execute0_lowered;
	s4 =	sadd.s32 s4, s6;
	[dreg:$0x0] =	wrdreg $0x0  }
0xae: {  	s6 =	sshll.u32 s28, $0x1;
	[dreg:$0x2] =	wrdreg s4  }
0xaf: {  	[dreg:$0x3] =	wrdreg s6  }
0xb0: {  	[dreg:$0x4] =	wrdreg $0xC0  }
0xb1: {  	_ =	task [dreg:s8], $0x5FFFF  }
0xb2: {  	[dreg:$0x1] =	wrdreg $0xFFFFFFFF  }
0xb3: {  	[dreg:$0x0] =	wrdreg $0x60  }
0xb4: {  	[dreg:$0x2] =	wrdreg s15  }
0xb5: {  	[dreg:$0x3] =	wrdreg s24  }
0xb6: {  	[dreg:$0x4] =	wrdreg s16  }
0xb7: {  	[dreg:$0x5] =	wrdreg $0x9  }
0xb8: {  	_ =	task.clear_ibuf [dreg:s8], $0x6FFFF;
	_ =	strace $0x90000046  }
0xb9: {  	s29 =	simm.s32 $0x9;
	_ =	strace $0x80000048  }
0xba: {  	_ =	swait.ge [sflag:s29], $0x1  }
0xbb: {  	[sflag:s29] =	ssyncadd.s32 $0xFFFFFFFF  }
0xbc: {  	_ =	strace $0x90000048  }
0xbd: {  	_ =	sfence  }
0xbe: {  	s30 =	sld [smem:$0x0];
	_ =	sdelay $0x2  }
0xbf: {  	s31 =	sshll.u32 s1, $0xD;
	s1 =	sshrl.u32 s1, $0x2  }
0xc0: {  	s3 =	sand.u32 $0x4000, s31;
	s1 =	sadd.s32 s1, s30  }
0xc1: {  	s0 =	sor.u32 s3, s0;
	s1 =	sshll.u32 s1, $0x11  }
0xc2: {  	s0 =	sor.u32 s1, s0  }
0xc3: {  	s0 =	sadd.s32 $0x8F2B, s0  }
0xc4: {  	[sflag:s0] =	ssyncadd.remote.s32 $0x1  }
0xc5: {  	_ =	sfence.sel $0xFFFF  }
0xc6: {  	[dreg:$0x0] =	wrdreg $0xFFFFFFFF;
	(pc) =	sbr.abs _section_cstart, $3  }
0xc7: {  	[dreg:$0x1] =	wrdreg $0xFFFFFFFF  }
0xc8: {  	_ =	task.clear_ibuf [dreg:s8], $0x2FFFF;
	_ =	strace $0x9FFFFFFF  }
0xc9: {  	(tm) =	ssettm $0x7FFFFFFF  }
tec
execute0_lowered:
.L_overlay_start_1:
0x0: {  	(tag) =	ssettag $0x1  }
0x1: {  	s1 =	rddreg [dreg:$0x0]  }
0x2: {  	s5 =	rddreg [dreg:$0x1]  }
0x3: {  	s6 =	rddreg [dreg:$0x2];
	s3 =	srdreg.scid  }
0x4: {  	s0 =	rddreg [dreg:$0x3];
	s2 =	stileid.u32  }
0x5: {  	s14 =	simm.s32 $0x8100;
	s15 =	simm.s32 $0x9100;
	s16 =	simm.s32 $0x9200  }
0x6: {  	s17 =	simm.s32 $0x0;
	s7 =	sand.u32 $0x1, s3;
	s3 =	simm.s32 $0x0  }
0x7: {  	s4 =	sshll.u32 s2, $0xE;
	s26 =	sshll.u32 s2, $0x12;
	s9 =	sshll.u32 s2, $0x1  }
0x8: {  	s28 =	sshll.u32 s2, $0xF;
	s8 =	sshll.u32 s7, $0xD;
	[smem:$0x7FF] =	sst s3  }
0x9: {  	s11 =	sadd.s32 s26, s5;
	s9 =	sor.u32 s7, s9;
	s13 =	ssub.s32 $0x2, s7  }
0xa: {  	s30 =	sshll.u32 s7, $0xE;
	s31 =	sshll.u32 s7, $0x11;
	s8 =	sor.u32 s8, s4  }
0xb: {  	_ =	strace $0x80000047;
	s4 =	sadd.s32 $0x9000, s5;
	s12 =	sshll.u32 s9, $0xC  }
0xc: {  	s29 =	sshrl.u32 s13, $0x1;
	s9 =	sshll.u32 s9, $0x5;
	s8 =	sshrl.u32 s8, $0x3  }
0xd: {  	s12 =	sadd.s32 s12, s5;
	s13 =	ssub.s32 s13, s29;
	s10 =	sadd.s32 s8, s5  }
0xe: {  	s8 =	sadd.s32 s28, s5;
	s5 =	sadd.s32 s6, s9;
	s6 =	sadd.s32 $0x99000, s12  }
0xf: {  	s7 =	smax.u32 s13, $0x1;
	s9 =	sadd.s32 s31, s11;
	s11 =	simm.s32 $0x2  }
0x10: {  	s12 =	simm.s32 $0x100;
	s13 =	simm.s32 $0x1;
	s8 =	sadd.s32 s30, s8  }
0x11: {  	s9 =	sadd.s32 $0xB9000, s9;
	s10 =	sadd.s32 $0x1000, s10;
	s8 =	sadd.s32 $0x19000, s8  }
.LBB2_1:
0x12: {  	s18 =	sadd.s32 $0x0, s10  }
0x13: {  	[tilespmem:s3], [sflag:$0x2] =	stream.linear.gather [hbm4b:s18+s3], $0x100, $0x38;
	[tilespmem:$0x11200] =	vst v63  }
0x14: {  	_ =	swait.ge [sflag:s11], $0x100  }
0x15: {  	[sflag:s11] =	ssyncset.done $0x0  }
0x16: {  	[sflag:s11] =	ssyncadd.s32 $0xFFFFFF00  }
0x17: {  	[tilespmem:s12], [sflag:$0x1] =	stream.indirect.gather [hbm4b:s1+s12], $0x80, s3, s12, $0xb8;
	[tilespmem:$0x11200] =	vst v63  }
0x18: {  	_ =	swait.ge [sflag:s13], $0x8000  }
0x19: {  	[sflag:s13] =	ssyncset.done $0x0  }
0x1a: {  	[sflag:s13] =	ssyncadd.s32 $0xFFFF8000  }
0x1b: {  	[hbm4b:s9+s3] =	stream.linear.scatter [tilespmem:s12], [sflag:$0x2], $0x8000, $0x38;
	[tilespmem:$0x11200] =	vst v63  }
0x1c: {  	_ =	swait.ge [sflag:s11], $0x8000  }
0x1d: {  	[sflag:s11] =	ssyncset.done $0x0  }
0x1e: {  	[sflag:s11] =	ssyncadd.s32 $0xFFFF8000  }
0x1f: {  	[tilespmem:s14], [sflag:$0x1] =	stream.indirect.gather [hbm4b:s4+s12], $0x10, s3, s12, $0xb8;
	[tilespmem:$0x11200] =	vst v63  }
0x20: {  	_ =	swait.ge [sflag:s13], $0x1000  }
0x21: {  	[sflag:s13] =	ssyncset.done $0x0  }
0x22: {  	[sflag:s13] =	ssyncadd.s32 $0xFFFFF000  }
0x23: {  	[hbm4b:s8+s3] =	stream.linear.scatter [tilespmem:s14], [sflag:$0x2], $0x1000, $0x38;
	[tilespmem:$0x11200] =	vst v63  }
0x24: {  	s20 =	simm.s32 $0x20;
	s21 =	simm.s32 $0x40;
	_ =	swait.ge [sflag:s11], $0x1000  }
0x25: {  	s19 =	sadd.s32 $0x1000, s9;
	s18 =	sadd.s32 $0x200, s8;
	[sflag:s11] =	ssyncset.done $0x0  }
.LBB2_2:
0x26: {  	s22 =	sadd.s32 s20, s10  }
0x27: {  	[sflag:s11] =	ssyncadd.s32 $0xFFFFF000;
	s20 =	smov.u32 s21;
	s23 =	sadd.s32 $0x20, s21  }
0x28: {  	[tilespmem:s3], [sflag:$0x2] =	stream.linear.gather [hbm4b:s22+s3], $0x100, $0x38;
	[tilespmem:$0x11200] =	vst v63  }
0x29: {  	p0 =	sne.s32 s21, $0x3E0;
	_ =	swait.ge [sflag:s11], $0x100  }
0x2a: {  	[sflag:s11] =	ssyncset.done $0x0  }
0x2b: {  	[sflag:s11] =	ssyncadd.s32 $0xFFFFFF00  }
0x2c: {  	[tilespmem:s12], [sflag:$0x1] =	stream.indirect.gather [hbm4b:s1+s12], $0x80, s3, s12, $0xb8;
	[tilespmem:$0x11200] =	vst v63  }
0x2d: {  	_ =	swait.ge [sflag:s13], $0x8000  }
0x2e: {  	[sflag:s13] =	ssyncset.done $0x0  }
0x2f: {  	[sflag:s13] =	ssyncadd.s32 $0xFFFF8000  }
0x30: {  	[hbm4b:s19+s3] =	stream.linear.scatter [tilespmem:s12], [sflag:$0x2], $0x8000, $0x38;
	[tilespmem:$0x11200] =	vst v63  }
0x31: {  	_ =	swait.ge [sflag:s11], $0x8000  }
0x32: {  	[sflag:s11] =	ssyncset.done $0x0  }
0x33: {  	[sflag:s11] =	ssyncadd.s32 $0xFFFF8000  }
0x34: {  	[tilespmem:s14], [sflag:$0x1] =	stream.indirect.gather [hbm4b:s4+s12], $0x10, s3, s12, $0xb8;
	[tilespmem:$0x11200] =	vst v63  }
0x35: {  	_ =	swait.ge [sflag:s13], $0x1000  }
.Ltmp0:
0x36: {  	[sflag:s13] =	ssyncset.done $0x0;
	(pc) =	sbr.rel @p0 .LBB2_2-.Ltmp0, $4  }
0x37: {  	[sflag:s13] =	ssyncadd.s32 $0xFFFFF000  }
0x38: {  	[hbm4b:s18+s3] =	stream.linear.scatter [tilespmem:s14], [sflag:$0x2], $0x1000, $0x38;
	[tilespmem:$0x11200] =	vst v63  }
0x39: {  	s21 =	smov.u32 s23;
	_ =	swait.ge [sflag:s11], $0x1000  }
0x3a: {  	s19 =	sadd.s32 $0x1000, s19;
	s18 =	sadd.s32 $0x200, s18;
	[sflag:s11] =	ssyncset.done $0x0  }
0x3b: {  	s20 =	sadd.s32 s20, s10;
	[sflag:s11] =	ssyncadd.s32 $0xFFFFF000  }
0x3c: {  	[tilespmem:s3], [sflag:$0x2] =	stream.linear.gather [hbm4b:s20+s3], $0x100, $0x38;
	[tilespmem:$0x11200] =	vst v63  }
0x3d: {  	_ =	swait.ge [sflag:s11], $0x100  }
0x3e: {  	[sflag:s11] =	ssyncset.done $0x0  }
0x3f: {  	[sflag:s11] =	ssyncadd.s32 $0xFFFFFF00  }
0x40: {  	[tilespmem:s12], [sflag:$0x1] =	stream.indirect.gather [hbm4b:s1+s12], $0x80, s3, s12, $0xb8;
	[tilespmem:$0x11200] =	vst v63  }
0x41: {  	_ =	swait.ge [sflag:s13], $0x8000  }
0x42: {  	[sflag:s13] =	ssyncset.done $0x0  }
0x43: {  	[sflag:s13] =	ssyncadd.s32 $0xFFFF8000  }
0x44: {  	[hbm4b:s19+s3] =	stream.linear.scatter [tilespmem:s12], [sflag:$0x2], $0x8000, $0x38;
	[tilespmem:$0x11200] =	vst v63  }
0x45: {  	_ =	swait.ge [sflag:s11], $0x8000  }
0x46: {  	[sflag:s11] =	ssyncset.done $0x0  }
0x47: {  	[sflag:s11] =	ssyncadd.s32 $0xFFFF8000  }
0x48: {  	[tilespmem:s14], [sflag:$0x1] =	stream.indirect.gather [hbm4b:s4+s12], $0x10, s3, s12, $0xb8;
	[tilespmem:$0x11200] =	vst v63  }
0x49: {  	_ =	swait.ge [sflag:s13], $0x1000  }
0x4a: {  	[sflag:s13] =	ssyncset.done $0x0  }
0x4b: {  	[sflag:s13] =	ssyncadd.s32 $0xFFFFF000  }
0x4c: {  	[hbm4b:s18+s3] =	stream.linear.scatter [tilespmem:s14], [sflag:$0x2], $0x1000, $0x38;
	[tilespmem:$0x11200] =	vst v63  }
0x4d: {  	_ =	swait.ge [sflag:s11], $0x1000  }
0x4e: {  	[sflag:s11] =	ssyncset.done $0x0  }
0x4f: {  	[sflag:s11] =	ssyncadd.s32 $0xFFFFF000  }
0x50: {  	[tilespmem:s15], [sflag:$0x2] =	stream.linear.gather [hbm4b:s5+s3], $0x100, $0x38;
	[tilespmem:$0x11200] =	vst v63  }
0x51: {  	_ =	swait.ge [sflag:s11], $0x100  }
0x52: {  	[sflag:s11] =	ssyncset.done $0x0  }
0x53: {  	[sflag:s11] =	ssyncadd.s32 $0xFFFFFF00  }
0x54: {  	[tilespmem:s16], [sflag:$0x1] =	stream.indirect.gather [hbm4b:s1+s12], $0x80, s15, s12, $0xb8;
	[tilespmem:$0x11200] =	vst v63  }
0x55: {  	s17 =	sadd.s32 $0x1, s17;
	_ =	swait.ge [sflag:s13], $0x8000  }
0x56: {  	p0 =	sne.s32 s17, s7;
	[sflag:s13] =	ssyncset.done $0x0  }
.Ltmp1:
0x57: {  	[sflag:s13] =	ssyncadd.s32 $0xFFFF8000;
	(pc) =	sbr.rel @p0 .LBB2_1-.Ltmp1, $4  }
0x58: {  	[hbm4b:s6+s3] =	stream.linear.scatter [tilespmem:s16], [sflag:$0x2], $0x8000, $0x38;
	[tilespmem:$0x11200] =	vst v63  }
0x59: {  	_ =	swait.ge [sflag:s11], $0x8000  }
0x5a: {  	[sflag:s11] =	ssyncset.done $0x0  }
0x5b: {  	[sflag:s11] =	ssyncadd.s32 $0xFFFF8000  }
0x5c: {  	_ =	sfence.sel $0x180000  }
0x5d: {  	[bflag:$0x0] =	sbarrier.arrive $0xFFFF  }
0x5e: {  	p0 =	sne.s32 s2, $0x0;
	_ =	strace $0x90000047  }
0x5f: {  	s0 =	sadd.s32 @!p0 $0x100000, s0;
	[bflag:$0x2] =	sbarrier.arrive $0xFFFF  }
0x60: {  	[sflag:s0] =	ssyncadd.tile.s32 @!p0 $0x1;
	_ =	shalt  }
.Lfunc_end2:
_tile_overlayer_lowered:
.L_overlay_start_2:
0x61: {  	(tag) =	ssettag $0x2  }
0x62: {  	s0 =	rddreg [dreg:$0x0];
	s2 =	stileid.u32  }
0x63: {  	s1 =	rddreg [dreg:$0x1];
	p0 =	sne.s32 s2, $0x0  }
0x64: {  	s3 =	rddreg [dreg:$0x2];
	[bflag:$0x3] =	sbarrier.arrive $0xFFFF;
	s2 =	simm.s32 @!p0 $0x1C02  }
0x65: {  	[timem:s3], [sflag:s2] =	dma.local @!p0 [hbm:s0], s1  }
0x66: {  	s0 =	simm.s32 @!p0 $0x2  }
0x67: {  	_ =	swait.ge @!p0 [sflag:s0], s1  }
0x68: {  	s1 =	ssub.s32 @!p0 $0x0, s1;
	[sflag:s0] =	ssyncset.done @!p0 $0x0  }
0x69: {  	[sflag:s0] =	ssyncadd.s32 @!p0 s1  }
0x6a: {  	[bflag:$0x3] =	sbarrier.arrive $0xFFFF  }
0x6b: {  	_ =	shalt  }

</sc_bundles>
